<compile_context>
chip_gen: v7x
topology: tpu7x:2x2x1
jax: 0.10.2.dev20260603
libtpu: 0.0.44.dev20260713+nightly
codegen_flags: <defaults>
</compile_context>

<pallas_src>
import functools

import jax
import jax.numpy as jnp
from jax import lax
from jax.experimental import pallas as pl
from jax.experimental.pallas import tpu as pltpu
from jax.experimental.pallas import tpu_sc as plsc

B = 16384
V = 1000000
D = 16
NC = 2
NS = 16
NW = NC * NS
NPW = B // NW
L = 16
CH = 128
NCH = NPW // CH

CHW = 61440
NFULL = 16
TAIL_A = NFULL * CHW
TAIL_N = 16896
PAD_A = TAIL_A + TAIL_N
PAD_N = V - PAD_A
VP = 1000064


def _detile_body(tu_hbm, ti_hbm, flat_hbm, buf, sem_l, sem_r):
    wid = lax.axis_index("s") * NC + lax.axis_index("c")
    t = wid // D
    d = wid % D
    g = d // 8
    s = d % 8
    obase = wid * VP

    def column(src3):
        view = src3.at[g, s]
        half = [pl.ds(0, CHW), pl.ds(CHW, CHW)]
        hl = [None] * (NFULL + 1)
        hs = [None] * NFULL
        hl[0] = pltpu.async_copy(view.at[pl.ds(0, CHW)], buf.at[half[0]],
                                 sem_l)
        tb = (NFULL % 2) * CHW
        tl1 = tl2 = None
        for k in range(NFULL):
            cur = half[k % 2]
            hl[k].wait()
            if k >= 1:
                hs[k - 1].wait()
            if k + 1 < NFULL:
                hl[k + 1] = pltpu.async_copy(
                    view.at[pl.ds((k + 1) * CHW, CHW)],
                    buf.at[half[(k + 1) % 2]], sem_l)
            else:
                tl1 = pltpu.async_copy(
                    view.at[pl.ds(TAIL_A + wid * 0, TAIL_N)],
                    buf.at[pl.ds(tb, TAIL_N)], sem_l)
                tl2 = pltpu.async_copy(
                    view.at[pl.ds(PAD_A + wid * 0, 128)],
                    buf.at[pl.ds(tb + TAIL_N, 128)], sem_l)
            hs[k] = pltpu.async_copy(
                buf.at[cur], flat_hbm.at[pl.ds(obase + k * CHW, CHW)], sem_r)
        tl1.wait()
        tl2.wait()
        hs[NFULL - 1].wait()
        pltpu.async_copy(
            buf.at[pl.ds(tb, TAIL_N + 128)],
            flat_hbm.at[pl.ds(obase + TAIL_A, TAIL_N + 128)], sem_r).wait()

    @pl.when(t == 0)
    def _():
        column(tu_hbm.reshape(2, 8, V))

    @pl.when(t == 1)
    def _():
        column(ti_hbm.reshape(2, 8, V))


def _gather_body(uidx_hbm, iidx_hbm, flat_hbm, bu_hbm, bi_hbm, gb_hbm,
                 out_hbm,
                 uidx_v, iidx_v, offu_v, offi_v, eu_v, ei_v, bu_v, bi_v,
                 gb_v, out_v, sem):
    wid = lax.axis_index("s") * NC + lax.axis_index("c")
    base = wid * NPW

    pltpu.sync_copy(uidx_hbm.at[pl.ds(base, NPW)], uidx_v)
    pltpu.sync_copy(iidx_hbm.at[pl.ds(base, NPW)], iidx_v)
    pltpu.sync_copy(gb_hbm, gb_v)

    def gen_offsets(tt, _):
        p = tt * L
        vu = uidx_v[pl.ds(p, L)]
        vi = iidx_v[pl.ds(p, L)]
        for d in range(D):
            offu_v[pl.ds(d * NPW + p, L)] = vu + (d * VP)
            offi_v[pl.ds(d * NPW + p, L)] = vi + (D * VP + d * VP)
        return 0

    lax.fori_loop(0, NPW // L, gen_offsets, 0)

    for c in range((D * NPW) // CH):
        s = pl.ds(c * CH, CH)
        pltpu.async_copy(flat_hbm.at[offu_v.at[s]], eu_v.at[s], sem)
        pltpu.async_copy(flat_hbm.at[offi_v.at[s]], ei_v.at[s], sem)
    for c in range(NCH):
        s = pl.ds(c * CH, CH)
        pltpu.async_copy(bu_hbm.at[uidx_v.at[s]], bu_v.at[s], sem)
        pltpu.async_copy(bi_hbm.at[iidx_v.at[s]], bi_v.at[s], sem)

    pltpu.make_async_copy(uidx_hbm.at[pl.ds(0, D * NPW)], eu_v, sem).wait()
    pltpu.make_async_copy(uidx_hbm.at[pl.ds(0, D * NPW)], ei_v, sem).wait()
    pltpu.make_async_copy(uidx_hbm.at[pl.ds(0, NPW)], bu_v, sem).wait()
    pltpu.make_async_copy(uidx_hbm.at[pl.ds(0, NPW)], bi_v, sem).wait()

    gb = gb_v[...]

    def block(tt, _):
        p = tt * L
        acc = bu_v[pl.ds(p, L)] + bi_v[pl.ds(p, L)] + gb
        for d in range(D):
            acc = acc + eu_v[pl.ds(d * NPW + p, L)] * ei_v[pl.ds(d * NPW + p, L)]
        out_v[pl.ds(p, L)] = jnp.minimum(jnp.maximum(acc, 1.0), 5.0)
        return 0

    lax.fori_loop(0, NPW // L, block, 0)

    pltpu.sync_copy(out_v, out_hbm.at[pl.ds(base, NPW)])


@jax.jit
def _funk_svd_sc(uidx, iidx, emb_ut, emb_it, bias_u, bias_i, gb16):
    mesh = plsc.VectorSubcoreMesh(
        core_axis_name="c", subcore_axis_name="s",
        num_cores=NC, num_subcores=NS)

    detile = pl.kernel(
        _detile_body,
        out_type=jax.ShapeDtypeStruct((2 * D * VP,), jnp.float32),
        mesh=mesh,
        scratch_types=[
            pltpu.VMEM((2 * CHW,), jnp.float32),
            pltpu.SemaphoreType.DMA,
            pltpu.SemaphoreType.DMA,
        ],
        compiler_params=pltpu.CompilerParams(
            needs_layout_passes=False,
            disable_bounds_checks=True,
        ),
    )
    flat = detile(emb_ut, emb_it)

    gather = pl.kernel(
        _gather_body,
        out_type=jax.ShapeDtypeStruct((B,), jnp.float32),
        mesh=mesh,
        scratch_types=[
            pltpu.VMEM((NPW,), jnp.int32),
            pltpu.VMEM((NPW,), jnp.int32),
            pltpu.VMEM((D * NPW,), jnp.int32),
            pltpu.VMEM((D * NPW,), jnp.int32),
            pltpu.VMEM((D * NPW,), jnp.float32),
            pltpu.VMEM((D * NPW,), jnp.float32),
            pltpu.VMEM((NPW,), jnp.float32),
            pltpu.VMEM((NPW,), jnp.float32),
            pltpu.VMEM((L,), jnp.float32),
            pltpu.VMEM((NPW,), jnp.float32),
            pltpu.SemaphoreType.DMA,
        ],
        compiler_params=pltpu.CompilerParams(
            needs_layout_passes=False,
            use_tc_tiling_on_sc=False,
        ),
    )
    return gather(uidx, iidx, flat, bias_u, bias_i, gb16)


def kernel(user_idx, item_idx, emb_u, emb_i, bias_u, bias_i, global_bias):
    uidx = user_idx.astype(jnp.int32)
    iidx = item_idx.astype(jnp.int32)
    gb16 = jnp.broadcast_to(global_bias.astype(jnp.float32), (L,))
    return _funk_svd_sc(uidx, iidx, emb_u.T, emb_i.T, bias_u, bias_i, gb16)

# --- scband reference (transcript-rebuilt; emitter-appended) ---
"""Pipeline reference for scband-funk-svd-19774029431534 (READ-ONLY COPY).

The authoritative reference and input builder live on the scoring server;
editing this copy changes nothing except your own understanding.
"""

import jax, jax.numpy as jnp
import numpy as np

B = 16384
V = 1000000
D = 16

def setup_inputs(seed: int = 0) -> dict:
    key = jax.random.key(seed)
    k1, k2, k3, k4, k5, k6 = jax.random.split(key, 6)
    return {
        "user_idx": jax.random.randint(k1, (B,), 0, V),
        "item_idx": jax.random.randint(k2, (B,), 0, V),
        "emb_u": jax.random.normal(k3, (V, D), dtype=jnp.float32),
        "emb_i": jax.random.normal(k4, (V, D), dtype=jnp.float32),
        "bias_u": jax.random.normal(k5, (V,), dtype=jnp.float32),
        "bias_i": jax.random.normal(k6, (V,), dtype=jnp.float32),
        "global_bias": jnp.zeros((1,), dtype=jnp.float32),
    }

def reference(user_idx, item_idx, emb_u, emb_i, bias_u, bias_i, global_bias):
    # embedding lookups (gather)
    eu = jnp.take(emb_u, user_idx, axis=0)            # [B, D]
    ei = jnp.take(emb_i, item_idx, axis=0)            # [B, D]
    # dot-product interaction
    score = jnp.sum(eu * ei, axis=1)                  # [B]
    # per-field bias lookups
    score = score + jnp.take(bias_u, user_idx)
    score = score + jnp.take(bias_i, item_idx)
    # global bias
    score = score + global_bias[0]
    # clamp ratings to [1, 5]
    score = jnp.clip(score, 1.0, 5.0)
    return score

if __name__ == "__main__":
    import jax
    _d = setup_inputs()
    print(jax.jit(kernel)(*tuple(_d.values())))

</pallas_src>

<mosaic_0001>
#map = affine_map<(d0, d1) -> (0)>
module attributes {stable_mosaic.version = 14 : i64} {
  func.func @_gather_body(%arg0: i32, %arg1: i32, %arg2: memref<16384xi32, #tpu.memory_space<hbm>>, %arg3: memref<16384xi32, #tpu.memory_space<hbm>>, %arg4: memref<32002048xf32, #tpu.memory_space<hbm>>, %arg5: memref<1000000xf32, #tpu.memory_space<hbm>>, %arg6: memref<1000000xf32, #tpu.memory_space<hbm>>, %arg7: memref<16xf32, #tpu.memory_space<hbm>>, %arg8: memref<16384xf32, #tpu.memory_space<hbm>>, %arg9: memref<512xi32, #tpu.memory_space<vmem>>, %arg10: memref<512xi32, #tpu.memory_space<vmem>>, %arg11: memref<8192xi32, #tpu.memory_space<vmem>>, %arg12: memref<8192xi32, #tpu.memory_space<vmem>>, %arg13: memref<8192xf32, #tpu.memory_space<vmem>>, %arg14: memref<8192xf32, #tpu.memory_space<vmem>>, %arg15: memref<512xf32, #tpu.memory_space<vmem>>, %arg16: memref<512xf32, #tpu.memory_space<vmem>>, %arg17: memref<16xf32, #tpu.memory_space<vmem>>, %arg18: memref<512xf32, #tpu.memory_space<vmem>>, %arg19: memref<!tpu.dma_semaphore, #tpu.memory_space<semaphore_mem>>) attributes {dimension_semantics = [#tpu.dimension_semantics<core_parallel>, #tpu.dimension_semantics<subcore_parallel>], iteration_bounds = array<i64: 2, 16>, scalar_prefetch = 0 : i64, scratch_operands = 11 : i64, tpu.core_type = #tpu.core_type<sc_vector_subcore>, window_params = [{transform_indices = #map}, {transform_indices = #map}, {transform_indices = #map}, {transform_indices = #map}, {transform_indices = #map}, {transform_indices = #map}, {transform_indices = #map}]} {
    %mul3A = arith.constant 2 : i32
    %mul3A_0 = arith.muli %arg1, %mul3A : i32
    %add3A = arith.addi %mul3A_0, %arg0 : i32
    %mul3A_1 = arith.constant 512 : i32
    %mul3A_2 = arith.muli %add3A, %mul3A_1 : i32
    "tpu.region"() ({
      %run_scoped3A = tpu.sem_alloc : memref<!tpu.dma_semaphore, #tpu.memory_space<semaphore_mem>>
      %dma_start3A_847 = tpu.memref_slice %arg2[%mul3A_2] : memref<16384xi32, #tpu.memory_space<hbm>> -> memref<512xi32, #tpu.memory_space<hbm>>
      %dma_start3A_848 = tpu.memref_slice %arg2[%mul3A_2] : memref<16384xi32, #tpu.memory_space<hbm>> -> memref<512xi32, #tpu.memory_space<hbm>>
      tpu.enqueue_dma source(%dma_start3A_848 : memref<512xi32, #tpu.memory_space<hbm>>) target(%arg9 : memref<512xi32, #tpu.memory_space<vmem>>) target_semaphore(%run_scoped3A : memref<!tpu.dma_semaphore, #tpu.memory_space<semaphore_mem>>)
      %dma_wait3A_849 = tpu.memref_slice %arg2[%mul3A_2] : memref<16384xi32, #tpu.memory_space<hbm>> -> memref<512xi32, #tpu.memory_space<hbm>>
      %dma_wait3A_850 = tpu.memref_slice %arg2[%mul3A_2] : memref<16384xi32, #tpu.memory_space<hbm>> -> memref<512xi32, #tpu.memory_space<hbm>>
      tpu.wait_dma2 semaphore(%run_scoped3A : memref<!tpu.dma_semaphore, #tpu.memory_space<semaphore_mem>>) src(%dma_wait3A_850 : memref<512xi32, #tpu.memory_space<hbm>>) dst(%arg9 : memref<512xi32, #tpu.memory_space<vmem>>)
      tpu.yield
    }) : () -> ()
    "tpu.region"() ({
      %run_scoped3A = tpu.sem_alloc : memref<!tpu.dma_semaphore, #tpu.memory_space<semaphore_mem>>
      %dma_start3A_847 = tpu.memref_slice %arg3[%mul3A_2] : memref<16384xi32, #tpu.memory_space<hbm>> -> memref<512xi32, #tpu.memory_space<hbm>>
      %dma_start3A_848 = tpu.memref_slice %arg3[%mul3A_2] : memref<16384xi32, #tpu.memory_space<hbm>> -> memref<512xi32, #tpu.memory_space<hbm>>
      tpu.enqueue_dma source(%dma_start3A_848 : memref<512xi32, #tpu.memory_space<hbm>>) target(%arg10 : memref<512xi32, #tpu.memory_space<vmem>>) target_semaphore(%run_scoped3A : memref<!tpu.dma_semaphore, #tpu.memory_space<semaphore_mem>>)
      %dma_wait3A_849 = tpu.memref_slice %arg3[%mul3A_2] : memref<16384xi32, #tpu.memory_space<hbm>> -> memref<512xi32, #tpu.memory_space<hbm>>
      %dma_wait3A_850 = tpu.memref_slice %arg3[%mul3A_2] : memref<16384xi32, #tpu.memory_space<hbm>> -> memref<512xi32, #tpu.memory_space<hbm>>
      tpu.wait_dma2 semaphore(%run_scoped3A : memref<!tpu.dma_semaphore, #tpu.memory_space<semaphore_mem>>) src(%dma_wait3A_850 : memref<512xi32, #tpu.memory_space<hbm>>) dst(%arg10 : memref<512xi32, #tpu.memory_space<vmem>>)
      tpu.yield
    }) : () -> ()
    "tpu.region"() ({
      %run_scoped3A = tpu.sem_alloc : memref<!tpu.dma_semaphore, #tpu.memory_space<semaphore_mem>>
      tpu.enqueue_dma source(%arg7 : memref<16xf32, #tpu.memory_space<hbm>>) target(%arg17 : memref<16xf32, #tpu.memory_space<vmem>>) target_semaphore(%run_scoped3A : memref<!tpu.dma_semaphore, #tpu.memory_space<semaphore_mem>>)
      tpu.wait_dma2 semaphore(%run_scoped3A : memref<!tpu.dma_semaphore, #tpu.memory_space<semaphore_mem>>) src(%arg7 : memref<16xf32, #tpu.memory_space<hbm>>) dst(%arg17 : memref<16xf32, #tpu.memory_space<vmem>>)
      tpu.yield
    }) : () -> ()
    %scan3A = arith.constant 0 : i32
    %scan3A_3 = arith.constant 0 : i32
    %scan3A_4 = arith.constant 32 : i32
    %scan3A_5 = arith.addi %scan3A_3, %scan3A_4 : i32
    %scan3A_6 = arith.constant 1 : i32
    %scan3A_7 = scf.for %scan3A_847 = %scan3A_3 to %scan3A_5 step %scan3A_6 iter_args(%scan3A_848 = %scan3A) -> (i32)  : i32 {
      %mul3A_849 = arith.constant 16 : i32
      %mul3A_850 = arith.muli %scan3A_847, %mul3A_849 : i32
      %get3A_851 = arith.index_cast %mul3A_850 : i32 to index
      %get3A_852 = tpu.vector_load %arg9[%get3A_851] {strides = array<i32>} : memref<512xi32, #tpu.memory_space<vmem>>, vector<16xi32>,
      %get3A_853 = arith.index_cast %mul3A_850 : i32 to index
      %get3A_854 = tpu.vector_load %arg10[%get3A_853] {strides = array<i32>} : memref<512xi32, #tpu.memory_space<vmem>>, vector<16xi32>,
      %add3A_855 = arith.constant 0 : i32
      %add3A_856 = vector.broadcast %add3A_855 : i32 to vector<16xi32>
      %add3A_857 = arith.addi %get3A_852, %add3A_856 : vector<16xi32>
      %add3A_858 = arith.constant 0 : i32
      %add3A_859 = arith.addi %add3A_858, %mul3A_850 : i32
      %swap3A = arith.index_cast %add3A_859 : i32 to index
      %swap3A_860 = tpu.vector_load %arg11[%swap3A] {strides = array<i32>} : memref<8192xi32, #tpu.memory_space<vmem>>, vector<16xi32>,
      tpu.vector_store %arg11[%swap3A], %add3A_857 {strides = array<i32>} : memref<8192xi32, #tpu.memory_space<vmem>>, vector<16xi32>,
      %add3A_861 = arith.constant 16001024 : i32
      %add3A_862 = vector.broadcast %add3A_861 : i32 to vector<16xi32>
      %add3A_863 = arith.addi %get3A_854, %add3A_862 : vector<16xi32>
      %add3A_864 = arith.constant 0 : i32
      %add3A_865 = arith.addi %add3A_864, %mul3A_850 : i32
      %swap3A_866 = arith.index_cast %add3A_865 : i32 to index
      %swap3A_867 = tpu.vector_load %arg12[%swap3A_866] {strides = array<i32>} : memref<8192xi32, #tpu.memory_space<vmem>>, vector<16xi32>,
      tpu.vector_store %arg12[%swap3A_866], %add3A_863 {strides = array<i32>} : memref<8192xi32, #tpu.memory_space<vmem>>, vector<16xi32>,
      %add3A_868 = arith.constant 1000064 : i32
      %add3A_869 = vector.broadcast %add3A_868 : i32 to vector<16xi32>
      %add3A_870 = arith.addi %get3A_852, %add3A_869 : vector<16xi32>
      %add3A_871 = arith.constant 512 : i32
      %add3A_872 = arith.addi %add3A_871, %mul3A_850 : i32
      %swap3A_873 = arith.index_cast %add3A_872 : i32 to index
      %swap3A_874 = tpu.vector_load %arg11[%swap3A_873] {strides = array<i32>} : memref<8192xi32, #tpu.memory_space<vmem>>, vector<16xi32>,
      tpu.vector_store %arg11[%swap3A_873], %add3A_870 {strides = array<i32>} : memref<8192xi32, #tpu.memory_space<vmem>>, vector<16xi32>,
      %add3A_875 = arith.constant 17001088 : i32
      %add3A_876 = vector.broadcast %add3A_875 : i32 to vector<16xi32>
      %add3A_877 = arith.addi %get3A_854, %add3A_876 : vector<16xi32>
      %add3A_878 = arith.constant 512 : i32
      %add3A_879 = arith.addi %add3A_878, %mul3A_850 : i32
      %swap3A_880 = arith.index_cast %add3A_879 : i32 to index
      %swap3A_881 = tpu.vector_load %arg12[%swap3A_880] {strides = array<i32>} : memref<8192xi32, #tpu.memory_space<vmem>>, vector<16xi32>,
      tpu.vector_store %arg12[%swap3A_880], %add3A_877 {strides = array<i32>} : memref<8192xi32, #tpu.memory_space<vmem>>, vector<16xi32>,
      %add3A_882 = arith.constant 2000128 : i32
      %add3A_883 = vector.broadcast %add3A_882 : i32 to vector<16xi32>
      %add3A_884 = arith.addi %get3A_852, %add3A_883 : vector<16xi32>
      %add3A_885 = arith.constant 1024 : i32
      %add3A_886 = arith.addi %add3A_885, %mul3A_850 : i32
      %swap3A_887 = arith.index_cast %add3A_886 : i32 to index
      %swap3A_888 = tpu.vector_load %arg11[%swap3A_887] {strides = array<i32>} : memref<8192xi32, #tpu.memory_space<vmem>>, vector<16xi32>,
      tpu.vector_store %arg11[%swap3A_887], %add3A_884 {strides = array<i32>} : memref<8192xi32, #tpu.memory_space<vmem>>, vector<16xi32>,
      %add3A_889 = arith.constant 18001152 : i32
      %add3A_890 = vector.broadcast %add3A_889 : i32 to vector<16xi32>
      %add3A_891 = arith.addi %get3A_854, %add3A_890 : vector<16xi32>
      %add3A_892 = arith.constant 1024 : i32
      %add3A_893 = arith.addi %add3A_892, %mul3A_850 : i32
      %swap3A_894 = arith.index_cast %add3A_893 : i32 to index
      %swap3A_895 = tpu.vector_load %arg12[%swap3A_894] {strides = array<i32>} : memref<8192xi32, #tpu.memory_space<vmem>>, vector<16xi32>,
      tpu.vector_store %arg12[%swap3A_894], %add3A_891 {strides = array<i32>} : memref<8192xi32, #tpu.memory_space<vmem>>, vector<16xi32>,
      %add3A_896 = arith.constant 3000192 : i32
      %add3A_897 = vector.broadcast %add3A_896 : i32 to vector<16xi32>
      %add3A_898 = arith.addi %get3A_852, %add3A_897 : vector<16xi32>
      %add3A_899 = arith.constant 1536 : i32
      %add3A_900 = arith.addi %add3A_899, %mul3A_850 : i32
      %swap3A_901 = arith.index_cast %add3A_900 : i32 to index
      %swap3A_902 = tpu.vector_load %arg11[%swap3A_901] {strides = array<i32>} : memref<8192xi32, #tpu.memory_space<vmem>>, vector<16xi32>,
      tpu.vector_store %arg11[%swap3A_901], %add3A_898 {strides = array<i32>} : memref<8192xi32, #tpu.memory_space<vmem>>, vector<16xi32>,
      %add3A_903 = arith.constant 19001216 : i32
      %add3A_904 = vector.broadcast %add3A_903 : i32 to vector<16xi32>
      %add3A_905 = arith.addi %get3A_854, %add3A_904 : vector<16xi32>
      %add3A_906 = arith.constant 1536 : i32
      %add3A_907 = arith.addi %add3A_906, %mul3A_850 : i32
      %swap3A_908 = arith.index_cast %add3A_907 : i32 to index
      %swap3A_909 = tpu.vector_load %arg12[%swap3A_908] {strides = array<i32>} : memref<8192xi32, #tpu.memory_space<vmem>>, vector<16xi32>,
      tpu.vector_store %arg12[%swap3A_908], %add3A_905 {strides = array<i32>} : memref<8192xi32, #tpu.memory_space<vmem>>, vector<16xi32>,
      %add3A_910 = arith.constant 4000256 : i32
      %add3A_911 = vector.broadcast %add3A_910 : i32 to vector<16xi32>
      %add3A_912 = arith.addi %get3A_852, %add3A_911 : vector<16xi32>
      %add3A_913 = arith.constant 2048 : i32
      %add3A_914 = arith.addi %add3A_913, %mul3A_850 : i32
      %swap3A_915 = arith.index_cast %add3A_914 : i32 to index
      %swap3A_916 = tpu.vector_load %arg11[%swap3A_915] {strides = array<i32>} : memref<8192xi32, #tpu.memory_space<vmem>>, vector<16xi32>,
      tpu.vector_store %arg11[%swap3A_915], %add3A_912 {strides = array<i32>} : memref<8192xi32, #tpu.memory_space<vmem>>, vector<16xi32>,
      %add3A_917 = arith.constant 20001280 : i32
      %add3A_918 = vector.broadcast %add3A_917 : i32 to vector<16xi32>
      %add3A_919 = arith.addi %get3A_854, %add3A_918 : vector<16xi32>
      %add3A_920 = arith.constant 2048 : i32
      %add3A_921 = arith.addi %add3A_920, %mul3A_850 : i32
      %swap3A_922 = arith.index_cast %add3A_921 : i32 to index
      %swap3A_923 = tpu.vector_load %arg12[%swap3A_922] {strides = array<i32>} : memref<8192xi32, #tpu.memory_space<vmem>>, vector<16xi32>,
      tpu.vector_store %arg12[%swap3A_922], %add3A_919 {strides = array<i32>} : memref<8192xi32, #tpu.memory_space<vmem>>, vector<16xi32>,
      %add3A_924 = arith.constant 5000320 : i32
      %add3A_925 = vector.broadcast %add3A_924 : i32 to vector<16xi32>
      %add3A_926 = arith.addi %get3A_852, %add3A_925 : vector<16xi32>
      %add3A_927 = arith.constant 2560 : i32
      %add3A_928 = arith.addi %add3A_927, %mul3A_850 : i32
      %swap3A_929 = arith.index_cast %add3A_928 : i32 to index
      %swap3A_930 = tpu.vector_load %arg11[%swap3A_929] {strides = array<i32>} : memref<8192xi32, #tpu.memory_space<vmem>>, vector<16xi32>,
      tpu.vector_store %arg11[%swap3A_929], %add3A_926 {strides = array<i32>} : memref<8192xi32, #tpu.memory_space<vmem>>, vector<16xi32>,
      %add3A_931 = arith.constant 21001344 : i32
      %add3A_932 = vector.broadcast %add3A_931 : i32 to vector<16xi32>
      %add3A_933 = arith.addi %get3A_854, %add3A_932 : vector<16xi32>
      %add3A_934 = arith.constant 2560 : i32
      %add3A_935 = arith.addi %add3A_934, %mul3A_850 : i32
      %swap3A_936 = arith.index_cast %add3A_935 : i32 to index
      %swap3A_937 = tpu.vector_load %arg12[%swap3A_936] {strides = array<i32>} : memref<8192xi32, #tpu.memory_space<vmem>>, vector<16xi32>,
      tpu.vector_store %arg12[%swap3A_936], %add3A_933 {strides = array<i32>} : memref<8192xi32, #tpu.memory_space<vmem>>, vector<16xi32>,
      %add3A_938 = arith.constant 6000384 : i32
      %add3A_939 = vector.broadcast %add3A_938 : i32 to vector<16xi32>
      %add3A_940 = arith.addi %get3A_852, %add3A_939 : vector<16xi32>
      %add3A_941 = arith.constant 3072 : i32
      %add3A_942 = arith.addi %add3A_941, %mul3A_850 : i32
      %swap3A_943 = arith.index_cast %add3A_942 : i32 to index
      %swap3A_944 = tpu.vector_load %arg11[%swap3A_943] {strides = array<i32>} : memref<8192xi32, #tpu.memory_space<vmem>>, vector<16xi32>,
      tpu.vector_store %arg11[%swap3A_943], %add3A_940 {strides = array<i32>} : memref<8192xi32, #tpu.memory_space<vmem>>, vector<16xi32>,
      %add3A_945 = arith.constant 22001408 : i32
      %add3A_946 = vector.broadcast %add3A_945 : i32 to vector<16xi32>
      %add3A_947 = arith.addi %get3A_854, %add3A_946 : vector<16xi32>
      %add3A_948 = arith.constant 3072 : i32
      %add3A_949 = arith.addi %add3A_948, %mul3A_850 : i32
      %swap3A_950 = arith.index_cast %add3A_949 : i32 to index
      %swap3A_951 = tpu.vector_load %arg12[%swap3A_950] {strides = array<i32>} : memref<8192xi32, #tpu.memory_space<vmem>>, vector<16xi32>,
      tpu.vector_store %arg12[%swap3A_950], %add3A_947 {strides = array<i32>} : memref<8192xi32, #tpu.memory_space<vmem>>, vector<16xi32>,
      %add3A_952 = arith.constant 7000448 : i32
      %add3A_953 = vector.broadcast %add3A_952 : i32 to vector<16xi32>
      %add3A_954 = arith.addi %get3A_852, %add3A_953 : vector<16xi32>
      %add3A_955 = arith.constant 3584 : i32
      %add3A_956 = arith.addi %add3A_955, %mul3A_850 : i32
      %swap3A_957 = arith.index_cast %add3A_956 : i32 to index
      %swap3A_958 = tpu.vector_load %arg11[%swap3A_957] {strides = array<i32>} : memref<8192xi32, #tpu.memory_space<vmem>>, vector<16xi32>,
      tpu.vector_store %arg11[%swap3A_957], %add3A_954 {strides = array<i32>} : memref<8192xi32, #tpu.memory_space<vmem>>, vector<16xi32>,
      %add3A_959 = arith.constant 23001472 : i32
      %add3A_960 = vector.broadcast %add3A_959 : i32 to vector<16xi32>
      %add3A_961 = arith.addi %get3A_854, %add3A_960 : vector<16xi32>
      %add3A_962 = arith.constant 3584 : i32
      %add3A_963 = arith.addi %add3A_962, %mul3A_850 : i32
      %swap3A_964 = arith.index_cast %add3A_963 : i32 to index
      %swap3A_965 = tpu.vector_load %arg12[%swap3A_964] {strides = array<i32>} : memref<8192xi32, #tpu.memory_space<vmem>>, vector<16xi32>,
      tpu.vector_store %arg12[%swap3A_964], %add3A_961 {strides = array<i32>} : memref<8192xi32, #tpu.memory_space<vmem>>, vector<16xi32>,
      %add3A_966 = arith.constant 8000512 : i32
      %add3A_967 = vector.broadcast %add3A_966 : i32 to vector<16xi32>
      %add3A_968 = arith.addi %get3A_852, %add3A_967 : vector<16xi32>
      %add3A_969 = arith.constant 4096 : i32
      %add3A_970 = arith.addi %add3A_969, %mul3A_850 : i32
      %swap3A_971 = arith.index_cast %add3A_970 : i32 to index
      %swap3A_972 = tpu.vector_load %arg11[%swap3A_971] {strides = array<i32>} : memref<8192xi32, #tpu.memory_space<vmem>>, vector<16xi32>,
      tpu.vector_store %arg11[%swap3A_971], %add3A_968 {strides = array<i32>} : memref<8192xi32, #tpu.memory_space<vmem>>, vector<16xi32>,
      %add3A_973 = arith.constant 24001536 : i32
      %add3A_974 = vector.broadcast %add3A_973 : i32 to vector<16xi32>
      %add3A_975 = arith.addi %get3A_854, %add3A_974 : vector<16xi32>
      %add3A_976 = arith.constant 4096 : i32
      %add3A_977 = arith.addi %add3A_976, %mul3A_850 : i32
      %swap3A_978 = arith.index_cast %add3A_977 : i32 to index
      %swap3A_979 = tpu.vector_load %arg12[%swap3A_978] {strides = array<i32>} : memref<8192xi32, #tpu.memory_space<vmem>>, vector<16xi32>,
      tpu.vector_store %arg12[%swap3A_978], %add3A_975 {strides = array<i32>} : memref<8192xi32, #tpu.memory_space<vmem>>, vector<16xi32>,
      %add3A_980 = arith.constant 9000576 : i32
      %add3A_981 = vector.broadcast %add3A_980 : i32 to vector<16xi32>
      %add3A_982 = arith.addi %get3A_852, %add3A_981 : vector<16xi32>
      %add3A_983 = arith.constant 4608 : i32
      %add3A_984 = arith.addi %add3A_983, %mul3A_850 : i32
      %swap3A_985 = arith.index_cast %add3A_984 : i32 to index
      %swap3A_986 = tpu.vector_load %arg11[%swap3A_985] {strides = array<i32>} : memref<8192xi32, #tpu.memory_space<vmem>>, vector<16xi32>,
      tpu.vector_store %arg11[%swap3A_985], %add3A_982 {strides = array<i32>} : memref<8192xi32, #tpu.memory_space<vmem>>, vector<16xi32>,
      %add3A_987 = arith.constant 25001600 : i32
      %add3A_988 = vector.broadcast %add3A_987 : i32 to vector<16xi32>
      %add3A_989 = arith.addi %get3A_854, %add3A_988 : vector<16xi32>
      %add3A_990 = arith.constant 4608 : i32
      %add3A_991 = arith.addi %add3A_990, %mul3A_850 : i32
      %swap3A_992 = arith.index_cast %add3A_991 : i32 to index
      %swap3A_993 = tpu.vector_load %arg12[%swap3A_992] {strides = array<i32>} : memref<8192xi32, #tpu.memory_space<vmem>>, vector<16xi32>,
      tpu.vector_store %arg12[%swap3A_992], %add3A_989 {strides = array<i32>} : memref<8192xi32, #tpu.memory_space<vmem>>, vector<16xi32>,
      %add3A_994 = arith.constant 10000640 : i32
      %add3A_995 = vector.broadcast %add3A_994 : i32 to vector<16xi32>
      %add3A_996 = arith.addi %get3A_852, %add3A_995 : vector<16xi32>
      %add3A_997 = arith.constant 5120 : i32
      %add3A_998 = arith.addi %add3A_997, %mul3A_850 : i32
      %swap3A_999 = arith.index_cast %add3A_998 : i32 to index
      %swap3A_1000 = tpu.vector_load %arg11[%swap3A_999] {strides = array<i32>} : memref<8192xi32, #tpu.memory_space<vmem>>, vector<16xi32>,
      tpu.vector_store %arg11[%swap3A_999], %add3A_996 {strides = array<i32>} : memref<8192xi32, #tpu.memory_space<vmem>>, vector<16xi32>,
      %add3A_1001 = arith.constant 26001664 : i32
      %add3A_1002 = vector.broadcast %add3A_1001 : i32 to vector<16xi32>
      %add3A_1003 = arith.addi %get3A_854, %add3A_1002 : vector<16xi32>
      %add3A_1004 = arith.constant 5120 : i32
      %add3A_1005 = arith.addi %add3A_1004, %mul3A_850 : i32
      %swap3A_1006 = arith.index_cast %add3A_1005 : i32 to index
      %swap3A_1007 = tpu.vector_load %arg12[%swap3A_1006] {strides = array<i32>} : memref<8192xi32, #tpu.memory_space<vmem>>, vector<16xi32>,
      tpu.vector_store %arg12[%swap3A_1006], %add3A_1003 {strides = array<i32>} : memref<8192xi32, #tpu.memory_space<vmem>>, vector<16xi32>,
      %add3A_1008 = arith.constant 11000704 : i32
      %add3A_1009 = vector.broadcast %add3A_1008 : i32 to vector<16xi32>
      %add3A_1010 = arith.addi %get3A_852, %add3A_1009 : vector<16xi32>
      %add3A_1011 = arith.constant 5632 : i32
      %add3A_1012 = arith.addi %add3A_1011, %mul3A_850 : i32
      %swap3A_1013 = arith.index_cast %add3A_1012 : i32 to index
      %swap3A_1014 = tpu.vector_load %arg11[%swap3A_1013] {strides = array<i32>} : memref<8192xi32, #tpu.memory_space<vmem>>, vector<16xi32>,
      tpu.vector_store %arg11[%swap3A_1013], %add3A_1010 {strides = array<i32>} : memref<8192xi32, #tpu.memory_space<vmem>>, vector<16xi32>,
      %add3A_1015 = arith.constant 27001728 : i32
      %add3A_1016 = vector.broadcast %add3A_1015 : i32 to vector<16xi32>
      %add3A_1017 = arith.addi %get3A_854, %add3A_1016 : vector<16xi32>
      %add3A_1018 = arith.constant 5632 : i32
      %add3A_1019 = arith.addi %add3A_1018, %mul3A_850 : i32
      %swap3A_1020 = arith.index_cast %add3A_1019 : i32 to index
      %swap3A_1021 = tpu.vector_load %arg12[%swap3A_1020] {strides = array<i32>} : memref<8192xi32, #tpu.memory_space<vmem>>, vector<16xi32>,
      tpu.vector_store %arg12[%swap3A_1020], %add3A_1017 {strides = array<i32>} : memref<8192xi32, #tpu.memory_space<vmem>>, vector<16xi32>,
      %add3A_1022 = arith.constant 12000768 : i32
      %add3A_1023 = vector.broadcast %add3A_1022 : i32 to vector<16xi32>
      %add3A_1024 = arith.addi %get3A_852, %add3A_1023 : vector<16xi32>
      %add3A_1025 = arith.constant 6144 : i32
      %add3A_1026 = arith.addi %add3A_1025, %mul3A_850 : i32
      %swap3A_1027 = arith.index_cast %add3A_1026 : i32 to index
      %swap3A_1028 = tpu.vector_load %arg11[%swap3A_1027] {strides = array<i32>} : memref<8192xi32, #tpu.memory_space<vmem>>, vector<16xi32>,
      tpu.vector_store %arg11[%swap3A_1027], %add3A_1024 {strides = array<i32>} : memref<8192xi32, #tpu.memory_space<vmem>>, vector<16xi32>,
      %add3A_1029 = arith.constant 28001792 : i32
      %add3A_1030 = vector.broadcast %add3A_1029 : i32 to vector<16xi32>
      %add3A_1031 = arith.addi %get3A_854, %add3A_1030 : vector<16xi32>
      %add3A_1032 = arith.constant 6144 : i32
      %add3A_1033 = arith.addi %add3A_1032, %mul3A_850 : i32
      %swap3A_1034 = arith.index_cast %add3A_1033 : i32 to index
      %swap3A_1035 = tpu.vector_load %arg12[%swap3A_1034] {strides = array<i32>} : memref<8192xi32, #tpu.memory_space<vmem>>, vector<16xi32>,
      tpu.vector_store %arg12[%swap3A_1034], %add3A_1031 {strides = array<i32>} : memref<8192xi32, #tpu.memory_space<vmem>>, vector<16xi32>,
      %add3A_1036 = arith.constant 13000832 : i32
      %add3A_1037 = vector.broadcast %add3A_1036 : i32 to vector<16xi32>
      %add3A_1038 = arith.addi %get3A_852, %add3A_1037 : vector<16xi32>
      %add3A_1039 = arith.constant 6656 : i32
      %add3A_1040 = arith.addi %add3A_1039, %mul3A_850 : i32
      %swap3A_1041 = arith.index_cast %add3A_1040 : i32 to index
      %swap3A_1042 = tpu.vector_load %arg11[%swap3A_1041] {strides = array<i32>} : memref<8192xi32, #tpu.memory_space<vmem>>, vector<16xi32>,
      tpu.vector_store %arg11[%swap3A_1041], %add3A_1038 {strides = array<i32>} : memref<8192xi32, #tpu.memory_space<vmem>>, vector<16xi32>,
      %add3A_1043 = arith.constant 29001856 : i32
      %add3A_1044 = vector.broadcast %add3A_1043 : i32 to vector<16xi32>
      %add3A_1045 = arith.addi %get3A_854, %add3A_1044 : vector<16xi32>
      %add3A_1046 = arith.constant 6656 : i32
      %add3A_1047 = arith.addi %add3A_1046, %mul3A_850 : i32
      %swap3A_1048 = arith.index_cast %add3A_1047 : i32 to index
      %swap3A_1049 = tpu.vector_load %arg12[%swap3A_1048] {strides = array<i32>} : memref<8192xi32, #tpu.memory_space<vmem>>, vector<16xi32>,
      tpu.vector_store %arg12[%swap3A_1048], %add3A_1045 {strides = array<i32>} : memref<8192xi32, #tpu.memory_space<vmem>>, vector<16xi32>,
      %add3A_1050 = arith.constant 14000896 : i32
      %add3A_1051 = vector.broadcast %add3A_1050 : i32 to vector<16xi32>
      %add3A_1052 = arith.addi %get3A_852, %add3A_1051 : vector<16xi32>
      %add3A_1053 = arith.constant 7168 : i32
      %add3A_1054 = arith.addi %add3A_1053, %mul3A_850 : i32
      %swap3A_1055 = arith.index_cast %add3A_1054 : i32 to index
      %swap3A_1056 = tpu.vector_load %arg11[%swap3A_1055] {strides = array<i32>} : memref<8192xi32, #tpu.memory_space<vmem>>, vector<16xi32>,
      tpu.vector_store %arg11[%swap3A_1055], %add3A_1052 {strides = array<i32>} : memref<8192xi32, #tpu.memory_space<vmem>>, vector<16xi32>,
      %add3A_1057 = arith.constant 30001920 : i32
      %add3A_1058 = vector.broadcast %add3A_1057 : i32 to vector<16xi32>
      %add3A_1059 = arith.addi %get3A_854, %add3A_1058 : vector<16xi32>
      %add3A_1060 = arith.constant 7168 : i32
      %add3A_1061 = arith.addi %add3A_1060, %mul3A_850 : i32
      %swap3A_1062 = arith.index_cast %add3A_1061 : i32 to index
      %swap3A_1063 = tpu.vector_load %arg12[%swap3A_1062] {strides = array<i32>} : memref<8192xi32, #tpu.memory_space<vmem>>, vector<16xi32>,
      tpu.vector_store %arg12[%swap3A_1062], %add3A_1059 {strides = array<i32>} : memref<8192xi32, #tpu.memory_space<vmem>>, vector<16xi32>,
      %add3A_1064 = arith.constant 15000960 : i32
      %add3A_1065 = vector.broadcast %add3A_1064 : i32 to vector<16xi32>
      %add3A_1066 = arith.addi %get3A_852, %add3A_1065 : vector<16xi32>
      %add3A_1067 = arith.constant 7680 : i32
      %add3A_1068 = arith.addi %add3A_1067, %mul3A_850 : i32
      %swap3A_1069 = arith.index_cast %add3A_1068 : i32 to index
      %swap3A_1070 = tpu.vector_load %arg11[%swap3A_1069] {strides = array<i32>} : memref<8192xi32, #tpu.memory_space<vmem>>, vector<16xi32>,
      tpu.vector_store %arg11[%swap3A_1069], %add3A_1066 {strides = array<i32>} : memref<8192xi32, #tpu.memory_space<vmem>>, vector<16xi32>,
      %add3A_1071 = arith.constant 31001984 : i32
      %add3A_1072 = vector.broadcast %add3A_1071 : i32 to vector<16xi32>
      %add3A_1073 = arith.addi %get3A_854, %add3A_1072 : vector<16xi32>
      %add3A_1074 = arith.constant 7680 : i32
      %add3A_1075 = arith.addi %add3A_1074, %mul3A_850 : i32
      %swap3A_1076 = arith.index_cast %add3A_1075 : i32 to index
      %swap3A_1077 = tpu.vector_load %arg12[%swap3A_1076] {strides = array<i32>} : memref<8192xi32, #tpu.memory_space<vmem>>, vector<16xi32>,
      tpu.vector_store %arg12[%swap3A_1076], %add3A_1073 {strides = array<i32>} : memref<8192xi32, #tpu.memory_space<vmem>>, vector<16xi32>,
      %scan3A_1078 = arith.constant 0 : i32
      scf.yield %scan3A_1078 : i32
    }
    %scan3A_8 = arith.constant 32 : i32
    %dma_start3A = arith.constant 0 : i32
    %dma_start3A_9 = tpu.memref_slice %arg13[%dma_start3A] : memref<8192xf32, #tpu.memory_space<vmem>> -> memref<128xf32, #tpu.memory_space<vmem>>
    %dma_start3A_10 = arith.constant 0 : i32
    %dma_start3A_11 = tpu.memref_slice %arg11[%dma_start3A_10] : memref<8192xi32, #tpu.memory_space<vmem>> -> memref<128xi32, #tpu.memory_space<vmem>>
    %dma_start3A_12 = arith.constant 0 : i32
    %dma_start3A_13 = tpu.memref_slice %arg4[%dma_start3A_12] : memref<32002048xf32, #tpu.memory_space<hbm>> -> memref<32002048xf32, #tpu.memory_space<hbm>>
    tpu.enqueue_indirect_dma source(%dma_start3A_13 : memref<32002048xf32, #tpu.memory_space<hbm>>) target(%dma_start3A_9 : memref<128xf32, #tpu.memory_space<vmem>>) offsets(%dma_start3A_11 : memref<128xi32, #tpu.memory_space<vmem>>) semaphore(%arg19 : memref<!tpu.dma_semaphore, #tpu.memory_space<semaphore_mem>>)
    %dma_start3A_14 = arith.constant 0 : i32
    %dma_start3A_15 = tpu.memref_slice %arg14[%dma_start3A_14] : memref<8192xf32, #tpu.memory_space<vmem>> -> memref<128xf32, #tpu.memory_space<vmem>>
    %dma_start3A_16 = arith.constant 0 : i32
    %dma_start3A_17 = tpu.memref_slice %arg12[%dma_start3A_16] : memref<8192xi32, #tpu.memory_space<vmem>> -> memref<128xi32, #tpu.memory_space<vmem>>
    %dma_start3A_18 = arith.constant 0 : i32
    %dma_start3A_19 = tpu.memref_slice %arg4[%dma_start3A_18] : memref<32002048xf32, #tpu.memory_space<hbm>> -> memref<32002048xf32, #tpu.memory_space<hbm>>
    tpu.enqueue_indirect_dma source(%dma_start3A_19 : memref<32002048xf32, #tpu.memory_space<hbm>>) target(%dma_start3A_15 : memref<128xf32, #tpu.memory_space<vmem>>) offsets(%dma_start3A_17 : memref<128xi32, #tpu.memory_space<vmem>>) semaphore(%arg19 : memref<!tpu.dma_semaphore, #tpu.memory_space<semaphore_mem>>)
    %dma_start3A_20 = arith.constant 128 : i32
    %dma_start3A_21 = tpu.memref_slice %arg13[%dma_start3A_20] : memref<8192xf32, #tpu.memory_space<vmem>> -> memref<128xf32, #tpu.memory_space<vmem>>
    %dma_start3A_22 = arith.constant 128 : i32
    %dma_start3A_23 = tpu.memref_slice %arg11[%dma_start3A_22] : memref<8192xi32, #tpu.memory_space<vmem>> -> memref<128xi32, #tpu.memory_space<vmem>>
    %dma_start3A_24 = arith.constant 0 : i32
    %dma_start3A_25 = tpu.memref_slice %arg4[%dma_start3A_24] : memref<32002048xf32, #tpu.memory_space<hbm>> -> memref<32002048xf32, #tpu.memory_space<hbm>>
    tpu.enqueue_indirect_dma source(%dma_start3A_25 : memref<32002048xf32, #tpu.memory_space<hbm>>) target(%dma_start3A_21 : memref<128xf32, #tpu.memory_space<vmem>>) offsets(%dma_start3A_23 : memref<128xi32, #tpu.memory_space<vmem>>) semaphore(%arg19 : memref<!tpu.dma_semaphore, #tpu.memory_space<semaphore_mem>>)
    %dma_start3A_26 = arith.constant 128 : i32
    %dma_start3A_27 = tpu.memref_slice %arg14[%dma_start3A_26] : memref<8192xf32, #tpu.memory_space<vmem>> -> memref<128xf32, #tpu.memory_space<vmem>>
    %dma_start3A_28 = arith.constant 128 : i32
    %dma_start3A_29 = tpu.memref_slice %arg12[%dma_start3A_28] : memref<8192xi32, #tpu.memory_space<vmem>> -> memref<128xi32, #tpu.memory_space<vmem>>
    %dma_start3A_30 = arith.constant 0 : i32
    %dma_start3A_31 = tpu.memref_slice %arg4[%dma_start3A_30] : memref<32002048xf32, #tpu.memory_space<hbm>> -> memref<32002048xf32, #tpu.memory_space<hbm>>
    tpu.enqueue_indirect_dma source(%dma_start3A_31 : memref<32002048xf32, #tpu.memory_space<hbm>>) target(%dma_start3A_27 : memref<128xf32, #tpu.memory_space<vmem>>) offsets(%dma_start3A_29 : memref<128xi32, #tpu.memory_space<vmem>>) semaphore(%arg19 : memref<!tpu.dma_semaphore, #tpu.memory_space<semaphore_mem>>)
    %dma_start3A_32 = arith.constant 256 : i32
    %dma_start3A_33 = tpu.memref_slice %arg13[%dma_start3A_32] : memref<8192xf32, #tpu.memory_space<vmem>> -> memref<128xf32, #tpu.memory_space<vmem>>
    %dma_start3A_34 = arith.constant 256 : i32
    %dma_start3A_35 = tpu.memref_slice %arg11[%dma_start3A_34] : memref<8192xi32, #tpu.memory_space<vmem>> -> memref<128xi32, #tpu.memory_space<vmem>>
    %dma_start3A_36 = arith.constant 0 : i32
    %dma_start3A_37 = tpu.memref_slice %arg4[%dma_start3A_36] : memref<32002048xf32, #tpu.memory_space<hbm>> -> memref<32002048xf32, #tpu.memory_space<hbm>>
    tpu.enqueue_indirect_dma source(%dma_start3A_37 : memref<32002048xf32, #tpu.memory_space<hbm>>) target(%dma_start3A_33 : memref<128xf32, #tpu.memory_space<vmem>>) offsets(%dma_start3A_35 : memref<128xi32, #tpu.memory_space<vmem>>) semaphore(%arg19 : memref<!tpu.dma_semaphore, #tpu.memory_space<semaphore_mem>>)
    %dma_start3A_38 = arith.constant 256 : i32
    %dma_start3A_39 = tpu.memref_slice %arg14[%dma_start3A_38] : memref<8192xf32, #tpu.memory_space<vmem>> -> memref<128xf32, #tpu.memory_space<vmem>>
    %dma_start3A_40 = arith.constant 256 : i32
    %dma_start3A_41 = tpu.memref_slice %arg12[%dma_start3A_40] : memref<8192xi32, #tpu.memory_space<vmem>> -> memref<128xi32, #tpu.memory_space<vmem>>
    %dma_start3A_42 = arith.constant 0 : i32
    %dma_start3A_43 = tpu.memref_slice %arg4[%dma_start3A_42] : memref<32002048xf32, #tpu.memory_space<hbm>> -> memref<32002048xf32, #tpu.memory_space<hbm>>
    tpu.enqueue_indirect_dma source(%dma_start3A_43 : memref<32002048xf32, #tpu.memory_space<hbm>>) target(%dma_start3A_39 : memref<128xf32, #tpu.memory_space<vmem>>) offsets(%dma_start3A_41 : memref<128xi32, #tpu.memory_space<vmem>>) semaphore(%arg19 : memref<!tpu.dma_semaphore, #tpu.memory_space<semaphore_mem>>)
    %dma_start3A_44 = arith.constant 384 : i32
    %dma_start3A_45 = tpu.memref_slice %arg13[%dma_start3A_44] : memref<8192xf32, #tpu.memory_space<vmem>> -> memref<128xf32, #tpu.memory_space<vmem>>
    %dma_start3A_46 = arith.constant 384 : i32
    %dma_start3A_47 = tpu.memref_slice %arg11[%dma_start3A_46] : memref<8192xi32, #tpu.memory_space<vmem>> -> memref<128xi32, #tpu.memory_space<vmem>>
    %dma_start3A_48 = arith.constant 0 : i32
    %dma_start3A_49 = tpu.memref_slice %arg4[%dma_start3A_48] : memref<32002048xf32, #tpu.memory_space<hbm>> -> memref<32002048xf32, #tpu.memory_space<hbm>>
    tpu.enqueue_indirect_dma source(%dma_start3A_49 : memref<32002048xf32, #tpu.memory_space<hbm>>) target(%dma_start3A_45 : memref<128xf32, #tpu.memory_space<vmem>>) offsets(%dma_start3A_47 : memref<128xi32, #tpu.memory_space<vmem>>) semaphore(%arg19 : memref<!tpu.dma_semaphore, #tpu.memory_space<semaphore_mem>>)
    %dma_start3A_50 = arith.constant 384 : i32
    %dma_start3A_51 = tpu.memref_slice %arg14[%dma_start3A_50] : memref<8192xf32, #tpu.memory_space<vmem>> -> memref<128xf32, #tpu.memory_space<vmem>>
    %dma_start3A_52 = arith.constant 384 : i32
    %dma_start3A_53 = tpu.memref_slice %arg12[%dma_start3A_52] : memref<8192xi32, #tpu.memory_space<vmem>> -> memref<128xi32, #tpu.memory_space<vmem>>
    %dma_start3A_54 = arith.constant 0 : i32
    %dma_start3A_55 = tpu.memref_slice %arg4[%dma_start3A_54] : memref<32002048xf32, #tpu.memory_space<hbm>> -> memref<32002048xf32, #tpu.memory_space<hbm>>
    tpu.enqueue_indirect_dma source(%dma_start3A_55 : memref<32002048xf32, #tpu.memory_space<hbm>>) target(%dma_start3A_51 : memref<128xf32, #tpu.memory_space<vmem>>) offsets(%dma_start3A_53 : memref<128xi32, #tpu.memory_space<vmem>>) semaphore(%arg19 : memref<!tpu.dma_semaphore, #tpu.memory_space<semaphore_mem>>)
    %dma_start3A_56 = arith.constant 512 : i32
    %dma_start3A_57 = tpu.memref_slice %arg13[%dma_start3A_56] : memref<8192xf32, #tpu.memory_space<vmem>> -> memref<128xf32, #tpu.memory_space<vmem>>
    %dma_start3A_58 = arith.constant 512 : i32
    %dma_start3A_59 = tpu.memref_slice %arg11[%dma_start3A_58] : memref<8192xi32, #tpu.memory_space<vmem>> -> memref<128xi32, #tpu.memory_space<vmem>>
    %dma_start3A_60 = arith.constant 0 : i32
    %dma_start3A_61 = tpu.memref_slice %arg4[%dma_start3A_60] : memref<32002048xf32, #tpu.memory_space<hbm>> -> memref<32002048xf32, #tpu.memory_space<hbm>>
    tpu.enqueue_indirect_dma source(%dma_start3A_61 : memref<32002048xf32, #tpu.memory_space<hbm>>) target(%dma_start3A_57 : memref<128xf32, #tpu.memory_space<vmem>>) offsets(%dma_start3A_59 : memref<128xi32, #tpu.memory_space<vmem>>) semaphore(%arg19 : memref<!tpu.dma_semaphore, #tpu.memory_space<semaphore_mem>>)
    %dma_start3A_62 = arith.constant 512 : i32
    %dma_start3A_63 = tpu.memref_slice %arg14[%dma_start3A_62] : memref<8192xf32, #tpu.memory_space<vmem>> -> memref<128xf32, #tpu.memory_space<vmem>>
    %dma_start3A_64 = arith.constant 512 : i32
    %dma_start3A_65 = tpu.memref_slice %arg12[%dma_start3A_64] : memref<8192xi32, #tpu.memory_space<vmem>> -> memref<128xi32, #tpu.memory_space<vmem>>
    %dma_start3A_66 = arith.constant 0 : i32
    %dma_start3A_67 = tpu.memref_slice %arg4[%dma_start3A_66] : memref<32002048xf32, #tpu.memory_space<hbm>> -> memref<32002048xf32, #tpu.memory_space<hbm>>
    tpu.enqueue_indirect_dma source(%dma_start3A_67 : memref<32002048xf32, #tpu.memory_space<hbm>>) target(%dma_start3A_63 : memref<128xf32, #tpu.memory_space<vmem>>) offsets(%dma_start3A_65 : memref<128xi32, #tpu.memory_space<vmem>>) semaphore(%arg19 : memref<!tpu.dma_semaphore, #tpu.memory_space<semaphore_mem>>)
    %dma_start3A_68 = arith.constant 640 : i32
    %dma_start3A_69 = tpu.memref_slice %arg13[%dma_start3A_68] : memref<8192xf32, #tpu.memory_space<vmem>> -> memref<128xf32, #tpu.memory_space<vmem>>
    %dma_start3A_70 = arith.constant 640 : i32
    %dma_start3A_71 = tpu.memref_slice %arg11[%dma_start3A_70] : memref<8192xi32, #tpu.memory_space<vmem>> -> memref<128xi32, #tpu.memory_space<vmem>>
    %dma_start3A_72 = arith.constant 0 : i32
    %dma_start3A_73 = tpu.memref_slice %arg4[%dma_start3A_72] : memref<32002048xf32, #tpu.memory_space<hbm>> -> memref<32002048xf32, #tpu.memory_space<hbm>>
    tpu.enqueue_indirect_dma source(%dma_start3A_73 : memref<32002048xf32, #tpu.memory_space<hbm>>) target(%dma_start3A_69 : memref<128xf32, #tpu.memory_space<vmem>>) offsets(%dma_start3A_71 : memref<128xi32, #tpu.memory_space<vmem>>) semaphore(%arg19 : memref<!tpu.dma_semaphore, #tpu.memory_space<semaphore_mem>>)
    %dma_start3A_74 = arith.constant 640 : i32
    %dma_start3A_75 = tpu.memref_slice %arg14[%dma_start3A_74] : memref<8192xf32, #tpu.memory_space<vmem>> -> memref<128xf32, #tpu.memory_space<vmem>>
    %dma_start3A_76 = arith.constant 640 : i32
    %dma_start3A_77 = tpu.memref_slice %arg12[%dma_start3A_76] : memref<8192xi32, #tpu.memory_space<vmem>> -> memref<128xi32, #tpu.memory_space<vmem>>
    %dma_start3A_78 = arith.constant 0 : i32
    %dma_start3A_79 = tpu.memref_slice %arg4[%dma_start3A_78] : memref<32002048xf32, #tpu.memory_space<hbm>> -> memref<32002048xf32, #tpu.memory_space<hbm>>
    tpu.enqueue_indirect_dma source(%dma_start3A_79 : memref<32002048xf32, #tpu.memory_space<hbm>>) target(%dma_start3A_75 : memref<128xf32, #tpu.memory_space<vmem>>) offsets(%dma_start3A_77 : memref<128xi32, #tpu.memory_space<vmem>>) semaphore(%arg19 : memref<!tpu.dma_semaphore, #tpu.memory_space<semaphore_mem>>)
    %dma_start3A_80 = arith.constant 768 : i32
    %dma_start3A_81 = tpu.memref_slice %arg13[%dma_start3A_80] : memref<8192xf32, #tpu.memory_space<vmem>> -> memref<128xf32, #tpu.memory_space<vmem>>
    %dma_start3A_82 = arith.constant 768 : i32
    %dma_start3A_83 = tpu.memref_slice %arg11[%dma_start3A_82] : memref<8192xi32, #tpu.memory_space<vmem>> -> memref<128xi32, #tpu.memory_space<vmem>>
    %dma_start3A_84 = arith.constant 0 : i32
    %dma_start3A_85 = tpu.memref_slice %arg4[%dma_start3A_84] : memref<32002048xf32, #tpu.memory_space<hbm>> -> memref<32002048xf32, #tpu.memory_space<hbm>>
    tpu.enqueue_indirect_dma source(%dma_start3A_85 : memref<32002048xf32, #tpu.memory_space<hbm>>) target(%dma_start3A_81 : memref<128xf32, #tpu.memory_space<vmem>>) offsets(%dma_start3A_83 : memref<128xi32, #tpu.memory_space<vmem>>) semaphore(%arg19 : memref<!tpu.dma_semaphore, #tpu.memory_space<semaphore_mem>>)
    %dma_start3A_86 = arith.constant 768 : i32
    %dma_start3A_87 = tpu.memref_slice %arg14[%dma_start3A_86] : memref<8192xf32, #tpu.memory_space<vmem>> -> memref<128xf32, #tpu.memory_space<vmem>>
    %dma_start3A_88 = arith.constant 768 : i32
    %dma_start3A_89 = tpu.memref_slice %arg12[%dma_start3A_88] : memref<8192xi32, #tpu.memory_space<vmem>> -> memref<128xi32, #tpu.memory_space<vmem>>
    %dma_start3A_90 = arith.constant 0 : i32
    %dma_start3A_91 = tpu.memref_slice %arg4[%dma_start3A_90] : memref<32002048xf32, #tpu.memory_space<hbm>> -> memref<32002048xf32, #tpu.memory_space<hbm>>
    tpu.enqueue_indirect_dma source(%dma_start3A_91 : memref<32002048xf32, #tpu.memory_space<hbm>>) target(%dma_start3A_87 : memref<128xf32, #tpu.memory_space<vmem>>) offsets(%dma_start3A_89 : memref<128xi32, #tpu.memory_space<vmem>>) semaphore(%arg19 : memref<!tpu.dma_semaphore, #tpu.memory_space<semaphore_mem>>)
    %dma_start3A_92 = arith.constant 896 : i32
    %dma_start3A_93 = tpu.memref_slice %arg13[%dma_start3A_92] : memref<8192xf32, #tpu.memory_space<vmem>> -> memref<128xf32, #tpu.memory_space<vmem>>
    %dma_start3A_94 = arith.constant 896 : i32
    %dma_start3A_95 = tpu.memref_slice %arg11[%dma_start3A_94] : memref<8192xi32, #tpu.memory_space<vmem>> -> memref<128xi32, #tpu.memory_space<vmem>>
    %dma_start3A_96 = arith.constant 0 : i32
    %dma_start3A_97 = tpu.memref_slice %arg4[%dma_start3A_96] : memref<32002048xf32, #tpu.memory_space<hbm>> -> memref<32002048xf32, #tpu.memory_space<hbm>>
    tpu.enqueue_indirect_dma source(%dma_start3A_97 : memref<32002048xf32, #tpu.memory_space<hbm>>) target(%dma_start3A_93 : memref<128xf32, #tpu.memory_space<vmem>>) offsets(%dma_start3A_95 : memref<128xi32, #tpu.memory_space<vmem>>) semaphore(%arg19 : memref<!tpu.dma_semaphore, #tpu.memory_space<semaphore_mem>>)
    %dma_start3A_98 = arith.constant 896 : i32
    %dma_start3A_99 = tpu.memref_slice %arg14[%dma_start3A_98] : memref<8192xf32, #tpu.memory_space<vmem>> -> memref<128xf32, #tpu.memory_space<vmem>>
    %dma_start3A_100 = arith.constant 896 : i32
    %dma_start3A_101 = tpu.memref_slice %arg12[%dma_start3A_100] : memref<8192xi32, #tpu.memory_space<vmem>> -> memref<128xi32, #tpu.memory_space<vmem>>
    %dma_start3A_102 = arith.constant 0 : i32
    %dma_start3A_103 = tpu.memref_slice %arg4[%dma_start3A_102] : memref<32002048xf32, #tpu.memory_space<hbm>> -> memref<32002048xf32, #tpu.memory_space<hbm>>
    tpu.enqueue_indirect_dma source(%dma_start3A_103 : memref<32002048xf32, #tpu.memory_space<hbm>>) target(%dma_start3A_99 : memref<128xf32, #tpu.memory_space<vmem>>) offsets(%dma_start3A_101 : memref<128xi32, #tpu.memory_space<vmem>>) semaphore(%arg19 : memref<!tpu.dma_semaphore, #tpu.memory_space<semaphore_mem>>)
    %dma_start3A_104 = arith.constant 1024 : i32
    %dma_start3A_105 = tpu.memref_slice %arg13[%dma_start3A_104] : memref<8192xf32, #tpu.memory_space<vmem>> -> memref<128xf32, #tpu.memory_space<vmem>>
    %dma_start3A_106 = arith.constant 1024 : i32
    %dma_start3A_107 = tpu.memref_slice %arg11[%dma_start3A_106] : memref<8192xi32, #tpu.memory_space<vmem>> -> memref<128xi32, #tpu.memory_space<vmem>>
    %dma_start3A_108 = arith.constant 0 : i32
    %dma_start3A_109 = tpu.memref_slice %arg4[%dma_start3A_108] : memref<32002048xf32, #tpu.memory_space<hbm>> -> memref<32002048xf32, #tpu.memory_space<hbm>>
    tpu.enqueue_indirect_dma source(%dma_start3A_109 : memref<32002048xf32, #tpu.memory_space<hbm>>) target(%dma_start3A_105 : memref<128xf32, #tpu.memory_space<vmem>>) offsets(%dma_start3A_107 : memref<128xi32, #tpu.memory_space<vmem>>) semaphore(%arg19 : memref<!tpu.dma_semaphore, #tpu.memory_space<semaphore_mem>>)
    %dma_start3A_110 = arith.constant 1024 : i32
    %dma_start3A_111 = tpu.memref_slice %arg14[%dma_start3A_110] : memref<8192xf32, #tpu.memory_space<vmem>> -> memref<128xf32, #tpu.memory_space<vmem>>
    %dma_start3A_112 = arith.constant 1024 : i32
    %dma_start3A_113 = tpu.memref_slice %arg12[%dma_start3A_112] : memref<8192xi32, #tpu.memory_space<vmem>> -> memref<128xi32, #tpu.memory_space<vmem>>
    %dma_start3A_114 = arith.constant 0 : i32
    %dma_start3A_115 = tpu.memref_slice %arg4[%dma_start3A_114] : memref<32002048xf32, #tpu.memory_space<hbm>> -> memref<32002048xf32, #tpu.memory_space<hbm>>
    tpu.enqueue_indirect_dma source(%dma_start3A_115 : memref<32002048xf32, #tpu.memory_space<hbm>>) target(%dma_start3A_111 : memref<128xf32, #tpu.memory_space<vmem>>) offsets(%dma_start3A_113 : memref<128xi32, #tpu.memory_space<vmem>>) semaphore(%arg19 : memref<!tpu.dma_semaphore, #tpu.memory_space<semaphore_mem>>)
    %dma_start3A_116 = arith.constant 1152 : i32
    %dma_start3A_117 = tpu.memref_slice %arg13[%dma_start3A_116] : memref<8192xf32, #tpu.memory_space<vmem>> -> memref<128xf32, #tpu.memory_space<vmem>>
    %dma_start3A_118 = arith.constant 1152 : i32
    %dma_start3A_119 = tpu.memref_slice %arg11[%dma_start3A_118] : memref<8192xi32, #tpu.memory_space<vmem>> -> memref<128xi32, #tpu.memory_space<vmem>>
    %dma_start3A_120 = arith.constant 0 : i32
    %dma_start3A_121 = tpu.memref_slice %arg4[%dma_start3A_120] : memref<32002048xf32, #tpu.memory_space<hbm>> -> memref<32002048xf32, #tpu.memory_space<hbm>>
    tpu.enqueue_indirect_dma source(%dma_start3A_121 : memref<32002048xf32, #tpu.memory_space<hbm>>) target(%dma_start3A_117 : memref<128xf32, #tpu.memory_space<vmem>>) offsets(%dma_start3A_119 : memref<128xi32, #tpu.memory_space<vmem>>) semaphore(%arg19 : memref<!tpu.dma_semaphore, #tpu.memory_space<semaphore_mem>>)
    %dma_start3A_122 = arith.constant 1152 : i32
    %dma_start3A_123 = tpu.memref_slice %arg14[%dma_start3A_122] : memref<8192xf32, #tpu.memory_space<vmem>> -> memref<128xf32, #tpu.memory_space<vmem>>
    %dma_start3A_124 = arith.constant 1152 : i32
    %dma_start3A_125 = tpu.memref_slice %arg12[%dma_start3A_124] : memref<8192xi32, #tpu.memory_space<vmem>> -> memref<128xi32, #tpu.memory_space<vmem>>
    %dma_start3A_126 = arith.constant 0 : i32
    %dma_start3A_127 = tpu.memref_slice %arg4[%dma_start3A_126] : memref<32002048xf32, #tpu.memory_space<hbm>> -> memref<32002048xf32, #tpu.memory_space<hbm>>
    tpu.enqueue_indirect_dma source(%dma_start3A_127 : memref<32002048xf32, #tpu.memory_space<hbm>>) target(%dma_start3A_123 : memref<128xf32, #tpu.memory_space<vmem>>) offsets(%dma_start3A_125 : memref<128xi32, #tpu.memory_space<vmem>>) semaphore(%arg19 : memref<!tpu.dma_semaphore, #tpu.memory_space<semaphore_mem>>)
    %dma_start3A_128 = arith.constant 1280 : i32
    %dma_start3A_129 = tpu.memref_slice %arg13[%dma_start3A_128] : memref<8192xf32, #tpu.memory_space<vmem>> -> memref<128xf32, #tpu.memory_space<vmem>>
    %dma_start3A_130 = arith.constant 1280 : i32
    %dma_start3A_131 = tpu.memref_slice %arg11[%dma_start3A_130] : memref<8192xi32, #tpu.memory_space<vmem>> -> memref<128xi32, #tpu.memory_space<vmem>>
    %dma_start3A_132 = arith.constant 0 : i32
    %dma_start3A_133 = tpu.memref_slice %arg4[%dma_start3A_132] : memref<32002048xf32, #tpu.memory_space<hbm>> -> memref<32002048xf32, #tpu.memory_space<hbm>>
    tpu.enqueue_indirect_dma source(%dma_start3A_133 : memref<32002048xf32, #tpu.memory_space<hbm>>) target(%dma_start3A_129 : memref<128xf32, #tpu.memory_space<vmem>>) offsets(%dma_start3A_131 : memref<128xi32, #tpu.memory_space<vmem>>) semaphore(%arg19 : memref<!tpu.dma_semaphore, #tpu.memory_space<semaphore_mem>>)
    %dma_start3A_134 = arith.constant 1280 : i32
    %dma_start3A_135 = tpu.memref_slice %arg14[%dma_start3A_134] : memref<8192xf32, #tpu.memory_space<vmem>> -> memref<128xf32, #tpu.memory_space<vmem>>
    %dma_start3A_136 = arith.constant 1280 : i32
    %dma_start3A_137 = tpu.memref_slice %arg12[%dma_start3A_136] : memref<8192xi32, #tpu.memory_space<vmem>> -> memref<128xi32, #tpu.memory_space<vmem>>
    %dma_start3A_138 = arith.constant 0 : i32
    %dma_start3A_139 = tpu.memref_slice %arg4[%dma_start3A_138] : memref<32002048xf32, #tpu.memory_space<hbm>> -> memref<32002048xf32, #tpu.memory_space<hbm>>
    tpu.enqueue_indirect_dma source(%dma_start3A_139 : memref<32002048xf32, #tpu.memory_space<hbm>>) target(%dma_start3A_135 : memref<128xf32, #tpu.memory_space<vmem>>) offsets(%dma_start3A_137 : memref<128xi32, #tpu.memory_space<vmem>>) semaphore(%arg19 : memref<!tpu.dma_semaphore, #tpu.memory_space<semaphore_mem>>)
    %dma_start3A_140 = arith.constant 1408 : i32
    %dma_start3A_141 = tpu.memref_slice %arg13[%dma_start3A_140] : memref<8192xf32, #tpu.memory_space<vmem>> -> memref<128xf32, #tpu.memory_space<vmem>>
    %dma_start3A_142 = arith.constant 1408 : i32
    %dma_start3A_143 = tpu.memref_slice %arg11[%dma_start3A_142] : memref<8192xi32, #tpu.memory_space<vmem>> -> memref<128xi32, #tpu.memory_space<vmem>>
    %dma_start3A_144 = arith.constant 0 : i32
    %dma_start3A_145 = tpu.memref_slice %arg4[%dma_start3A_144] : memref<32002048xf32, #tpu.memory_space<hbm>> -> memref<32002048xf32, #tpu.memory_space<hbm>>
    tpu.enqueue_indirect_dma source(%dma_start3A_145 : memref<32002048xf32, #tpu.memory_space<hbm>>) target(%dma_start3A_141 : memref<128xf32, #tpu.memory_space<vmem>>) offsets(%dma_start3A_143 : memref<128xi32, #tpu.memory_space<vmem>>) semaphore(%arg19 : memref<!tpu.dma_semaphore, #tpu.memory_space<semaphore_mem>>)
    %dma_start3A_146 = arith.constant 1408 : i32
    %dma_start3A_147 = tpu.memref_slice %arg14[%dma_start3A_146] : memref<8192xf32, #tpu.memory_space<vmem>> -> memref<128xf32, #tpu.memory_space<vmem>>
    %dma_start3A_148 = arith.constant 1408 : i32
    %dma_start3A_149 = tpu.memref_slice %arg12[%dma_start3A_148] : memref<8192xi32, #tpu.memory_space<vmem>> -> memref<128xi32, #tpu.memory_space<vmem>>
    %dma_start3A_150 = arith.constant 0 : i32
    %dma_start3A_151 = tpu.memref_slice %arg4[%dma_start3A_150] : memref<32002048xf32, #tpu.memory_space<hbm>> -> memref<32002048xf32, #tpu.memory_space<hbm>>
    tpu.enqueue_indirect_dma source(%dma_start3A_151 : memref<32002048xf32, #tpu.memory_space<hbm>>) target(%dma_start3A_147 : memref<128xf32, #tpu.memory_space<vmem>>) offsets(%dma_start3A_149 : memref<128xi32, #tpu.memory_space<vmem>>) semaphore(%arg19 : memref<!tpu.dma_semaphore, #tpu.memory_space<semaphore_mem>>)
    %dma_start3A_152 = arith.constant 1536 : i32
    %dma_start3A_153 = tpu.memref_slice %arg13[%dma_start3A_152] : memref<8192xf32, #tpu.memory_space<vmem>> -> memref<128xf32, #tpu.memory_space<vmem>>
    %dma_start3A_154 = arith.constant 1536 : i32
    %dma_start3A_155 = tpu.memref_slice %arg11[%dma_start3A_154] : memref<8192xi32, #tpu.memory_space<vmem>> -> memref<128xi32, #tpu.memory_space<vmem>>
    %dma_start3A_156 = arith.constant 0 : i32
    %dma_start3A_157 = tpu.memref_slice %arg4[%dma_start3A_156] : memref<32002048xf32, #tpu.memory_space<hbm>> -> memref<32002048xf32, #tpu.memory_space<hbm>>
    tpu.enqueue_indirect_dma source(%dma_start3A_157 : memref<32002048xf32, #tpu.memory_space<hbm>>) target(%dma_start3A_153 : memref<128xf32, #tpu.memory_space<vmem>>) offsets(%dma_start3A_155 : memref<128xi32, #tpu.memory_space<vmem>>) semaphore(%arg19 : memref<!tpu.dma_semaphore, #tpu.memory_space<semaphore_mem>>)
    %dma_start3A_158 = arith.constant 1536 : i32
    %dma_start3A_159 = tpu.memref_slice %arg14[%dma_start3A_158] : memref<8192xf32, #tpu.memory_space<vmem>> -> memref<128xf32, #tpu.memory_space<vmem>>
    %dma_start3A_160 = arith.constant 1536 : i32
    %dma_start3A_161 = tpu.memref_slice %arg12[%dma_start3A_160] : memref<8192xi32, #tpu.memory_space<vmem>> -> memref<128xi32, #tpu.memory_space<vmem>>
    %dma_start3A_162 = arith.constant 0 : i32
    %dma_start3A_163 = tpu.memref_slice %arg4[%dma_start3A_162] : memref<32002048xf32, #tpu.memory_space<hbm>> -> memref<32002048xf32, #tpu.memory_space<hbm>>
    tpu.enqueue_indirect_dma source(%dma_start3A_163 : memref<32002048xf32, #tpu.memory_space<hbm>>) target(%dma_start3A_159 : memref<128xf32, #tpu.memory_space<vmem>>) offsets(%dma_start3A_161 : memref<128xi32, #tpu.memory_space<vmem>>) semaphore(%arg19 : memref<!tpu.dma_semaphore, #tpu.memory_space<semaphore_mem>>)
    %dma_start3A_164 = arith.constant 1664 : i32
    %dma_start3A_165 = tpu.memref_slice %arg13[%dma_start3A_164] : memref<8192xf32, #tpu.memory_space<vmem>> -> memref<128xf32, #tpu.memory_space<vmem>>
    %dma_start3A_166 = arith.constant 1664 : i32
    %dma_start3A_167 = tpu.memref_slice %arg11[%dma_start3A_166] : memref<8192xi32, #tpu.memory_space<vmem>> -> memref<128xi32, #tpu.memory_space<vmem>>
    %dma_start3A_168 = arith.constant 0 : i32
    %dma_start3A_169 = tpu.memref_slice %arg4[%dma_start3A_168] : memref<32002048xf32, #tpu.memory_space<hbm>> -> memref<32002048xf32, #tpu.memory_space<hbm>>
    tpu.enqueue_indirect_dma source(%dma_start3A_169 : memref<32002048xf32, #tpu.memory_space<hbm>>) target(%dma_start3A_165 : memref<128xf32, #tpu.memory_space<vmem>>) offsets(%dma_start3A_167 : memref<128xi32, #tpu.memory_space<vmem>>) semaphore(%arg19 : memref<!tpu.dma_semaphore, #tpu.memory_space<semaphore_mem>>)
    %dma_start3A_170 = arith.constant 1664 : i32
    %dma_start3A_171 = tpu.memref_slice %arg14[%dma_start3A_170] : memref<8192xf32, #tpu.memory_space<vmem>> -> memref<128xf32, #tpu.memory_space<vmem>>
    %dma_start3A_172 = arith.constant 1664 : i32
    %dma_start3A_173 = tpu.memref_slice %arg12[%dma_start3A_172] : memref<8192xi32, #tpu.memory_space<vmem>> -> memref<128xi32, #tpu.memory_space<vmem>>
    %dma_start3A_174 = arith.constant 0 : i32
    %dma_start3A_175 = tpu.memref_slice %arg4[%dma_start3A_174] : memref<32002048xf32, #tpu.memory_space<hbm>> -> memref<32002048xf32, #tpu.memory_space<hbm>>
    tpu.enqueue_indirect_dma source(%dma_start3A_175 : memref<32002048xf32, #tpu.memory_space<hbm>>) target(%dma_start3A_171 : memref<128xf32, #tpu.memory_space<vmem>>) offsets(%dma_start3A_173 : memref<128xi32, #tpu.memory_space<vmem>>) semaphore(%arg19 : memref<!tpu.dma_semaphore, #tpu.memory_space<semaphore_mem>>)
    %dma_start3A_176 = arith.constant 1792 : i32
    %dma_start3A_177 = tpu.memref_slice %arg13[%dma_start3A_176] : memref<8192xf32, #tpu.memory_space<vmem>> -> memref<128xf32, #tpu.memory_space<vmem>>
    %dma_start3A_178 = arith.constant 1792 : i32
    %dma_start3A_179 = tpu.memref_slice %arg11[%dma_start3A_178] : memref<8192xi32, #tpu.memory_space<vmem>> -> memref<128xi32, #tpu.memory_space<vmem>>
    %dma_start3A_180 = arith.constant 0 : i32
    %dma_start3A_181 = tpu.memref_slice %arg4[%dma_start3A_180] : memref<32002048xf32, #tpu.memory_space<hbm>> -> memref<32002048xf32, #tpu.memory_space<hbm>>
    tpu.enqueue_indirect_dma source(%dma_start3A_181 : memref<32002048xf32, #tpu.memory_space<hbm>>) target(%dma_start3A_177 : memref<128xf32, #tpu.memory_space<vmem>>) offsets(%dma_start3A_179 : memref<128xi32, #tpu.memory_space<vmem>>) semaphore(%arg19 : memref<!tpu.dma_semaphore, #tpu.memory_space<semaphore_mem>>)
    %dma_start3A_182 = arith.constant 1792 : i32
    %dma_start3A_183 = tpu.memref_slice %arg14[%dma_start3A_182] : memref<8192xf32, #tpu.memory_space<vmem>> -> memref<128xf32, #tpu.memory_space<vmem>>
    %dma_start3A_184 = arith.constant 1792 : i32
    %dma_start3A_185 = tpu.memref_slice %arg12[%dma_start3A_184] : memref<8192xi32, #tpu.memory_space<vmem>> -> memref<128xi32, #tpu.memory_space<vmem>>
    %dma_start3A_186 = arith.constant 0 : i32
    %dma_start3A_187 = tpu.memref_slice %arg4[%dma_start3A_186] : memref<32002048xf32, #tpu.memory_space<hbm>> -> memref<32002048xf32, #tpu.memory_space<hbm>>
    tpu.enqueue_indirect_dma source(%dma_start3A_187 : memref<32002048xf32, #tpu.memory_space<hbm>>) target(%dma_start3A_183 : memref<128xf32, #tpu.memory_space<vmem>>) offsets(%dma_start3A_185 : memref<128xi32, #tpu.memory_space<vmem>>) semaphore(%arg19 : memref<!tpu.dma_semaphore, #tpu.memory_space<semaphore_mem>>)
    %dma_start3A_188 = arith.constant 1920 : i32
    %dma_start3A_189 = tpu.memref_slice %arg13[%dma_start3A_188] : memref<8192xf32, #tpu.memory_space<vmem>> -> memref<128xf32, #tpu.memory_space<vmem>>
    %dma_start3A_190 = arith.constant 1920 : i32
    %dma_start3A_191 = tpu.memref_slice %arg11[%dma_start3A_190] : memref<8192xi32, #tpu.memory_space<vmem>> -> memref<128xi32, #tpu.memory_space<vmem>>
    %dma_start3A_192 = arith.constant 0 : i32
    %dma_start3A_193 = tpu.memref_slice %arg4[%dma_start3A_192] : memref<32002048xf32, #tpu.memory_space<hbm>> -> memref<32002048xf32, #tpu.memory_space<hbm>>
    tpu.enqueue_indirect_dma source(%dma_start3A_193 : memref<32002048xf32, #tpu.memory_space<hbm>>) target(%dma_start3A_189 : memref<128xf32, #tpu.memory_space<vmem>>) offsets(%dma_start3A_191 : memref<128xi32, #tpu.memory_space<vmem>>) semaphore(%arg19 : memref<!tpu.dma_semaphore, #tpu.memory_space<semaphore_mem>>)
    %dma_start3A_194 = arith.constant 1920 : i32
    %dma_start3A_195 = tpu.memref_slice %arg14[%dma_start3A_194] : memref<8192xf32, #tpu.memory_space<vmem>> -> memref<128xf32, #tpu.memory_space<vmem>>
    %dma_start3A_196 = arith.constant 1920 : i32
    %dma_start3A_197 = tpu.memref_slice %arg12[%dma_start3A_196] : memref<8192xi32, #tpu.memory_space<vmem>> -> memref<128xi32, #tpu.memory_space<vmem>>
    %dma_start3A_198 = arith.constant 0 : i32
    %dma_start3A_199 = tpu.memref_slice %arg4[%dma_start3A_198] : memref<32002048xf32, #tpu.memory_space<hbm>> -> memref<32002048xf32, #tpu.memory_space<hbm>>
    tpu.enqueue_indirect_dma source(%dma_start3A_199 : memref<32002048xf32, #tpu.memory_space<hbm>>) target(%dma_start3A_195 : memref<128xf32, #tpu.memory_space<vmem>>) offsets(%dma_start3A_197 : memref<128xi32, #tpu.memory_space<vmem>>) semaphore(%arg19 : memref<!tpu.dma_semaphore, #tpu.memory_space<semaphore_mem>>)
    %dma_start3A_200 = arith.constant 2048 : i32
    %dma_start3A_201 = tpu.memref_slice %arg13[%dma_start3A_200] : memref<8192xf32, #tpu.memory_space<vmem>> -> memref<128xf32, #tpu.memory_space<vmem>>
    %dma_start3A_202 = arith.constant 2048 : i32
    %dma_start3A_203 = tpu.memref_slice %arg11[%dma_start3A_202] : memref<8192xi32, #tpu.memory_space<vmem>> -> memref<128xi32, #tpu.memory_space<vmem>>
    %dma_start3A_204 = arith.constant 0 : i32
    %dma_start3A_205 = tpu.memref_slice %arg4[%dma_start3A_204] : memref<32002048xf32, #tpu.memory_space<hbm>> -> memref<32002048xf32, #tpu.memory_space<hbm>>
    tpu.enqueue_indirect_dma source(%dma_start3A_205 : memref<32002048xf32, #tpu.memory_space<hbm>>) target(%dma_start3A_201 : memref<128xf32, #tpu.memory_space<vmem>>) offsets(%dma_start3A_203 : memref<128xi32, #tpu.memory_space<vmem>>) semaphore(%arg19 : memref<!tpu.dma_semaphore, #tpu.memory_space<semaphore_mem>>)
    %dma_start3A_206 = arith.constant 2048 : i32
    %dma_start3A_207 = tpu.memref_slice %arg14[%dma_start3A_206] : memref<8192xf32, #tpu.memory_space<vmem>> -> memref<128xf32, #tpu.memory_space<vmem>>
    %dma_start3A_208 = arith.constant 2048 : i32
    %dma_start3A_209 = tpu.memref_slice %arg12[%dma_start3A_208] : memref<8192xi32, #tpu.memory_space<vmem>> -> memref<128xi32, #tpu.memory_space<vmem>>
    %dma_start3A_210 = arith.constant 0 : i32
    %dma_start3A_211 = tpu.memref_slice %arg4[%dma_start3A_210] : memref<32002048xf32, #tpu.memory_space<hbm>> -> memref<32002048xf32, #tpu.memory_space<hbm>>
    tpu.enqueue_indirect_dma source(%dma_start3A_211 : memref<32002048xf32, #tpu.memory_space<hbm>>) target(%dma_start3A_207 : memref<128xf32, #tpu.memory_space<vmem>>) offsets(%dma_start3A_209 : memref<128xi32, #tpu.memory_space<vmem>>) semaphore(%arg19 : memref<!tpu.dma_semaphore, #tpu.memory_space<semaphore_mem>>)
    %dma_start3A_212 = arith.constant 2176 : i32
    %dma_start3A_213 = tpu.memref_slice %arg13[%dma_start3A_212] : memref<8192xf32, #tpu.memory_space<vmem>> -> memref<128xf32, #tpu.memory_space<vmem>>
    %dma_start3A_214 = arith.constant 2176 : i32
    %dma_start3A_215 = tpu.memref_slice %arg11[%dma_start3A_214] : memref<8192xi32, #tpu.memory_space<vmem>> -> memref<128xi32, #tpu.memory_space<vmem>>
    %dma_start3A_216 = arith.constant 0 : i32
    %dma_start3A_217 = tpu.memref_slice %arg4[%dma_start3A_216] : memref<32002048xf32, #tpu.memory_space<hbm>> -> memref<32002048xf32, #tpu.memory_space<hbm>>
    tpu.enqueue_indirect_dma source(%dma_start3A_217 : memref<32002048xf32, #tpu.memory_space<hbm>>) target(%dma_start3A_213 : memref<128xf32, #tpu.memory_space<vmem>>) offsets(%dma_start3A_215 : memref<128xi32, #tpu.memory_space<vmem>>) semaphore(%arg19 : memref<!tpu.dma_semaphore, #tpu.memory_space<semaphore_mem>>)
    %dma_start3A_218 = arith.constant 2176 : i32
    %dma_start3A_219 = tpu.memref_slice %arg14[%dma_start3A_218] : memref<8192xf32, #tpu.memory_space<vmem>> -> memref<128xf32, #tpu.memory_space<vmem>>
    %dma_start3A_220 = arith.constant 2176 : i32
    %dma_start3A_221 = tpu.memref_slice %arg12[%dma_start3A_220] : memref<8192xi32, #tpu.memory_space<vmem>> -> memref<128xi32, #tpu.memory_space<vmem>>
    %dma_start3A_222 = arith.constant 0 : i32
    %dma_start3A_223 = tpu.memref_slice %arg4[%dma_start3A_222] : memref<32002048xf32, #tpu.memory_space<hbm>> -> memref<32002048xf32, #tpu.memory_space<hbm>>
    tpu.enqueue_indirect_dma source(%dma_start3A_223 : memref<32002048xf32, #tpu.memory_space<hbm>>) target(%dma_start3A_219 : memref<128xf32, #tpu.memory_space<vmem>>) offsets(%dma_start3A_221 : memref<128xi32, #tpu.memory_space<vmem>>) semaphore(%arg19 : memref<!tpu.dma_semaphore, #tpu.memory_space<semaphore_mem>>)
    %dma_start3A_224 = arith.constant 2304 : i32
    %dma_start3A_225 = tpu.memref_slice %arg13[%dma_start3A_224] : memref<8192xf32, #tpu.memory_space<vmem>> -> memref<128xf32, #tpu.memory_space<vmem>>
    %dma_start3A_226 = arith.constant 2304 : i32
    %dma_start3A_227 = tpu.memref_slice %arg11[%dma_start3A_226] : memref<8192xi32, #tpu.memory_space<vmem>> -> memref<128xi32, #tpu.memory_space<vmem>>
    %dma_start3A_228 = arith.constant 0 : i32
    %dma_start3A_229 = tpu.memref_slice %arg4[%dma_start3A_228] : memref<32002048xf32, #tpu.memory_space<hbm>> -> memref<32002048xf32, #tpu.memory_space<hbm>>
    tpu.enqueue_indirect_dma source(%dma_start3A_229 : memref<32002048xf32, #tpu.memory_space<hbm>>) target(%dma_start3A_225 : memref<128xf32, #tpu.memory_space<vmem>>) offsets(%dma_start3A_227 : memref<128xi32, #tpu.memory_space<vmem>>) semaphore(%arg19 : memref<!tpu.dma_semaphore, #tpu.memory_space<semaphore_mem>>)
    %dma_start3A_230 = arith.constant 2304 : i32
    %dma_start3A_231 = tpu.memref_slice %arg14[%dma_start3A_230] : memref<8192xf32, #tpu.memory_space<vmem>> -> memref<128xf32, #tpu.memory_space<vmem>>
    %dma_start3A_232 = arith.constant 2304 : i32
    %dma_start3A_233 = tpu.memref_slice %arg12[%dma_start3A_232] : memref<8192xi32, #tpu.memory_space<vmem>> -> memref<128xi32, #tpu.memory_space<vmem>>
    %dma_start3A_234 = arith.constant 0 : i32
    %dma_start3A_235 = tpu.memref_slice %arg4[%dma_start3A_234] : memref<32002048xf32, #tpu.memory_space<hbm>> -> memref<32002048xf32, #tpu.memory_space<hbm>>
    tpu.enqueue_indirect_dma source(%dma_start3A_235 : memref<32002048xf32, #tpu.memory_space<hbm>>) target(%dma_start3A_231 : memref<128xf32, #tpu.memory_space<vmem>>) offsets(%dma_start3A_233 : memref<128xi32, #tpu.memory_space<vmem>>) semaphore(%arg19 : memref<!tpu.dma_semaphore, #tpu.memory_space<semaphore_mem>>)
    %dma_start3A_236 = arith.constant 2432 : i32
    %dma_start3A_237 = tpu.memref_slice %arg13[%dma_start3A_236] : memref<8192xf32, #tpu.memory_space<vmem>> -> memref<128xf32, #tpu.memory_space<vmem>>
    %dma_start3A_238 = arith.constant 2432 : i32
    %dma_start3A_239 = tpu.memref_slice %arg11[%dma_start3A_238] : memref<8192xi32, #tpu.memory_space<vmem>> -> memref<128xi32, #tpu.memory_space<vmem>>
    %dma_start3A_240 = arith.constant 0 : i32
    %dma_start3A_241 = tpu.memref_slice %arg4[%dma_start3A_240] : memref<32002048xf32, #tpu.memory_space<hbm>> -> memref<32002048xf32, #tpu.memory_space<hbm>>
    tpu.enqueue_indirect_dma source(%dma_start3A_241 : memref<32002048xf32, #tpu.memory_space<hbm>>) target(%dma_start3A_237 : memref<128xf32, #tpu.memory_space<vmem>>) offsets(%dma_start3A_239 : memref<128xi32, #tpu.memory_space<vmem>>) semaphore(%arg19 : memref<!tpu.dma_semaphore, #tpu.memory_space<semaphore_mem>>)
    %dma_start3A_242 = arith.constant 2432 : i32
    %dma_start3A_243 = tpu.memref_slice %arg14[%dma_start3A_242] : memref<8192xf32, #tpu.memory_space<vmem>> -> memref<128xf32, #tpu.memory_space<vmem>>
    %dma_start3A_244 = arith.constant 2432 : i32
    %dma_start3A_245 = tpu.memref_slice %arg12[%dma_start3A_244] : memref<8192xi32, #tpu.memory_space<vmem>> -> memref<128xi32, #tpu.memory_space<vmem>>
    %dma_start3A_246 = arith.constant 0 : i32
    %dma_start3A_247 = tpu.memref_slice %arg4[%dma_start3A_246] : memref<32002048xf32, #tpu.memory_space<hbm>> -> memref<32002048xf32, #tpu.memory_space<hbm>>
    tpu.enqueue_indirect_dma source(%dma_start3A_247 : memref<32002048xf32, #tpu.memory_space<hbm>>) target(%dma_start3A_243 : memref<128xf32, #tpu.memory_space<vmem>>) offsets(%dma_start3A_245 : memref<128xi32, #tpu.memory_space<vmem>>) semaphore(%arg19 : memref<!tpu.dma_semaphore, #tpu.memory_space<semaphore_mem>>)
    %dma_start3A_248 = arith.constant 2560 : i32
    %dma_start3A_249 = tpu.memref_slice %arg13[%dma_start3A_248] : memref<8192xf32, #tpu.memory_space<vmem>> -> memref<128xf32, #tpu.memory_space<vmem>>
    %dma_start3A_250 = arith.constant 2560 : i32
    %dma_start3A_251 = tpu.memref_slice %arg11[%dma_start3A_250] : memref<8192xi32, #tpu.memory_space<vmem>> -> memref<128xi32, #tpu.memory_space<vmem>>
    %dma_start3A_252 = arith.constant 0 : i32
    %dma_start3A_253 = tpu.memref_slice %arg4[%dma_start3A_252] : memref<32002048xf32, #tpu.memory_space<hbm>> -> memref<32002048xf32, #tpu.memory_space<hbm>>
    tpu.enqueue_indirect_dma source(%dma_start3A_253 : memref<32002048xf32, #tpu.memory_space<hbm>>) target(%dma_start3A_249 : memref<128xf32, #tpu.memory_space<vmem>>) offsets(%dma_start3A_251 : memref<128xi32, #tpu.memory_space<vmem>>) semaphore(%arg19 : memref<!tpu.dma_semaphore, #tpu.memory_space<semaphore_mem>>)
    %dma_start3A_254 = arith.constant 2560 : i32
    %dma_start3A_255 = tpu.memref_slice %arg14[%dma_start3A_254] : memref<8192xf32, #tpu.memory_space<vmem>> -> memref<128xf32, #tpu.memory_space<vmem>>
    %dma_start3A_256 = arith.constant 2560 : i32
    %dma_start3A_257 = tpu.memref_slice %arg12[%dma_start3A_256] : memref<8192xi32, #tpu.memory_space<vmem>> -> memref<128xi32, #tpu.memory_space<vmem>>
    %dma_start3A_258 = arith.constant 0 : i32
    %dma_start3A_259 = tpu.memref_slice %arg4[%dma_start3A_258] : memref<32002048xf32, #tpu.memory_space<hbm>> -> memref<32002048xf32, #tpu.memory_space<hbm>>
    tpu.enqueue_indirect_dma source(%dma_start3A_259 : memref<32002048xf32, #tpu.memory_space<hbm>>) target(%dma_start3A_255 : memref<128xf32, #tpu.memory_space<vmem>>) offsets(%dma_start3A_257 : memref<128xi32, #tpu.memory_space<vmem>>) semaphore(%arg19 : memref<!tpu.dma_semaphore, #tpu.memory_space<semaphore_mem>>)
    %dma_start3A_260 = arith.constant 2688 : i32
    %dma_start3A_261 = tpu.memref_slice %arg13[%dma_start3A_260] : memref<8192xf32, #tpu.memory_space<vmem>> -> memref<128xf32, #tpu.memory_space<vmem>>
    %dma_start3A_262 = arith.constant 2688 : i32
    %dma_start3A_263 = tpu.memref_slice %arg11[%dma_start3A_262] : memref<8192xi32, #tpu.memory_space<vmem>> -> memref<128xi32, #tpu.memory_space<vmem>>
    %dma_start3A_264 = arith.constant 0 : i32
    %dma_start3A_265 = tpu.memref_slice %arg4[%dma_start3A_264] : memref<32002048xf32, #tpu.memory_space<hbm>> -> memref<32002048xf32, #tpu.memory_space<hbm>>
    tpu.enqueue_indirect_dma source(%dma_start3A_265 : memref<32002048xf32, #tpu.memory_space<hbm>>) target(%dma_start3A_261 : memref<128xf32, #tpu.memory_space<vmem>>) offsets(%dma_start3A_263 : memref<128xi32, #tpu.memory_space<vmem>>) semaphore(%arg19 : memref<!tpu.dma_semaphore, #tpu.memory_space<semaphore_mem>>)
    %dma_start3A_266 = arith.constant 2688 : i32
    %dma_start3A_267 = tpu.memref_slice %arg14[%dma_start3A_266] : memref<8192xf32, #tpu.memory_space<vmem>> -> memref<128xf32, #tpu.memory_space<vmem>>
    %dma_start3A_268 = arith.constant 2688 : i32
    %dma_start3A_269 = tpu.memref_slice %arg12[%dma_start3A_268] : memref<8192xi32, #tpu.memory_space<vmem>> -> memref<128xi32, #tpu.memory_space<vmem>>
    %dma_start3A_270 = arith.constant 0 : i32
    %dma_start3A_271 = tpu.memref_slice %arg4[%dma_start3A_270] : memref<32002048xf32, #tpu.memory_space<hbm>> -> memref<32002048xf32, #tpu.memory_space<hbm>>
    tpu.enqueue_indirect_dma source(%dma_start3A_271 : memref<32002048xf32, #tpu.memory_space<hbm>>) target(%dma_start3A_267 : memref<128xf32, #tpu.memory_space<vmem>>) offsets(%dma_start3A_269 : memref<128xi32, #tpu.memory_space<vmem>>) semaphore(%arg19 : memref<!tpu.dma_semaphore, #tpu.memory_space<semaphore_mem>>)
    %dma_start3A_272 = arith.constant 2816 : i32
    %dma_start3A_273 = tpu.memref_slice %arg13[%dma_start3A_272] : memref<8192xf32, #tpu.memory_space<vmem>> -> memref<128xf32, #tpu.memory_space<vmem>>
    %dma_start3A_274 = arith.constant 2816 : i32
    %dma_start3A_275 = tpu.memref_slice %arg11[%dma_start3A_274] : memref<8192xi32, #tpu.memory_space<vmem>> -> memref<128xi32, #tpu.memory_space<vmem>>
    %dma_start3A_276 = arith.constant 0 : i32
    %dma_start3A_277 = tpu.memref_slice %arg4[%dma_start3A_276] : memref<32002048xf32, #tpu.memory_space<hbm>> -> memref<32002048xf32, #tpu.memory_space<hbm>>
    tpu.enqueue_indirect_dma source(%dma_start3A_277 : memref<32002048xf32, #tpu.memory_space<hbm>>) target(%dma_start3A_273 : memref<128xf32, #tpu.memory_space<vmem>>) offsets(%dma_start3A_275 : memref<128xi32, #tpu.memory_space<vmem>>) semaphore(%arg19 : memref<!tpu.dma_semaphore, #tpu.memory_space<semaphore_mem>>)
    %dma_start3A_278 = arith.constant 2816 : i32
    %dma_start3A_279 = tpu.memref_slice %arg14[%dma_start3A_278] : memref<8192xf32, #tpu.memory_space<vmem>> -> memref<128xf32, #tpu.memory_space<vmem>>
    %dma_start3A_280 = arith.constant 2816 : i32
    %dma_start3A_281 = tpu.memref_slice %arg12[%dma_start3A_280] : memref<8192xi32, #tpu.memory_space<vmem>> -> memref<128xi32, #tpu.memory_space<vmem>>
    %dma_start3A_282 = arith.constant 0 : i32
    %dma_start3A_283 = tpu.memref_slice %arg4[%dma_start3A_282] : memref<32002048xf32, #tpu.memory_space<hbm>> -> memref<32002048xf32, #tpu.memory_space<hbm>>
    tpu.enqueue_indirect_dma source(%dma_start3A_283 : memref<32002048xf32, #tpu.memory_space<hbm>>) target(%dma_start3A_279 : memref<128xf32, #tpu.memory_space<vmem>>) offsets(%dma_start3A_281 : memref<128xi32, #tpu.memory_space<vmem>>) semaphore(%arg19 : memref<!tpu.dma_semaphore, #tpu.memory_space<semaphore_mem>>)
    %dma_start3A_284 = arith.constant 2944 : i32
    %dma_start3A_285 = tpu.memref_slice %arg13[%dma_start3A_284] : memref<8192xf32, #tpu.memory_space<vmem>> -> memref<128xf32, #tpu.memory_space<vmem>>
    %dma_start3A_286 = arith.constant 2944 : i32
    %dma_start3A_287 = tpu.memref_slice %arg11[%dma_start3A_286] : memref<8192xi32, #tpu.memory_space<vmem>> -> memref<128xi32, #tpu.memory_space<vmem>>
    %dma_start3A_288 = arith.constant 0 : i32
    %dma_start3A_289 = tpu.memref_slice %arg4[%dma_start3A_288] : memref<32002048xf32, #tpu.memory_space<hbm>> -> memref<32002048xf32, #tpu.memory_space<hbm>>
    tpu.enqueue_indirect_dma source(%dma_start3A_289 : memref<32002048xf32, #tpu.memory_space<hbm>>) target(%dma_start3A_285 : memref<128xf32, #tpu.memory_space<vmem>>) offsets(%dma_start3A_287 : memref<128xi32, #tpu.memory_space<vmem>>) semaphore(%arg19 : memref<!tpu.dma_semaphore, #tpu.memory_space<semaphore_mem>>)
    %dma_start3A_290 = arith.constant 2944 : i32
    %dma_start3A_291 = tpu.memref_slice %arg14[%dma_start3A_290] : memref<8192xf32, #tpu.memory_space<vmem>> -> memref<128xf32, #tpu.memory_space<vmem>>
    %dma_start3A_292 = arith.constant 2944 : i32
    %dma_start3A_293 = tpu.memref_slice %arg12[%dma_start3A_292] : memref<8192xi32, #tpu.memory_space<vmem>> -> memref<128xi32, #tpu.memory_space<vmem>>
    %dma_start3A_294 = arith.constant 0 : i32
    %dma_start3A_295 = tpu.memref_slice %arg4[%dma_start3A_294] : memref<32002048xf32, #tpu.memory_space<hbm>> -> memref<32002048xf32, #tpu.memory_space<hbm>>
    tpu.enqueue_indirect_dma source(%dma_start3A_295 : memref<32002048xf32, #tpu.memory_space<hbm>>) target(%dma_start3A_291 : memref<128xf32, #tpu.memory_space<vmem>>) offsets(%dma_start3A_293 : memref<128xi32, #tpu.memory_space<vmem>>) semaphore(%arg19 : memref<!tpu.dma_semaphore, #tpu.memory_space<semaphore_mem>>)
    %dma_start3A_296 = arith.constant 3072 : i32
    %dma_start3A_297 = tpu.memref_slice %arg13[%dma_start3A_296] : memref<8192xf32, #tpu.memory_space<vmem>> -> memref<128xf32, #tpu.memory_space<vmem>>
    %dma_start3A_298 = arith.constant 3072 : i32
    %dma_start3A_299 = tpu.memref_slice %arg11[%dma_start3A_298] : memref<8192xi32, #tpu.memory_space<vmem>> -> memref<128xi32, #tpu.memory_space<vmem>>
    %dma_start3A_300 = arith.constant 0 : i32
    %dma_start3A_301 = tpu.memref_slice %arg4[%dma_start3A_300] : memref<32002048xf32, #tpu.memory_space<hbm>> -> memref<32002048xf32, #tpu.memory_space<hbm>>
    tpu.enqueue_indirect_dma source(%dma_start3A_301 : memref<32002048xf32, #tpu.memory_space<hbm>>) target(%dma_start3A_297 : memref<128xf32, #tpu.memory_space<vmem>>) offsets(%dma_start3A_299 : memref<128xi32, #tpu.memory_space<vmem>>) semaphore(%arg19 : memref<!tpu.dma_semaphore, #tpu.memory_space<semaphore_mem>>)
    %dma_start3A_302 = arith.constant 3072 : i32
    %dma_start3A_303 = tpu.memref_slice %arg14[%dma_start3A_302] : memref<8192xf32, #tpu.memory_space<vmem>> -> memref<128xf32, #tpu.memory_space<vmem>>
    %dma_start3A_304 = arith.constant 3072 : i32
    %dma_start3A_305 = tpu.memref_slice %arg12[%dma_start3A_304] : memref<8192xi32, #tpu.memory_space<vmem>> -> memref<128xi32, #tpu.memory_space<vmem>>
    %dma_start3A_306 = arith.constant 0 : i32
    %dma_start3A_307 = tpu.memref_slice %arg4[%dma_start3A_306] : memref<32002048xf32, #tpu.memory_space<hbm>> -> memref<32002048xf32, #tpu.memory_space<hbm>>
    tpu.enqueue_indirect_dma source(%dma_start3A_307 : memref<32002048xf32, #tpu.memory_space<hbm>>) target(%dma_start3A_303 : memref<128xf32, #tpu.memory_space<vmem>>) offsets(%dma_start3A_305 : memref<128xi32, #tpu.memory_space<vmem>>) semaphore(%arg19 : memref<!tpu.dma_semaphore, #tpu.memory_space<semaphore_mem>>)
    %dma_start3A_308 = arith.constant 3200 : i32
    %dma_start3A_309 = tpu.memref_slice %arg13[%dma_start3A_308] : memref<8192xf32, #tpu.memory_space<vmem>> -> memref<128xf32, #tpu.memory_space<vmem>>
    %dma_start3A_310 = arith.constant 3200 : i32
    %dma_start3A_311 = tpu.memref_slice %arg11[%dma_start3A_310] : memref<8192xi32, #tpu.memory_space<vmem>> -> memref<128xi32, #tpu.memory_space<vmem>>
    %dma_start3A_312 = arith.constant 0 : i32
    %dma_start3A_313 = tpu.memref_slice %arg4[%dma_start3A_312] : memref<32002048xf32, #tpu.memory_space<hbm>> -> memref<32002048xf32, #tpu.memory_space<hbm>>
    tpu.enqueue_indirect_dma source(%dma_start3A_313 : memref<32002048xf32, #tpu.memory_space<hbm>>) target(%dma_start3A_309 : memref<128xf32, #tpu.memory_space<vmem>>) offsets(%dma_start3A_311 : memref<128xi32, #tpu.memory_space<vmem>>) semaphore(%arg19 : memref<!tpu.dma_semaphore, #tpu.memory_space<semaphore_mem>>)
    %dma_start3A_314 = arith.constant 3200 : i32
    %dma_start3A_315 = tpu.memref_slice %arg14[%dma_start3A_314] : memref<8192xf32, #tpu.memory_space<vmem>> -> memref<128xf32, #tpu.memory_space<vmem>>
    %dma_start3A_316 = arith.constant 3200 : i32
    %dma_start3A_317 = tpu.memref_slice %arg12[%dma_start3A_316] : memref<8192xi32, #tpu.memory_space<vmem>> -> memref<128xi32, #tpu.memory_space<vmem>>
    %dma_start3A_318 = arith.constant 0 : i32
    %dma_start3A_319 = tpu.memref_slice %arg4[%dma_start3A_318] : memref<32002048xf32, #tpu.memory_space<hbm>> -> memref<32002048xf32, #tpu.memory_space<hbm>>
    tpu.enqueue_indirect_dma source(%dma_start3A_319 : memref<32002048xf32, #tpu.memory_space<hbm>>) target(%dma_start3A_315 : memref<128xf32, #tpu.memory_space<vmem>>) offsets(%dma_start3A_317 : memref<128xi32, #tpu.memory_space<vmem>>) semaphore(%arg19 : memref<!tpu.dma_semaphore, #tpu.memory_space<semaphore_mem>>)
    %dma_start3A_320 = arith.constant 3328 : i32
    %dma_start3A_321 = tpu.memref_slice %arg13[%dma_start3A_320] : memref<8192xf32, #tpu.memory_space<vmem>> -> memref<128xf32, #tpu.memory_space<vmem>>
    %dma_start3A_322 = arith.constant 3328 : i32
    %dma_start3A_323 = tpu.memref_slice %arg11[%dma_start3A_322] : memref<8192xi32, #tpu.memory_space<vmem>> -> memref<128xi32, #tpu.memory_space<vmem>>
    %dma_start3A_324 = arith.constant 0 : i32
    %dma_start3A_325 = tpu.memref_slice %arg4[%dma_start3A_324] : memref<32002048xf32, #tpu.memory_space<hbm>> -> memref<32002048xf32, #tpu.memory_space<hbm>>
    tpu.enqueue_indirect_dma source(%dma_start3A_325 : memref<32002048xf32, #tpu.memory_space<hbm>>) target(%dma_start3A_321 : memref<128xf32, #tpu.memory_space<vmem>>) offsets(%dma_start3A_323 : memref<128xi32, #tpu.memory_space<vmem>>) semaphore(%arg19 : memref<!tpu.dma_semaphore, #tpu.memory_space<semaphore_mem>>)
    %dma_start3A_326 = arith.constant 3328 : i32
    %dma_start3A_327 = tpu.memref_slice %arg14[%dma_start3A_326] : memref<8192xf32, #tpu.memory_space<vmem>> -> memref<128xf32, #tpu.memory_space<vmem>>
    %dma_start3A_328 = arith.constant 3328 : i32
    %dma_start3A_329 = tpu.memref_slice %arg12[%dma_start3A_328] : memref<8192xi32, #tpu.memory_space<vmem>> -> memref<128xi32, #tpu.memory_space<vmem>>
    %dma_start3A_330 = arith.constant 0 : i32
    %dma_start3A_331 = tpu.memref_slice %arg4[%dma_start3A_330] : memref<32002048xf32, #tpu.memory_space<hbm>> -> memref<32002048xf32, #tpu.memory_space<hbm>>
    tpu.enqueue_indirect_dma source(%dma_start3A_331 : memref<32002048xf32, #tpu.memory_space<hbm>>) target(%dma_start3A_327 : memref<128xf32, #tpu.memory_space<vmem>>) offsets(%dma_start3A_329 : memref<128xi32, #tpu.memory_space<vmem>>) semaphore(%arg19 : memref<!tpu.dma_semaphore, #tpu.memory_space<semaphore_mem>>)
    %dma_start3A_332 = arith.constant 3456 : i32
    %dma_start3A_333 = tpu.memref_slice %arg13[%dma_start3A_332] : memref<8192xf32, #tpu.memory_space<vmem>> -> memref<128xf32, #tpu.memory_space<vmem>>
    %dma_start3A_334 = arith.constant 3456 : i32
    %dma_start3A_335 = tpu.memref_slice %arg11[%dma_start3A_334] : memref<8192xi32, #tpu.memory_space<vmem>> -> memref<128xi32, #tpu.memory_space<vmem>>
    %dma_start3A_336 = arith.constant 0 : i32
    %dma_start3A_337 = tpu.memref_slice %arg4[%dma_start3A_336] : memref<32002048xf32, #tpu.memory_space<hbm>> -> memref<32002048xf32, #tpu.memory_space<hbm>>
    tpu.enqueue_indirect_dma source(%dma_start3A_337 : memref<32002048xf32, #tpu.memory_space<hbm>>) target(%dma_start3A_333 : memref<128xf32, #tpu.memory_space<vmem>>) offsets(%dma_start3A_335 : memref<128xi32, #tpu.memory_space<vmem>>) semaphore(%arg19 : memref<!tpu.dma_semaphore, #tpu.memory_space<semaphore_mem>>)
    %dma_start3A_338 = arith.constant 3456 : i32
    %dma_start3A_339 = tpu.memref_slice %arg14[%dma_start3A_338] : memref<8192xf32, #tpu.memory_space<vmem>> -> memref<128xf32, #tpu.memory_space<vmem>>
    %dma_start3A_340 = arith.constant 3456 : i32
    %dma_start3A_341 = tpu.memref_slice %arg12[%dma_start3A_340] : memref<8192xi32, #tpu.memory_space<vmem>> -> memref<128xi32, #tpu.memory_space<vmem>>
    %dma_start3A_342 = arith.constant 0 : i32
    %dma_start3A_343 = tpu.memref_slice %arg4[%dma_start3A_342] : memref<32002048xf32, #tpu.memory_space<hbm>> -> memref<32002048xf32, #tpu.memory_space<hbm>>
    tpu.enqueue_indirect_dma source(%dma_start3A_343 : memref<32002048xf32, #tpu.memory_space<hbm>>) target(%dma_start3A_339 : memref<128xf32, #tpu.memory_space<vmem>>) offsets(%dma_start3A_341 : memref<128xi32, #tpu.memory_space<vmem>>) semaphore(%arg19 : memref<!tpu.dma_semaphore, #tpu.memory_space<semaphore_mem>>)
    %dma_start3A_344 = arith.constant 3584 : i32
    %dma_start3A_345 = tpu.memref_slice %arg13[%dma_start3A_344] : memref<8192xf32, #tpu.memory_space<vmem>> -> memref<128xf32, #tpu.memory_space<vmem>>
    %dma_start3A_346 = arith.constant 3584 : i32
    %dma_start3A_347 = tpu.memref_slice %arg11[%dma_start3A_346] : memref<8192xi32, #tpu.memory_space<vmem>> -> memref<128xi32, #tpu.memory_space<vmem>>
    %dma_start3A_348 = arith.constant 0 : i32
    %dma_start3A_349 = tpu.memref_slice %arg4[%dma_start3A_348] : memref<32002048xf32, #tpu.memory_space<hbm>> -> memref<32002048xf32, #tpu.memory_space<hbm>>
    tpu.enqueue_indirect_dma source(%dma_start3A_349 : memref<32002048xf32, #tpu.memory_space<hbm>>) target(%dma_start3A_345 : memref<128xf32, #tpu.memory_space<vmem>>) offsets(%dma_start3A_347 : memref<128xi32, #tpu.memory_space<vmem>>) semaphore(%arg19 : memref<!tpu.dma_semaphore, #tpu.memory_space<semaphore_mem>>)
    %dma_start3A_350 = arith.constant 3584 : i32
    %dma_start3A_351 = tpu.memref_slice %arg14[%dma_start3A_350] : memref<8192xf32, #tpu.memory_space<vmem>> -> memref<128xf32, #tpu.memory_space<vmem>>
    %dma_start3A_352 = arith.constant 3584 : i32
    %dma_start3A_353 = tpu.memref_slice %arg12[%dma_start3A_352] : memref<8192xi32, #tpu.memory_space<vmem>> -> memref<128xi32, #tpu.memory_space<vmem>>
    %dma_start3A_354 = arith.constant 0 : i32
    %dma_start3A_355 = tpu.memref_slice %arg4[%dma_start3A_354] : memref<32002048xf32, #tpu.memory_space<hbm>> -> memref<32002048xf32, #tpu.memory_space<hbm>>
    tpu.enqueue_indirect_dma source(%dma_start3A_355 : memref<32002048xf32, #tpu.memory_space<hbm>>) target(%dma_start3A_351 : memref<128xf32, #tpu.memory_space<vmem>>) offsets(%dma_start3A_353 : memref<128xi32, #tpu.memory_space<vmem>>) semaphore(%arg19 : memref<!tpu.dma_semaphore, #tpu.memory_space<semaphore_mem>>)
    %dma_start3A_356 = arith.constant 3712 : i32
    %dma_start3A_357 = tpu.memref_slice %arg13[%dma_start3A_356] : memref<8192xf32, #tpu.memory_space<vmem>> -> memref<128xf32, #tpu.memory_space<vmem>>
    %dma_start3A_358 = arith.constant 3712 : i32
    %dma_start3A_359 = tpu.memref_slice %arg11[%dma_start3A_358] : memref<8192xi32, #tpu.memory_space<vmem>> -> memref<128xi32, #tpu.memory_space<vmem>>
    %dma_start3A_360 = arith.constant 0 : i32
    %dma_start3A_361 = tpu.memref_slice %arg4[%dma_start3A_360] : memref<32002048xf32, #tpu.memory_space<hbm>> -> memref<32002048xf32, #tpu.memory_space<hbm>>
    tpu.enqueue_indirect_dma source(%dma_start3A_361 : memref<32002048xf32, #tpu.memory_space<hbm>>) target(%dma_start3A_357 : memref<128xf32, #tpu.memory_space<vmem>>) offsets(%dma_start3A_359 : memref<128xi32, #tpu.memory_space<vmem>>) semaphore(%arg19 : memref<!tpu.dma_semaphore, #tpu.memory_space<semaphore_mem>>)
    %dma_start3A_362 = arith.constant 3712 : i32
    %dma_start3A_363 = tpu.memref_slice %arg14[%dma_start3A_362] : memref<8192xf32, #tpu.memory_space<vmem>> -> memref<128xf32, #tpu.memory_space<vmem>>
    %dma_start3A_364 = arith.constant 3712 : i32
    %dma_start3A_365 = tpu.memref_slice %arg12[%dma_start3A_364] : memref<8192xi32, #tpu.memory_space<vmem>> -> memref<128xi32, #tpu.memory_space<vmem>>
    %dma_start3A_366 = arith.constant 0 : i32
    %dma_start3A_367 = tpu.memref_slice %arg4[%dma_start3A_366] : memref<32002048xf32, #tpu.memory_space<hbm>> -> memref<32002048xf32, #tpu.memory_space<hbm>>
    tpu.enqueue_indirect_dma source(%dma_start3A_367 : memref<32002048xf32, #tpu.memory_space<hbm>>) target(%dma_start3A_363 : memref<128xf32, #tpu.memory_space<vmem>>) offsets(%dma_start3A_365 : memref<128xi32, #tpu.memory_space<vmem>>) semaphore(%arg19 : memref<!tpu.dma_semaphore, #tpu.memory_space<semaphore_mem>>)
    %dma_start3A_368 = arith.constant 3840 : i32
    %dma_start3A_369 = tpu.memref_slice %arg13[%dma_start3A_368] : memref<8192xf32, #tpu.memory_space<vmem>> -> memref<128xf32, #tpu.memory_space<vmem>>
    %dma_start3A_370 = arith.constant 3840 : i32
    %dma_start3A_371 = tpu.memref_slice %arg11[%dma_start3A_370] : memref<8192xi32, #tpu.memory_space<vmem>> -> memref<128xi32, #tpu.memory_space<vmem>>
    %dma_start3A_372 = arith.constant 0 : i32
    %dma_start3A_373 = tpu.memref_slice %arg4[%dma_start3A_372] : memref<32002048xf32, #tpu.memory_space<hbm>> -> memref<32002048xf32, #tpu.memory_space<hbm>>
    tpu.enqueue_indirect_dma source(%dma_start3A_373 : memref<32002048xf32, #tpu.memory_space<hbm>>) target(%dma_start3A_369 : memref<128xf32, #tpu.memory_space<vmem>>) offsets(%dma_start3A_371 : memref<128xi32, #tpu.memory_space<vmem>>) semaphore(%arg19 : memref<!tpu.dma_semaphore, #tpu.memory_space<semaphore_mem>>)
    %dma_start3A_374 = arith.constant 3840 : i32
    %dma_start3A_375 = tpu.memref_slice %arg14[%dma_start3A_374] : memref<8192xf32, #tpu.memory_space<vmem>> -> memref<128xf32, #tpu.memory_space<vmem>>
    %dma_start3A_376 = arith.constant 3840 : i32
    %dma_start3A_377 = tpu.memref_slice %arg12[%dma_start3A_376] : memref<8192xi32, #tpu.memory_space<vmem>> -> memref<128xi32, #tpu.memory_space<vmem>>
    %dma_start3A_378 = arith.constant 0 : i32
    %dma_start3A_379 = tpu.memref_slice %arg4[%dma_start3A_378] : memref<32002048xf32, #tpu.memory_space<hbm>> -> memref<32002048xf32, #tpu.memory_space<hbm>>
    tpu.enqueue_indirect_dma source(%dma_start3A_379 : memref<32002048xf32, #tpu.memory_space<hbm>>) target(%dma_start3A_375 : memref<128xf32, #tpu.memory_space<vmem>>) offsets(%dma_start3A_377 : memref<128xi32, #tpu.memory_space<vmem>>) semaphore(%arg19 : memref<!tpu.dma_semaphore, #tpu.memory_space<semaphore_mem>>)
    %dma_start3A_380 = arith.constant 3968 : i32
    %dma_start3A_381 = tpu.memref_slice %arg13[%dma_start3A_380] : memref<8192xf32, #tpu.memory_space<vmem>> -> memref<128xf32, #tpu.memory_space<vmem>>
    %dma_start3A_382 = arith.constant 3968 : i32
    %dma_start3A_383 = tpu.memref_slice %arg11[%dma_start3A_382] : memref<8192xi32, #tpu.memory_space<vmem>> -> memref<128xi32, #tpu.memory_space<vmem>>
    %dma_start3A_384 = arith.constant 0 : i32
    %dma_start3A_385 = tpu.memref_slice %arg4[%dma_start3A_384] : memref<32002048xf32, #tpu.memory_space<hbm>> -> memref<32002048xf32, #tpu.memory_space<hbm>>
    tpu.enqueue_indirect_dma source(%dma_start3A_385 : memref<32002048xf32, #tpu.memory_space<hbm>>) target(%dma_start3A_381 : memref<128xf32, #tpu.memory_space<vmem>>) offsets(%dma_start3A_383 : memref<128xi32, #tpu.memory_space<vmem>>) semaphore(%arg19 : memref<!tpu.dma_semaphore, #tpu.memory_space<semaphore_mem>>)
    %dma_start3A_386 = arith.constant 3968 : i32
    %dma_start3A_387 = tpu.memref_slice %arg14[%dma_start3A_386] : memref<8192xf32, #tpu.memory_space<vmem>> -> memref<128xf32, #tpu.memory_space<vmem>>
    %dma_start3A_388 = arith.constant 3968 : i32
    %dma_start3A_389 = tpu.memref_slice %arg12[%dma_start3A_388] : memref<8192xi32, #tpu.memory_space<vmem>> -> memref<128xi32, #tpu.memory_space<vmem>>
    %dma_start3A_390 = arith.constant 0 : i32
    %dma_start3A_391 = tpu.memref_slice %arg4[%dma_start3A_390] : memref<32002048xf32, #tpu.memory_space<hbm>> -> memref<32002048xf32, #tpu.memory_space<hbm>>
    tpu.enqueue_indirect_dma source(%dma_start3A_391 : memref<32002048xf32, #tpu.memory_space<hbm>>) target(%dma_start3A_387 : memref<128xf32, #tpu.memory_space<vmem>>) offsets(%dma_start3A_389 : memref<128xi32, #tpu.memory_space<vmem>>) semaphore(%arg19 : memref<!tpu.dma_semaphore, #tpu.memory_space<semaphore_mem>>)
    %dma_start3A_392 = arith.constant 4096 : i32
    %dma_start3A_393 = tpu.memref_slice %arg13[%dma_start3A_392] : memref<8192xf32, #tpu.memory_space<vmem>> -> memref<128xf32, #tpu.memory_space<vmem>>
    %dma_start3A_394 = arith.constant 4096 : i32
    %dma_start3A_395 = tpu.memref_slice %arg11[%dma_start3A_394] : memref<8192xi32, #tpu.memory_space<vmem>> -> memref<128xi32, #tpu.memory_space<vmem>>
    %dma_start3A_396 = arith.constant 0 : i32
    %dma_start3A_397 = tpu.memref_slice %arg4[%dma_start3A_396] : memref<32002048xf32, #tpu.memory_space<hbm>> -> memref<32002048xf32, #tpu.memory_space<hbm>>
    tpu.enqueue_indirect_dma source(%dma_start3A_397 : memref<32002048xf32, #tpu.memory_space<hbm>>) target(%dma_start3A_393 : memref<128xf32, #tpu.memory_space<vmem>>) offsets(%dma_start3A_395 : memref<128xi32, #tpu.memory_space<vmem>>) semaphore(%arg19 : memref<!tpu.dma_semaphore, #tpu.memory_space<semaphore_mem>>)
    %dma_start3A_398 = arith.constant 4096 : i32
    %dma_start3A_399 = tpu.memref_slice %arg14[%dma_start3A_398] : memref<8192xf32, #tpu.memory_space<vmem>> -> memref<128xf32, #tpu.memory_space<vmem>>
    %dma_start3A_400 = arith.constant 4096 : i32
    %dma_start3A_401 = tpu.memref_slice %arg12[%dma_start3A_400] : memref<8192xi32, #tpu.memory_space<vmem>> -> memref<128xi32, #tpu.memory_space<vmem>>
    %dma_start3A_402 = arith.constant 0 : i32
    %dma_start3A_403 = tpu.memref_slice %arg4[%dma_start3A_402] : memref<32002048xf32, #tpu.memory_space<hbm>> -> memref<32002048xf32, #tpu.memory_space<hbm>>
    tpu.enqueue_indirect_dma source(%dma_start3A_403 : memref<32002048xf32, #tpu.memory_space<hbm>>) target(%dma_start3A_399 : memref<128xf32, #tpu.memory_space<vmem>>) offsets(%dma_start3A_401 : memref<128xi32, #tpu.memory_space<vmem>>) semaphore(%arg19 : memref<!tpu.dma_semaphore, #tpu.memory_space<semaphore_mem>>)
    %dma_start3A_404 = arith.constant 4224 : i32
    %dma_start3A_405 = tpu.memref_slice %arg13[%dma_start3A_404] : memref<8192xf32, #tpu.memory_space<vmem>> -> memref<128xf32, #tpu.memory_space<vmem>>
    %dma_start3A_406 = arith.constant 4224 : i32
    %dma_start3A_407 = tpu.memref_slice %arg11[%dma_start3A_406] : memref<8192xi32, #tpu.memory_space<vmem>> -> memref<128xi32, #tpu.memory_space<vmem>>
    %dma_start3A_408 = arith.constant 0 : i32
    %dma_start3A_409 = tpu.memref_slice %arg4[%dma_start3A_408] : memref<32002048xf32, #tpu.memory_space<hbm>> -> memref<32002048xf32, #tpu.memory_space<hbm>>
    tpu.enqueue_indirect_dma source(%dma_start3A_409 : memref<32002048xf32, #tpu.memory_space<hbm>>) target(%dma_start3A_405 : memref<128xf32, #tpu.memory_space<vmem>>) offsets(%dma_start3A_407 : memref<128xi32, #tpu.memory_space<vmem>>) semaphore(%arg19 : memref<!tpu.dma_semaphore, #tpu.memory_space<semaphore_mem>>)
    %dma_start3A_410 = arith.constant 4224 : i32
    %dma_start3A_411 = tpu.memref_slice %arg14[%dma_start3A_410] : memref<8192xf32, #tpu.memory_space<vmem>> -> memref<128xf32, #tpu.memory_space<vmem>>
    %dma_start3A_412 = arith.constant 4224 : i32
    %dma_start3A_413 = tpu.memref_slice %arg12[%dma_start3A_412] : memref<8192xi32, #tpu.memory_space<vmem>> -> memref<128xi32, #tpu.memory_space<vmem>>
    %dma_start3A_414 = arith.constant 0 : i32
    %dma_start3A_415 = tpu.memref_slice %arg4[%dma_start3A_414] : memref<32002048xf32, #tpu.memory_space<hbm>> -> memref<32002048xf32, #tpu.memory_space<hbm>>
    tpu.enqueue_indirect_dma source(%dma_start3A_415 : memref<32002048xf32, #tpu.memory_space<hbm>>) target(%dma_start3A_411 : memref<128xf32, #tpu.memory_space<vmem>>) offsets(%dma_start3A_413 : memref<128xi32, #tpu.memory_space<vmem>>) semaphore(%arg19 : memref<!tpu.dma_semaphore, #tpu.memory_space<semaphore_mem>>)
    %dma_start3A_416 = arith.constant 4352 : i32
    %dma_start3A_417 = tpu.memref_slice %arg13[%dma_start3A_416] : memref<8192xf32, #tpu.memory_space<vmem>> -> memref<128xf32, #tpu.memory_space<vmem>>
    %dma_start3A_418 = arith.constant 4352 : i32
    %dma_start3A_419 = tpu.memref_slice %arg11[%dma_start3A_418] : memref<8192xi32, #tpu.memory_space<vmem>> -> memref<128xi32, #tpu.memory_space<vmem>>
    %dma_start3A_420 = arith.constant 0 : i32
    %dma_start3A_421 = tpu.memref_slice %arg4[%dma_start3A_420] : memref<32002048xf32, #tpu.memory_space<hbm>> -> memref<32002048xf32, #tpu.memory_space<hbm>>
    tpu.enqueue_indirect_dma source(%dma_start3A_421 : memref<32002048xf32, #tpu.memory_space<hbm>>) target(%dma_start3A_417 : memref<128xf32, #tpu.memory_space<vmem>>) offsets(%dma_start3A_419 : memref<128xi32, #tpu.memory_space<vmem>>) semaphore(%arg19 : memref<!tpu.dma_semaphore, #tpu.memory_space<semaphore_mem>>)
    %dma_start3A_422 = arith.constant 4352 : i32
    %dma_start3A_423 = tpu.memref_slice %arg14[%dma_start3A_422] : memref<8192xf32, #tpu.memory_space<vmem>> -> memref<128xf32, #tpu.memory_space<vmem>>
    %dma_start3A_424 = arith.constant 4352 : i32
    %dma_start3A_425 = tpu.memref_slice %arg12[%dma_start3A_424] : memref<8192xi32, #tpu.memory_space<vmem>> -> memref<128xi32, #tpu.memory_space<vmem>>
    %dma_start3A_426 = arith.constant 0 : i32
    %dma_start3A_427 = tpu.memref_slice %arg4[%dma_start3A_426] : memref<32002048xf32, #tpu.memory_space<hbm>> -> memref<32002048xf32, #tpu.memory_space<hbm>>
    tpu.enqueue_indirect_dma source(%dma_start3A_427 : memref<32002048xf32, #tpu.memory_space<hbm>>) target(%dma_start3A_423 : memref<128xf32, #tpu.memory_space<vmem>>) offsets(%dma_start3A_425 : memref<128xi32, #tpu.memory_space<vmem>>) semaphore(%arg19 : memref<!tpu.dma_semaphore, #tpu.memory_space<semaphore_mem>>)
    %dma_start3A_428 = arith.constant 4480 : i32
    %dma_start3A_429 = tpu.memref_slice %arg13[%dma_start3A_428] : memref<8192xf32, #tpu.memory_space<vmem>> -> memref<128xf32, #tpu.memory_space<vmem>>
    %dma_start3A_430 = arith.constant 4480 : i32
    %dma_start3A_431 = tpu.memref_slice %arg11[%dma_start3A_430] : memref<8192xi32, #tpu.memory_space<vmem>> -> memref<128xi32, #tpu.memory_space<vmem>>
    %dma_start3A_432 = arith.constant 0 : i32
    %dma_start3A_433 = tpu.memref_slice %arg4[%dma_start3A_432] : memref<32002048xf32, #tpu.memory_space<hbm>> -> memref<32002048xf32, #tpu.memory_space<hbm>>
    tpu.enqueue_indirect_dma source(%dma_start3A_433 : memref<32002048xf32, #tpu.memory_space<hbm>>) target(%dma_start3A_429 : memref<128xf32, #tpu.memory_space<vmem>>) offsets(%dma_start3A_431 : memref<128xi32, #tpu.memory_space<vmem>>) semaphore(%arg19 : memref<!tpu.dma_semaphore, #tpu.memory_space<semaphore_mem>>)
    %dma_start3A_434 = arith.constant 4480 : i32
    %dma_start3A_435 = tpu.memref_slice %arg14[%dma_start3A_434] : memref<8192xf32, #tpu.memory_space<vmem>> -> memref<128xf32, #tpu.memory_space<vmem>>
    %dma_start3A_436 = arith.constant 4480 : i32
    %dma_start3A_437 = tpu.memref_slice %arg12[%dma_start3A_436] : memref<8192xi32, #tpu.memory_space<vmem>> -> memref<128xi32, #tpu.memory_space<vmem>>
    %dma_start3A_438 = arith.constant 0 : i32
    %dma_start3A_439 = tpu.memref_slice %arg4[%dma_start3A_438] : memref<32002048xf32, #tpu.memory_space<hbm>> -> memref<32002048xf32, #tpu.memory_space<hbm>>
    tpu.enqueue_indirect_dma source(%dma_start3A_439 : memref<32002048xf32, #tpu.memory_space<hbm>>) target(%dma_start3A_435 : memref<128xf32, #tpu.memory_space<vmem>>) offsets(%dma_start3A_437 : memref<128xi32, #tpu.memory_space<vmem>>) semaphore(%arg19 : memref<!tpu.dma_semaphore, #tpu.memory_space<semaphore_mem>>)
    %dma_start3A_440 = arith.constant 4608 : i32
    %dma_start3A_441 = tpu.memref_slice %arg13[%dma_start3A_440] : memref<8192xf32, #tpu.memory_space<vmem>> -> memref<128xf32, #tpu.memory_space<vmem>>
    %dma_start3A_442 = arith.constant 4608 : i32
    %dma_start3A_443 = tpu.memref_slice %arg11[%dma_start3A_442] : memref<8192xi32, #tpu.memory_space<vmem>> -> memref<128xi32, #tpu.memory_space<vmem>>
    %dma_start3A_444 = arith.constant 0 : i32
    %dma_start3A_445 = tpu.memref_slice %arg4[%dma_start3A_444] : memref<32002048xf32, #tpu.memory_space<hbm>> -> memref<32002048xf32, #tpu.memory_space<hbm>>
    tpu.enqueue_indirect_dma source(%dma_start3A_445 : memref<32002048xf32, #tpu.memory_space<hbm>>) target(%dma_start3A_441 : memref<128xf32, #tpu.memory_space<vmem>>) offsets(%dma_start3A_443 : memref<128xi32, #tpu.memory_space<vmem>>) semaphore(%arg19 : memref<!tpu.dma_semaphore, #tpu.memory_space<semaphore_mem>>)
    %dma_start3A_446 = arith.constant 4608 : i32
    %dma_start3A_447 = tpu.memref_slice %arg14[%dma_start3A_446] : memref<8192xf32, #tpu.memory_space<vmem>> -> memref<128xf32, #tpu.memory_space<vmem>>
    %dma_start3A_448 = arith.constant 4608 : i32
    %dma_start3A_449 = tpu.memref_slice %arg12[%dma_start3A_448] : memref<8192xi32, #tpu.memory_space<vmem>> -> memref<128xi32, #tpu.memory_space<vmem>>
    %dma_start3A_450 = arith.constant 0 : i32
    %dma_start3A_451 = tpu.memref_slice %arg4[%dma_start3A_450] : memref<32002048xf32, #tpu.memory_space<hbm>> -> memref<32002048xf32, #tpu.memory_space<hbm>>
    tpu.enqueue_indirect_dma source(%dma_start3A_451 : memref<32002048xf32, #tpu.memory_space<hbm>>) target(%dma_start3A_447 : memref<128xf32, #tpu.memory_space<vmem>>) offsets(%dma_start3A_449 : memref<128xi32, #tpu.memory_space<vmem>>) semaphore(%arg19 : memref<!tpu.dma_semaphore, #tpu.memory_space<semaphore_mem>>)
    %dma_start3A_452 = arith.constant 4736 : i32
    %dma_start3A_453 = tpu.memref_slice %arg13[%dma_start3A_452] : memref<8192xf32, #tpu.memory_space<vmem>> -> memref<128xf32, #tpu.memory_space<vmem>>
    %dma_start3A_454 = arith.constant 4736 : i32
    %dma_start3A_455 = tpu.memref_slice %arg11[%dma_start3A_454] : memref<8192xi32, #tpu.memory_space<vmem>> -> memref<128xi32, #tpu.memory_space<vmem>>
    %dma_start3A_456 = arith.constant 0 : i32
    %dma_start3A_457 = tpu.memref_slice %arg4[%dma_start3A_456] : memref<32002048xf32, #tpu.memory_space<hbm>> -> memref<32002048xf32, #tpu.memory_space<hbm>>
    tpu.enqueue_indirect_dma source(%dma_start3A_457 : memref<32002048xf32, #tpu.memory_space<hbm>>) target(%dma_start3A_453 : memref<128xf32, #tpu.memory_space<vmem>>) offsets(%dma_start3A_455 : memref<128xi32, #tpu.memory_space<vmem>>) semaphore(%arg19 : memref<!tpu.dma_semaphore, #tpu.memory_space<semaphore_mem>>)
    %dma_start3A_458 = arith.constant 4736 : i32
    %dma_start3A_459 = tpu.memref_slice %arg14[%dma_start3A_458] : memref<8192xf32, #tpu.memory_space<vmem>> -> memref<128xf32, #tpu.memory_space<vmem>>
    %dma_start3A_460 = arith.constant 4736 : i32
    %dma_start3A_461 = tpu.memref_slice %arg12[%dma_start3A_460] : memref<8192xi32, #tpu.memory_space<vmem>> -> memref<128xi32, #tpu.memory_space<vmem>>
    %dma_start3A_462 = arith.constant 0 : i32
    %dma_start3A_463 = tpu.memref_slice %arg4[%dma_start3A_462] : memref<32002048xf32, #tpu.memory_space<hbm>> -> memref<32002048xf32, #tpu.memory_space<hbm>>
    tpu.enqueue_indirect_dma source(%dma_start3A_463 : memref<32002048xf32, #tpu.memory_space<hbm>>) target(%dma_start3A_459 : memref<128xf32, #tpu.memory_space<vmem>>) offsets(%dma_start3A_461 : memref<128xi32, #tpu.memory_space<vmem>>) semaphore(%arg19 : memref<!tpu.dma_semaphore, #tpu.memory_space<semaphore_mem>>)
    %dma_start3A_464 = arith.constant 4864 : i32
    %dma_start3A_465 = tpu.memref_slice %arg13[%dma_start3A_464] : memref<8192xf32, #tpu.memory_space<vmem>> -> memref<128xf32, #tpu.memory_space<vmem>>
    %dma_start3A_466 = arith.constant 4864 : i32
    %dma_start3A_467 = tpu.memref_slice %arg11[%dma_start3A_466] : memref<8192xi32, #tpu.memory_space<vmem>> -> memref<128xi32, #tpu.memory_space<vmem>>
    %dma_start3A_468 = arith.constant 0 : i32
    %dma_start3A_469 = tpu.memref_slice %arg4[%dma_start3A_468] : memref<32002048xf32, #tpu.memory_space<hbm>> -> memref<32002048xf32, #tpu.memory_space<hbm>>
    tpu.enqueue_indirect_dma source(%dma_start3A_469 : memref<32002048xf32, #tpu.memory_space<hbm>>) target(%dma_start3A_465 : memref<128xf32, #tpu.memory_space<vmem>>) offsets(%dma_start3A_467 : memref<128xi32, #tpu.memory_space<vmem>>) semaphore(%arg19 : memref<!tpu.dma_semaphore, #tpu.memory_space<semaphore_mem>>)
    %dma_start3A_470 = arith.constant 4864 : i32
    %dma_start3A_471 = tpu.memref_slice %arg14[%dma_start3A_470] : memref<8192xf32, #tpu.memory_space<vmem>> -> memref<128xf32, #tpu.memory_space<vmem>>
    %dma_start3A_472 = arith.constant 4864 : i32
    %dma_start3A_473 = tpu.memref_slice %arg12[%dma_start3A_472] : memref<8192xi32, #tpu.memory_space<vmem>> -> memref<128xi32, #tpu.memory_space<vmem>>
    %dma_start3A_474 = arith.constant 0 : i32
    %dma_start3A_475 = tpu.memref_slice %arg4[%dma_start3A_474] : memref<32002048xf32, #tpu.memory_space<hbm>> -> memref<32002048xf32, #tpu.memory_space<hbm>>
    tpu.enqueue_indirect_dma source(%dma_start3A_475 : memref<32002048xf32, #tpu.memory_space<hbm>>) target(%dma_start3A_471 : memref<128xf32, #tpu.memory_space<vmem>>) offsets(%dma_start3A_473 : memref<128xi32, #tpu.memory_space<vmem>>) semaphore(%arg19 : memref<!tpu.dma_semaphore, #tpu.memory_space<semaphore_mem>>)
    %dma_start3A_476 = arith.constant 4992 : i32
    %dma_start3A_477 = tpu.memref_slice %arg13[%dma_start3A_476] : memref<8192xf32, #tpu.memory_space<vmem>> -> memref<128xf32, #tpu.memory_space<vmem>>
    %dma_start3A_478 = arith.constant 4992 : i32
    %dma_start3A_479 = tpu.memref_slice %arg11[%dma_start3A_478] : memref<8192xi32, #tpu.memory_space<vmem>> -> memref<128xi32, #tpu.memory_space<vmem>>
    %dma_start3A_480 = arith.constant 0 : i32
    %dma_start3A_481 = tpu.memref_slice %arg4[%dma_start3A_480] : memref<32002048xf32, #tpu.memory_space<hbm>> -> memref<32002048xf32, #tpu.memory_space<hbm>>
    tpu.enqueue_indirect_dma source(%dma_start3A_481 : memref<32002048xf32, #tpu.memory_space<hbm>>) target(%dma_start3A_477 : memref<128xf32, #tpu.memory_space<vmem>>) offsets(%dma_start3A_479 : memref<128xi32, #tpu.memory_space<vmem>>) semaphore(%arg19 : memref<!tpu.dma_semaphore, #tpu.memory_space<semaphore_mem>>)
    %dma_start3A_482 = arith.constant 4992 : i32
    %dma_start3A_483 = tpu.memref_slice %arg14[%dma_start3A_482] : memref<8192xf32, #tpu.memory_space<vmem>> -> memref<128xf32, #tpu.memory_space<vmem>>
    %dma_start3A_484 = arith.constant 4992 : i32
    %dma_start3A_485 = tpu.memref_slice %arg12[%dma_start3A_484] : memref<8192xi32, #tpu.memory_space<vmem>> -> memref<128xi32, #tpu.memory_space<vmem>>
    %dma_start3A_486 = arith.constant 0 : i32
    %dma_start3A_487 = tpu.memref_slice %arg4[%dma_start3A_486] : memref<32002048xf32, #tpu.memory_space<hbm>> -> memref<32002048xf32, #tpu.memory_space<hbm>>
    tpu.enqueue_indirect_dma source(%dma_start3A_487 : memref<32002048xf32, #tpu.memory_space<hbm>>) target(%dma_start3A_483 : memref<128xf32, #tpu.memory_space<vmem>>) offsets(%dma_start3A_485 : memref<128xi32, #tpu.memory_space<vmem>>) semaphore(%arg19 : memref<!tpu.dma_semaphore, #tpu.memory_space<semaphore_mem>>)
    %dma_start3A_488 = arith.constant 5120 : i32
    %dma_start3A_489 = tpu.memref_slice %arg13[%dma_start3A_488] : memref<8192xf32, #tpu.memory_space<vmem>> -> memref<128xf32, #tpu.memory_space<vmem>>
    %dma_start3A_490 = arith.constant 5120 : i32
    %dma_start3A_491 = tpu.memref_slice %arg11[%dma_start3A_490] : memref<8192xi32, #tpu.memory_space<vmem>> -> memref<128xi32, #tpu.memory_space<vmem>>
    %dma_start3A_492 = arith.constant 0 : i32
    %dma_start3A_493 = tpu.memref_slice %arg4[%dma_start3A_492] : memref<32002048xf32, #tpu.memory_space<hbm>> -> memref<32002048xf32, #tpu.memory_space<hbm>>
    tpu.enqueue_indirect_dma source(%dma_start3A_493 : memref<32002048xf32, #tpu.memory_space<hbm>>) target(%dma_start3A_489 : memref<128xf32, #tpu.memory_space<vmem>>) offsets(%dma_start3A_491 : memref<128xi32, #tpu.memory_space<vmem>>) semaphore(%arg19 : memref<!tpu.dma_semaphore, #tpu.memory_space<semaphore_mem>>)
    %dma_start3A_494 = arith.constant 5120 : i32
    %dma_start3A_495 = tpu.memref_slice %arg14[%dma_start3A_494] : memref<8192xf32, #tpu.memory_space<vmem>> -> memref<128xf32, #tpu.memory_space<vmem>>
    %dma_start3A_496 = arith.constant 5120 : i32
    %dma_start3A_497 = tpu.memref_slice %arg12[%dma_start3A_496] : memref<8192xi32, #tpu.memory_space<vmem>> -> memref<128xi32, #tpu.memory_space<vmem>>
    %dma_start3A_498 = arith.constant 0 : i32
    %dma_start3A_499 = tpu.memref_slice %arg4[%dma_start3A_498] : memref<32002048xf32, #tpu.memory_space<hbm>> -> memref<32002048xf32, #tpu.memory_space<hbm>>
    tpu.enqueue_indirect_dma source(%dma_start3A_499 : memref<32002048xf32, #tpu.memory_space<hbm>>) target(%dma_start3A_495 : memref<128xf32, #tpu.memory_space<vmem>>) offsets(%dma_start3A_497 : memref<128xi32, #tpu.memory_space<vmem>>) semaphore(%arg19 : memref<!tpu.dma_semaphore, #tpu.memory_space<semaphore_mem>>)
    %dma_start3A_500 = arith.constant 5248 : i32
    %dma_start3A_501 = tpu.memref_slice %arg13[%dma_start3A_500] : memref<8192xf32, #tpu.memory_space<vmem>> -> memref<128xf32, #tpu.memory_space<vmem>>
    %dma_start3A_502 = arith.constant 5248 : i32
    %dma_start3A_503 = tpu.memref_slice %arg11[%dma_start3A_502] : memref<8192xi32, #tpu.memory_space<vmem>> -> memref<128xi32, #tpu.memory_space<vmem>>
    %dma_start3A_504 = arith.constant 0 : i32
    %dma_start3A_505 = tpu.memref_slice %arg4[%dma_start3A_504] : memref<32002048xf32, #tpu.memory_space<hbm>> -> memref<32002048xf32, #tpu.memory_space<hbm>>
    tpu.enqueue_indirect_dma source(%dma_start3A_505 : memref<32002048xf32, #tpu.memory_space<hbm>>) target(%dma_start3A_501 : memref<128xf32, #tpu.memory_space<vmem>>) offsets(%dma_start3A_503 : memref<128xi32, #tpu.memory_space<vmem>>) semaphore(%arg19 : memref<!tpu.dma_semaphore, #tpu.memory_space<semaphore_mem>>)
    %dma_start3A_506 = arith.constant 5248 : i32
    %dma_start3A_507 = tpu.memref_slice %arg14[%dma_start3A_506] : memref<8192xf32, #tpu.memory_space<vmem>> -> memref<128xf32, #tpu.memory_space<vmem>>
    %dma_start3A_508 = arith.constant 5248 : i32
    %dma_start3A_509 = tpu.memref_slice %arg12[%dma_start3A_508] : memref<8192xi32, #tpu.memory_space<vmem>> -> memref<128xi32, #tpu.memory_space<vmem>>
    %dma_start3A_510 = arith.constant 0 : i32
    %dma_start3A_511 = tpu.memref_slice %arg4[%dma_start3A_510] : memref<32002048xf32, #tpu.memory_space<hbm>> -> memref<32002048xf32, #tpu.memory_space<hbm>>
    tpu.enqueue_indirect_dma source(%dma_start3A_511 : memref<32002048xf32, #tpu.memory_space<hbm>>) target(%dma_start3A_507 : memref<128xf32, #tpu.memory_space<vmem>>) offsets(%dma_start3A_509 : memref<128xi32, #tpu.memory_space<vmem>>) semaphore(%arg19 : memref<!tpu.dma_semaphore, #tpu.memory_space<semaphore_mem>>)
    %dma_start3A_512 = arith.constant 5376 : i32
    %dma_start3A_513 = tpu.memref_slice %arg13[%dma_start3A_512] : memref<8192xf32, #tpu.memory_space<vmem>> -> memref<128xf32, #tpu.memory_space<vmem>>
    %dma_start3A_514 = arith.constant 5376 : i32
    %dma_start3A_515 = tpu.memref_slice %arg11[%dma_start3A_514] : memref<8192xi32, #tpu.memory_space<vmem>> -> memref<128xi32, #tpu.memory_space<vmem>>
    %dma_start3A_516 = arith.constant 0 : i32
    %dma_start3A_517 = tpu.memref_slice %arg4[%dma_start3A_516] : memref<32002048xf32, #tpu.memory_space<hbm>> -> memref<32002048xf32, #tpu.memory_space<hbm>>
    tpu.enqueue_indirect_dma source(%dma_start3A_517 : memref<32002048xf32, #tpu.memory_space<hbm>>) target(%dma_start3A_513 : memref<128xf32, #tpu.memory_space<vmem>>) offsets(%dma_start3A_515 : memref<128xi32, #tpu.memory_space<vmem>>) semaphore(%arg19 : memref<!tpu.dma_semaphore, #tpu.memory_space<semaphore_mem>>)
    %dma_start3A_518 = arith.constant 5376 : i32
    %dma_start3A_519 = tpu.memref_slice %arg14[%dma_start3A_518] : memref<8192xf32, #tpu.memory_space<vmem>> -> memref<128xf32, #tpu.memory_space<vmem>>
    %dma_start3A_520 = arith.constant 5376 : i32
    %dma_start3A_521 = tpu.memref_slice %arg12[%dma_start3A_520] : memref<8192xi32, #tpu.memory_space<vmem>> -> memref<128xi32, #tpu.memory_space<vmem>>
    %dma_start3A_522 = arith.constant 0 : i32
    %dma_start3A_523 = tpu.memref_slice %arg4[%dma_start3A_522] : memref<32002048xf32, #tpu.memory_space<hbm>> -> memref<32002048xf32, #tpu.memory_space<hbm>>
    tpu.enqueue_indirect_dma source(%dma_start3A_523 : memref<32002048xf32, #tpu.memory_space<hbm>>) target(%dma_start3A_519 : memref<128xf32, #tpu.memory_space<vmem>>) offsets(%dma_start3A_521 : memref<128xi32, #tpu.memory_space<vmem>>) semaphore(%arg19 : memref<!tpu.dma_semaphore, #tpu.memory_space<semaphore_mem>>)
    %dma_start3A_524 = arith.constant 5504 : i32
    %dma_start3A_525 = tpu.memref_slice %arg13[%dma_start3A_524] : memref<8192xf32, #tpu.memory_space<vmem>> -> memref<128xf32, #tpu.memory_space<vmem>>
    %dma_start3A_526 = arith.constant 5504 : i32
    %dma_start3A_527 = tpu.memref_slice %arg11[%dma_start3A_526] : memref<8192xi32, #tpu.memory_space<vmem>> -> memref<128xi32, #tpu.memory_space<vmem>>
    %dma_start3A_528 = arith.constant 0 : i32
    %dma_start3A_529 = tpu.memref_slice %arg4[%dma_start3A_528] : memref<32002048xf32, #tpu.memory_space<hbm>> -> memref<32002048xf32, #tpu.memory_space<hbm>>
    tpu.enqueue_indirect_dma source(%dma_start3A_529 : memref<32002048xf32, #tpu.memory_space<hbm>>) target(%dma_start3A_525 : memref<128xf32, #tpu.memory_space<vmem>>) offsets(%dma_start3A_527 : memref<128xi32, #tpu.memory_space<vmem>>) semaphore(%arg19 : memref<!tpu.dma_semaphore, #tpu.memory_space<semaphore_mem>>)
    %dma_start3A_530 = arith.constant 5504 : i32
    %dma_start3A_531 = tpu.memref_slice %arg14[%dma_start3A_530] : memref<8192xf32, #tpu.memory_space<vmem>> -> memref<128xf32, #tpu.memory_space<vmem>>
    %dma_start3A_532 = arith.constant 5504 : i32
    %dma_start3A_533 = tpu.memref_slice %arg12[%dma_start3A_532] : memref<8192xi32, #tpu.memory_space<vmem>> -> memref<128xi32, #tpu.memory_space<vmem>>
    %dma_start3A_534 = arith.constant 0 : i32
    %dma_start3A_535 = tpu.memref_slice %arg4[%dma_start3A_534] : memref<32002048xf32, #tpu.memory_space<hbm>> -> memref<32002048xf32, #tpu.memory_space<hbm>>
    tpu.enqueue_indirect_dma source(%dma_start3A_535 : memref<32002048xf32, #tpu.memory_space<hbm>>) target(%dma_start3A_531 : memref<128xf32, #tpu.memory_space<vmem>>) offsets(%dma_start3A_533 : memref<128xi32, #tpu.memory_space<vmem>>) semaphore(%arg19 : memref<!tpu.dma_semaphore, #tpu.memory_space<semaphore_mem>>)
    %dma_start3A_536 = arith.constant 5632 : i32
    %dma_start3A_537 = tpu.memref_slice %arg13[%dma_start3A_536] : memref<8192xf32, #tpu.memory_space<vmem>> -> memref<128xf32, #tpu.memory_space<vmem>>
    %dma_start3A_538 = arith.constant 5632 : i32
    %dma_start3A_539 = tpu.memref_slice %arg11[%dma_start3A_538] : memref<8192xi32, #tpu.memory_space<vmem>> -> memref<128xi32, #tpu.memory_space<vmem>>
    %dma_start3A_540 = arith.constant 0 : i32
    %dma_start3A_541 = tpu.memref_slice %arg4[%dma_start3A_540] : memref<32002048xf32, #tpu.memory_space<hbm>> -> memref<32002048xf32, #tpu.memory_space<hbm>>
    tpu.enqueue_indirect_dma source(%dma_start3A_541 : memref<32002048xf32, #tpu.memory_space<hbm>>) target(%dma_start3A_537 : memref<128xf32, #tpu.memory_space<vmem>>) offsets(%dma_start3A_539 : memref<128xi32, #tpu.memory_space<vmem>>) semaphore(%arg19 : memref<!tpu.dma_semaphore, #tpu.memory_space<semaphore_mem>>)
    %dma_start3A_542 = arith.constant 5632 : i32
    %dma_start3A_543 = tpu.memref_slice %arg14[%dma_start3A_542] : memref<8192xf32, #tpu.memory_space<vmem>> -> memref<128xf32, #tpu.memory_space<vmem>>
    %dma_start3A_544 = arith.constant 5632 : i32
    %dma_start3A_545 = tpu.memref_slice %arg12[%dma_start3A_544] : memref<8192xi32, #tpu.memory_space<vmem>> -> memref<128xi32, #tpu.memory_space<vmem>>
    %dma_start3A_546 = arith.constant 0 : i32
    %dma_start3A_547 = tpu.memref_slice %arg4[%dma_start3A_546] : memref<32002048xf32, #tpu.memory_space<hbm>> -> memref<32002048xf32, #tpu.memory_space<hbm>>
    tpu.enqueue_indirect_dma source(%dma_start3A_547 : memref<32002048xf32, #tpu.memory_space<hbm>>) target(%dma_start3A_543 : memref<128xf32, #tpu.memory_space<vmem>>) offsets(%dma_start3A_545 : memref<128xi32, #tpu.memory_space<vmem>>) semaphore(%arg19 : memref<!tpu.dma_semaphore, #tpu.memory_space<semaphore_mem>>)
    %dma_start3A_548 = arith.constant 5760 : i32
    %dma_start3A_549 = tpu.memref_slice %arg13[%dma_start3A_548] : memref<8192xf32, #tpu.memory_space<vmem>> -> memref<128xf32, #tpu.memory_space<vmem>>
    %dma_start3A_550 = arith.constant 5760 : i32
    %dma_start3A_551 = tpu.memref_slice %arg11[%dma_start3A_550] : memref<8192xi32, #tpu.memory_space<vmem>> -> memref<128xi32, #tpu.memory_space<vmem>>
    %dma_start3A_552 = arith.constant 0 : i32
    %dma_start3A_553 = tpu.memref_slice %arg4[%dma_start3A_552] : memref<32002048xf32, #tpu.memory_space<hbm>> -> memref<32002048xf32, #tpu.memory_space<hbm>>
    tpu.enqueue_indirect_dma source(%dma_start3A_553 : memref<32002048xf32, #tpu.memory_space<hbm>>) target(%dma_start3A_549 : memref<128xf32, #tpu.memory_space<vmem>>) offsets(%dma_start3A_551 : memref<128xi32, #tpu.memory_space<vmem>>) semaphore(%arg19 : memref<!tpu.dma_semaphore, #tpu.memory_space<semaphore_mem>>)
    %dma_start3A_554 = arith.constant 5760 : i32
    %dma_start3A_555 = tpu.memref_slice %arg14[%dma_start3A_554] : memref<8192xf32, #tpu.memory_space<vmem>> -> memref<128xf32, #tpu.memory_space<vmem>>
    %dma_start3A_556 = arith.constant 5760 : i32
    %dma_start3A_557 = tpu.memref_slice %arg12[%dma_start3A_556] : memref<8192xi32, #tpu.memory_space<vmem>> -> memref<128xi32, #tpu.memory_space<vmem>>
    %dma_start3A_558 = arith.constant 0 : i32
    %dma_start3A_559 = tpu.memref_slice %arg4[%dma_start3A_558] : memref<32002048xf32, #tpu.memory_space<hbm>> -> memref<32002048xf32, #tpu.memory_space<hbm>>
    tpu.enqueue_indirect_dma source(%dma_start3A_559 : memref<32002048xf32, #tpu.memory_space<hbm>>) target(%dma_start3A_555 : memref<128xf32, #tpu.memory_space<vmem>>) offsets(%dma_start3A_557 : memref<128xi32, #tpu.memory_space<vmem>>) semaphore(%arg19 : memref<!tpu.dma_semaphore, #tpu.memory_space<semaphore_mem>>)
    %dma_start3A_560 = arith.constant 5888 : i32
    %dma_start3A_561 = tpu.memref_slice %arg13[%dma_start3A_560] : memref<8192xf32, #tpu.memory_space<vmem>> -> memref<128xf32, #tpu.memory_space<vmem>>
    %dma_start3A_562 = arith.constant 5888 : i32
    %dma_start3A_563 = tpu.memref_slice %arg11[%dma_start3A_562] : memref<8192xi32, #tpu.memory_space<vmem>> -> memref<128xi32, #tpu.memory_space<vmem>>
    %dma_start3A_564 = arith.constant 0 : i32
    %dma_start3A_565 = tpu.memref_slice %arg4[%dma_start3A_564] : memref<32002048xf32, #tpu.memory_space<hbm>> -> memref<32002048xf32, #tpu.memory_space<hbm>>
    tpu.enqueue_indirect_dma source(%dma_start3A_565 : memref<32002048xf32, #tpu.memory_space<hbm>>) target(%dma_start3A_561 : memref<128xf32, #tpu.memory_space<vmem>>) offsets(%dma_start3A_563 : memref<128xi32, #tpu.memory_space<vmem>>) semaphore(%arg19 : memref<!tpu.dma_semaphore, #tpu.memory_space<semaphore_mem>>)
    %dma_start3A_566 = arith.constant 5888 : i32
    %dma_start3A_567 = tpu.memref_slice %arg14[%dma_start3A_566] : memref<8192xf32, #tpu.memory_space<vmem>> -> memref<128xf32, #tpu.memory_space<vmem>>
    %dma_start3A_568 = arith.constant 5888 : i32
    %dma_start3A_569 = tpu.memref_slice %arg12[%dma_start3A_568] : memref<8192xi32, #tpu.memory_space<vmem>> -> memref<128xi32, #tpu.memory_space<vmem>>
    %dma_start3A_570 = arith.constant 0 : i32
    %dma_start3A_571 = tpu.memref_slice %arg4[%dma_start3A_570] : memref<32002048xf32, #tpu.memory_space<hbm>> -> memref<32002048xf32, #tpu.memory_space<hbm>>
    tpu.enqueue_indirect_dma source(%dma_start3A_571 : memref<32002048xf32, #tpu.memory_space<hbm>>) target(%dma_start3A_567 : memref<128xf32, #tpu.memory_space<vmem>>) offsets(%dma_start3A_569 : memref<128xi32, #tpu.memory_space<vmem>>) semaphore(%arg19 : memref<!tpu.dma_semaphore, #tpu.memory_space<semaphore_mem>>)
    %dma_start3A_572 = arith.constant 6016 : i32
    %dma_start3A_573 = tpu.memref_slice %arg13[%dma_start3A_572] : memref<8192xf32, #tpu.memory_space<vmem>> -> memref<128xf32, #tpu.memory_space<vmem>>
    %dma_start3A_574 = arith.constant 6016 : i32
    %dma_start3A_575 = tpu.memref_slice %arg11[%dma_start3A_574] : memref<8192xi32, #tpu.memory_space<vmem>> -> memref<128xi32, #tpu.memory_space<vmem>>
    %dma_start3A_576 = arith.constant 0 : i32
    %dma_start3A_577 = tpu.memref_slice %arg4[%dma_start3A_576] : memref<32002048xf32, #tpu.memory_space<hbm>> -> memref<32002048xf32, #tpu.memory_space<hbm>>
    tpu.enqueue_indirect_dma source(%dma_start3A_577 : memref<32002048xf32, #tpu.memory_space<hbm>>) target(%dma_start3A_573 : memref<128xf32, #tpu.memory_space<vmem>>) offsets(%dma_start3A_575 : memref<128xi32, #tpu.memory_space<vmem>>) semaphore(%arg19 : memref<!tpu.dma_semaphore, #tpu.memory_space<semaphore_mem>>)
    %dma_start3A_578 = arith.constant 6016 : i32
    %dma_start3A_579 = tpu.memref_slice %arg14[%dma_start3A_578] : memref<8192xf32, #tpu.memory_space<vmem>> -> memref<128xf32, #tpu.memory_space<vmem>>
    %dma_start3A_580 = arith.constant 6016 : i32
    %dma_start3A_581 = tpu.memref_slice %arg12[%dma_start3A_580] : memref<8192xi32, #tpu.memory_space<vmem>> -> memref<128xi32, #tpu.memory_space<vmem>>
    %dma_start3A_582 = arith.constant 0 : i32
    %dma_start3A_583 = tpu.memref_slice %arg4[%dma_start3A_582] : memref<32002048xf32, #tpu.memory_space<hbm>> -> memref<32002048xf32, #tpu.memory_space<hbm>>
    tpu.enqueue_indirect_dma source(%dma_start3A_583 : memref<32002048xf32, #tpu.memory_space<hbm>>) target(%dma_start3A_579 : memref<128xf32, #tpu.memory_space<vmem>>) offsets(%dma_start3A_581 : memref<128xi32, #tpu.memory_space<vmem>>) semaphore(%arg19 : memref<!tpu.dma_semaphore, #tpu.memory_space<semaphore_mem>>)
    %dma_start3A_584 = arith.constant 6144 : i32
    %dma_start3A_585 = tpu.memref_slice %arg13[%dma_start3A_584] : memref<8192xf32, #tpu.memory_space<vmem>> -> memref<128xf32, #tpu.memory_space<vmem>>
    %dma_start3A_586 = arith.constant 6144 : i32
    %dma_start3A_587 = tpu.memref_slice %arg11[%dma_start3A_586] : memref<8192xi32, #tpu.memory_space<vmem>> -> memref<128xi32, #tpu.memory_space<vmem>>
    %dma_start3A_588 = arith.constant 0 : i32
    %dma_start3A_589 = tpu.memref_slice %arg4[%dma_start3A_588] : memref<32002048xf32, #tpu.memory_space<hbm>> -> memref<32002048xf32, #tpu.memory_space<hbm>>
    tpu.enqueue_indirect_dma source(%dma_start3A_589 : memref<32002048xf32, #tpu.memory_space<hbm>>) target(%dma_start3A_585 : memref<128xf32, #tpu.memory_space<vmem>>) offsets(%dma_start3A_587 : memref<128xi32, #tpu.memory_space<vmem>>) semaphore(%arg19 : memref<!tpu.dma_semaphore, #tpu.memory_space<semaphore_mem>>)
    %dma_start3A_590 = arith.constant 6144 : i32
    %dma_start3A_591 = tpu.memref_slice %arg14[%dma_start3A_590] : memref<8192xf32, #tpu.memory_space<vmem>> -> memref<128xf32, #tpu.memory_space<vmem>>
    %dma_start3A_592 = arith.constant 6144 : i32
    %dma_start3A_593 = tpu.memref_slice %arg12[%dma_start3A_592] : memref<8192xi32, #tpu.memory_space<vmem>> -> memref<128xi32, #tpu.memory_space<vmem>>
    %dma_start3A_594 = arith.constant 0 : i32
    %dma_start3A_595 = tpu.memref_slice %arg4[%dma_start3A_594] : memref<32002048xf32, #tpu.memory_space<hbm>> -> memref<32002048xf32, #tpu.memory_space<hbm>>
    tpu.enqueue_indirect_dma source(%dma_start3A_595 : memref<32002048xf32, #tpu.memory_space<hbm>>) target(%dma_start3A_591 : memref<128xf32, #tpu.memory_space<vmem>>) offsets(%dma_start3A_593 : memref<128xi32, #tpu.memory_space<vmem>>) semaphore(%arg19 : memref<!tpu.dma_semaphore, #tpu.memory_space<semaphore_mem>>)
    %dma_start3A_596 = arith.constant 6272 : i32
    %dma_start3A_597 = tpu.memref_slice %arg13[%dma_start3A_596] : memref<8192xf32, #tpu.memory_space<vmem>> -> memref<128xf32, #tpu.memory_space<vmem>>
    %dma_start3A_598 = arith.constant 6272 : i32
    %dma_start3A_599 = tpu.memref_slice %arg11[%dma_start3A_598] : memref<8192xi32, #tpu.memory_space<vmem>> -> memref<128xi32, #tpu.memory_space<vmem>>
    %dma_start3A_600 = arith.constant 0 : i32
    %dma_start3A_601 = tpu.memref_slice %arg4[%dma_start3A_600] : memref<32002048xf32, #tpu.memory_space<hbm>> -> memref<32002048xf32, #tpu.memory_space<hbm>>
    tpu.enqueue_indirect_dma source(%dma_start3A_601 : memref<32002048xf32, #tpu.memory_space<hbm>>) target(%dma_start3A_597 : memref<128xf32, #tpu.memory_space<vmem>>) offsets(%dma_start3A_599 : memref<128xi32, #tpu.memory_space<vmem>>) semaphore(%arg19 : memref<!tpu.dma_semaphore, #tpu.memory_space<semaphore_mem>>)
    %dma_start3A_602 = arith.constant 6272 : i32
    %dma_start3A_603 = tpu.memref_slice %arg14[%dma_start3A_602] : memref<8192xf32, #tpu.memory_space<vmem>> -> memref<128xf32, #tpu.memory_space<vmem>>
    %dma_start3A_604 = arith.constant 6272 : i32
    %dma_start3A_605 = tpu.memref_slice %arg12[%dma_start3A_604] : memref<8192xi32, #tpu.memory_space<vmem>> -> memref<128xi32, #tpu.memory_space<vmem>>
    %dma_start3A_606 = arith.constant 0 : i32
    %dma_start3A_607 = tpu.memref_slice %arg4[%dma_start3A_606] : memref<32002048xf32, #tpu.memory_space<hbm>> -> memref<32002048xf32, #tpu.memory_space<hbm>>
    tpu.enqueue_indirect_dma source(%dma_start3A_607 : memref<32002048xf32, #tpu.memory_space<hbm>>) target(%dma_start3A_603 : memref<128xf32, #tpu.memory_space<vmem>>) offsets(%dma_start3A_605 : memref<128xi32, #tpu.memory_space<vmem>>) semaphore(%arg19 : memref<!tpu.dma_semaphore, #tpu.memory_space<semaphore_mem>>)
    %dma_start3A_608 = arith.constant 6400 : i32
    %dma_start3A_609 = tpu.memref_slice %arg13[%dma_start3A_608] : memref<8192xf32, #tpu.memory_space<vmem>> -> memref<128xf32, #tpu.memory_space<vmem>>
    %dma_start3A_610 = arith.constant 6400 : i32
    %dma_start3A_611 = tpu.memref_slice %arg11[%dma_start3A_610] : memref<8192xi32, #tpu.memory_space<vmem>> -> memref<128xi32, #tpu.memory_space<vmem>>
    %dma_start3A_612 = arith.constant 0 : i32
    %dma_start3A_613 = tpu.memref_slice %arg4[%dma_start3A_612] : memref<32002048xf32, #tpu.memory_space<hbm>> -> memref<32002048xf32, #tpu.memory_space<hbm>>
    tpu.enqueue_indirect_dma source(%dma_start3A_613 : memref<32002048xf32, #tpu.memory_space<hbm>>) target(%dma_start3A_609 : memref<128xf32, #tpu.memory_space<vmem>>) offsets(%dma_start3A_611 : memref<128xi32, #tpu.memory_space<vmem>>) semaphore(%arg19 : memref<!tpu.dma_semaphore, #tpu.memory_space<semaphore_mem>>)
    %dma_start3A_614 = arith.constant 6400 : i32
    %dma_start3A_615 = tpu.memref_slice %arg14[%dma_start3A_614] : memref<8192xf32, #tpu.memory_space<vmem>> -> memref<128xf32, #tpu.memory_space<vmem>>
    %dma_start3A_616 = arith.constant 6400 : i32
    %dma_start3A_617 = tpu.memref_slice %arg12[%dma_start3A_616] : memref<8192xi32, #tpu.memory_space<vmem>> -> memref<128xi32, #tpu.memory_space<vmem>>
    %dma_start3A_618 = arith.constant 0 : i32
    %dma_start3A_619 = tpu.memref_slice %arg4[%dma_start3A_618] : memref<32002048xf32, #tpu.memory_space<hbm>> -> memref<32002048xf32, #tpu.memory_space<hbm>>
    tpu.enqueue_indirect_dma source(%dma_start3A_619 : memref<32002048xf32, #tpu.memory_space<hbm>>) target(%dma_start3A_615 : memref<128xf32, #tpu.memory_space<vmem>>) offsets(%dma_start3A_617 : memref<128xi32, #tpu.memory_space<vmem>>) semaphore(%arg19 : memref<!tpu.dma_semaphore, #tpu.memory_space<semaphore_mem>>)
    %dma_start3A_620 = arith.constant 6528 : i32
    %dma_start3A_621 = tpu.memref_slice %arg13[%dma_start3A_620] : memref<8192xf32, #tpu.memory_space<vmem>> -> memref<128xf32, #tpu.memory_space<vmem>>
    %dma_start3A_622 = arith.constant 6528 : i32
    %dma_start3A_623 = tpu.memref_slice %arg11[%dma_start3A_622] : memref<8192xi32, #tpu.memory_space<vmem>> -> memref<128xi32, #tpu.memory_space<vmem>>
    %dma_start3A_624 = arith.constant 0 : i32
    %dma_start3A_625 = tpu.memref_slice %arg4[%dma_start3A_624] : memref<32002048xf32, #tpu.memory_space<hbm>> -> memref<32002048xf32, #tpu.memory_space<hbm>>
    tpu.enqueue_indirect_dma source(%dma_start3A_625 : memref<32002048xf32, #tpu.memory_space<hbm>>) target(%dma_start3A_621 : memref<128xf32, #tpu.memory_space<vmem>>) offsets(%dma_start3A_623 : memref<128xi32, #tpu.memory_space<vmem>>) semaphore(%arg19 : memref<!tpu.dma_semaphore, #tpu.memory_space<semaphore_mem>>)
    %dma_start3A_626 = arith.constant 6528 : i32
    %dma_start3A_627 = tpu.memref_slice %arg14[%dma_start3A_626] : memref<8192xf32, #tpu.memory_space<vmem>> -> memref<128xf32, #tpu.memory_space<vmem>>
    %dma_start3A_628 = arith.constant 6528 : i32
    %dma_start3A_629 = tpu.memref_slice %arg12[%dma_start3A_628] : memref<8192xi32, #tpu.memory_space<vmem>> -> memref<128xi32, #tpu.memory_space<vmem>>
    %dma_start3A_630 = arith.constant 0 : i32
    %dma_start3A_631 = tpu.memref_slice %arg4[%dma_start3A_630] : memref<32002048xf32, #tpu.memory_space<hbm>> -> memref<32002048xf32, #tpu.memory_space<hbm>>
    tpu.enqueue_indirect_dma source(%dma_start3A_631 : memref<32002048xf32, #tpu.memory_space<hbm>>) target(%dma_start3A_627 : memref<128xf32, #tpu.memory_space<vmem>>) offsets(%dma_start3A_629 : memref<128xi32, #tpu.memory_space<vmem>>) semaphore(%arg19 : memref<!tpu.dma_semaphore, #tpu.memory_space<semaphore_mem>>)
    %dma_start3A_632 = arith.constant 6656 : i32
    %dma_start3A_633 = tpu.memref_slice %arg13[%dma_start3A_632] : memref<8192xf32, #tpu.memory_space<vmem>> -> memref<128xf32, #tpu.memory_space<vmem>>
    %dma_start3A_634 = arith.constant 6656 : i32
    %dma_start3A_635 = tpu.memref_slice %arg11[%dma_start3A_634] : memref<8192xi32, #tpu.memory_space<vmem>> -> memref<128xi32, #tpu.memory_space<vmem>>
    %dma_start3A_636 = arith.constant 0 : i32
    %dma_start3A_637 = tpu.memref_slice %arg4[%dma_start3A_636] : memref<32002048xf32, #tpu.memory_space<hbm>> -> memref<32002048xf32, #tpu.memory_space<hbm>>
    tpu.enqueue_indirect_dma source(%dma_start3A_637 : memref<32002048xf32, #tpu.memory_space<hbm>>) target(%dma_start3A_633 : memref<128xf32, #tpu.memory_space<vmem>>) offsets(%dma_start3A_635 : memref<128xi32, #tpu.memory_space<vmem>>) semaphore(%arg19 : memref<!tpu.dma_semaphore, #tpu.memory_space<semaphore_mem>>)
    %dma_start3A_638 = arith.constant 6656 : i32
    %dma_start3A_639 = tpu.memref_slice %arg14[%dma_start3A_638] : memref<8192xf32, #tpu.memory_space<vmem>> -> memref<128xf32, #tpu.memory_space<vmem>>
    %dma_start3A_640 = arith.constant 6656 : i32
    %dma_start3A_641 = tpu.memref_slice %arg12[%dma_start3A_640] : memref<8192xi32, #tpu.memory_space<vmem>> -> memref<128xi32, #tpu.memory_space<vmem>>
    %dma_start3A_642 = arith.constant 0 : i32
    %dma_start3A_643 = tpu.memref_slice %arg4[%dma_start3A_642] : memref<32002048xf32, #tpu.memory_space<hbm>> -> memref<32002048xf32, #tpu.memory_space<hbm>>
    tpu.enqueue_indirect_dma source(%dma_start3A_643 : memref<32002048xf32, #tpu.memory_space<hbm>>) target(%dma_start3A_639 : memref<128xf32, #tpu.memory_space<vmem>>) offsets(%dma_start3A_641 : memref<128xi32, #tpu.memory_space<vmem>>) semaphore(%arg19 : memref<!tpu.dma_semaphore, #tpu.memory_space<semaphore_mem>>)
    %dma_start3A_644 = arith.constant 6784 : i32
    %dma_start3A_645 = tpu.memref_slice %arg13[%dma_start3A_644] : memref<8192xf32, #tpu.memory_space<vmem>> -> memref<128xf32, #tpu.memory_space<vmem>>
    %dma_start3A_646 = arith.constant 6784 : i32
    %dma_start3A_647 = tpu.memref_slice %arg11[%dma_start3A_646] : memref<8192xi32, #tpu.memory_space<vmem>> -> memref<128xi32, #tpu.memory_space<vmem>>
    %dma_start3A_648 = arith.constant 0 : i32
    %dma_start3A_649 = tpu.memref_slice %arg4[%dma_start3A_648] : memref<32002048xf32, #tpu.memory_space<hbm>> -> memref<32002048xf32, #tpu.memory_space<hbm>>
    tpu.enqueue_indirect_dma source(%dma_start3A_649 : memref<32002048xf32, #tpu.memory_space<hbm>>) target(%dma_start3A_645 : memref<128xf32, #tpu.memory_space<vmem>>) offsets(%dma_start3A_647 : memref<128xi32, #tpu.memory_space<vmem>>) semaphore(%arg19 : memref<!tpu.dma_semaphore, #tpu.memory_space<semaphore_mem>>)
    %dma_start3A_650 = arith.constant 6784 : i32
    %dma_start3A_651 = tpu.memref_slice %arg14[%dma_start3A_650] : memref<8192xf32, #tpu.memory_space<vmem>> -> memref<128xf32, #tpu.memory_space<vmem>>
    %dma_start3A_652 = arith.constant 6784 : i32
    %dma_start3A_653 = tpu.memref_slice %arg12[%dma_start3A_652] : memref<8192xi32, #tpu.memory_space<vmem>> -> memref<128xi32, #tpu.memory_space<vmem>>
    %dma_start3A_654 = arith.constant 0 : i32
    %dma_start3A_655 = tpu.memref_slice %arg4[%dma_start3A_654] : memref<32002048xf32, #tpu.memory_space<hbm>> -> memref<32002048xf32, #tpu.memory_space<hbm>>
    tpu.enqueue_indirect_dma source(%dma_start3A_655 : memref<32002048xf32, #tpu.memory_space<hbm>>) target(%dma_start3A_651 : memref<128xf32, #tpu.memory_space<vmem>>) offsets(%dma_start3A_653 : memref<128xi32, #tpu.memory_space<vmem>>) semaphore(%arg19 : memref<!tpu.dma_semaphore, #tpu.memory_space<semaphore_mem>>)
    %dma_start3A_656 = arith.constant 6912 : i32
    %dma_start3A_657 = tpu.memref_slice %arg13[%dma_start3A_656] : memref<8192xf32, #tpu.memory_space<vmem>> -> memref<128xf32, #tpu.memory_space<vmem>>
    %dma_start3A_658 = arith.constant 6912 : i32
    %dma_start3A_659 = tpu.memref_slice %arg11[%dma_start3A_658] : memref<8192xi32, #tpu.memory_space<vmem>> -> memref<128xi32, #tpu.memory_space<vmem>>
    %dma_start3A_660 = arith.constant 0 : i32
    %dma_start3A_661 = tpu.memref_slice %arg4[%dma_start3A_660] : memref<32002048xf32, #tpu.memory_space<hbm>> -> memref<32002048xf32, #tpu.memory_space<hbm>>
    tpu.enqueue_indirect_dma source(%dma_start3A_661 : memref<32002048xf32, #tpu.memory_space<hbm>>) target(%dma_start3A_657 : memref<128xf32, #tpu.memory_space<vmem>>) offsets(%dma_start3A_659 : memref<128xi32, #tpu.memory_space<vmem>>) semaphore(%arg19 : memref<!tpu.dma_semaphore, #tpu.memory_space<semaphore_mem>>)
    %dma_start3A_662 = arith.constant 6912 : i32
    %dma_start3A_663 = tpu.memref_slice %arg14[%dma_start3A_662] : memref<8192xf32, #tpu.memory_space<vmem>> -> memref<128xf32, #tpu.memory_space<vmem>>
    %dma_start3A_664 = arith.constant 6912 : i32
    %dma_start3A_665 = tpu.memref_slice %arg12[%dma_start3A_664] : memref<8192xi32, #tpu.memory_space<vmem>> -> memref<128xi32, #tpu.memory_space<vmem>>
    %dma_start3A_666 = arith.constant 0 : i32
    %dma_start3A_667 = tpu.memref_slice %arg4[%dma_start3A_666] : memref<32002048xf32, #tpu.memory_space<hbm>> -> memref<32002048xf32, #tpu.memory_space<hbm>>
    tpu.enqueue_indirect_dma source(%dma_start3A_667 : memref<32002048xf32, #tpu.memory_space<hbm>>) target(%dma_start3A_663 : memref<128xf32, #tpu.memory_space<vmem>>) offsets(%dma_start3A_665 : memref<128xi32, #tpu.memory_space<vmem>>) semaphore(%arg19 : memref<!tpu.dma_semaphore, #tpu.memory_space<semaphore_mem>>)
    %dma_start3A_668 = arith.constant 7040 : i32
    %dma_start3A_669 = tpu.memref_slice %arg13[%dma_start3A_668] : memref<8192xf32, #tpu.memory_space<vmem>> -> memref<128xf32, #tpu.memory_space<vmem>>
    %dma_start3A_670 = arith.constant 7040 : i32
    %dma_start3A_671 = tpu.memref_slice %arg11[%dma_start3A_670] : memref<8192xi32, #tpu.memory_space<vmem>> -> memref<128xi32, #tpu.memory_space<vmem>>
    %dma_start3A_672 = arith.constant 0 : i32
    %dma_start3A_673 = tpu.memref_slice %arg4[%dma_start3A_672] : memref<32002048xf32, #tpu.memory_space<hbm>> -> memref<32002048xf32, #tpu.memory_space<hbm>>
    tpu.enqueue_indirect_dma source(%dma_start3A_673 : memref<32002048xf32, #tpu.memory_space<hbm>>) target(%dma_start3A_669 : memref<128xf32, #tpu.memory_space<vmem>>) offsets(%dma_start3A_671 : memref<128xi32, #tpu.memory_space<vmem>>) semaphore(%arg19 : memref<!tpu.dma_semaphore, #tpu.memory_space<semaphore_mem>>)
    %dma_start3A_674 = arith.constant 7040 : i32
    %dma_start3A_675 = tpu.memref_slice %arg14[%dma_start3A_674] : memref<8192xf32, #tpu.memory_space<vmem>> -> memref<128xf32, #tpu.memory_space<vmem>>
    %dma_start3A_676 = arith.constant 7040 : i32
    %dma_start3A_677 = tpu.memref_slice %arg12[%dma_start3A_676] : memref<8192xi32, #tpu.memory_space<vmem>> -> memref<128xi32, #tpu.memory_space<vmem>>
    %dma_start3A_678 = arith.constant 0 : i32
    %dma_start3A_679 = tpu.memref_slice %arg4[%dma_start3A_678] : memref<32002048xf32, #tpu.memory_space<hbm>> -> memref<32002048xf32, #tpu.memory_space<hbm>>
    tpu.enqueue_indirect_dma source(%dma_start3A_679 : memref<32002048xf32, #tpu.memory_space<hbm>>) target(%dma_start3A_675 : memref<128xf32, #tpu.memory_space<vmem>>) offsets(%dma_start3A_677 : memref<128xi32, #tpu.memory_space<vmem>>) semaphore(%arg19 : memref<!tpu.dma_semaphore, #tpu.memory_space<semaphore_mem>>)
    %dma_start3A_680 = arith.constant 7168 : i32
    %dma_start3A_681 = tpu.memref_slice %arg13[%dma_start3A_680] : memref<8192xf32, #tpu.memory_space<vmem>> -> memref<128xf32, #tpu.memory_space<vmem>>
    %dma_start3A_682 = arith.constant 7168 : i32
    %dma_start3A_683 = tpu.memref_slice %arg11[%dma_start3A_682] : memref<8192xi32, #tpu.memory_space<vmem>> -> memref<128xi32, #tpu.memory_space<vmem>>
    %dma_start3A_684 = arith.constant 0 : i32
    %dma_start3A_685 = tpu.memref_slice %arg4[%dma_start3A_684] : memref<32002048xf32, #tpu.memory_space<hbm>> -> memref<32002048xf32, #tpu.memory_space<hbm>>
    tpu.enqueue_indirect_dma source(%dma_start3A_685 : memref<32002048xf32, #tpu.memory_space<hbm>>) target(%dma_start3A_681 : memref<128xf32, #tpu.memory_space<vmem>>) offsets(%dma_start3A_683 : memref<128xi32, #tpu.memory_space<vmem>>) semaphore(%arg19 : memref<!tpu.dma_semaphore, #tpu.memory_space<semaphore_mem>>)
    %dma_start3A_686 = arith.constant 7168 : i32
    %dma_start3A_687 = tpu.memref_slice %arg14[%dma_start3A_686] : memref<8192xf32, #tpu.memory_space<vmem>> -> memref<128xf32, #tpu.memory_space<vmem>>
    %dma_start3A_688 = arith.constant 7168 : i32
    %dma_start3A_689 = tpu.memref_slice %arg12[%dma_start3A_688] : memref<8192xi32, #tpu.memory_space<vmem>> -> memref<128xi32, #tpu.memory_space<vmem>>
    %dma_start3A_690 = arith.constant 0 : i32
    %dma_start3A_691 = tpu.memref_slice %arg4[%dma_start3A_690] : memref<32002048xf32, #tpu.memory_space<hbm>> -> memref<32002048xf32, #tpu.memory_space<hbm>>
    tpu.enqueue_indirect_dma source(%dma_start3A_691 : memref<32002048xf32, #tpu.memory_space<hbm>>) target(%dma_start3A_687 : memref<128xf32, #tpu.memory_space<vmem>>) offsets(%dma_start3A_689 : memref<128xi32, #tpu.memory_space<vmem>>) semaphore(%arg19 : memref<!tpu.dma_semaphore, #tpu.memory_space<semaphore_mem>>)
    %dma_start3A_692 = arith.constant 7296 : i32
    %dma_start3A_693 = tpu.memref_slice %arg13[%dma_start3A_692] : memref<8192xf32, #tpu.memory_space<vmem>> -> memref<128xf32, #tpu.memory_space<vmem>>
    %dma_start3A_694 = arith.constant 7296 : i32
    %dma_start3A_695 = tpu.memref_slice %arg11[%dma_start3A_694] : memref<8192xi32, #tpu.memory_space<vmem>> -> memref<128xi32, #tpu.memory_space<vmem>>
    %dma_start3A_696 = arith.constant 0 : i32
    %dma_start3A_697 = tpu.memref_slice %arg4[%dma_start3A_696] : memref<32002048xf32, #tpu.memory_space<hbm>> -> memref<32002048xf32, #tpu.memory_space<hbm>>
    tpu.enqueue_indirect_dma source(%dma_start3A_697 : memref<32002048xf32, #tpu.memory_space<hbm>>) target(%dma_start3A_693 : memref<128xf32, #tpu.memory_space<vmem>>) offsets(%dma_start3A_695 : memref<128xi32, #tpu.memory_space<vmem>>) semaphore(%arg19 : memref<!tpu.dma_semaphore, #tpu.memory_space<semaphore_mem>>)
    %dma_start3A_698 = arith.constant 7296 : i32
    %dma_start3A_699 = tpu.memref_slice %arg14[%dma_start3A_698] : memref<8192xf32, #tpu.memory_space<vmem>> -> memref<128xf32, #tpu.memory_space<vmem>>
    %dma_start3A_700 = arith.constant 7296 : i32
    %dma_start3A_701 = tpu.memref_slice %arg12[%dma_start3A_700] : memref<8192xi32, #tpu.memory_space<vmem>> -> memref<128xi32, #tpu.memory_space<vmem>>
    %dma_start3A_702 = arith.constant 0 : i32
    %dma_start3A_703 = tpu.memref_slice %arg4[%dma_start3A_702] : memref<32002048xf32, #tpu.memory_space<hbm>> -> memref<32002048xf32, #tpu.memory_space<hbm>>
    tpu.enqueue_indirect_dma source(%dma_start3A_703 : memref<32002048xf32, #tpu.memory_space<hbm>>) target(%dma_start3A_699 : memref<128xf32, #tpu.memory_space<vmem>>) offsets(%dma_start3A_701 : memref<128xi32, #tpu.memory_space<vmem>>) semaphore(%arg19 : memref<!tpu.dma_semaphore, #tpu.memory_space<semaphore_mem>>)
    %dma_start3A_704 = arith.constant 7424 : i32
    %dma_start3A_705 = tpu.memref_slice %arg13[%dma_start3A_704] : memref<8192xf32, #tpu.memory_space<vmem>> -> memref<128xf32, #tpu.memory_space<vmem>>
    %dma_start3A_706 = arith.constant 7424 : i32
    %dma_start3A_707 = tpu.memref_slice %arg11[%dma_start3A_706] : memref<8192xi32, #tpu.memory_space<vmem>> -> memref<128xi32, #tpu.memory_space<vmem>>
    %dma_start3A_708 = arith.constant 0 : i32
    %dma_start3A_709 = tpu.memref_slice %arg4[%dma_start3A_708] : memref<32002048xf32, #tpu.memory_space<hbm>> -> memref<32002048xf32, #tpu.memory_space<hbm>>
    tpu.enqueue_indirect_dma source(%dma_start3A_709 : memref<32002048xf32, #tpu.memory_space<hbm>>) target(%dma_start3A_705 : memref<128xf32, #tpu.memory_space<vmem>>) offsets(%dma_start3A_707 : memref<128xi32, #tpu.memory_space<vmem>>) semaphore(%arg19 : memref<!tpu.dma_semaphore, #tpu.memory_space<semaphore_mem>>)
    %dma_start3A_710 = arith.constant 7424 : i32
    %dma_start3A_711 = tpu.memref_slice %arg14[%dma_start3A_710] : memref<8192xf32, #tpu.memory_space<vmem>> -> memref<128xf32, #tpu.memory_space<vmem>>
    %dma_start3A_712 = arith.constant 7424 : i32
    %dma_start3A_713 = tpu.memref_slice %arg12[%dma_start3A_712] : memref<8192xi32, #tpu.memory_space<vmem>> -> memref<128xi32, #tpu.memory_space<vmem>>
    %dma_start3A_714 = arith.constant 0 : i32
    %dma_start3A_715 = tpu.memref_slice %arg4[%dma_start3A_714] : memref<32002048xf32, #tpu.memory_space<hbm>> -> memref<32002048xf32, #tpu.memory_space<hbm>>
    tpu.enqueue_indirect_dma source(%dma_start3A_715 : memref<32002048xf32, #tpu.memory_space<hbm>>) target(%dma_start3A_711 : memref<128xf32, #tpu.memory_space<vmem>>) offsets(%dma_start3A_713 : memref<128xi32, #tpu.memory_space<vmem>>) semaphore(%arg19 : memref<!tpu.dma_semaphore, #tpu.memory_space<semaphore_mem>>)
    %dma_start3A_716 = arith.constant 7552 : i32
    %dma_start3A_717 = tpu.memref_slice %arg13[%dma_start3A_716] : memref<8192xf32, #tpu.memory_space<vmem>> -> memref<128xf32, #tpu.memory_space<vmem>>
    %dma_start3A_718 = arith.constant 7552 : i32
    %dma_start3A_719 = tpu.memref_slice %arg11[%dma_start3A_718] : memref<8192xi32, #tpu.memory_space<vmem>> -> memref<128xi32, #tpu.memory_space<vmem>>
    %dma_start3A_720 = arith.constant 0 : i32
    %dma_start3A_721 = tpu.memref_slice %arg4[%dma_start3A_720] : memref<32002048xf32, #tpu.memory_space<hbm>> -> memref<32002048xf32, #tpu.memory_space<hbm>>
    tpu.enqueue_indirect_dma source(%dma_start3A_721 : memref<32002048xf32, #tpu.memory_space<hbm>>) target(%dma_start3A_717 : memref<128xf32, #tpu.memory_space<vmem>>) offsets(%dma_start3A_719 : memref<128xi32, #tpu.memory_space<vmem>>) semaphore(%arg19 : memref<!tpu.dma_semaphore, #tpu.memory_space<semaphore_mem>>)
    %dma_start3A_722 = arith.constant 7552 : i32
    %dma_start3A_723 = tpu.memref_slice %arg14[%dma_start3A_722] : memref<8192xf32, #tpu.memory_space<vmem>> -> memref<128xf32, #tpu.memory_space<vmem>>
    %dma_start3A_724 = arith.constant 7552 : i32
    %dma_start3A_725 = tpu.memref_slice %arg12[%dma_start3A_724] : memref<8192xi32, #tpu.memory_space<vmem>> -> memref<128xi32, #tpu.memory_space<vmem>>
    %dma_start3A_726 = arith.constant 0 : i32
    %dma_start3A_727 = tpu.memref_slice %arg4[%dma_start3A_726] : memref<32002048xf32, #tpu.memory_space<hbm>> -> memref<32002048xf32, #tpu.memory_space<hbm>>
    tpu.enqueue_indirect_dma source(%dma_start3A_727 : memref<32002048xf32, #tpu.memory_space<hbm>>) target(%dma_start3A_723 : memref<128xf32, #tpu.memory_space<vmem>>) offsets(%dma_start3A_725 : memref<128xi32, #tpu.memory_space<vmem>>) semaphore(%arg19 : memref<!tpu.dma_semaphore, #tpu.memory_space<semaphore_mem>>)
    %dma_start3A_728 = arith.constant 7680 : i32
    %dma_start3A_729 = tpu.memref_slice %arg13[%dma_start3A_728] : memref<8192xf32, #tpu.memory_space<vmem>> -> memref<128xf32, #tpu.memory_space<vmem>>
    %dma_start3A_730 = arith.constant 7680 : i32
    %dma_start3A_731 = tpu.memref_slice %arg11[%dma_start3A_730] : memref<8192xi32, #tpu.memory_space<vmem>> -> memref<128xi32, #tpu.memory_space<vmem>>
    %dma_start3A_732 = arith.constant 0 : i32
    %dma_start3A_733 = tpu.memref_slice %arg4[%dma_start3A_732] : memref<32002048xf32, #tpu.memory_space<hbm>> -> memref<32002048xf32, #tpu.memory_space<hbm>>
    tpu.enqueue_indirect_dma source(%dma_start3A_733 : memref<32002048xf32, #tpu.memory_space<hbm>>) target(%dma_start3A_729 : memref<128xf32, #tpu.memory_space<vmem>>) offsets(%dma_start3A_731 : memref<128xi32, #tpu.memory_space<vmem>>) semaphore(%arg19 : memref<!tpu.dma_semaphore, #tpu.memory_space<semaphore_mem>>)
    %dma_start3A_734 = arith.constant 7680 : i32
    %dma_start3A_735 = tpu.memref_slice %arg14[%dma_start3A_734] : memref<8192xf32, #tpu.memory_space<vmem>> -> memref<128xf32, #tpu.memory_space<vmem>>
    %dma_start3A_736 = arith.constant 7680 : i32
    %dma_start3A_737 = tpu.memref_slice %arg12[%dma_start3A_736] : memref<8192xi32, #tpu.memory_space<vmem>> -> memref<128xi32, #tpu.memory_space<vmem>>
    %dma_start3A_738 = arith.constant 0 : i32
    %dma_start3A_739 = tpu.memref_slice %arg4[%dma_start3A_738] : memref<32002048xf32, #tpu.memory_space<hbm>> -> memref<32002048xf32, #tpu.memory_space<hbm>>
    tpu.enqueue_indirect_dma source(%dma_start3A_739 : memref<32002048xf32, #tpu.memory_space<hbm>>) target(%dma_start3A_735 : memref<128xf32, #tpu.memory_space<vmem>>) offsets(%dma_start3A_737 : memref<128xi32, #tpu.memory_space<vmem>>) semaphore(%arg19 : memref<!tpu.dma_semaphore, #tpu.memory_space<semaphore_mem>>)
    %dma_start3A_740 = arith.constant 7808 : i32
    %dma_start3A_741 = tpu.memref_slice %arg13[%dma_start3A_740] : memref<8192xf32, #tpu.memory_space<vmem>> -> memref<128xf32, #tpu.memory_space<vmem>>
    %dma_start3A_742 = arith.constant 7808 : i32
    %dma_start3A_743 = tpu.memref_slice %arg11[%dma_start3A_742] : memref<8192xi32, #tpu.memory_space<vmem>> -> memref<128xi32, #tpu.memory_space<vmem>>
    %dma_start3A_744 = arith.constant 0 : i32
    %dma_start3A_745 = tpu.memref_slice %arg4[%dma_start3A_744] : memref<32002048xf32, #tpu.memory_space<hbm>> -> memref<32002048xf32, #tpu.memory_space<hbm>>
    tpu.enqueue_indirect_dma source(%dma_start3A_745 : memref<32002048xf32, #tpu.memory_space<hbm>>) target(%dma_start3A_741 : memref<128xf32, #tpu.memory_space<vmem>>) offsets(%dma_start3A_743 : memref<128xi32, #tpu.memory_space<vmem>>) semaphore(%arg19 : memref<!tpu.dma_semaphore, #tpu.memory_space<semaphore_mem>>)
    %dma_start3A_746 = arith.constant 7808 : i32
    %dma_start3A_747 = tpu.memref_slice %arg14[%dma_start3A_746] : memref<8192xf32, #tpu.memory_space<vmem>> -> memref<128xf32, #tpu.memory_space<vmem>>
    %dma_start3A_748 = arith.constant 7808 : i32
    %dma_start3A_749 = tpu.memref_slice %arg12[%dma_start3A_748] : memref<8192xi32, #tpu.memory_space<vmem>> -> memref<128xi32, #tpu.memory_space<vmem>>
    %dma_start3A_750 = arith.constant 0 : i32
    %dma_start3A_751 = tpu.memref_slice %arg4[%dma_start3A_750] : memref<32002048xf32, #tpu.memory_space<hbm>> -> memref<32002048xf32, #tpu.memory_space<hbm>>
    tpu.enqueue_indirect_dma source(%dma_start3A_751 : memref<32002048xf32, #tpu.memory_space<hbm>>) target(%dma_start3A_747 : memref<128xf32, #tpu.memory_space<vmem>>) offsets(%dma_start3A_749 : memref<128xi32, #tpu.memory_space<vmem>>) semaphore(%arg19 : memref<!tpu.dma_semaphore, #tpu.memory_space<semaphore_mem>>)
    %dma_start3A_752 = arith.constant 7936 : i32
    %dma_start3A_753 = tpu.memref_slice %arg13[%dma_start3A_752] : memref<8192xf32, #tpu.memory_space<vmem>> -> memref<128xf32, #tpu.memory_space<vmem>>
    %dma_start3A_754 = arith.constant 7936 : i32
    %dma_start3A_755 = tpu.memref_slice %arg11[%dma_start3A_754] : memref<8192xi32, #tpu.memory_space<vmem>> -> memref<128xi32, #tpu.memory_space<vmem>>
    %dma_start3A_756 = arith.constant 0 : i32
    %dma_start3A_757 = tpu.memref_slice %arg4[%dma_start3A_756] : memref<32002048xf32, #tpu.memory_space<hbm>> -> memref<32002048xf32, #tpu.memory_space<hbm>>
    tpu.enqueue_indirect_dma source(%dma_start3A_757 : memref<32002048xf32, #tpu.memory_space<hbm>>) target(%dma_start3A_753 : memref<128xf32, #tpu.memory_space<vmem>>) offsets(%dma_start3A_755 : memref<128xi32, #tpu.memory_space<vmem>>) semaphore(%arg19 : memref<!tpu.dma_semaphore, #tpu.memory_space<semaphore_mem>>)
    %dma_start3A_758 = arith.constant 7936 : i32
    %dma_start3A_759 = tpu.memref_slice %arg14[%dma_start3A_758] : memref<8192xf32, #tpu.memory_space<vmem>> -> memref<128xf32, #tpu.memory_space<vmem>>
    %dma_start3A_760 = arith.constant 7936 : i32
    %dma_start3A_761 = tpu.memref_slice %arg12[%dma_start3A_760] : memref<8192xi32, #tpu.memory_space<vmem>> -> memref<128xi32, #tpu.memory_space<vmem>>
    %dma_start3A_762 = arith.constant 0 : i32
    %dma_start3A_763 = tpu.memref_slice %arg4[%dma_start3A_762] : memref<32002048xf32, #tpu.memory_space<hbm>> -> memref<32002048xf32, #tpu.memory_space<hbm>>
    tpu.enqueue_indirect_dma source(%dma_start3A_763 : memref<32002048xf32, #tpu.memory_space<hbm>>) target(%dma_start3A_759 : memref<128xf32, #tpu.memory_space<vmem>>) offsets(%dma_start3A_761 : memref<128xi32, #tpu.memory_space<vmem>>) semaphore(%arg19 : memref<!tpu.dma_semaphore, #tpu.memory_space<semaphore_mem>>)
    %dma_start3A_764 = arith.constant 8064 : i32
    %dma_start3A_765 = tpu.memref_slice %arg13[%dma_start3A_764] : memref<8192xf32, #tpu.memory_space<vmem>> -> memref<128xf32, #tpu.memory_space<vmem>>
    %dma_start3A_766 = arith.constant 8064 : i32
    %dma_start3A_767 = tpu.memref_slice %arg11[%dma_start3A_766] : memref<8192xi32, #tpu.memory_space<vmem>> -> memref<128xi32, #tpu.memory_space<vmem>>
    %dma_start3A_768 = arith.constant 0 : i32
    %dma_start3A_769 = tpu.memref_slice %arg4[%dma_start3A_768] : memref<32002048xf32, #tpu.memory_space<hbm>> -> memref<32002048xf32, #tpu.memory_space<hbm>>
    tpu.enqueue_indirect_dma source(%dma_start3A_769 : memref<32002048xf32, #tpu.memory_space<hbm>>) target(%dma_start3A_765 : memref<128xf32, #tpu.memory_space<vmem>>) offsets(%dma_start3A_767 : memref<128xi32, #tpu.memory_space<vmem>>) semaphore(%arg19 : memref<!tpu.dma_semaphore, #tpu.memory_space<semaphore_mem>>)
    %dma_start3A_770 = arith.constant 8064 : i32
    %dma_start3A_771 = tpu.memref_slice %arg14[%dma_start3A_770] : memref<8192xf32, #tpu.memory_space<vmem>> -> memref<128xf32, #tpu.memory_space<vmem>>
    %dma_start3A_772 = arith.constant 8064 : i32
    %dma_start3A_773 = tpu.memref_slice %arg12[%dma_start3A_772] : memref<8192xi32, #tpu.memory_space<vmem>> -> memref<128xi32, #tpu.memory_space<vmem>>
    %dma_start3A_774 = arith.constant 0 : i32
    %dma_start3A_775 = tpu.memref_slice %arg4[%dma_start3A_774] : memref<32002048xf32, #tpu.memory_space<hbm>> -> memref<32002048xf32, #tpu.memory_space<hbm>>
    tpu.enqueue_indirect_dma source(%dma_start3A_775 : memref<32002048xf32, #tpu.memory_space<hbm>>) target(%dma_start3A_771 : memref<128xf32, #tpu.memory_space<vmem>>) offsets(%dma_start3A_773 : memref<128xi32, #tpu.memory_space<vmem>>) semaphore(%arg19 : memref<!tpu.dma_semaphore, #tpu.memory_space<semaphore_mem>>)
    %dma_start3A_776 = arith.constant 0 : i32
    %dma_start3A_777 = tpu.memref_slice %arg15[%dma_start3A_776] : memref<512xf32, #tpu.memory_space<vmem>> -> memref<128xf32, #tpu.memory_space<vmem>>
    %dma_start3A_778 = arith.constant 0 : i32
    %dma_start3A_779 = tpu.memref_slice %arg9[%dma_start3A_778] : memref<512xi32, #tpu.memory_space<vmem>> -> memref<128xi32, #tpu.memory_space<vmem>>
    %dma_start3A_780 = arith.constant 0 : i32
    %dma_start3A_781 = tpu.memref_slice %arg5[%dma_start3A_780] : memref<1000000xf32, #tpu.memory_space<hbm>> -> memref<1000000xf32, #tpu.memory_space<hbm>>
    tpu.enqueue_indirect_dma source(%dma_start3A_781 : memref<1000000xf32, #tpu.memory_space<hbm>>) target(%dma_start3A_777 : memref<128xf32, #tpu.memory_space<vmem>>) offsets(%dma_start3A_779 : memref<128xi32, #tpu.memory_space<vmem>>) semaphore(%arg19 : memref<!tpu.dma_semaphore, #tpu.memory_space<semaphore_mem>>)
    %dma_start3A_782 = arith.constant 0 : i32
    %dma_start3A_783 = tpu.memref_slice %arg16[%dma_start3A_782] : memref<512xf32, #tpu.memory_space<vmem>> -> memref<128xf32, #tpu.memory_space<vmem>>
    %dma_start3A_784 = arith.constant 0 : i32
    %dma_start3A_785 = tpu.memref_slice %arg10[%dma_start3A_784] : memref<512xi32, #tpu.memory_space<vmem>> -> memref<128xi32, #tpu.memory_space<vmem>>
    %dma_start3A_786 = arith.constant 0 : i32
    %dma_start3A_787 = tpu.memref_slice %arg6[%dma_start3A_786] : memref<1000000xf32, #tpu.memory_space<hbm>> -> memref<1000000xf32, #tpu.memory_space<hbm>>
    tpu.enqueue_indirect_dma source(%dma_start3A_787 : memref<1000000xf32, #tpu.memory_space<hbm>>) target(%dma_start3A_783 : memref<128xf32, #tpu.memory_space<vmem>>) offsets(%dma_start3A_785 : memref<128xi32, #tpu.memory_space<vmem>>) semaphore(%arg19 : memref<!tpu.dma_semaphore, #tpu.memory_space<semaphore_mem>>)
    %dma_start3A_788 = arith.constant 128 : i32
    %dma_start3A_789 = tpu.memref_slice %arg15[%dma_start3A_788] : memref<512xf32, #tpu.memory_space<vmem>> -> memref<128xf32, #tpu.memory_space<vmem>>
    %dma_start3A_790 = arith.constant 128 : i32
    %dma_start3A_791 = tpu.memref_slice %arg9[%dma_start3A_790] : memref<512xi32, #tpu.memory_space<vmem>> -> memref<128xi32, #tpu.memory_space<vmem>>
    %dma_start3A_792 = arith.constant 0 : i32
    %dma_start3A_793 = tpu.memref_slice %arg5[%dma_start3A_792] : memref<1000000xf32, #tpu.memory_space<hbm>> -> memref<1000000xf32, #tpu.memory_space<hbm>>
    tpu.enqueue_indirect_dma source(%dma_start3A_793 : memref<1000000xf32, #tpu.memory_space<hbm>>) target(%dma_start3A_789 : memref<128xf32, #tpu.memory_space<vmem>>) offsets(%dma_start3A_791 : memref<128xi32, #tpu.memory_space<vmem>>) semaphore(%arg19 : memref<!tpu.dma_semaphore, #tpu.memory_space<semaphore_mem>>)
    %dma_start3A_794 = arith.constant 128 : i32
    %dma_start3A_795 = tpu.memref_slice %arg16[%dma_start3A_794] : memref<512xf32, #tpu.memory_space<vmem>> -> memref<128xf32, #tpu.memory_space<vmem>>
    %dma_start3A_796 = arith.constant 128 : i32
    %dma_start3A_797 = tpu.memref_slice %arg10[%dma_start3A_796] : memref<512xi32, #tpu.memory_space<vmem>> -> memref<128xi32, #tpu.memory_space<vmem>>
    %dma_start3A_798 = arith.constant 0 : i32
    %dma_start3A_799 = tpu.memref_slice %arg6[%dma_start3A_798] : memref<1000000xf32, #tpu.memory_space<hbm>> -> memref<1000000xf32, #tpu.memory_space<hbm>>
    tpu.enqueue_indirect_dma source(%dma_start3A_799 : memref<1000000xf32, #tpu.memory_space<hbm>>) target(%dma_start3A_795 : memref<128xf32, #tpu.memory_space<vmem>>) offsets(%dma_start3A_797 : memref<128xi32, #tpu.memory_space<vmem>>) semaphore(%arg19 : memref<!tpu.dma_semaphore, #tpu.memory_space<semaphore_mem>>)
    %dma_start3A_800 = arith.constant 256 : i32
    %dma_start3A_801 = tpu.memref_slice %arg15[%dma_start3A_800] : memref<512xf32, #tpu.memory_space<vmem>> -> memref<128xf32, #tpu.memory_space<vmem>>
    %dma_start3A_802 = arith.constant 256 : i32
    %dma_start3A_803 = tpu.memref_slice %arg9[%dma_start3A_802] : memref<512xi32, #tpu.memory_space<vmem>> -> memref<128xi32, #tpu.memory_space<vmem>>
    %dma_start3A_804 = arith.constant 0 : i32
    %dma_start3A_805 = tpu.memref_slice %arg5[%dma_start3A_804] : memref<1000000xf32, #tpu.memory_space<hbm>> -> memref<1000000xf32, #tpu.memory_space<hbm>>
    tpu.enqueue_indirect_dma source(%dma_start3A_805 : memref<1000000xf32, #tpu.memory_space<hbm>>) target(%dma_start3A_801 : memref<128xf32, #tpu.memory_space<vmem>>) offsets(%dma_start3A_803 : memref<128xi32, #tpu.memory_space<vmem>>) semaphore(%arg19 : memref<!tpu.dma_semaphore, #tpu.memory_space<semaphore_mem>>)
    %dma_start3A_806 = arith.constant 256 : i32
    %dma_start3A_807 = tpu.memref_slice %arg16[%dma_start3A_806] : memref<512xf32, #tpu.memory_space<vmem>> -> memref<128xf32, #tpu.memory_space<vmem>>
    %dma_start3A_808 = arith.constant 256 : i32
    %dma_start3A_809 = tpu.memref_slice %arg10[%dma_start3A_808] : memref<512xi32, #tpu.memory_space<vmem>> -> memref<128xi32, #tpu.memory_space<vmem>>
    %dma_start3A_810 = arith.constant 0 : i32
    %dma_start3A_811 = tpu.memref_slice %arg6[%dma_start3A_810] : memref<1000000xf32, #tpu.memory_space<hbm>> -> memref<1000000xf32, #tpu.memory_space<hbm>>
    tpu.enqueue_indirect_dma source(%dma_start3A_811 : memref<1000000xf32, #tpu.memory_space<hbm>>) target(%dma_start3A_807 : memref<128xf32, #tpu.memory_space<vmem>>) offsets(%dma_start3A_809 : memref<128xi32, #tpu.memory_space<vmem>>) semaphore(%arg19 : memref<!tpu.dma_semaphore, #tpu.memory_space<semaphore_mem>>)
    %dma_start3A_812 = arith.constant 384 : i32
    %dma_start3A_813 = tpu.memref_slice %arg15[%dma_start3A_812] : memref<512xf32, #tpu.memory_space<vmem>> -> memref<128xf32, #tpu.memory_space<vmem>>
    %dma_start3A_814 = arith.constant 384 : i32
    %dma_start3A_815 = tpu.memref_slice %arg9[%dma_start3A_814] : memref<512xi32, #tpu.memory_space<vmem>> -> memref<128xi32, #tpu.memory_space<vmem>>
    %dma_start3A_816 = arith.constant 0 : i32
    %dma_start3A_817 = tpu.memref_slice %arg5[%dma_start3A_816] : memref<1000000xf32, #tpu.memory_space<hbm>> -> memref<1000000xf32, #tpu.memory_space<hbm>>
    tpu.enqueue_indirect_dma source(%dma_start3A_817 : memref<1000000xf32, #tpu.memory_space<hbm>>) target(%dma_start3A_813 : memref<128xf32, #tpu.memory_space<vmem>>) offsets(%dma_start3A_815 : memref<128xi32, #tpu.memory_space<vmem>>) semaphore(%arg19 : memref<!tpu.dma_semaphore, #tpu.memory_space<semaphore_mem>>)
    %dma_start3A_818 = arith.constant 384 : i32
    %dma_start3A_819 = tpu.memref_slice %arg16[%dma_start3A_818] : memref<512xf32, #tpu.memory_space<vmem>> -> memref<128xf32, #tpu.memory_space<vmem>>
    %dma_start3A_820 = arith.constant 384 : i32
    %dma_start3A_821 = tpu.memref_slice %arg10[%dma_start3A_820] : memref<512xi32, #tpu.memory_space<vmem>> -> memref<128xi32, #tpu.memory_space<vmem>>
    %dma_start3A_822 = arith.constant 0 : i32
    %dma_start3A_823 = tpu.memref_slice %arg6[%dma_start3A_822] : memref<1000000xf32, #tpu.memory_space<hbm>> -> memref<1000000xf32, #tpu.memory_space<hbm>>
    tpu.enqueue_indirect_dma source(%dma_start3A_823 : memref<1000000xf32, #tpu.memory_space<hbm>>) target(%dma_start3A_819 : memref<128xf32, #tpu.memory_space<vmem>>) offsets(%dma_start3A_821 : memref<128xi32, #tpu.memory_space<vmem>>) semaphore(%arg19 : memref<!tpu.dma_semaphore, #tpu.memory_space<semaphore_mem>>)
    %dma_wait3A = arith.constant 0 : i32
    %dma_wait3A_824 = tpu.memref_slice %arg2[%dma_wait3A] : memref<16384xi32, #tpu.memory_space<hbm>> -> memref<8192xi32, #tpu.memory_space<hbm>>
    %dma_wait3A_825 = arith.constant 0 : i32
    %dma_wait3A_826 = tpu.memref_slice %arg2[%dma_wait3A_825] : memref<16384xi32, #tpu.memory_space<hbm>> -> memref<8192xi32, #tpu.memory_space<hbm>>
    tpu.wait_dma2 semaphore(%arg19 : memref<!tpu.dma_semaphore, #tpu.memory_space<semaphore_mem>>) src(%dma_wait3A_826 : memref<8192xi32, #tpu.memory_space<hbm>>) dst(%arg13 : memref<8192xf32, #tpu.memory_space<vmem>>)
    %dma_wait3A_827 = arith.constant 0 : i32
    %dma_wait3A_828 = tpu.memref_slice %arg2[%dma_wait3A_827] : memref<16384xi32, #tpu.memory_space<hbm>> -> memref<8192xi32, #tpu.memory_space<hbm>>
    %dma_wait3A_829 = arith.constant 0 : i32
    %dma_wait3A_830 = tpu.memref_slice %arg2[%dma_wait3A_829] : memref<16384xi32, #tpu.memory_space<hbm>> -> memref<8192xi32, #tpu.memory_space<hbm>>
    tpu.wait_dma2 semaphore(%arg19 : memref<!tpu.dma_semaphore, #tpu.memory_space<semaphore_mem>>) src(%dma_wait3A_830 : memref<8192xi32, #tpu.memory_space<hbm>>) dst(%arg14 : memref<8192xf32, #tpu.memory_space<vmem>>)
    %dma_wait3A_831 = arith.constant 0 : i32
    %dma_wait3A_832 = tpu.memref_slice %arg2[%dma_wait3A_831] : memref<16384xi32, #tpu.memory_space<hbm>> -> memref<512xi32, #tpu.memory_space<hbm>>
    %dma_wait3A_833 = arith.constant 0 : i32
    %dma_wait3A_834 = tpu.memref_slice %arg2[%dma_wait3A_833] : memref<16384xi32, #tpu.memory_space<hbm>> -> memref<512xi32, #tpu.memory_space<hbm>>
    tpu.wait_dma2 semaphore(%arg19 : memref<!tpu.dma_semaphore, #tpu.memory_space<semaphore_mem>>) src(%dma_wait3A_834 : memref<512xi32, #tpu.memory_space<hbm>>) dst(%arg15 : memref<512xf32, #tpu.memory_space<vmem>>)
    %dma_wait3A_835 = arith.constant 0 : i32
    %dma_wait3A_836 = tpu.memref_slice %arg2[%dma_wait3A_835] : memref<16384xi32, #tpu.memory_space<hbm>> -> memref<512xi32, #tpu.memory_space<hbm>>
    %dma_wait3A_837 = arith.constant 0 : i32
    %dma_wait3A_838 = tpu.memref_slice %arg2[%dma_wait3A_837] : memref<16384xi32, #tpu.memory_space<hbm>> -> memref<512xi32, #tpu.memory_space<hbm>>
    tpu.wait_dma2 semaphore(%arg19 : memref<!tpu.dma_semaphore, #tpu.memory_space<semaphore_mem>>) src(%dma_wait3A_838 : memref<512xi32, #tpu.memory_space<hbm>>) dst(%arg16 : memref<512xf32, #tpu.memory_space<vmem>>)
    %get3A = arith.constant 0 : index
    %get3A_839 = tpu.vector_load %arg17[%get3A] {strides = array<i32>} : memref<16xf32, #tpu.memory_space<vmem>>, vector<16xf32>,
    %scan3A_840 = arith.constant 0 : i32
    %scan3A_841 = arith.constant 0 : i32
    %scan3A_842 = arith.constant 32 : i32
    %scan3A_843 = arith.addi %scan3A_841, %scan3A_842 : i32
    %scan3A_844 = arith.constant 1 : i32
    %scan3A_845 = scf.for %scan3A_847 = %scan3A_841 to %scan3A_843 step %scan3A_844 iter_args(%scan3A_848 = %scan3A_840) -> (i32)  : i32 {
      %mul3A_849 = arith.constant 16 : i32
      %mul3A_850 = arith.muli %scan3A_847, %mul3A_849 : i32
      %get3A_851 = arith.index_cast %mul3A_850 : i32 to index
      %get3A_852 = tpu.vector_load %arg15[%get3A_851] {strides = array<i32>} : memref<512xf32, #tpu.memory_space<vmem>>, vector<16xf32>,
      %get3A_853 = arith.index_cast %mul3A_850 : i32 to index
      %get3A_854 = tpu.vector_load %arg16[%get3A_853] {strides = array<i32>} : memref<512xf32, #tpu.memory_space<vmem>>, vector<16xf32>,
      %add3A_855 = arith.addf %get3A_852, %get3A_854 : vector<16xf32>
      %add3A_856 = arith.addf %add3A_855, %get3A_839 : vector<16xf32>
      %add3A_857 = arith.constant 0 : i32
      %add3A_858 = arith.addi %add3A_857, %mul3A_850 : i32
      %get3A_859 = arith.index_cast %add3A_858 : i32 to index
      %get3A_860 = tpu.vector_load %arg13[%get3A_859] {strides = array<i32>} : memref<8192xf32, #tpu.memory_space<vmem>>, vector<16xf32>,
      %add3A_861 = arith.constant 0 : i32
      %add3A_862 = arith.addi %add3A_861, %mul3A_850 : i32
      %get3A_863 = arith.index_cast %add3A_862 : i32 to index
      %get3A_864 = tpu.vector_load %arg14[%get3A_863] {strides = array<i32>} : memref<8192xf32, #tpu.memory_space<vmem>>, vector<16xf32>,
      %mul3A_865 = arith.mulf %get3A_860, %get3A_864 : vector<16xf32>
      %add3A_866 = arith.addf %add3A_856, %mul3A_865 : vector<16xf32>
      %add3A_867 = arith.constant 512 : i32
      %add3A_868 = arith.addi %add3A_867, %mul3A_850 : i32
      %get3A_869 = arith.index_cast %add3A_868 : i32 to index
      %get3A_870 = tpu.vector_load %arg13[%get3A_869] {strides = array<i32>} : memref<8192xf32, #tpu.memory_space<vmem>>, vector<16xf32>,
      %add3A_871 = arith.constant 512 : i32
      %add3A_872 = arith.addi %add3A_871, %mul3A_850 : i32
      %get3A_873 = arith.index_cast %add3A_872 : i32 to index
      %get3A_874 = tpu.vector_load %arg14[%get3A_873] {strides = array<i32>} : memref<8192xf32, #tpu.memory_space<vmem>>, vector<16xf32>,
      %mul3A_875 = arith.mulf %get3A_870, %get3A_874 : vector<16xf32>
      %add3A_876 = arith.addf %add3A_866, %mul3A_875 : vector<16xf32>
      %add3A_877 = arith.constant 1024 : i32
      %add3A_878 = arith.addi %add3A_877, %mul3A_850 : i32
      %get3A_879 = arith.index_cast %add3A_878 : i32 to index
      %get3A_880 = tpu.vector_load %arg13[%get3A_879] {strides = array<i32>} : memref<8192xf32, #tpu.memory_space<vmem>>, vector<16xf32>,
      %add3A_881 = arith.constant 1024 : i32
      %add3A_882 = arith.addi %add3A_881, %mul3A_850 : i32
      %get3A_883 = arith.index_cast %add3A_882 : i32 to index
      %get3A_884 = tpu.vector_load %arg14[%get3A_883] {strides = array<i32>} : memref<8192xf32, #tpu.memory_space<vmem>>, vector<16xf32>,
      %mul3A_885 = arith.mulf %get3A_880, %get3A_884 : vector<16xf32>
      %add3A_886 = arith.addf %add3A_876, %mul3A_885 : vector<16xf32>
      %add3A_887 = arith.constant 1536 : i32
      %add3A_888 = arith.addi %add3A_887, %mul3A_850 : i32
      %get3A_889 = arith.index_cast %add3A_888 : i32 to index
      %get3A_890 = tpu.vector_load %arg13[%get3A_889] {strides = array<i32>} : memref<8192xf32, #tpu.memory_space<vmem>>, vector<16xf32>,
      %add3A_891 = arith.constant 1536 : i32
      %add3A_892 = arith.addi %add3A_891, %mul3A_850 : i32
      %get3A_893 = arith.index_cast %add3A_892 : i32 to index
      %get3A_894 = tpu.vector_load %arg14[%get3A_893] {strides = array<i32>} : memref<8192xf32, #tpu.memory_space<vmem>>, vector<16xf32>,
      %mul3A_895 = arith.mulf %get3A_890, %get3A_894 : vector<16xf32>
      %add3A_896 = arith.addf %add3A_886, %mul3A_895 : vector<16xf32>
      %add3A_897 = arith.constant 2048 : i32
      %add3A_898 = arith.addi %add3A_897, %mul3A_850 : i32
      %get3A_899 = arith.index_cast %add3A_898 : i32 to index
      %get3A_900 = tpu.vector_load %arg13[%get3A_899] {strides = array<i32>} : memref<8192xf32, #tpu.memory_space<vmem>>, vector<16xf32>,
      %add3A_901 = arith.constant 2048 : i32
      %add3A_902 = arith.addi %add3A_901, %mul3A_850 : i32
      %get3A_903 = arith.index_cast %add3A_902 : i32 to index
      %get3A_904 = tpu.vector_load %arg14[%get3A_903] {strides = array<i32>} : memref<8192xf32, #tpu.memory_space<vmem>>, vector<16xf32>,
      %mul3A_905 = arith.mulf %get3A_900, %get3A_904 : vector<16xf32>
      %add3A_906 = arith.addf %add3A_896, %mul3A_905 : vector<16xf32>
      %add3A_907 = arith.constant 2560 : i32
      %add3A_908 = arith.addi %add3A_907, %mul3A_850 : i32
      %get3A_909 = arith.index_cast %add3A_908 : i32 to index
      %get3A_910 = tpu.vector_load %arg13[%get3A_909] {strides = array<i32>} : memref<8192xf32, #tpu.memory_space<vmem>>, vector<16xf32>,
      %add3A_911 = arith.constant 2560 : i32
      %add3A_912 = arith.addi %add3A_911, %mul3A_850 : i32
      %get3A_913 = arith.index_cast %add3A_912 : i32 to index
      %get3A_914 = tpu.vector_load %arg14[%get3A_913] {strides = array<i32>} : memref<8192xf32, #tpu.memory_space<vmem>>, vector<16xf32>,
      %mul3A_915 = arith.mulf %get3A_910, %get3A_914 : vector<16xf32>
      %add3A_916 = arith.addf %add3A_906, %mul3A_915 : vector<16xf32>
      %add3A_917 = arith.constant 3072 : i32
      %add3A_918 = arith.addi %add3A_917, %mul3A_850 : i32
      %get3A_919 = arith.index_cast %add3A_918 : i32 to index
      %get3A_920 = tpu.vector_load %arg13[%get3A_919] {strides = array<i32>} : memref<8192xf32, #tpu.memory_space<vmem>>, vector<16xf32>,
      %add3A_921 = arith.constant 3072 : i32
      %add3A_922 = arith.addi %add3A_921, %mul3A_850 : i32
      %get3A_923 = arith.index_cast %add3A_922 : i32 to index
      %get3A_924 = tpu.vector_load %arg14[%get3A_923] {strides = array<i32>} : memref<8192xf32, #tpu.memory_space<vmem>>, vector<16xf32>,
      %mul3A_925 = arith.mulf %get3A_920, %get3A_924 : vector<16xf32>
      %add3A_926 = arith.addf %add3A_916, %mul3A_925 : vector<16xf32>
      %add3A_927 = arith.constant 3584 : i32
      %add3A_928 = arith.addi %add3A_927, %mul3A_850 : i32
      %get3A_929 = arith.index_cast %add3A_928 : i32 to index
      %get3A_930 = tpu.vector_load %arg13[%get3A_929] {strides = array<i32>} : memref<8192xf32, #tpu.memory_space<vmem>>, vector<16xf32>,
      %add3A_931 = arith.constant 3584 : i32
      %add3A_932 = arith.addi %add3A_931, %mul3A_850 : i32
      %get3A_933 = arith.index_cast %add3A_932 : i32 to index
      %get3A_934 = tpu.vector_load %arg14[%get3A_933] {strides = array<i32>} : memref<8192xf32, #tpu.memory_space<vmem>>, vector<16xf32>,
      %mul3A_935 = arith.mulf %get3A_930, %get3A_934 : vector<16xf32>
      %add3A_936 = arith.addf %add3A_926, %mul3A_935 : vector<16xf32>
      %add3A_937 = arith.constant 4096 : i32
      %add3A_938 = arith.addi %add3A_937, %mul3A_850 : i32
      %get3A_939 = arith.index_cast %add3A_938 : i32 to index
      %get3A_940 = tpu.vector_load %arg13[%get3A_939] {strides = array<i32>} : memref<8192xf32, #tpu.memory_space<vmem>>, vector<16xf32>,
      %add3A_941 = arith.constant 4096 : i32
      %add3A_942 = arith.addi %add3A_941, %mul3A_850 : i32
      %get3A_943 = arith.index_cast %add3A_942 : i32 to index
      %get3A_944 = tpu.vector_load %arg14[%get3A_943] {strides = array<i32>} : memref<8192xf32, #tpu.memory_space<vmem>>, vector<16xf32>,
      %mul3A_945 = arith.mulf %get3A_940, %get3A_944 : vector<16xf32>
      %add3A_946 = arith.addf %add3A_936, %mul3A_945 : vector<16xf32>
      %add3A_947 = arith.constant 4608 : i32
      %add3A_948 = arith.addi %add3A_947, %mul3A_850 : i32
      %get3A_949 = arith.index_cast %add3A_948 : i32 to index
      %get3A_950 = tpu.vector_load %arg13[%get3A_949] {strides = array<i32>} : memref<8192xf32, #tpu.memory_space<vmem>>, vector<16xf32>,
      %add3A_951 = arith.constant 4608 : i32
      %add3A_952 = arith.addi %add3A_951, %mul3A_850 : i32
      %get3A_953 = arith.index_cast %add3A_952 : i32 to index
      %get3A_954 = tpu.vector_load %arg14[%get3A_953] {strides = array<i32>} : memref<8192xf32, #tpu.memory_space<vmem>>, vector<16xf32>,
      %mul3A_955 = arith.mulf %get3A_950, %get3A_954 : vector<16xf32>
      %add3A_956 = arith.addf %add3A_946, %mul3A_955 : vector<16xf32>
      %add3A_957 = arith.constant 5120 : i32
      %add3A_958 = arith.addi %add3A_957, %mul3A_850 : i32
      %get3A_959 = arith.index_cast %add3A_958 : i32 to index
      %get3A_960 = tpu.vector_load %arg13[%get3A_959] {strides = array<i32>} : memref<8192xf32, #tpu.memory_space<vmem>>, vector<16xf32>,
      %add3A_961 = arith.constant 5120 : i32
      %add3A_962 = arith.addi %add3A_961, %mul3A_850 : i32
      %get3A_963 = arith.index_cast %add3A_962 : i32 to index
      %get3A_964 = tpu.vector_load %arg14[%get3A_963] {strides = array<i32>} : memref<8192xf32, #tpu.memory_space<vmem>>, vector<16xf32>,
      %mul3A_965 = arith.mulf %get3A_960, %get3A_964 : vector<16xf32>
      %add3A_966 = arith.addf %add3A_956, %mul3A_965 : vector<16xf32>
      %add3A_967 = arith.constant 5632 : i32
      %add3A_968 = arith.addi %add3A_967, %mul3A_850 : i32
      %get3A_969 = arith.index_cast %add3A_968 : i32 to index
      %get3A_970 = tpu.vector_load %arg13[%get3A_969] {strides = array<i32>} : memref<8192xf32, #tpu.memory_space<vmem>>, vector<16xf32>,
      %add3A_971 = arith.constant 5632 : i32
      %add3A_972 = arith.addi %add3A_971, %mul3A_850 : i32
      %get3A_973 = arith.index_cast %add3A_972 : i32 to index
      %get3A_974 = tpu.vector_load %arg14[%get3A_973] {strides = array<i32>} : memref<8192xf32, #tpu.memory_space<vmem>>, vector<16xf32>,
      %mul3A_975 = arith.mulf %get3A_970, %get3A_974 : vector<16xf32>
      %add3A_976 = arith.addf %add3A_966, %mul3A_975 : vector<16xf32>
      %add3A_977 = arith.constant 6144 : i32
      %add3A_978 = arith.addi %add3A_977, %mul3A_850 : i32
      %get3A_979 = arith.index_cast %add3A_978 : i32 to index
      %get3A_980 = tpu.vector_load %arg13[%get3A_979] {strides = array<i32>} : memref<8192xf32, #tpu.memory_space<vmem>>, vector<16xf32>,
      %add3A_981 = arith.constant 6144 : i32
      %add3A_982 = arith.addi %add3A_981, %mul3A_850 : i32
      %get3A_983 = arith.index_cast %add3A_982 : i32 to index
      %get3A_984 = tpu.vector_load %arg14[%get3A_983] {strides = array<i32>} : memref<8192xf32, #tpu.memory_space<vmem>>, vector<16xf32>,
      %mul3A_985 = arith.mulf %get3A_980, %get3A_984 : vector<16xf32>
      %add3A_986 = arith.addf %add3A_976, %mul3A_985 : vector<16xf32>
      %add3A_987 = arith.constant 6656 : i32
      %add3A_988 = arith.addi %add3A_987, %mul3A_850 : i32
      %get3A_989 = arith.index_cast %add3A_988 : i32 to index
      %get3A_990 = tpu.vector_load %arg13[%get3A_989] {strides = array<i32>} : memref<8192xf32, #tpu.memory_space<vmem>>, vector<16xf32>,
      %add3A_991 = arith.constant 6656 : i32
      %add3A_992 = arith.addi %add3A_991, %mul3A_850 : i32
      %get3A_993 = arith.index_cast %add3A_992 : i32 to index
      %get3A_994 = tpu.vector_load %arg14[%get3A_993] {strides = array<i32>} : memref<8192xf32, #tpu.memory_space<vmem>>, vector<16xf32>,
      %mul3A_995 = arith.mulf %get3A_990, %get3A_994 : vector<16xf32>
      %add3A_996 = arith.addf %add3A_986, %mul3A_995 : vector<16xf32>
      %add3A_997 = arith.constant 7168 : i32
      %add3A_998 = arith.addi %add3A_997, %mul3A_850 : i32
      %get3A_999 = arith.index_cast %add3A_998 : i32 to index
      %get3A_1000 = tpu.vector_load %arg13[%get3A_999] {strides = array<i32>} : memref<8192xf32, #tpu.memory_space<vmem>>, vector<16xf32>,
      %add3A_1001 = arith.constant 7168 : i32
      %add3A_1002 = arith.addi %add3A_1001, %mul3A_850 : i32
      %get3A_1003 = arith.index_cast %add3A_1002 : i32 to index
      %get3A_1004 = tpu.vector_load %arg14[%get3A_1003] {strides = array<i32>} : memref<8192xf32, #tpu.memory_space<vmem>>, vector<16xf32>,
      %mul3A_1005 = arith.mulf %get3A_1000, %get3A_1004 : vector<16xf32>
      %add3A_1006 = arith.addf %add3A_996, %mul3A_1005 : vector<16xf32>
      %add3A_1007 = arith.constant 7680 : i32
      %add3A_1008 = arith.addi %add3A_1007, %mul3A_850 : i32
      %get3A_1009 = arith.index_cast %add3A_1008 : i32 to index
      %get3A_1010 = tpu.vector_load %arg13[%get3A_1009] {strides = array<i32>} : memref<8192xf32, #tpu.memory_space<vmem>>, vector<16xf32>,
      %add3A_1011 = arith.constant 7680 : i32
      %add3A_1012 = arith.addi %add3A_1011, %mul3A_850 : i32
      %get3A_1013 = arith.index_cast %add3A_1012 : i32 to index
      %get3A_1014 = tpu.vector_load %arg14[%get3A_1013] {strides = array<i32>} : memref<8192xf32, #tpu.memory_space<vmem>>, vector<16xf32>,
      %mul3A_1015 = arith.mulf %get3A_1010, %get3A_1014 : vector<16xf32>
      %add3A_1016 = arith.addf %add3A_1006, %mul3A_1015 : vector<16xf32>
      %max3A = arith.constant 1.000000e+00 : f32
      %max3A_1017 = vector.broadcast %max3A : f32 to vector<16xf32>
      %max3A_1018 = arith.maximumf %add3A_1016, %max3A_1017 : vector<16xf32>
      %min3A = arith.constant 5.000000e+00 : f32
      %min3A_1019 = vector.broadcast %min3A : f32 to vector<16xf32>
      %min3A_1020 = arith.minimumf %max3A_1018, %min3A_1019 : vector<16xf32>
      %swap3A = arith.index_cast %mul3A_850 : i32 to index
      %swap3A_1021 = tpu.vector_load %arg18[%swap3A] {strides = array<i32>} : memref<512xf32, #tpu.memory_space<vmem>>, vector<16xf32>,
      tpu.vector_store %arg18[%swap3A], %min3A_1020 {strides = array<i32>} : memref<512xf32, #tpu.memory_space<vmem>>, vector<16xf32>,
      %scan3A_1022 = arith.constant 0 : i32
      scf.yield %scan3A_1022 : i32
    }
    %scan3A_846 = arith.constant 32 : i32
    "tpu.region"() ({
      %run_scoped3A = tpu.sem_alloc : memref<!tpu.dma_semaphore, #tpu.memory_space<semaphore_mem>>
      %dma_start3A_847 = tpu.memref_slice %arg8[%mul3A_2] : memref<16384xf32, #tpu.memory_space<hbm>> -> memref<512xf32, #tpu.memory_space<hbm>>
      %dma_start3A_848 = tpu.memref_slice %arg8[%mul3A_2] : memref<16384xf32, #tpu.memory_space<hbm>> -> memref<512xf32, #tpu.memory_space<hbm>>
      tpu.enqueue_dma source(%arg18 : memref<512xf32, #tpu.memory_space<vmem>>) target(%dma_start3A_848 : memref<512xf32, #tpu.memory_space<hbm>>) target_semaphore(%run_scoped3A : memref<!tpu.dma_semaphore, #tpu.memory_space<semaphore_mem>>)
      %dma_wait3A_849 = tpu.memref_slice %arg8[%mul3A_2] : memref<16384xf32, #tpu.memory_space<hbm>> -> memref<512xf32, #tpu.memory_space<hbm>>
      %dma_wait3A_850 = tpu.memref_slice %arg8[%mul3A_2] : memref<16384xf32, #tpu.memory_space<hbm>> -> memref<512xf32, #tpu.memory_space<hbm>>
      tpu.wait_dma2 semaphore(%run_scoped3A : memref<!tpu.dma_semaphore, #tpu.memory_space<semaphore_mem>>) src(%arg18 : memref<512xf32, #tpu.memory_space<vmem>>) dst(%dma_wait3A_850 : memref<512xf32, #tpu.memory_space<hbm>>)
      tpu.yield
    }) : () -> ()
    return
  }
}

#map = affine_map<(d0, d1) -> (0, 0)>
#map1 = affine_map<(d0, d1) -> (0)>
module attributes {stable_mosaic.version = 14 : i64} {
  func.func @_detile_body(%arg0: i32, %arg1: i32, %arg2: memref<16x1000000xf32, #tpu.memory_space<hbm>>, %arg3: memref<16x1000000xf32, #tpu.memory_space<hbm>>, %arg4: memref<32002048xf32, #tpu.memory_space<hbm>>, %arg5: memref<122880xf32, #tpu.memory_space<vmem>>, %arg6: memref<!tpu.dma_semaphore, #tpu.memory_space<semaphore_mem>>, %arg7: memref<!tpu.dma_semaphore, #tpu.memory_space<semaphore_mem>>) attributes {dimension_semantics = [#tpu.dimension_semantics<core_parallel>, #tpu.dimension_semantics<subcore_parallel>], iteration_bounds = array<i64: 2, 16>, scalar_prefetch = 0 : i64, scratch_operands = 3 : i64, tpu.core_type = #tpu.core_type<sc_vector_subcore>, window_params = [{transform_indices = #map}, {transform_indices = #map}, {transform_indices = #map1}]} {
    %mul3A = arith.constant 2 : i32
    %mul3A_0 = arith.muli %arg1, %mul3A : i32
    %add3A = arith.addi %mul3A_0, %arg0 : i32
    %jit3A = arith.constant 16 : i32
    %div3A = arith.divsi %add3A, %jit3A : i32
    %sign3A = arith.constant 0 : i32
    %sign3A_1 = arith.cmpi sgt, %add3A, %sign3A : i32
    %sign3A_2 = arith.extui %sign3A_1 : i1 to i32
    %sign3A_3 = arith.constant 0 : i32
    %sign3A_4 = arith.cmpi slt, %add3A, %sign3A_3 : i32
    %sign3A_5 = arith.extui %sign3A_4 : i1 to i32
    %sign3A_6 = arith.subi %sign3A_2, %sign3A_5 : i32
    %sign3A_7 = arith.constant 0 : i32
    %sign3A_8 = arith.cmpi sgt, %jit3A, %sign3A_7 : i32
    %sign3A_9 = arith.extui %sign3A_8 : i1 to i32
    %sign3A_10 = arith.constant 0 : i32
    %sign3A_11 = arith.cmpi slt, %jit3A, %sign3A_10 : i32
    %sign3A_12 = arith.extui %sign3A_11 : i1 to i32
    %sign3A_13 = arith.subi %sign3A_9, %sign3A_12 : i32
    %ne3A = arith.cmpi ne, %sign3A_6, %sign3A_13 : i32
    %rem3A = arith.remsi %add3A, %jit3A : i32
    %ne3A_14 = arith.constant 0 : i32
    %ne3A_15 = arith.cmpi ne, %rem3A, %ne3A_14 : i32
    %and3A = arith.andi %ne3A, %ne3A_15 : i1
    %sub3A = arith.constant 1 : i32
    %sub3A_16 = arith.subi %div3A, %sub3A : i32
    %select_n3A = arith.select %and3A, %sub3A_16, %div3A : i32
    %jit3A_17 = arith.constant 16 : i32
    %eq3A = arith.constant 0 : i32
    %eq3A_18 = arith.cmpi eq, %jit3A_17, %eq3A : i32
    %jit3A_19 = arith.constant 1 : i32
    %select_n3A_20 = arith.select %eq3A_18, %jit3A_19, %jit3A_17 : i32
    %rem3A_21 = arith.remsi %add3A, %select_n3A_20 : i32
    %ne3A_22 = arith.constant 0 : i32
    %ne3A_23 = arith.cmpi ne, %rem3A_21, %ne3A_22 : i32
    %lt3A = arith.constant 0 : i32
    %lt3A_24 = arith.cmpi slt, %rem3A_21, %lt3A : i32
    %lt3A_25 = arith.constant 0 : i32
    %lt3A_26 = arith.cmpi slt, %select_n3A_20, %lt3A_25 : i32
    %ne3A_27 = arith.xori %lt3A_24, %lt3A_26 : i1
    %and3A_28 = arith.andi %ne3A_27, %ne3A_23 : i1
    %add3A_29 = arith.addi %rem3A_21, %select_n3A_20 : i32
    %select_n3A_30 = arith.select %and3A_28, %add3A_29, %rem3A_21 : i32
    %jit3A_31 = arith.constant 8 : i32
    %div3A_32 = arith.divsi %select_n3A_30, %jit3A_31 : i32
    %sign3A_33 = arith.constant 0 : i32
    %sign3A_34 = arith.cmpi sgt, %select_n3A_30, %sign3A_33 : i32
    %sign3A_35 = arith.extui %sign3A_34 : i1 to i32
    %sign3A_36 = arith.constant 0 : i32
    %sign3A_37 = arith.cmpi slt, %select_n3A_30, %sign3A_36 : i32
    %sign3A_38 = arith.extui %sign3A_37 : i1 to i32
    %sign3A_39 = arith.subi %sign3A_35, %sign3A_38 : i32
    %sign3A_40 = arith.constant 0 : i32
    %sign3A_41 = arith.cmpi sgt, %jit3A_31, %sign3A_40 : i32
    %sign3A_42 = arith.extui %sign3A_41 : i1 to i32
    %sign3A_43 = arith.constant 0 : i32
    %sign3A_44 = arith.cmpi slt, %jit3A_31, %sign3A_43 : i32
    %sign3A_45 = arith.extui %sign3A_44 : i1 to i32
    %sign3A_46 = arith.subi %sign3A_42, %sign3A_45 : i32
    %ne3A_47 = arith.cmpi ne, %sign3A_39, %sign3A_46 : i32
    %rem3A_48 = arith.remsi %select_n3A_30, %jit3A_31 : i32
    %ne3A_49 = arith.constant 0 : i32
    %ne3A_50 = arith.cmpi ne, %rem3A_48, %ne3A_49 : i32
    %and3A_51 = arith.andi %ne3A_47, %ne3A_50 : i1
    %sub3A_52 = arith.constant 1 : i32
    %sub3A_53 = arith.subi %div3A_32, %sub3A_52 : i32
    %select_n3A_54 = arith.select %and3A_51, %sub3A_53, %div3A_32 : i32
    %jit3A_55 = arith.constant 8 : i32
    %eq3A_56 = arith.constant 0 : i32
    %eq3A_57 = arith.cmpi eq, %jit3A_55, %eq3A_56 : i32
    %jit3A_58 = arith.constant 1 : i32
    %select_n3A_59 = arith.select %eq3A_57, %jit3A_58, %jit3A_55 : i32
    %rem3A_60 = arith.remsi %select_n3A_30, %select_n3A_59 : i32
    %ne3A_61 = arith.constant 0 : i32
    %ne3A_62 = arith.cmpi ne, %rem3A_60, %ne3A_61 : i32
    %lt3A_63 = arith.constant 0 : i32
    %lt3A_64 = arith.cmpi slt, %rem3A_60, %lt3A_63 : i32
    %lt3A_65 = arith.constant 0 : i32
    %lt3A_66 = arith.cmpi slt, %select_n3A_59, %lt3A_65 : i32
    %ne3A_67 = arith.xori %lt3A_64, %lt3A_66 : i1
    %and3A_68 = arith.andi %ne3A_67, %ne3A_62 : i1
    %add3A_69 = arith.addi %rem3A_60, %select_n3A_59 : i32
    %select_n3A_70 = arith.select %and3A_68, %add3A_69, %rem3A_60 : i32
    %mul3A_71 = arith.constant 1000064 : i32
    %mul3A_72 = arith.muli %add3A, %mul3A_71 : i32
    %eq3A_73 = arith.constant 0 : i32
    %eq3A_74 = arith.cmpi eq, %select_n3A, %eq3A_73 : i32
    %convert_element_type3A = arith.extui %eq3A_74 : i1 to i32
    %cond3A = arith.constant 0 : i32
    %cond3A_75 = arith.cmpi ne, %convert_element_type3A, %cond3A : i32
    scf.if %cond3A_75 {
      %dma_start3A = arith.constant 0 : i32
      %dma_start3A_81 = tpu.memref_slice %arg5[%dma_start3A] : memref<122880xf32, #tpu.memory_space<vmem>> -> memref<61440xf32, #tpu.memory_space<vmem>>
      %dma_start3A_82 = tpu.memref_reshape %arg2 : memref<16x1000000xf32, #tpu.memory_space<hbm>> -> memref<2x8x1000000xf32, #tpu.memory_space<hbm>>
      %dma_start3A_83 = arith.constant 0 : i32
      %dma_start3A_84 = tpu.memref_slice %dma_start3A_82[%select_n3A_54, %select_n3A_70, %dma_start3A_83] : memref<2x8x1000000xf32, #tpu.memory_space<hbm>> -> memref<1x1x1000000xf32, #tpu.memory_space<hbm>>
      %dma_start3A_85 = tpu.memref_squeeze %dma_start3A_84 : memref<1x1x1000000xf32, #tpu.memory_space<hbm>> -> memref<1000000xf32, #tpu.memory_space<hbm>>
      %dma_start3A_86 = arith.constant 0 : i32
      %dma_start3A_87 = tpu.memref_slice %dma_start3A_85[%dma_start3A_86] : memref<1000000xf32, #tpu.memory_space<hbm>> -> memref<61440xf32, #tpu.memory_space<hbm>>
      %dma_start3A_88 = arith.constant 0 : i32
      %dma_start3A_89 = tpu.memref_slice %arg5[%dma_start3A_88] : memref<122880xf32, #tpu.memory_space<vmem>> -> memref<61440xf32, #tpu.memory_space<vmem>>
      %dma_start3A_90 = tpu.memref_reshape %arg2 : memref<16x1000000xf32, #tpu.memory_space<hbm>> -> memref<2x8x1000000xf32, #tpu.memory_space<hbm>>
      %dma_start3A_91 = arith.constant 0 : i32
      %dma_start3A_92 = tpu.memref_slice %dma_start3A_90[%select_n3A_54, %select_n3A_70, %dma_start3A_91] : memref<2x8x1000000xf32, #tpu.memory_space<hbm>> -> memref<1x1x1000000xf32, #tpu.memory_space<hbm>>
      %dma_start3A_93 = tpu.memref_squeeze %dma_start3A_92 : memref<1x1x1000000xf32, #tpu.memory_space<hbm>> -> memref<1000000xf32, #tpu.memory_space<hbm>>
      %dma_start3A_94 = arith.constant 0 : i32
      %dma_start3A_95 = tpu.memref_slice %dma_start3A_93[%dma_start3A_94] : memref<1000000xf32, #tpu.memory_space<hbm>> -> memref<61440xf32, #tpu.memory_space<hbm>>
      tpu.enqueue_dma source(%dma_start3A_95 : memref<61440xf32, #tpu.memory_space<hbm>>) target(%dma_start3A_89 : memref<61440xf32, #tpu.memory_space<vmem>>) target_semaphore(%arg6 : memref<!tpu.dma_semaphore, #tpu.memory_space<semaphore_mem>>)
      %dma_wait3A = arith.constant 0 : i32
      %dma_wait3A_96 = tpu.memref_slice %arg5[%dma_wait3A] : memref<122880xf32, #tpu.memory_space<vmem>> -> memref<61440xf32, #tpu.memory_space<vmem>>
      %dma_wait3A_97 = tpu.memref_reshape %arg2 : memref<16x1000000xf32, #tpu.memory_space<hbm>> -> memref<2x8x1000000xf32, #tpu.memory_space<hbm>>
      %dma_wait3A_98 = arith.constant 0 : i32
      %dma_wait3A_99 = tpu.memref_slice %dma_wait3A_97[%select_n3A_54, %select_n3A_70, %dma_wait3A_98] : memref<2x8x1000000xf32, #tpu.memory_space<hbm>> -> memref<1x1x1000000xf32, #tpu.memory_space<hbm>>
      %dma_wait3A_100 = tpu.memref_squeeze %dma_wait3A_99 : memref<1x1x1000000xf32, #tpu.memory_space<hbm>> -> memref<1000000xf32, #tpu.memory_space<hbm>>
      %dma_wait3A_101 = arith.constant 0 : i32
      %dma_wait3A_102 = tpu.memref_slice %dma_wait3A_100[%dma_wait3A_101] : memref<1000000xf32, #tpu.memory_space<hbm>> -> memref<61440xf32, #tpu.memory_space<hbm>>
      %dma_wait3A_103 = arith.constant 0 : i32
      %dma_wait3A_104 = tpu.memref_slice %arg5[%dma_wait3A_103] : memref<122880xf32, #tpu.memory_space<vmem>> -> memref<61440xf32, #tpu.memory_space<vmem>>
      %dma_wait3A_105 = tpu.memref_reshape %arg2 : memref<16x1000000xf32, #tpu.memory_space<hbm>> -> memref<2x8x1000000xf32, #tpu.memory_space<hbm>>
      %dma_wait3A_106 = arith.constant 0 : i32
      %dma_wait3A_107 = tpu.memref_slice %dma_wait3A_105[%select_n3A_54, %select_n3A_70, %dma_wait3A_106] : memref<2x8x1000000xf32, #tpu.memory_space<hbm>> -> memref<1x1x1000000xf32, #tpu.memory_space<hbm>>
      %dma_wait3A_108 = tpu.memref_squeeze %dma_wait3A_107 : memref<1x1x1000000xf32, #tpu.memory_space<hbm>> -> memref<1000000xf32, #tpu.memory_space<hbm>>
      %dma_wait3A_109 = arith.constant 0 : i32
      %dma_wait3A_110 = tpu.memref_slice %dma_wait3A_108[%dma_wait3A_109] : memref<1000000xf32, #tpu.memory_space<hbm>> -> memref<61440xf32, #tpu.memory_space<hbm>>
      tpu.wait_dma2 semaphore(%arg6 : memref<!tpu.dma_semaphore, #tpu.memory_space<semaphore_mem>>) src(%dma_wait3A_110 : memref<61440xf32, #tpu.memory_space<hbm>>) dst(%dma_wait3A_104 : memref<61440xf32, #tpu.memory_space<vmem>>)
      %dma_start3A_111 = arith.constant 61440 : i32
      %dma_start3A_112 = tpu.memref_slice %arg5[%dma_start3A_111] : memref<122880xf32, #tpu.memory_space<vmem>> -> memref<61440xf32, #tpu.memory_space<vmem>>
      %dma_start3A_113 = tpu.memref_reshape %arg2 : memref<16x1000000xf32, #tpu.memory_space<hbm>> -> memref<2x8x1000000xf32, #tpu.memory_space<hbm>>
      %dma_start3A_114 = arith.constant 0 : i32
      %dma_start3A_115 = tpu.memref_slice %dma_start3A_113[%select_n3A_54, %select_n3A_70, %dma_start3A_114] : memref<2x8x1000000xf32, #tpu.memory_space<hbm>> -> memref<1x1x1000000xf32, #tpu.memory_space<hbm>>
      %dma_start3A_116 = tpu.memref_squeeze %dma_start3A_115 : memref<1x1x1000000xf32, #tpu.memory_space<hbm>> -> memref<1000000xf32, #tpu.memory_space<hbm>>
      %dma_start3A_117 = arith.constant 61440 : i32
      %dma_start3A_118 = tpu.memref_slice %dma_start3A_116[%dma_start3A_117] : memref<1000000xf32, #tpu.memory_space<hbm>> -> memref<61440xf32, #tpu.memory_space<hbm>>
      %dma_start3A_119 = arith.constant 61440 : i32
      %dma_start3A_120 = tpu.memref_slice %arg5[%dma_start3A_119] : memref<122880xf32, #tpu.memory_space<vmem>> -> memref<61440xf32, #tpu.memory_space<vmem>>
      %dma_start3A_121 = tpu.memref_reshape %arg2 : memref<16x1000000xf32, #tpu.memory_space<hbm>> -> memref<2x8x1000000xf32, #tpu.memory_space<hbm>>
      %dma_start3A_122 = arith.constant 0 : i32
      %dma_start3A_123 = tpu.memref_slice %dma_start3A_121[%select_n3A_54, %select_n3A_70, %dma_start3A_122] : memref<2x8x1000000xf32, #tpu.memory_space<hbm>> -> memref<1x1x1000000xf32, #tpu.memory_space<hbm>>
      %dma_start3A_124 = tpu.memref_squeeze %dma_start3A_123 : memref<1x1x1000000xf32, #tpu.memory_space<hbm>> -> memref<1000000xf32, #tpu.memory_space<hbm>>
      %dma_start3A_125 = arith.constant 61440 : i32
      %dma_start3A_126 = tpu.memref_slice %dma_start3A_124[%dma_start3A_125] : memref<1000000xf32, #tpu.memory_space<hbm>> -> memref<61440xf32, #tpu.memory_space<hbm>>
      tpu.enqueue_dma source(%dma_start3A_126 : memref<61440xf32, #tpu.memory_space<hbm>>) target(%dma_start3A_120 : memref<61440xf32, #tpu.memory_space<vmem>>) target_semaphore(%arg6 : memref<!tpu.dma_semaphore, #tpu.memory_space<semaphore_mem>>)
      %add3A_127 = arith.constant 0 : i32
      %add3A_128 = arith.addi %mul3A_72, %add3A_127 : i32
      %dma_start3A_129 = arith.constant 0 : i32
      %dma_start3A_130 = tpu.memref_slice %arg5[%dma_start3A_129] : memref<122880xf32, #tpu.memory_space<vmem>> -> memref<61440xf32, #tpu.memory_space<vmem>>
      %dma_start3A_131 = tpu.memref_slice %arg4[%add3A_128] : memref<32002048xf32, #tpu.memory_space<hbm>> -> memref<61440xf32, #tpu.memory_space<hbm>>
      %dma_start3A_132 = tpu.memref_slice %arg4[%add3A_128] : memref<32002048xf32, #tpu.memory_space<hbm>> -> memref<61440xf32, #tpu.memory_space<hbm>>
      %dma_start3A_133 = arith.constant 0 : i32
      %dma_start3A_134 = tpu.memref_slice %arg5[%dma_start3A_133] : memref<122880xf32, #tpu.memory_space<vmem>> -> memref<61440xf32, #tpu.memory_space<vmem>>
      tpu.enqueue_dma source(%dma_start3A_134 : memref<61440xf32, #tpu.memory_space<vmem>>) target(%dma_start3A_132 : memref<61440xf32, #tpu.memory_space<hbm>>) target_semaphore(%arg7 : memref<!tpu.dma_semaphore, #tpu.memory_space<semaphore_mem>>)
      %dma_wait3A_135 = arith.constant 61440 : i32
      %dma_wait3A_136 = tpu.memref_slice %arg5[%dma_wait3A_135] : memref<122880xf32, #tpu.memory_space<vmem>> -> memref<61440xf32, #tpu.memory_space<vmem>>
      %dma_wait3A_137 = tpu.memref_reshape %arg2 : memref<16x1000000xf32, #tpu.memory_space<hbm>> -> memref<2x8x1000000xf32, #tpu.memory_space<hbm>>
      %dma_wait3A_138 = arith.constant 0 : i32
      %dma_wait3A_139 = tpu.memref_slice %dma_wait3A_137[%select_n3A_54, %select_n3A_70, %dma_wait3A_138] : memref<2x8x1000000xf32, #tpu.memory_space<hbm>> -> memref<1x1x1000000xf32, #tpu.memory_space<hbm>>
      %dma_wait3A_140 = tpu.memref_squeeze %dma_wait3A_139 : memref<1x1x1000000xf32, #tpu.memory_space<hbm>> -> memref<1000000xf32, #tpu.memory_space<hbm>>
      %dma_wait3A_141 = arith.constant 61440 : i32
      %dma_wait3A_142 = tpu.memref_slice %dma_wait3A_140[%dma_wait3A_141] : memref<1000000xf32, #tpu.memory_space<hbm>> -> memref<61440xf32, #tpu.memory_space<hbm>>
      %dma_wait3A_143 = arith.constant 61440 : i32
      %dma_wait3A_144 = tpu.memref_slice %arg5[%dma_wait3A_143] : memref<122880xf32, #tpu.memory_space<vmem>> -> memref<61440xf32, #tpu.memory_space<vmem>>
      %dma_wait3A_145 = tpu.memref_reshape %arg2 : memref<16x1000000xf32, #tpu.memory_space<hbm>> -> memref<2x8x1000000xf32, #tpu.memory_space<hbm>>
      %dma_wait3A_146 = arith.constant 0 : i32
      %dma_wait3A_147 = tpu.memref_slice %dma_wait3A_145[%select_n3A_54, %select_n3A_70, %dma_wait3A_146] : memref<2x8x1000000xf32, #tpu.memory_space<hbm>> -> memref<1x1x1000000xf32, #tpu.memory_space<hbm>>
      %dma_wait3A_148 = tpu.memref_squeeze %dma_wait3A_147 : memref<1x1x1000000xf32, #tpu.memory_space<hbm>> -> memref<1000000xf32, #tpu.memory_space<hbm>>
      %dma_wait3A_149 = arith.constant 61440 : i32
      %dma_wait3A_150 = tpu.memref_slice %dma_wait3A_148[%dma_wait3A_149] : memref<1000000xf32, #tpu.memory_space<hbm>> -> memref<61440xf32, #tpu.memory_space<hbm>>
      tpu.wait_dma2 semaphore(%arg6 : memref<!tpu.dma_semaphore, #tpu.memory_space<semaphore_mem>>) src(%dma_wait3A_150 : memref<61440xf32, #tpu.memory_space<hbm>>) dst(%dma_wait3A_144 : memref<61440xf32, #tpu.memory_space<vmem>>)
      %dma_wait3A_151 = arith.constant 0 : i32
      %dma_wait3A_152 = tpu.memref_slice %arg5[%dma_wait3A_151] : memref<122880xf32, #tpu.memory_space<vmem>> -> memref<61440xf32, #tpu.memory_space<vmem>>
      %dma_wait3A_153 = tpu.memref_slice %arg4[%add3A_128] : memref<32002048xf32, #tpu.memory_space<hbm>> -> memref<61440xf32, #tpu.memory_space<hbm>>
      %dma_wait3A_154 = tpu.memref_slice %arg4[%add3A_128] : memref<32002048xf32, #tpu.memory_space<hbm>> -> memref<61440xf32, #tpu.memory_space<hbm>>
      %dma_wait3A_155 = arith.constant 0 : i32
      %dma_wait3A_156 = tpu.memref_slice %arg5[%dma_wait3A_155] : memref<122880xf32, #tpu.memory_space<vmem>> -> memref<61440xf32, #tpu.memory_space<vmem>>
      tpu.wait_dma2 semaphore(%arg7 : memref<!tpu.dma_semaphore, #tpu.memory_space<semaphore_mem>>) src(%dma_wait3A_156 : memref<61440xf32, #tpu.memory_space<vmem>>) dst(%dma_wait3A_154 : memref<61440xf32, #tpu.memory_space<hbm>>)
      %dma_start3A_157 = arith.constant 0 : i32
      %dma_start3A_158 = tpu.memref_slice %arg5[%dma_start3A_157] : memref<122880xf32, #tpu.memory_space<vmem>> -> memref<61440xf32, #tpu.memory_space<vmem>>
      %dma_start3A_159 = tpu.memref_reshape %arg2 : memref<16x1000000xf32, #tpu.memory_space<hbm>> -> memref<2x8x1000000xf32, #tpu.memory_space<hbm>>
      %dma_start3A_160 = arith.constant 0 : i32
      %dma_start3A_161 = tpu.memref_slice %dma_start3A_159[%select_n3A_54, %select_n3A_70, %dma_start3A_160] : memref<2x8x1000000xf32, #tpu.memory_space<hbm>> -> memref<1x1x1000000xf32, #tpu.memory_space<hbm>>
      %dma_start3A_162 = tpu.memref_squeeze %dma_start3A_161 : memref<1x1x1000000xf32, #tpu.memory_space<hbm>> -> memref<1000000xf32, #tpu.memory_space<hbm>>
      %dma_start3A_163 = arith.constant 122880 : i32
      %dma_start3A_164 = tpu.memref_slice %dma_start3A_162[%dma_start3A_163] : memref<1000000xf32, #tpu.memory_space<hbm>> -> memref<61440xf32, #tpu.memory_space<hbm>>
      %dma_start3A_165 = arith.constant 0 : i32
      %dma_start3A_166 = tpu.memref_slice %arg5[%dma_start3A_165] : memref<122880xf32, #tpu.memory_space<vmem>> -> memref<61440xf32, #tpu.memory_space<vmem>>
      %dma_start3A_167 = tpu.memref_reshape %arg2 : memref<16x1000000xf32, #tpu.memory_space<hbm>> -> memref<2x8x1000000xf32, #tpu.memory_space<hbm>>
      %dma_start3A_168 = arith.constant 0 : i32
      %dma_start3A_169 = tpu.memref_slice %dma_start3A_167[%select_n3A_54, %select_n3A_70, %dma_start3A_168] : memref<2x8x1000000xf32, #tpu.memory_space<hbm>> -> memref<1x1x1000000xf32, #tpu.memory_space<hbm>>
      %dma_start3A_170 = tpu.memref_squeeze %dma_start3A_169 : memref<1x1x1000000xf32, #tpu.memory_space<hbm>> -> memref<1000000xf32, #tpu.memory_space<hbm>>
      %dma_start3A_171 = arith.constant 122880 : i32
      %dma_start3A_172 = tpu.memref_slice %dma_start3A_170[%dma_start3A_171] : memref<1000000xf32, #tpu.memory_space<hbm>> -> memref<61440xf32, #tpu.memory_space<hbm>>
      tpu.enqueue_dma source(%dma_start3A_172 : memref<61440xf32, #tpu.memory_space<hbm>>) target(%dma_start3A_166 : memref<61440xf32, #tpu.memory_space<vmem>>) target_semaphore(%arg6 : memref<!tpu.dma_semaphore, #tpu.memory_space<semaphore_mem>>)
      %add3A_173 = arith.constant 61440 : i32
      %add3A_174 = arith.addi %mul3A_72, %add3A_173 : i32
      %dma_start3A_175 = arith.constant 61440 : i32
      %dma_start3A_176 = tpu.memref_slice %arg5[%dma_start3A_175] : memref<122880xf32, #tpu.memory_space<vmem>> -> memref<61440xf32, #tpu.memory_space<vmem>>
      %dma_start3A_177 = tpu.memref_slice %arg4[%add3A_174] : memref<32002048xf32, #tpu.memory_space<hbm>> -> memref<61440xf32, #tpu.memory_space<hbm>>
      %dma_start3A_178 = tpu.memref_slice %arg4[%add3A_174] : memref<32002048xf32, #tpu.memory_space<hbm>> -> memref<61440xf32, #tpu.memory_space<hbm>>
      %dma_start3A_179 = arith.constant 61440 : i32
      %dma_start3A_180 = tpu.memref_slice %arg5[%dma_start3A_179] : memref<122880xf32, #tpu.memory_space<vmem>> -> memref<61440xf32, #tpu.memory_space<vmem>>
      tpu.enqueue_dma source(%dma_start3A_180 : memref<61440xf32, #tpu.memory_space<vmem>>) target(%dma_start3A_178 : memref<61440xf32, #tpu.memory_space<hbm>>) target_semaphore(%arg7 : memref<!tpu.dma_semaphore, #tpu.memory_space<semaphore_mem>>)
      %dma_wait3A_181 = arith.constant 0 : i32
      %dma_wait3A_182 = tpu.memref_slice %arg5[%dma_wait3A_181] : memref<122880xf32, #tpu.memory_space<vmem>> -> memref<61440xf32, #tpu.memory_space<vmem>>
      %dma_wait3A_183 = tpu.memref_reshape %arg2 : memref<16x1000000xf32, #tpu.memory_space<hbm>> -> memref<2x8x1000000xf32, #tpu.memory_space<hbm>>
      %dma_wait3A_184 = arith.constant 0 : i32
      %dma_wait3A_185 = tpu.memref_slice %dma_wait3A_183[%select_n3A_54, %select_n3A_70, %dma_wait3A_184] : memref<2x8x1000000xf32, #tpu.memory_space<hbm>> -> memref<1x1x1000000xf32, #tpu.memory_space<hbm>>
      %dma_wait3A_186 = tpu.memref_squeeze %dma_wait3A_185 : memref<1x1x1000000xf32, #tpu.memory_space<hbm>> -> memref<1000000xf32, #tpu.memory_space<hbm>>
      %dma_wait3A_187 = arith.constant 122880 : i32
      %dma_wait3A_188 = tpu.memref_slice %dma_wait3A_186[%dma_wait3A_187] : memref<1000000xf32, #tpu.memory_space<hbm>> -> memref<61440xf32, #tpu.memory_space<hbm>>
      %dma_wait3A_189 = arith.constant 0 : i32
      %dma_wait3A_190 = tpu.memref_slice %arg5[%dma_wait3A_189] : memref<122880xf32, #tpu.memory_space<vmem>> -> memref<61440xf32, #tpu.memory_space<vmem>>
      %dma_wait3A_191 = tpu.memref_reshape %arg2 : memref<16x1000000xf32, #tpu.memory_space<hbm>> -> memref<2x8x1000000xf32, #tpu.memory_space<hbm>>
      %dma_wait3A_192 = arith.constant 0 : i32
      %dma_wait3A_193 = tpu.memref_slice %dma_wait3A_191[%select_n3A_54, %select_n3A_70, %dma_wait3A_192] : memref<2x8x1000000xf32, #tpu.memory_space<hbm>> -> memref<1x1x1000000xf32, #tpu.memory_space<hbm>>
      %dma_wait3A_194 = tpu.memref_squeeze %dma_wait3A_193 : memref<1x1x1000000xf32, #tpu.memory_space<hbm>> -> memref<1000000xf32, #tpu.memory_space<hbm>>
      %dma_wait3A_195 = arith.constant 122880 : i32
      %dma_wait3A_196 = tpu.memref_slice %dma_wait3A_194[%dma_wait3A_195] : memref<1000000xf32, #tpu.memory_space<hbm>> -> memref<61440xf32, #tpu.memory_space<hbm>>
      tpu.wait_dma2 semaphore(%arg6 : memref<!tpu.dma_semaphore, #tpu.memory_space<semaphore_mem>>) src(%dma_wait3A_196 : memref<61440xf32, #tpu.memory_space<hbm>>) dst(%dma_wait3A_190 : memref<61440xf32, #tpu.memory_space<vmem>>)
      %dma_wait3A_197 = arith.constant 61440 : i32
      %dma_wait3A_198 = tpu.memref_slice %arg5[%dma_wait3A_197] : memref<122880xf32, #tpu.memory_space<vmem>> -> memref<61440xf32, #tpu.memory_space<vmem>>
      %dma_wait3A_199 = tpu.memref_slice %arg4[%add3A_174] : memref<32002048xf32, #tpu.memory_space<hbm>> -> memref<61440xf32, #tpu.memory_space<hbm>>
      %dma_wait3A_200 = tpu.memref_slice %arg4[%add3A_174] : memref<32002048xf32, #tpu.memory_space<hbm>> -> memref<61440xf32, #tpu.memory_space<hbm>>
      %dma_wait3A_201 = arith.constant 61440 : i32
      %dma_wait3A_202 = tpu.memref_slice %arg5[%dma_wait3A_201] : memref<122880xf32, #tpu.memory_space<vmem>> -> memref<61440xf32, #tpu.memory_space<vmem>>
      tpu.wait_dma2 semaphore(%arg7 : memref<!tpu.dma_semaphore, #tpu.memory_space<semaphore_mem>>) src(%dma_wait3A_202 : memref<61440xf32, #tpu.memory_space<vmem>>) dst(%dma_wait3A_200 : memref<61440xf32, #tpu.memory_space<hbm>>)
      %dma_start3A_203 = arith.constant 61440 : i32
      %dma_start3A_204 = tpu.memref_slice %arg5[%dma_start3A_203] : memref<122880xf32, #tpu.memory_space<vmem>> -> memref<61440xf32, #tpu.memory_space<vmem>>
      %dma_start3A_205 = tpu.memref_reshape %arg2 : memref<16x1000000xf32, #tpu.memory_space<hbm>> -> memref<2x8x1000000xf32, #tpu.memory_space<hbm>>
      %dma_start3A_206 = arith.constant 0 : i32
      %dma_start3A_207 = tpu.memref_slice %dma_start3A_205[%select_n3A_54, %select_n3A_70, %dma_start3A_206] : memref<2x8x1000000xf32, #tpu.memory_space<hbm>> -> memref<1x1x1000000xf32, #tpu.memory_space<hbm>>
      %dma_start3A_208 = tpu.memref_squeeze %dma_start3A_207 : memref<1x1x1000000xf32, #tpu.memory_space<hbm>> -> memref<1000000xf32, #tpu.memory_space<hbm>>
      %dma_start3A_209 = arith.constant 184320 : i32
      %dma_start3A_210 = tpu.memref_slice %dma_start3A_208[%dma_start3A_209] : memref<1000000xf32, #tpu.memory_space<hbm>> -> memref<61440xf32, #tpu.memory_space<hbm>>
      %dma_start3A_211 = arith.constant 61440 : i32
      %dma_start3A_212 = tpu.memref_slice %arg5[%dma_start3A_211] : memref<122880xf32, #tpu.memory_space<vmem>> -> memref<61440xf32, #tpu.memory_space<vmem>>
      %dma_start3A_213 = tpu.memref_reshape %arg2 : memref<16x1000000xf32, #tpu.memory_space<hbm>> -> memref<2x8x1000000xf32, #tpu.memory_space<hbm>>
      %dma_start3A_214 = arith.constant 0 : i32
      %dma_start3A_215 = tpu.memref_slice %dma_start3A_213[%select_n3A_54, %select_n3A_70, %dma_start3A_214] : memref<2x8x1000000xf32, #tpu.memory_space<hbm>> -> memref<1x1x1000000xf32, #tpu.memory_space<hbm>>
      %dma_start3A_216 = tpu.memref_squeeze %dma_start3A_215 : memref<1x1x1000000xf32, #tpu.memory_space<hbm>> -> memref<1000000xf32, #tpu.memory_space<hbm>>
      %dma_start3A_217 = arith.constant 184320 : i32
      %dma_start3A_218 = tpu.memref_slice %dma_start3A_216[%dma_start3A_217] : memref<1000000xf32, #tpu.memory_space<hbm>> -> memref<61440xf32, #tpu.memory_space<hbm>>
      tpu.enqueue_dma source(%dma_start3A_218 : memref<61440xf32, #tpu.memory_space<hbm>>) target(%dma_start3A_212 : memref<61440xf32, #tpu.memory_space<vmem>>) target_semaphore(%arg6 : memref<!tpu.dma_semaphore, #tpu.memory_space<semaphore_mem>>)
      %add3A_219 = arith.constant 122880 : i32
      %add3A_220 = arith.addi %mul3A_72, %add3A_219 : i32
      %dma_start3A_221 = arith.constant 0 : i32
      %dma_start3A_222 = tpu.memref_slice %arg5[%dma_start3A_221] : memref<122880xf32, #tpu.memory_space<vmem>> -> memref<61440xf32, #tpu.memory_space<vmem>>
      %dma_start3A_223 = tpu.memref_slice %arg4[%add3A_220] : memref<32002048xf32, #tpu.memory_space<hbm>> -> memref<61440xf32, #tpu.memory_space<hbm>>
      %dma_start3A_224 = tpu.memref_slice %arg4[%add3A_220] : memref<32002048xf32, #tpu.memory_space<hbm>> -> memref<61440xf32, #tpu.memory_space<hbm>>
      %dma_start3A_225 = arith.constant 0 : i32
      %dma_start3A_226 = tpu.memref_slice %arg5[%dma_start3A_225] : memref<122880xf32, #tpu.memory_space<vmem>> -> memref<61440xf32, #tpu.memory_space<vmem>>
      tpu.enqueue_dma source(%dma_start3A_226 : memref<61440xf32, #tpu.memory_space<vmem>>) target(%dma_start3A_224 : memref<61440xf32, #tpu.memory_space<hbm>>) target_semaphore(%arg7 : memref<!tpu.dma_semaphore, #tpu.memory_space<semaphore_mem>>)
      %dma_wait3A_227 = arith.constant 61440 : i32
      %dma_wait3A_228 = tpu.memref_slice %arg5[%dma_wait3A_227] : memref<122880xf32, #tpu.memory_space<vmem>> -> memref<61440xf32, #tpu.memory_space<vmem>>
      %dma_wait3A_229 = tpu.memref_reshape %arg2 : memref<16x1000000xf32, #tpu.memory_space<hbm>> -> memref<2x8x1000000xf32, #tpu.memory_space<hbm>>
      %dma_wait3A_230 = arith.constant 0 : i32
      %dma_wait3A_231 = tpu.memref_slice %dma_wait3A_229[%select_n3A_54, %select_n3A_70, %dma_wait3A_230] : memref<2x8x1000000xf32, #tpu.memory_space<hbm>> -> memref<1x1x1000000xf32, #tpu.memory_space<hbm>>
      %dma_wait3A_232 = tpu.memref_squeeze %dma_wait3A_231 : memref<1x1x1000000xf32, #tpu.memory_space<hbm>> -> memref<1000000xf32, #tpu.memory_space<hbm>>
      %dma_wait3A_233 = arith.constant 184320 : i32
      %dma_wait3A_234 = tpu.memref_slice %dma_wait3A_232[%dma_wait3A_233] : memref<1000000xf32, #tpu.memory_space<hbm>> -> memref<61440xf32, #tpu.memory_space<hbm>>
      %dma_wait3A_235 = arith.constant 61440 : i32
      %dma_wait3A_236 = tpu.memref_slice %arg5[%dma_wait3A_235] : memref<122880xf32, #tpu.memory_space<vmem>> -> memref<61440xf32, #tpu.memory_space<vmem>>
      %dma_wait3A_237 = tpu.memref_reshape %arg2 : memref<16x1000000xf32, #tpu.memory_space<hbm>> -> memref<2x8x1000000xf32, #tpu.memory_space<hbm>>
      %dma_wait3A_238 = arith.constant 0 : i32
      %dma_wait3A_239 = tpu.memref_slice %dma_wait3A_237[%select_n3A_54, %select_n3A_70, %dma_wait3A_238] : memref<2x8x1000000xf32, #tpu.memory_space<hbm>> -> memref<1x1x1000000xf32, #tpu.memory_space<hbm>>
      %dma_wait3A_240 = tpu.memref_squeeze %dma_wait3A_239 : memref<1x1x1000000xf32, #tpu.memory_space<hbm>> -> memref<1000000xf32, #tpu.memory_space<hbm>>
      %dma_wait3A_241 = arith.constant 184320 : i32
      %dma_wait3A_242 = tpu.memref_slice %dma_wait3A_240[%dma_wait3A_241] : memref<1000000xf32, #tpu.memory_space<hbm>> -> memref<61440xf32, #tpu.memory_space<hbm>>
      tpu.wait_dma2 semaphore(%arg6 : memref<!tpu.dma_semaphore, #tpu.memory_space<semaphore_mem>>) src(%dma_wait3A_242 : memref<61440xf32, #tpu.memory_space<hbm>>) dst(%dma_wait3A_236 : memref<61440xf32, #tpu.memory_space<vmem>>)
      %dma_wait3A_243 = arith.constant 0 : i32
      %dma_wait3A_244 = tpu.memref_slice %arg5[%dma_wait3A_243] : memref<122880xf32, #tpu.memory_space<vmem>> -> memref<61440xf32, #tpu.memory_space<vmem>>
      %dma_wait3A_245 = tpu.memref_slice %arg4[%add3A_220] : memref<32002048xf32, #tpu.memory_space<hbm>> -> memref<61440xf32, #tpu.memory_space<hbm>>
      %dma_wait3A_246 = tpu.memref_slice %arg4[%add3A_220] : memref<32002048xf32, #tpu.memory_space<hbm>> -> memref<61440xf32, #tpu.memory_space<hbm>>
      %dma_wait3A_247 = arith.constant 0 : i32
      %dma_wait3A_248 = tpu.memref_slice %arg5[%dma_wait3A_247] : memref<122880xf32, #tpu.memory_space<vmem>> -> memref<61440xf32, #tpu.memory_space<vmem>>
      tpu.wait_dma2 semaphore(%arg7 : memref<!tpu.dma_semaphore, #tpu.memory_space<semaphore_mem>>) src(%dma_wait3A_248 : memref<61440xf32, #tpu.memory_space<vmem>>) dst(%dma_wait3A_246 : memref<61440xf32, #tpu.memory_space<hbm>>)
      %dma_start3A_249 = arith.constant 0 : i32
      %dma_start3A_250 = tpu.memref_slice %arg5[%dma_start3A_249] : memref<122880xf32, #tpu.memory_space<vmem>> -> memref<61440xf32, #tpu.memory_space<vmem>>
      %dma_start3A_251 = tpu.memref_reshape %arg2 : memref<16x1000000xf32, #tpu.memory_space<hbm>> -> memref<2x8x1000000xf32, #tpu.memory_space<hbm>>
      %dma_start3A_252 = arith.constant 0 : i32
      %dma_start3A_253 = tpu.memref_slice %dma_start3A_251[%select_n3A_54, %select_n3A_70, %dma_start3A_252] : memref<2x8x1000000xf32, #tpu.memory_space<hbm>> -> memref<1x1x1000000xf32, #tpu.memory_space<hbm>>
      %dma_start3A_254 = tpu.memref_squeeze %dma_start3A_253 : memref<1x1x1000000xf32, #tpu.memory_space<hbm>> -> memref<1000000xf32, #tpu.memory_space<hbm>>
      %dma_start3A_255 = arith.constant 245760 : i32
      %dma_start3A_256 = tpu.memref_slice %dma_start3A_254[%dma_start3A_255] : memref<1000000xf32, #tpu.memory_space<hbm>> -> memref<61440xf32, #tpu.memory_space<hbm>>
      %dma_start3A_257 = arith.constant 0 : i32
      %dma_start3A_258 = tpu.memref_slice %arg5[%dma_start3A_257] : memref<122880xf32, #tpu.memory_space<vmem>> -> memref<61440xf32, #tpu.memory_space<vmem>>
      %dma_start3A_259 = tpu.memref_reshape %arg2 : memref<16x1000000xf32, #tpu.memory_space<hbm>> -> memref<2x8x1000000xf32, #tpu.memory_space<hbm>>
      %dma_start3A_260 = arith.constant 0 : i32
      %dma_start3A_261 = tpu.memref_slice %dma_start3A_259[%select_n3A_54, %select_n3A_70, %dma_start3A_260] : memref<2x8x1000000xf32, #tpu.memory_space<hbm>> -> memref<1x1x1000000xf32, #tpu.memory_space<hbm>>
      %dma_start3A_262 = tpu.memref_squeeze %dma_start3A_261 : memref<1x1x1000000xf32, #tpu.memory_space<hbm>> -> memref<1000000xf32, #tpu.memory_space<hbm>>
      %dma_start3A_263 = arith.constant 245760 : i32
      %dma_start3A_264 = tpu.memref_slice %dma_start3A_262[%dma_start3A_263] : memref<1000000xf32, #tpu.memory_space<hbm>> -> memref<61440xf32, #tpu.memory_space<hbm>>
      tpu.enqueue_dma source(%dma_start3A_264 : memref<61440xf32, #tpu.memory_space<hbm>>) target(%dma_start3A_258 : memref<61440xf32, #tpu.memory_space<vmem>>) target_semaphore(%arg6 : memref<!tpu.dma_semaphore, #tpu.memory_space<semaphore_mem>>)
      %add3A_265 = arith.constant 184320 : i32
      %add3A_266 = arith.addi %mul3A_72, %add3A_265 : i32
      %dma_start3A_267 = arith.constant 61440 : i32
      %dma_start3A_268 = tpu.memref_slice %arg5[%dma_start3A_267] : memref<122880xf32, #tpu.memory_space<vmem>> -> memref<61440xf32, #tpu.memory_space<vmem>>
      %dma_start3A_269 = tpu.memref_slice %arg4[%add3A_266] : memref<32002048xf32, #tpu.memory_space<hbm>> -> memref<61440xf32, #tpu.memory_space<hbm>>
      %dma_start3A_270 = tpu.memref_slice %arg4[%add3A_266] : memref<32002048xf32, #tpu.memory_space<hbm>> -> memref<61440xf32, #tpu.memory_space<hbm>>
      %dma_start3A_271 = arith.constant 61440 : i32
      %dma_start3A_272 = tpu.memref_slice %arg5[%dma_start3A_271] : memref<122880xf32, #tpu.memory_space<vmem>> -> memref<61440xf32, #tpu.memory_space<vmem>>
      tpu.enqueue_dma source(%dma_start3A_272 : memref<61440xf32, #tpu.memory_space<vmem>>) target(%dma_start3A_270 : memref<61440xf32, #tpu.memory_space<hbm>>) target_semaphore(%arg7 : memref<!tpu.dma_semaphore, #tpu.memory_space<semaphore_mem>>)
      %dma_wait3A_273 = arith.constant 0 : i32
      %dma_wait3A_274 = tpu.memref_slice %arg5[%dma_wait3A_273] : memref<122880xf32, #tpu.memory_space<vmem>> -> memref<61440xf32, #tpu.memory_space<vmem>>
      %dma_wait3A_275 = tpu.memref_reshape %arg2 : memref<16x1000000xf32, #tpu.memory_space<hbm>> -> memref<2x8x1000000xf32, #tpu.memory_space<hbm>>
      %dma_wait3A_276 = arith.constant 0 : i32
      %dma_wait3A_277 = tpu.memref_slice %dma_wait3A_275[%select_n3A_54, %select_n3A_70, %dma_wait3A_276] : memref<2x8x1000000xf32, #tpu.memory_space<hbm>> -> memref<1x1x1000000xf32, #tpu.memory_space<hbm>>
      %dma_wait3A_278 = tpu.memref_squeeze %dma_wait3A_277 : memref<1x1x1000000xf32, #tpu.memory_space<hbm>> -> memref<1000000xf32, #tpu.memory_space<hbm>>
      %dma_wait3A_279 = arith.constant 245760 : i32
      %dma_wait3A_280 = tpu.memref_slice %dma_wait3A_278[%dma_wait3A_279] : memref<1000000xf32, #tpu.memory_space<hbm>> -> memref<61440xf32, #tpu.memory_space<hbm>>
      %dma_wait3A_281 = arith.constant 0 : i32
      %dma_wait3A_282 = tpu.memref_slice %arg5[%dma_wait3A_281] : memref<122880xf32, #tpu.memory_space<vmem>> -> memref<61440xf32, #tpu.memory_space<vmem>>
      %dma_wait3A_283 = tpu.memref_reshape %arg2 : memref<16x1000000xf32, #tpu.memory_space<hbm>> -> memref<2x8x1000000xf32, #tpu.memory_space<hbm>>
      %dma_wait3A_284 = arith.constant 0 : i32
      %dma_wait3A_285 = tpu.memref_slice %dma_wait3A_283[%select_n3A_54, %select_n3A_70, %dma_wait3A_284] : memref<2x8x1000000xf32, #tpu.memory_space<hbm>> -> memref<1x1x1000000xf32, #tpu.memory_space<hbm>>
      %dma_wait3A_286 = tpu.memref_squeeze %dma_wait3A_285 : memref<1x1x1000000xf32, #tpu.memory_space<hbm>> -> memref<1000000xf32, #tpu.memory_space<hbm>>
      %dma_wait3A_287 = arith.constant 245760 : i32
      %dma_wait3A_288 = tpu.memref_slice %dma_wait3A_286[%dma_wait3A_287] : memref<1000000xf32, #tpu.memory_space<hbm>> -> memref<61440xf32, #tpu.memory_space<hbm>>
      tpu.wait_dma2 semaphore(%arg6 : memref<!tpu.dma_semaphore, #tpu.memory_space<semaphore_mem>>) src(%dma_wait3A_288 : memref<61440xf32, #tpu.memory_space<hbm>>) dst(%dma_wait3A_282 : memref<61440xf32, #tpu.memory_space<vmem>>)
      %dma_wait3A_289 = arith.constant 61440 : i32
      %dma_wait3A_290 = tpu.memref_slice %arg5[%dma_wait3A_289] : memref<122880xf32, #tpu.memory_space<vmem>> -> memref<61440xf32, #tpu.memory_space<vmem>>
      %dma_wait3A_291 = tpu.memref_slice %arg4[%add3A_266] : memref<32002048xf32, #tpu.memory_space<hbm>> -> memref<61440xf32, #tpu.memory_space<hbm>>
      %dma_wait3A_292 = tpu.memref_slice %arg4[%add3A_266] : memref<32002048xf32, #tpu.memory_space<hbm>> -> memref<61440xf32, #tpu.memory_space<hbm>>
      %dma_wait3A_293 = arith.constant 61440 : i32
      %dma_wait3A_294 = tpu.memref_slice %arg5[%dma_wait3A_293] : memref<122880xf32, #tpu.memory_space<vmem>> -> memref<61440xf32, #tpu.memory_space<vmem>>
      tpu.wait_dma2 semaphore(%arg7 : memref<!tpu.dma_semaphore, #tpu.memory_space<semaphore_mem>>) src(%dma_wait3A_294 : memref<61440xf32, #tpu.memory_space<vmem>>) dst(%dma_wait3A_292 : memref<61440xf32, #tpu.memory_space<hbm>>)
      %dma_start3A_295 = arith.constant 61440 : i32
      %dma_start3A_296 = tpu.memref_slice %arg5[%dma_start3A_295] : memref<122880xf32, #tpu.memory_space<vmem>> -> memref<61440xf32, #tpu.memory_space<vmem>>
      %dma_start3A_297 = tpu.memref_reshape %arg2 : memref<16x1000000xf32, #tpu.memory_space<hbm>> -> memref<2x8x1000000xf32, #tpu.memory_space<hbm>>
      %dma_start3A_298 = arith.constant 0 : i32
      %dma_start3A_299 = tpu.memref_slice %dma_start3A_297[%select_n3A_54, %select_n3A_70, %dma_start3A_298] : memref<2x8x1000000xf32, #tpu.memory_space<hbm>> -> memref<1x1x1000000xf32, #tpu.memory_space<hbm>>
      %dma_start3A_300 = tpu.memref_squeeze %dma_start3A_299 : memref<1x1x1000000xf32, #tpu.memory_space<hbm>> -> memref<1000000xf32, #tpu.memory_space<hbm>>
      %dma_start3A_301 = arith.constant 307200 : i32
      %dma_start3A_302 = tpu.memref_slice %dma_start3A_300[%dma_start3A_301] : memref<1000000xf32, #tpu.memory_space<hbm>> -> memref<61440xf32, #tpu.memory_space<hbm>>
      %dma_start3A_303 = arith.constant 61440 : i32
      %dma_start3A_304 = tpu.memref_slice %arg5[%dma_start3A_303] : memref<122880xf32, #tpu.memory_space<vmem>> -> memref<61440xf32, #tpu.memory_space<vmem>>
      %dma_start3A_305 = tpu.memref_reshape %arg2 : memref<16x1000000xf32, #tpu.memory_space<hbm>> -> memref<2x8x1000000xf32, #tpu.memory_space<hbm>>
      %dma_start3A_306 = arith.constant 0 : i32
      %dma_start3A_307 = tpu.memref_slice %dma_start3A_305[%select_n3A_54, %select_n3A_70, %dma_start3A_306] : memref<2x8x1000000xf32, #tpu.memory_space<hbm>> -> memref<1x1x1000000xf32, #tpu.memory_space<hbm>>
      %dma_start3A_308 = tpu.memref_squeeze %dma_start3A_307 : memref<1x1x1000000xf32, #tpu.memory_space<hbm>> -> memref<1000000xf32, #tpu.memory_space<hbm>>
      %dma_start3A_309 = arith.constant 307200 : i32
      %dma_start3A_310 = tpu.memref_slice %dma_start3A_308[%dma_start3A_309] : memref<1000000xf32, #tpu.memory_space<hbm>> -> memref<61440xf32, #tpu.memory_space<hbm>>
      tpu.enqueue_dma source(%dma_start3A_310 : memref<61440xf32, #tpu.memory_space<hbm>>) target(%dma_start3A_304 : memref<61440xf32, #tpu.memory_space<vmem>>) target_semaphore(%arg6 : memref<!tpu.dma_semaphore, #tpu.memory_space<semaphore_mem>>)
      %add3A_311 = arith.constant 245760 : i32
      %add3A_312 = arith.addi %mul3A_72, %add3A_311 : i32
      %dma_start3A_313 = arith.constant 0 : i32
      %dma_start3A_314 = tpu.memref_slice %arg5[%dma_start3A_313] : memref<122880xf32, #tpu.memory_space<vmem>> -> memref<61440xf32, #tpu.memory_space<vmem>>
      %dma_start3A_315 = tpu.memref_slice %arg4[%add3A_312] : memref<32002048xf32, #tpu.memory_space<hbm>> -> memref<61440xf32, #tpu.memory_space<hbm>>
      %dma_start3A_316 = tpu.memref_slice %arg4[%add3A_312] : memref<32002048xf32, #tpu.memory_space<hbm>> -> memref<61440xf32, #tpu.memory_space<hbm>>
      %dma_start3A_317 = arith.constant 0 : i32
      %dma_start3A_318 = tpu.memref_slice %arg5[%dma_start3A_317] : memref<122880xf32, #tpu.memory_space<vmem>> -> memref<61440xf32, #tpu.memory_space<vmem>>
      tpu.enqueue_dma source(%dma_start3A_318 : memref<61440xf32, #tpu.memory_space<vmem>>) target(%dma_start3A_316 : memref<61440xf32, #tpu.memory_space<hbm>>) target_semaphore(%arg7 : memref<!tpu.dma_semaphore, #tpu.memory_space<semaphore_mem>>)
      %dma_wait3A_319 = arith.constant 61440 : i32
      %dma_wait3A_320 = tpu.memref_slice %arg5[%dma_wait3A_319] : memref<122880xf32, #tpu.memory_space<vmem>> -> memref<61440xf32, #tpu.memory_space<vmem>>
      %dma_wait3A_321 = tpu.memref_reshape %arg2 : memref<16x1000000xf32, #tpu.memory_space<hbm>> -> memref<2x8x1000000xf32, #tpu.memory_space<hbm>>
      %dma_wait3A_322 = arith.constant 0 : i32
      %dma_wait3A_323 = tpu.memref_slice %dma_wait3A_321[%select_n3A_54, %select_n3A_70, %dma_wait3A_322] : memref<2x8x1000000xf32, #tpu.memory_space<hbm>> -> memref<1x1x1000000xf32, #tpu.memory_space<hbm>>
      %dma_wait3A_324 = tpu.memref_squeeze %dma_wait3A_323 : memref<1x1x1000000xf32, #tpu.memory_space<hbm>> -> memref<1000000xf32, #tpu.memory_space<hbm>>
      %dma_wait3A_325 = arith.constant 307200 : i32
      %dma_wait3A_326 = tpu.memref_slice %dma_wait3A_324[%dma_wait3A_325] : memref<1000000xf32, #tpu.memory_space<hbm>> -> memref<61440xf32, #tpu.memory_space<hbm>>
      %dma_wait3A_327 = arith.constant 61440 : i32
      %dma_wait3A_328 = tpu.memref_slice %arg5[%dma_wait3A_327] : memref<122880xf32, #tpu.memory_space<vmem>> -> memref<61440xf32, #tpu.memory_space<vmem>>
      %dma_wait3A_329 = tpu.memref_reshape %arg2 : memref<16x1000000xf32, #tpu.memory_space<hbm>> -> memref<2x8x1000000xf32, #tpu.memory_space<hbm>>
      %dma_wait3A_330 = arith.constant 0 : i32
      %dma_wait3A_331 = tpu.memref_slice %dma_wait3A_329[%select_n3A_54, %select_n3A_70, %dma_wait3A_330] : memref<2x8x1000000xf32, #tpu.memory_space<hbm>> -> memref<1x1x1000000xf32, #tpu.memory_space<hbm>>
      %dma_wait3A_332 = tpu.memref_squeeze %dma_wait3A_331 : memref<1x1x1000000xf32, #tpu.memory_space<hbm>> -> memref<1000000xf32, #tpu.memory_space<hbm>>
      %dma_wait3A_333 = arith.constant 307200 : i32
      %dma_wait3A_334 = tpu.memref_slice %dma_wait3A_332[%dma_wait3A_333] : memref<1000000xf32, #tpu.memory_space<hbm>> -> memref<61440xf32, #tpu.memory_space<hbm>>
      tpu.wait_dma2 semaphore(%arg6 : memref<!tpu.dma_semaphore, #tpu.memory_space<semaphore_mem>>) src(%dma_wait3A_334 : memref<61440xf32, #tpu.memory_space<hbm>>) dst(%dma_wait3A_328 : memref<61440xf32, #tpu.memory_space<vmem>>)
      %dma_wait3A_335 = arith.constant 0 : i32
      %dma_wait3A_336 = tpu.memref_slice %arg5[%dma_wait3A_335] : memref<122880xf32, #tpu.memory_space<vmem>> -> memref<61440xf32, #tpu.memory_space<vmem>>
      %dma_wait3A_337 = tpu.memref_slice %arg4[%add3A_312] : memref<32002048xf32, #tpu.memory_space<hbm>> -> memref<61440xf32, #tpu.memory_space<hbm>>
      %dma_wait3A_338 = tpu.memref_slice %arg4[%add3A_312] : memref<32002048xf32, #tpu.memory_space<hbm>> -> memref<61440xf32, #tpu.memory_space<hbm>>
      %dma_wait3A_339 = arith.constant 0 : i32
      %dma_wait3A_340 = tpu.memref_slice %arg5[%dma_wait3A_339] : memref<122880xf32, #tpu.memory_space<vmem>> -> memref<61440xf32, #tpu.memory_space<vmem>>
      tpu.wait_dma2 semaphore(%arg7 : memref<!tpu.dma_semaphore, #tpu.memory_space<semaphore_mem>>) src(%dma_wait3A_340 : memref<61440xf32, #tpu.memory_space<vmem>>) dst(%dma_wait3A_338 : memref<61440xf32, #tpu.memory_space<hbm>>)
      %dma_start3A_341 = arith.constant 0 : i32
      %dma_start3A_342 = tpu.memref_slice %arg5[%dma_start3A_341] : memref<122880xf32, #tpu.memory_space<vmem>> -> memref<61440xf32, #tpu.memory_space<vmem>>
      %dma_start3A_343 = tpu.memref_reshape %arg2 : memref<16x1000000xf32, #tpu.memory_space<hbm>> -> memref<2x8x1000000xf32, #tpu.memory_space<hbm>>
      %dma_start3A_344 = arith.constant 0 : i32
      %dma_start3A_345 = tpu.memref_slice %dma_start3A_343[%select_n3A_54, %select_n3A_70, %dma_start3A_344] : memref<2x8x1000000xf32, #tpu.memory_space<hbm>> -> memref<1x1x1000000xf32, #tpu.memory_space<hbm>>
      %dma_start3A_346 = tpu.memref_squeeze %dma_start3A_345 : memref<1x1x1000000xf32, #tpu.memory_space<hbm>> -> memref<1000000xf32, #tpu.memory_space<hbm>>
      %dma_start3A_347 = arith.constant 368640 : i32
      %dma_start3A_348 = tpu.memref_slice %dma_start3A_346[%dma_start3A_347] : memref<1000000xf32, #tpu.memory_space<hbm>> -> memref<61440xf32, #tpu.memory_space<hbm>>
      %dma_start3A_349 = arith.constant 0 : i32
      %dma_start3A_350 = tpu.memref_slice %arg5[%dma_start3A_349] : memref<122880xf32, #tpu.memory_space<vmem>> -> memref<61440xf32, #tpu.memory_space<vmem>>
      %dma_start3A_351 = tpu.memref_reshape %arg2 : memref<16x1000000xf32, #tpu.memory_space<hbm>> -> memref<2x8x1000000xf32, #tpu.memory_space<hbm>>
      %dma_start3A_352 = arith.constant 0 : i32
      %dma_start3A_353 = tpu.memref_slice %dma_start3A_351[%select_n3A_54, %select_n3A_70, %dma_start3A_352] : memref<2x8x1000000xf32, #tpu.memory_space<hbm>> -> memref<1x1x1000000xf32, #tpu.memory_space<hbm>>
      %dma_start3A_354 = tpu.memref_squeeze %dma_start3A_353 : memref<1x1x1000000xf32, #tpu.memory_space<hbm>> -> memref<1000000xf32, #tpu.memory_space<hbm>>
      %dma_start3A_355 = arith.constant 368640 : i32
      %dma_start3A_356 = tpu.memref_slice %dma_start3A_354[%dma_start3A_355] : memref<1000000xf32, #tpu.memory_space<hbm>> -> memref<61440xf32, #tpu.memory_space<hbm>>
      tpu.enqueue_dma source(%dma_start3A_356 : memref<61440xf32, #tpu.memory_space<hbm>>) target(%dma_start3A_350 : memref<61440xf32, #tpu.memory_space<vmem>>) target_semaphore(%arg6 : memref<!tpu.dma_semaphore, #tpu.memory_space<semaphore_mem>>)
      %add3A_357 = arith.constant 307200 : i32
      %add3A_358 = arith.addi %mul3A_72, %add3A_357 : i32
      %dma_start3A_359 = arith.constant 61440 : i32
      %dma_start3A_360 = tpu.memref_slice %arg5[%dma_start3A_359] : memref<122880xf32, #tpu.memory_space<vmem>> -> memref<61440xf32, #tpu.memory_space<vmem>>
      %dma_start3A_361 = tpu.memref_slice %arg4[%add3A_358] : memref<32002048xf32, #tpu.memory_space<hbm>> -> memref<61440xf32, #tpu.memory_space<hbm>>
      %dma_start3A_362 = tpu.memref_slice %arg4[%add3A_358] : memref<32002048xf32, #tpu.memory_space<hbm>> -> memref<61440xf32, #tpu.memory_space<hbm>>
      %dma_start3A_363 = arith.constant 61440 : i32
      %dma_start3A_364 = tpu.memref_slice %arg5[%dma_start3A_363] : memref<122880xf32, #tpu.memory_space<vmem>> -> memref<61440xf32, #tpu.memory_space<vmem>>
      tpu.enqueue_dma source(%dma_start3A_364 : memref<61440xf32, #tpu.memory_space<vmem>>) target(%dma_start3A_362 : memref<61440xf32, #tpu.memory_space<hbm>>) target_semaphore(%arg7 : memref<!tpu.dma_semaphore, #tpu.memory_space<semaphore_mem>>)
      %dma_wait3A_365 = arith.constant 0 : i32
      %dma_wait3A_366 = tpu.memref_slice %arg5[%dma_wait3A_365] : memref<122880xf32, #tpu.memory_space<vmem>> -> memref<61440xf32, #tpu.memory_space<vmem>>
      %dma_wait3A_367 = tpu.memref_reshape %arg2 : memref<16x1000000xf32, #tpu.memory_space<hbm>> -> memref<2x8x1000000xf32, #tpu.memory_space<hbm>>
      %dma_wait3A_368 = arith.constant 0 : i32
      %dma_wait3A_369 = tpu.memref_slice %dma_wait3A_367[%select_n3A_54, %select_n3A_70, %dma_wait3A_368] : memref<2x8x1000000xf32, #tpu.memory_space<hbm>> -> memref<1x1x1000000xf32, #tpu.memory_space<hbm>>
      %dma_wait3A_370 = tpu.memref_squeeze %dma_wait3A_369 : memref<1x1x1000000xf32, #tpu.memory_space<hbm>> -> memref<1000000xf32, #tpu.memory_space<hbm>>
      %dma_wait3A_371 = arith.constant 368640 : i32
      %dma_wait3A_372 = tpu.memref_slice %dma_wait3A_370[%dma_wait3A_371] : memref<1000000xf32, #tpu.memory_space<hbm>> -> memref<61440xf32, #tpu.memory_space<hbm>>
      %dma_wait3A_373 = arith.constant 0 : i32
      %dma_wait3A_374 = tpu.memref_slice %arg5[%dma_wait3A_373] : memref<122880xf32, #tpu.memory_space<vmem>> -> memref<61440xf32, #tpu.memory_space<vmem>>
      %dma_wait3A_375 = tpu.memref_reshape %arg2 : memref<16x1000000xf32, #tpu.memory_space<hbm>> -> memref<2x8x1000000xf32, #tpu.memory_space<hbm>>
      %dma_wait3A_376 = arith.constant 0 : i32
      %dma_wait3A_377 = tpu.memref_slice %dma_wait3A_375[%select_n3A_54, %select_n3A_70, %dma_wait3A_376] : memref<2x8x1000000xf32, #tpu.memory_space<hbm>> -> memref<1x1x1000000xf32, #tpu.memory_space<hbm>>
      %dma_wait3A_378 = tpu.memref_squeeze %dma_wait3A_377 : memref<1x1x1000000xf32, #tpu.memory_space<hbm>> -> memref<1000000xf32, #tpu.memory_space<hbm>>
      %dma_wait3A_379 = arith.constant 368640 : i32
      %dma_wait3A_380 = tpu.memref_slice %dma_wait3A_378[%dma_wait3A_379] : memref<1000000xf32, #tpu.memory_space<hbm>> -> memref<61440xf32, #tpu.memory_space<hbm>>
      tpu.wait_dma2 semaphore(%arg6 : memref<!tpu.dma_semaphore, #tpu.memory_space<semaphore_mem>>) src(%dma_wait3A_380 : memref<61440xf32, #tpu.memory_space<hbm>>) dst(%dma_wait3A_374 : memref<61440xf32, #tpu.memory_space<vmem>>)
      %dma_wait3A_381 = arith.constant 61440 : i32
      %dma_wait3A_382 = tpu.memref_slice %arg5[%dma_wait3A_381] : memref<122880xf32, #tpu.memory_space<vmem>> -> memref<61440xf32, #tpu.memory_space<vmem>>
      %dma_wait3A_383 = tpu.memref_slice %arg4[%add3A_358] : memref<32002048xf32, #tpu.memory_space<hbm>> -> memref<61440xf32, #tpu.memory_space<hbm>>
      %dma_wait3A_384 = tpu.memref_slice %arg4[%add3A_358] : memref<32002048xf32, #tpu.memory_space<hbm>> -> memref<61440xf32, #tpu.memory_space<hbm>>
      %dma_wait3A_385 = arith.constant 61440 : i32
      %dma_wait3A_386 = tpu.memref_slice %arg5[%dma_wait3A_385] : memref<122880xf32, #tpu.memory_space<vmem>> -> memref<61440xf32, #tpu.memory_space<vmem>>
      tpu.wait_dma2 semaphore(%arg7 : memref<!tpu.dma_semaphore, #tpu.memory_space<semaphore_mem>>) src(%dma_wait3A_386 : memref<61440xf32, #tpu.memory_space<vmem>>) dst(%dma_wait3A_384 : memref<61440xf32, #tpu.memory_space<hbm>>)
      %dma_start3A_387 = arith.constant 61440 : i32
      %dma_start3A_388 = tpu.memref_slice %arg5[%dma_start3A_387] : memref<122880xf32, #tpu.memory_space<vmem>> -> memref<61440xf32, #tpu.memory_space<vmem>>
      %dma_start3A_389 = tpu.memref_reshape %arg2 : memref<16x1000000xf32, #tpu.memory_space<hbm>> -> memref<2x8x1000000xf32, #tpu.memory_space<hbm>>
      %dma_start3A_390 = arith.constant 0 : i32
      %dma_start3A_391 = tpu.memref_slice %dma_start3A_389[%select_n3A_54, %select_n3A_70, %dma_start3A_390] : memref<2x8x1000000xf32, #tpu.memory_space<hbm>> -> memref<1x1x1000000xf32, #tpu.memory_space<hbm>>
      %dma_start3A_392 = tpu.memref_squeeze %dma_start3A_391 : memref<1x1x1000000xf32, #tpu.memory_space<hbm>> -> memref<1000000xf32, #tpu.memory_space<hbm>>
      %dma_start3A_393 = arith.constant 430080 : i32
      %dma_start3A_394 = tpu.memref_slice %dma_start3A_392[%dma_start3A_393] : memref<1000000xf32, #tpu.memory_space<hbm>> -> memref<61440xf32, #tpu.memory_space<hbm>>
      %dma_start3A_395 = arith.constant 61440 : i32
      %dma_start3A_396 = tpu.memref_slice %arg5[%dma_start3A_395] : memref<122880xf32, #tpu.memory_space<vmem>> -> memref<61440xf32, #tpu.memory_space<vmem>>
      %dma_start3A_397 = tpu.memref_reshape %arg2 : memref<16x1000000xf32, #tpu.memory_space<hbm>> -> memref<2x8x1000000xf32, #tpu.memory_space<hbm>>
      %dma_start3A_398 = arith.constant 0 : i32
      %dma_start3A_399 = tpu.memref_slice %dma_start3A_397[%select_n3A_54, %select_n3A_70, %dma_start3A_398] : memref<2x8x1000000xf32, #tpu.memory_space<hbm>> -> memref<1x1x1000000xf32, #tpu.memory_space<hbm>>
      %dma_start3A_400 = tpu.memref_squeeze %dma_start3A_399 : memref<1x1x1000000xf32, #tpu.memory_space<hbm>> -> memref<1000000xf32, #tpu.memory_space<hbm>>
      %dma_start3A_401 = arith.constant 430080 : i32
      %dma_start3A_402 = tpu.memref_slice %dma_start3A_400[%dma_start3A_401] : memref<1000000xf32, #tpu.memory_space<hbm>> -> memref<61440xf32, #tpu.memory_space<hbm>>
      tpu.enqueue_dma source(%dma_start3A_402 : memref<61440xf32, #tpu.memory_space<hbm>>) target(%dma_start3A_396 : memref<61440xf32, #tpu.memory_space<vmem>>) target_semaphore(%arg6 : memref<!tpu.dma_semaphore, #tpu.memory_space<semaphore_mem>>)
      %add3A_403 = arith.constant 368640 : i32
      %add3A_404 = arith.addi %mul3A_72, %add3A_403 : i32
      %dma_start3A_405 = arith.constant 0 : i32
      %dma_start3A_406 = tpu.memref_slice %arg5[%dma_start3A_405] : memref<122880xf32, #tpu.memory_space<vmem>> -> memref<61440xf32, #tpu.memory_space<vmem>>
      %dma_start3A_407 = tpu.memref_slice %arg4[%add3A_404] : memref<32002048xf32, #tpu.memory_space<hbm>> -> memref<61440xf32, #tpu.memory_space<hbm>>
      %dma_start3A_408 = tpu.memref_slice %arg4[%add3A_404] : memref<32002048xf32, #tpu.memory_space<hbm>> -> memref<61440xf32, #tpu.memory_space<hbm>>
      %dma_start3A_409 = arith.constant 0 : i32
      %dma_start3A_410 = tpu.memref_slice %arg5[%dma_start3A_409] : memref<122880xf32, #tpu.memory_space<vmem>> -> memref<61440xf32, #tpu.memory_space<vmem>>
      tpu.enqueue_dma source(%dma_start3A_410 : memref<61440xf32, #tpu.memory_space<vmem>>) target(%dma_start3A_408 : memref<61440xf32, #tpu.memory_space<hbm>>) target_semaphore(%arg7 : memref<!tpu.dma_semaphore, #tpu.memory_space<semaphore_mem>>)
      %dma_wait3A_411 = arith.constant 61440 : i32
      %dma_wait3A_412 = tpu.memref_slice %arg5[%dma_wait3A_411] : memref<122880xf32, #tpu.memory_space<vmem>> -> memref<61440xf32, #tpu.memory_space<vmem>>
      %dma_wait3A_413 = tpu.memref_reshape %arg2 : memref<16x1000000xf32, #tpu.memory_space<hbm>> -> memref<2x8x1000000xf32, #tpu.memory_space<hbm>>
      %dma_wait3A_414 = arith.constant 0 : i32
      %dma_wait3A_415 = tpu.memref_slice %dma_wait3A_413[%select_n3A_54, %select_n3A_70, %dma_wait3A_414] : memref<2x8x1000000xf32, #tpu.memory_space<hbm>> -> memref<1x1x1000000xf32, #tpu.memory_space<hbm>>
      %dma_wait3A_416 = tpu.memref_squeeze %dma_wait3A_415 : memref<1x1x1000000xf32, #tpu.memory_space<hbm>> -> memref<1000000xf32, #tpu.memory_space<hbm>>
      %dma_wait3A_417 = arith.constant 430080 : i32
      %dma_wait3A_418 = tpu.memref_slice %dma_wait3A_416[%dma_wait3A_417] : memref<1000000xf32, #tpu.memory_space<hbm>> -> memref<61440xf32, #tpu.memory_space<hbm>>
      %dma_wait3A_419 = arith.constant 61440 : i32
      %dma_wait3A_420 = tpu.memref_slice %arg5[%dma_wait3A_419] : memref<122880xf32, #tpu.memory_space<vmem>> -> memref<61440xf32, #tpu.memory_space<vmem>>
      %dma_wait3A_421 = tpu.memref_reshape %arg2 : memref<16x1000000xf32, #tpu.memory_space<hbm>> -> memref<2x8x1000000xf32, #tpu.memory_space<hbm>>
      %dma_wait3A_422 = arith.constant 0 : i32
      %dma_wait3A_423 = tpu.memref_slice %dma_wait3A_421[%select_n3A_54, %select_n3A_70, %dma_wait3A_422] : memref<2x8x1000000xf32, #tpu.memory_space<hbm>> -> memref<1x1x1000000xf32, #tpu.memory_space<hbm>>
      %dma_wait3A_424 = tpu.memref_squeeze %dma_wait3A_423 : memref<1x1x1000000xf32, #tpu.memory_space<hbm>> -> memref<1000000xf32, #tpu.memory_space<hbm>>
      %dma_wait3A_425 = arith.constant 430080 : i32
      %dma_wait3A_426 = tpu.memref_slice %dma_wait3A_424[%dma_wait3A_425] : memref<1000000xf32, #tpu.memory_space<hbm>> -> memref<61440xf32, #tpu.memory_space<hbm>>
      tpu.wait_dma2 semaphore(%arg6 : memref<!tpu.dma_semaphore, #tpu.memory_space<semaphore_mem>>) src(%dma_wait3A_426 : memref<61440xf32, #tpu.memory_space<hbm>>) dst(%dma_wait3A_420 : memref<61440xf32, #tpu.memory_space<vmem>>)
      %dma_wait3A_427 = arith.constant 0 : i32
      %dma_wait3A_428 = tpu.memref_slice %arg5[%dma_wait3A_427] : memref<122880xf32, #tpu.memory_space<vmem>> -> memref<61440xf32, #tpu.memory_space<vmem>>
      %dma_wait3A_429 = tpu.memref_slice %arg4[%add3A_404] : memref<32002048xf32, #tpu.memory_space<hbm>> -> memref<61440xf32, #tpu.memory_space<hbm>>
      %dma_wait3A_430 = tpu.memref_slice %arg4[%add3A_404] : memref<32002048xf32, #tpu.memory_space<hbm>> -> memref<61440xf32, #tpu.memory_space<hbm>>
      %dma_wait3A_431 = arith.constant 0 : i32
      %dma_wait3A_432 = tpu.memref_slice %arg5[%dma_wait3A_431] : memref<122880xf32, #tpu.memory_space<vmem>> -> memref<61440xf32, #tpu.memory_space<vmem>>
      tpu.wait_dma2 semaphore(%arg7 : memref<!tpu.dma_semaphore, #tpu.memory_space<semaphore_mem>>) src(%dma_wait3A_432 : memref<61440xf32, #tpu.memory_space<vmem>>) dst(%dma_wait3A_430 : memref<61440xf32, #tpu.memory_space<hbm>>)
      %dma_start3A_433 = arith.constant 0 : i32
      %dma_start3A_434 = tpu.memref_slice %arg5[%dma_start3A_433] : memref<122880xf32, #tpu.memory_space<vmem>> -> memref<61440xf32, #tpu.memory_space<vmem>>
      %dma_start3A_435 = tpu.memref_reshape %arg2 : memref<16x1000000xf32, #tpu.memory_space<hbm>> -> memref<2x8x1000000xf32, #tpu.memory_space<hbm>>
      %dma_start3A_436 = arith.constant 0 : i32
      %dma_start3A_437 = tpu.memref_slice %dma_start3A_435[%select_n3A_54, %select_n3A_70, %dma_start3A_436] : memref<2x8x1000000xf32, #tpu.memory_space<hbm>> -> memref<1x1x1000000xf32, #tpu.memory_space<hbm>>
      %dma_start3A_438 = tpu.memref_squeeze %dma_start3A_437 : memref<1x1x1000000xf32, #tpu.memory_space<hbm>> -> memref<1000000xf32, #tpu.memory_space<hbm>>
      %dma_start3A_439 = arith.constant 491520 : i32
      %dma_start3A_440 = tpu.memref_slice %dma_start3A_438[%dma_start3A_439] : memref<1000000xf32, #tpu.memory_space<hbm>> -> memref<61440xf32, #tpu.memory_space<hbm>>
      %dma_start3A_441 = arith.constant 0 : i32
      %dma_start3A_442 = tpu.memref_slice %arg5[%dma_start3A_441] : memref<122880xf32, #tpu.memory_space<vmem>> -> memref<61440xf32, #tpu.memory_space<vmem>>
      %dma_start3A_443 = tpu.memref_reshape %arg2 : memref<16x1000000xf32, #tpu.memory_space<hbm>> -> memref<2x8x1000000xf32, #tpu.memory_space<hbm>>
      %dma_start3A_444 = arith.constant 0 : i32
      %dma_start3A_445 = tpu.memref_slice %dma_start3A_443[%select_n3A_54, %select_n3A_70, %dma_start3A_444] : memref<2x8x1000000xf32, #tpu.memory_space<hbm>> -> memref<1x1x1000000xf32, #tpu.memory_space<hbm>>
      %dma_start3A_446 = tpu.memref_squeeze %dma_start3A_445 : memref<1x1x1000000xf32, #tpu.memory_space<hbm>> -> memref<1000000xf32, #tpu.memory_space<hbm>>
      %dma_start3A_447 = arith.constant 491520 : i32
      %dma_start3A_448 = tpu.memref_slice %dma_start3A_446[%dma_start3A_447] : memref<1000000xf32, #tpu.memory_space<hbm>> -> memref<61440xf32, #tpu.memory_space<hbm>>
      tpu.enqueue_dma source(%dma_start3A_448 : memref<61440xf32, #tpu.memory_space<hbm>>) target(%dma_start3A_442 : memref<61440xf32, #tpu.memory_space<vmem>>) target_semaphore(%arg6 : memref<!tpu.dma_semaphore, #tpu.memory_space<semaphore_mem>>)
      %add3A_449 = arith.constant 430080 : i32
      %add3A_450 = arith.addi %mul3A_72, %add3A_449 : i32
      %dma_start3A_451 = arith.constant 61440 : i32
      %dma_start3A_452 = tpu.memref_slice %arg5[%dma_start3A_451] : memref<122880xf32, #tpu.memory_space<vmem>> -> memref<61440xf32, #tpu.memory_space<vmem>>
      %dma_start3A_453 = tpu.memref_slice %arg4[%add3A_450] : memref<32002048xf32, #tpu.memory_space<hbm>> -> memref<61440xf32, #tpu.memory_space<hbm>>
      %dma_start3A_454 = tpu.memref_slice %arg4[%add3A_450] : memref<32002048xf32, #tpu.memory_space<hbm>> -> memref<61440xf32, #tpu.memory_space<hbm>>
      %dma_start3A_455 = arith.constant 61440 : i32
      %dma_start3A_456 = tpu.memref_slice %arg5[%dma_start3A_455] : memref<122880xf32, #tpu.memory_space<vmem>> -> memref<61440xf32, #tpu.memory_space<vmem>>
      tpu.enqueue_dma source(%dma_start3A_456 : memref<61440xf32, #tpu.memory_space<vmem>>) target(%dma_start3A_454 : memref<61440xf32, #tpu.memory_space<hbm>>) target_semaphore(%arg7 : memref<!tpu.dma_semaphore, #tpu.memory_space<semaphore_mem>>)
      %dma_wait3A_457 = arith.constant 0 : i32
      %dma_wait3A_458 = tpu.memref_slice %arg5[%dma_wait3A_457] : memref<122880xf32, #tpu.memory_space<vmem>> -> memref<61440xf32, #tpu.memory_space<vmem>>
      %dma_wait3A_459 = tpu.memref_reshape %arg2 : memref<16x1000000xf32, #tpu.memory_space<hbm>> -> memref<2x8x1000000xf32, #tpu.memory_space<hbm>>
      %dma_wait3A_460 = arith.constant 0 : i32
      %dma_wait3A_461 = tpu.memref_slice %dma_wait3A_459[%select_n3A_54, %select_n3A_70, %dma_wait3A_460] : memref<2x8x1000000xf32, #tpu.memory_space<hbm>> -> memref<1x1x1000000xf32, #tpu.memory_space<hbm>>
      %dma_wait3A_462 = tpu.memref_squeeze %dma_wait3A_461 : memref<1x1x1000000xf32, #tpu.memory_space<hbm>> -> memref<1000000xf32, #tpu.memory_space<hbm>>
      %dma_wait3A_463 = arith.constant 491520 : i32
      %dma_wait3A_464 = tpu.memref_slice %dma_wait3A_462[%dma_wait3A_463] : memref<1000000xf32, #tpu.memory_space<hbm>> -> memref<61440xf32, #tpu.memory_space<hbm>>
      %dma_wait3A_465 = arith.constant 0 : i32
      %dma_wait3A_466 = tpu.memref_slice %arg5[%dma_wait3A_465] : memref<122880xf32, #tpu.memory_space<vmem>> -> memref<61440xf32, #tpu.memory_space<vmem>>
      %dma_wait3A_467 = tpu.memref_reshape %arg2 : memref<16x1000000xf32, #tpu.memory_space<hbm>> -> memref<2x8x1000000xf32, #tpu.memory_space<hbm>>
      %dma_wait3A_468 = arith.constant 0 : i32
      %dma_wait3A_469 = tpu.memref_slice %dma_wait3A_467[%select_n3A_54, %select_n3A_70, %dma_wait3A_468] : memref<2x8x1000000xf32, #tpu.memory_space<hbm>> -> memref<1x1x1000000xf32, #tpu.memory_space<hbm>>
      %dma_wait3A_470 = tpu.memref_squeeze %dma_wait3A_469 : memref<1x1x1000000xf32, #tpu.memory_space<hbm>> -> memref<1000000xf32, #tpu.memory_space<hbm>>
      %dma_wait3A_471 = arith.constant 491520 : i32
      %dma_wait3A_472 = tpu.memref_slice %dma_wait3A_470[%dma_wait3A_471] : memref<1000000xf32, #tpu.memory_space<hbm>> -> memref<61440xf32, #tpu.memory_space<hbm>>
      tpu.wait_dma2 semaphore(%arg6 : memref<!tpu.dma_semaphore, #tpu.memory_space<semaphore_mem>>) src(%dma_wait3A_472 : memref<61440xf32, #tpu.memory_space<hbm>>) dst(%dma_wait3A_466 : memref<61440xf32, #tpu.memory_space<vmem>>)
      %dma_wait3A_473 = arith.constant 61440 : i32
      %dma_wait3A_474 = tpu.memref_slice %arg5[%dma_wait3A_473] : memref<122880xf32, #tpu.memory_space<vmem>> -> memref<61440xf32, #tpu.memory_space<vmem>>
      %dma_wait3A_475 = tpu.memref_slice %arg4[%add3A_450] : memref<32002048xf32, #tpu.memory_space<hbm>> -> memref<61440xf32, #tpu.memory_space<hbm>>
      %dma_wait3A_476 = tpu.memref_slice %arg4[%add3A_450] : memref<32002048xf32, #tpu.memory_space<hbm>> -> memref<61440xf32, #tpu.memory_space<hbm>>
      %dma_wait3A_477 = arith.constant 61440 : i32
      %dma_wait3A_478 = tpu.memref_slice %arg5[%dma_wait3A_477] : memref<122880xf32, #tpu.memory_space<vmem>> -> memref<61440xf32, #tpu.memory_space<vmem>>
      tpu.wait_dma2 semaphore(%arg7 : memref<!tpu.dma_semaphore, #tpu.memory_space<semaphore_mem>>) src(%dma_wait3A_478 : memref<61440xf32, #tpu.memory_space<vmem>>) dst(%dma_wait3A_476 : memref<61440xf32, #tpu.memory_space<hbm>>)
      %dma_start3A_479 = arith.constant 61440 : i32
      %dma_start3A_480 = tpu.memref_slice %arg5[%dma_start3A_479] : memref<122880xf32, #tpu.memory_space<vmem>> -> memref<61440xf32, #tpu.memory_space<vmem>>
      %dma_start3A_481 = tpu.memref_reshape %arg2 : memref<16x1000000xf32, #tpu.memory_space<hbm>> -> memref<2x8x1000000xf32, #tpu.memory_space<hbm>>
      %dma_start3A_482 = arith.constant 0 : i32
      %dma_start3A_483 = tpu.memref_slice %dma_start3A_481[%select_n3A_54, %select_n3A_70, %dma_start3A_482] : memref<2x8x1000000xf32, #tpu.memory_space<hbm>> -> memref<1x1x1000000xf32, #tpu.memory_space<hbm>>
      %dma_start3A_484 = tpu.memref_squeeze %dma_start3A_483 : memref<1x1x1000000xf32, #tpu.memory_space<hbm>> -> memref<1000000xf32, #tpu.memory_space<hbm>>
      %dma_start3A_485 = arith.constant 552960 : i32
      %dma_start3A_486 = tpu.memref_slice %dma_start3A_484[%dma_start3A_485] : memref<1000000xf32, #tpu.memory_space<hbm>> -> memref<61440xf32, #tpu.memory_space<hbm>>
      %dma_start3A_487 = arith.constant 61440 : i32
      %dma_start3A_488 = tpu.memref_slice %arg5[%dma_start3A_487] : memref<122880xf32, #tpu.memory_space<vmem>> -> memref<61440xf32, #tpu.memory_space<vmem>>
      %dma_start3A_489 = tpu.memref_reshape %arg2 : memref<16x1000000xf32, #tpu.memory_space<hbm>> -> memref<2x8x1000000xf32, #tpu.memory_space<hbm>>
      %dma_start3A_490 = arith.constant 0 : i32
      %dma_start3A_491 = tpu.memref_slice %dma_start3A_489[%select_n3A_54, %select_n3A_70, %dma_start3A_490] : memref<2x8x1000000xf32, #tpu.memory_space<hbm>> -> memref<1x1x1000000xf32, #tpu.memory_space<hbm>>
      %dma_start3A_492 = tpu.memref_squeeze %dma_start3A_491 : memref<1x1x1000000xf32, #tpu.memory_space<hbm>> -> memref<1000000xf32, #tpu.memory_space<hbm>>
      %dma_start3A_493 = arith.constant 552960 : i32
      %dma_start3A_494 = tpu.memref_slice %dma_start3A_492[%dma_start3A_493] : memref<1000000xf32, #tpu.memory_space<hbm>> -> memref<61440xf32, #tpu.memory_space<hbm>>
      tpu.enqueue_dma source(%dma_start3A_494 : memref<61440xf32, #tpu.memory_space<hbm>>) target(%dma_start3A_488 : memref<61440xf32, #tpu.memory_space<vmem>>) target_semaphore(%arg6 : memref<!tpu.dma_semaphore, #tpu.memory_space<semaphore_mem>>)
      %add3A_495 = arith.constant 491520 : i32
      %add3A_496 = arith.addi %mul3A_72, %add3A_495 : i32
      %dma_start3A_497 = arith.constant 0 : i32
      %dma_start3A_498 = tpu.memref_slice %arg5[%dma_start3A_497] : memref<122880xf32, #tpu.memory_space<vmem>> -> memref<61440xf32, #tpu.memory_space<vmem>>
      %dma_start3A_499 = tpu.memref_slice %arg4[%add3A_496] : memref<32002048xf32, #tpu.memory_space<hbm>> -> memref<61440xf32, #tpu.memory_space<hbm>>
      %dma_start3A_500 = tpu.memref_slice %arg4[%add3A_496] : memref<32002048xf32, #tpu.memory_space<hbm>> -> memref<61440xf32, #tpu.memory_space<hbm>>
      %dma_start3A_501 = arith.constant 0 : i32
      %dma_start3A_502 = tpu.memref_slice %arg5[%dma_start3A_501] : memref<122880xf32, #tpu.memory_space<vmem>> -> memref<61440xf32, #tpu.memory_space<vmem>>
      tpu.enqueue_dma source(%dma_start3A_502 : memref<61440xf32, #tpu.memory_space<vmem>>) target(%dma_start3A_500 : memref<61440xf32, #tpu.memory_space<hbm>>) target_semaphore(%arg7 : memref<!tpu.dma_semaphore, #tpu.memory_space<semaphore_mem>>)
      %dma_wait3A_503 = arith.constant 61440 : i32
      %dma_wait3A_504 = tpu.memref_slice %arg5[%dma_wait3A_503] : memref<122880xf32, #tpu.memory_space<vmem>> -> memref<61440xf32, #tpu.memory_space<vmem>>
      %dma_wait3A_505 = tpu.memref_reshape %arg2 : memref<16x1000000xf32, #tpu.memory_space<hbm>> -> memref<2x8x1000000xf32, #tpu.memory_space<hbm>>
      %dma_wait3A_506 = arith.constant 0 : i32
      %dma_wait3A_507 = tpu.memref_slice %dma_wait3A_505[%select_n3A_54, %select_n3A_70, %dma_wait3A_506] : memref<2x8x1000000xf32, #tpu.memory_space<hbm>> -> memref<1x1x1000000xf32, #tpu.memory_space<hbm>>
      %dma_wait3A_508 = tpu.memref_squeeze %dma_wait3A_507 : memref<1x1x1000000xf32, #tpu.memory_space<hbm>> -> memref<1000000xf32, #tpu.memory_space<hbm>>
      %dma_wait3A_509 = arith.constant 552960 : i32
      %dma_wait3A_510 = tpu.memref_slice %dma_wait3A_508[%dma_wait3A_509] : memref<1000000xf32, #tpu.memory_space<hbm>> -> memref<61440xf32, #tpu.memory_space<hbm>>
      %dma_wait3A_511 = arith.constant 61440 : i32
      %dma_wait3A_512 = tpu.memref_slice %arg5[%dma_wait3A_511] : memref<122880xf32, #tpu.memory_space<vmem>> -> memref<61440xf32, #tpu.memory_space<vmem>>
      %dma_wait3A_513 = tpu.memref_reshape %arg2 : memref<16x1000000xf32, #tpu.memory_space<hbm>> -> memref<2x8x1000000xf32, #tpu.memory_space<hbm>>
      %dma_wait3A_514 = arith.constant 0 : i32
      %dma_wait3A_515 = tpu.memref_slice %dma_wait3A_513[%select_n3A_54, %select_n3A_70, %dma_wait3A_514] : memref<2x8x1000000xf32, #tpu.memory_space<hbm>> -> memref<1x1x1000000xf32, #tpu.memory_space<hbm>>
      %dma_wait3A_516 = tpu.memref_squeeze %dma_wait3A_515 : memref<1x1x1000000xf32, #tpu.memory_space<hbm>> -> memref<1000000xf32, #tpu.memory_space<hbm>>
      %dma_wait3A_517 = arith.constant 552960 : i32
      %dma_wait3A_518 = tpu.memref_slice %dma_wait3A_516[%dma_wait3A_517] : memref<1000000xf32, #tpu.memory_space<hbm>> -> memref<61440xf32, #tpu.memory_space<hbm>>
      tpu.wait_dma2 semaphore(%arg6 : memref<!tpu.dma_semaphore, #tpu.memory_space<semaphore_mem>>) src(%dma_wait3A_518 : memref<61440xf32, #tpu.memory_space<hbm>>) dst(%dma_wait3A_512 : memref<61440xf32, #tpu.memory_space<vmem>>)
      %dma_wait3A_519 = arith.constant 0 : i32
      %dma_wait3A_520 = tpu.memref_slice %arg5[%dma_wait3A_519] : memref<122880xf32, #tpu.memory_space<vmem>> -> memref<61440xf32, #tpu.memory_space<vmem>>
      %dma_wait3A_521 = tpu.memref_slice %arg4[%add3A_496] : memref<32002048xf32, #tpu.memory_space<hbm>> -> memref<61440xf32, #tpu.memory_space<hbm>>
      %dma_wait3A_522 = tpu.memref_slice %arg4[%add3A_496] : memref<32002048xf32, #tpu.memory_space<hbm>> -> memref<61440xf32, #tpu.memory_space<hbm>>
      %dma_wait3A_523 = arith.constant 0 : i32
      %dma_wait3A_524 = tpu.memref_slice %arg5[%dma_wait3A_523] : memref<122880xf32, #tpu.memory_space<vmem>> -> memref<61440xf32, #tpu.memory_space<vmem>>
      tpu.wait_dma2 semaphore(%arg7 : memref<!tpu.dma_semaphore, #tpu.memory_space<semaphore_mem>>) src(%dma_wait3A_524 : memref<61440xf32, #tpu.memory_space<vmem>>) dst(%dma_wait3A_522 : memref<61440xf32, #tpu.memory_space<hbm>>)
      %dma_start3A_525 = arith.constant 0 : i32
      %dma_start3A_526 = tpu.memref_slice %arg5[%dma_start3A_525] : memref<122880xf32, #tpu.memory_space<vmem>> -> memref<61440xf32, #tpu.memory_space<vmem>>
      %dma_start3A_527 = tpu.memref_reshape %arg2 : memref<16x1000000xf32, #tpu.memory_space<hbm>> -> memref<2x8x1000000xf32, #tpu.memory_space<hbm>>
      %dma_start3A_528 = arith.constant 0 : i32
      %dma_start3A_529 = tpu.memref_slice %dma_start3A_527[%select_n3A_54, %select_n3A_70, %dma_start3A_528] : memref<2x8x1000000xf32, #tpu.memory_space<hbm>> -> memref<1x1x1000000xf32, #tpu.memory_space<hbm>>
      %dma_start3A_530 = tpu.memref_squeeze %dma_start3A_529 : memref<1x1x1000000xf32, #tpu.memory_space<hbm>> -> memref<1000000xf32, #tpu.memory_space<hbm>>
      %dma_start3A_531 = arith.constant 614400 : i32
      %dma_start3A_532 = tpu.memref_slice %dma_start3A_530[%dma_start3A_531] : memref<1000000xf32, #tpu.memory_space<hbm>> -> memref<61440xf32, #tpu.memory_space<hbm>>
      %dma_start3A_533 = arith.constant 0 : i32
      %dma_start3A_534 = tpu.memref_slice %arg5[%dma_start3A_533] : memref<122880xf32, #tpu.memory_space<vmem>> -> memref<61440xf32, #tpu.memory_space<vmem>>
      %dma_start3A_535 = tpu.memref_reshape %arg2 : memref<16x1000000xf32, #tpu.memory_space<hbm>> -> memref<2x8x1000000xf32, #tpu.memory_space<hbm>>
      %dma_start3A_536 = arith.constant 0 : i32
      %dma_start3A_537 = tpu.memref_slice %dma_start3A_535[%select_n3A_54, %select_n3A_70, %dma_start3A_536] : memref<2x8x1000000xf32, #tpu.memory_space<hbm>> -> memref<1x1x1000000xf32, #tpu.memory_space<hbm>>
      %dma_start3A_538 = tpu.memref_squeeze %dma_start3A_537 : memref<1x1x1000000xf32, #tpu.memory_space<hbm>> -> memref<1000000xf32, #tpu.memory_space<hbm>>
      %dma_start3A_539 = arith.constant 614400 : i32
      %dma_start3A_540 = tpu.memref_slice %dma_start3A_538[%dma_start3A_539] : memref<1000000xf32, #tpu.memory_space<hbm>> -> memref<61440xf32, #tpu.memory_space<hbm>>
      tpu.enqueue_dma source(%dma_start3A_540 : memref<61440xf32, #tpu.memory_space<hbm>>) target(%dma_start3A_534 : memref<61440xf32, #tpu.memory_space<vmem>>) target_semaphore(%arg6 : memref<!tpu.dma_semaphore, #tpu.memory_space<semaphore_mem>>)
      %add3A_541 = arith.constant 552960 : i32
      %add3A_542 = arith.addi %mul3A_72, %add3A_541 : i32
      %dma_start3A_543 = arith.constant 61440 : i32
      %dma_start3A_544 = tpu.memref_slice %arg5[%dma_start3A_543] : memref<122880xf32, #tpu.memory_space<vmem>> -> memref<61440xf32, #tpu.memory_space<vmem>>
      %dma_start3A_545 = tpu.memref_slice %arg4[%add3A_542] : memref<32002048xf32, #tpu.memory_space<hbm>> -> memref<61440xf32, #tpu.memory_space<hbm>>
      %dma_start3A_546 = tpu.memref_slice %arg4[%add3A_542] : memref<32002048xf32, #tpu.memory_space<hbm>> -> memref<61440xf32, #tpu.memory_space<hbm>>
      %dma_start3A_547 = arith.constant 61440 : i32
      %dma_start3A_548 = tpu.memref_slice %arg5[%dma_start3A_547] : memref<122880xf32, #tpu.memory_space<vmem>> -> memref<61440xf32, #tpu.memory_space<vmem>>
      tpu.enqueue_dma source(%dma_start3A_548 : memref<61440xf32, #tpu.memory_space<vmem>>) target(%dma_start3A_546 : memref<61440xf32, #tpu.memory_space<hbm>>) target_semaphore(%arg7 : memref<!tpu.dma_semaphore, #tpu.memory_space<semaphore_mem>>)
      %dma_wait3A_549 = arith.constant 0 : i32
      %dma_wait3A_550 = tpu.memref_slice %arg5[%dma_wait3A_549] : memref<122880xf32, #tpu.memory_space<vmem>> -> memref<61440xf32, #tpu.memory_space<vmem>>
      %dma_wait3A_551 = tpu.memref_reshape %arg2 : memref<16x1000000xf32, #tpu.memory_space<hbm>> -> memref<2x8x1000000xf32, #tpu.memory_space<hbm>>
      %dma_wait3A_552 = arith.constant 0 : i32
      %dma_wait3A_553 = tpu.memref_slice %dma_wait3A_551[%select_n3A_54, %select_n3A_70, %dma_wait3A_552] : memref<2x8x1000000xf32, #tpu.memory_space<hbm>> -> memref<1x1x1000000xf32, #tpu.memory_space<hbm>>
      %dma_wait3A_554 = tpu.memref_squeeze %dma_wait3A_553 : memref<1x1x1000000xf32, #tpu.memory_space<hbm>> -> memref<1000000xf32, #tpu.memory_space<hbm>>
      %dma_wait3A_555 = arith.constant 614400 : i32
      %dma_wait3A_556 = tpu.memref_slice %dma_wait3A_554[%dma_wait3A_555] : memref<1000000xf32, #tpu.memory_space<hbm>> -> memref<61440xf32, #tpu.memory_space<hbm>>
      %dma_wait3A_557 = arith.constant 0 : i32
      %dma_wait3A_558 = tpu.memref_slice %arg5[%dma_wait3A_557] : memref<122880xf32, #tpu.memory_space<vmem>> -> memref<61440xf32, #tpu.memory_space<vmem>>
      %dma_wait3A_559 = tpu.memref_reshape %arg2 : memref<16x1000000xf32, #tpu.memory_space<hbm>> -> memref<2x8x1000000xf32, #tpu.memory_space<hbm>>
      %dma_wait3A_560 = arith.constant 0 : i32
      %dma_wait3A_561 = tpu.memref_slice %dma_wait3A_559[%select_n3A_54, %select_n3A_70, %dma_wait3A_560] : memref<2x8x1000000xf32, #tpu.memory_space<hbm>> -> memref<1x1x1000000xf32, #tpu.memory_space<hbm>>
      %dma_wait3A_562 = tpu.memref_squeeze %dma_wait3A_561 : memref<1x1x1000000xf32, #tpu.memory_space<hbm>> -> memref<1000000xf32, #tpu.memory_space<hbm>>
      %dma_wait3A_563 = arith.constant 614400 : i32
      %dma_wait3A_564 = tpu.memref_slice %dma_wait3A_562[%dma_wait3A_563] : memref<1000000xf32, #tpu.memory_space<hbm>> -> memref<61440xf32, #tpu.memory_space<hbm>>
      tpu.wait_dma2 semaphore(%arg6 : memref<!tpu.dma_semaphore, #tpu.memory_space<semaphore_mem>>) src(%dma_wait3A_564 : memref<61440xf32, #tpu.memory_space<hbm>>) dst(%dma_wait3A_558 : memref<61440xf32, #tpu.memory_space<vmem>>)
      %dma_wait3A_565 = arith.constant 61440 : i32
      %dma_wait3A_566 = tpu.memref_slice %arg5[%dma_wait3A_565] : memref<122880xf32, #tpu.memory_space<vmem>> -> memref<61440xf32, #tpu.memory_space<vmem>>
      %dma_wait3A_567 = tpu.memref_slice %arg4[%add3A_542] : memref<32002048xf32, #tpu.memory_space<hbm>> -> memref<61440xf32, #tpu.memory_space<hbm>>
      %dma_wait3A_568 = tpu.memref_slice %arg4[%add3A_542] : memref<32002048xf32, #tpu.memory_space<hbm>> -> memref<61440xf32, #tpu.memory_space<hbm>>
      %dma_wait3A_569 = arith.constant 61440 : i32
      %dma_wait3A_570 = tpu.memref_slice %arg5[%dma_wait3A_569] : memref<122880xf32, #tpu.memory_space<vmem>> -> memref<61440xf32, #tpu.memory_space<vmem>>
      tpu.wait_dma2 semaphore(%arg7 : memref<!tpu.dma_semaphore, #tpu.memory_space<semaphore_mem>>) src(%dma_wait3A_570 : memref<61440xf32, #tpu.memory_space<vmem>>) dst(%dma_wait3A_568 : memref<61440xf32, #tpu.memory_space<hbm>>)
      %dma_start3A_571 = arith.constant 61440 : i32
      %dma_start3A_572 = tpu.memref_slice %arg5[%dma_start3A_571] : memref<122880xf32, #tpu.memory_space<vmem>> -> memref<61440xf32, #tpu.memory_space<vmem>>
      %dma_start3A_573 = tpu.memref_reshape %arg2 : memref<16x1000000xf32, #tpu.memory_space<hbm>> -> memref<2x8x1000000xf32, #tpu.memory_space<hbm>>
      %dma_start3A_574 = arith.constant 0 : i32
      %dma_start3A_575 = tpu.memref_slice %dma_start3A_573[%select_n3A_54, %select_n3A_70, %dma_start3A_574] : memref<2x8x1000000xf32, #tpu.memory_space<hbm>> -> memref<1x1x1000000xf32, #tpu.memory_space<hbm>>
      %dma_start3A_576 = tpu.memref_squeeze %dma_start3A_575 : memref<1x1x1000000xf32, #tpu.memory_space<hbm>> -> memref<1000000xf32, #tpu.memory_space<hbm>>
      %dma_start3A_577 = arith.constant 675840 : i32
      %dma_start3A_578 = tpu.memref_slice %dma_start3A_576[%dma_start3A_577] : memref<1000000xf32, #tpu.memory_space<hbm>> -> memref<61440xf32, #tpu.memory_space<hbm>>
      %dma_start3A_579 = arith.constant 61440 : i32
      %dma_start3A_580 = tpu.memref_slice %arg5[%dma_start3A_579] : memref<122880xf32, #tpu.memory_space<vmem>> -> memref<61440xf32, #tpu.memory_space<vmem>>
      %dma_start3A_581 = tpu.memref_reshape %arg2 : memref<16x1000000xf32, #tpu.memory_space<hbm>> -> memref<2x8x1000000xf32, #tpu.memory_space<hbm>>
      %dma_start3A_582 = arith.constant 0 : i32
      %dma_start3A_583 = tpu.memref_slice %dma_start3A_581[%select_n3A_54, %select_n3A_70, %dma_start3A_582] : memref<2x8x1000000xf32, #tpu.memory_space<hbm>> -> memref<1x1x1000000xf32, #tpu.memory_space<hbm>>
      %dma_start3A_584 = tpu.memref_squeeze %dma_start3A_583 : memref<1x1x1000000xf32, #tpu.memory_space<hbm>> -> memref<1000000xf32, #tpu.memory_space<hbm>>
      %dma_start3A_585 = arith.constant 675840 : i32
      %dma_start3A_586 = tpu.memref_slice %dma_start3A_584[%dma_start3A_585] : memref<1000000xf32, #tpu.memory_space<hbm>> -> memref<61440xf32, #tpu.memory_space<hbm>>
      tpu.enqueue_dma source(%dma_start3A_586 : memref<61440xf32, #tpu.memory_space<hbm>>) target(%dma_start3A_580 : memref<61440xf32, #tpu.memory_space<vmem>>) target_semaphore(%arg6 : memref<!tpu.dma_semaphore, #tpu.memory_space<semaphore_mem>>)
      %add3A_587 = arith.constant 614400 : i32
      %add3A_588 = arith.addi %mul3A_72, %add3A_587 : i32
      %dma_start3A_589 = arith.constant 0 : i32
      %dma_start3A_590 = tpu.memref_slice %arg5[%dma_start3A_589] : memref<122880xf32, #tpu.memory_space<vmem>> -> memref<61440xf32, #tpu.memory_space<vmem>>
      %dma_start3A_591 = tpu.memref_slice %arg4[%add3A_588] : memref<32002048xf32, #tpu.memory_space<hbm>> -> memref<61440xf32, #tpu.memory_space<hbm>>
      %dma_start3A_592 = tpu.memref_slice %arg4[%add3A_588] : memref<32002048xf32, #tpu.memory_space<hbm>> -> memref<61440xf32, #tpu.memory_space<hbm>>
      %dma_start3A_593 = arith.constant 0 : i32
      %dma_start3A_594 = tpu.memref_slice %arg5[%dma_start3A_593] : memref<122880xf32, #tpu.memory_space<vmem>> -> memref<61440xf32, #tpu.memory_space<vmem>>
      tpu.enqueue_dma source(%dma_start3A_594 : memref<61440xf32, #tpu.memory_space<vmem>>) target(%dma_start3A_592 : memref<61440xf32, #tpu.memory_space<hbm>>) target_semaphore(%arg7 : memref<!tpu.dma_semaphore, #tpu.memory_space<semaphore_mem>>)
      %dma_wait3A_595 = arith.constant 61440 : i32
      %dma_wait3A_596 = tpu.memref_slice %arg5[%dma_wait3A_595] : memref<122880xf32, #tpu.memory_space<vmem>> -> memref<61440xf32, #tpu.memory_space<vmem>>
      %dma_wait3A_597 = tpu.memref_reshape %arg2 : memref<16x1000000xf32, #tpu.memory_space<hbm>> -> memref<2x8x1000000xf32, #tpu.memory_space<hbm>>
      %dma_wait3A_598 = arith.constant 0 : i32
      %dma_wait3A_599 = tpu.memref_slice %dma_wait3A_597[%select_n3A_54, %select_n3A_70, %dma_wait3A_598] : memref<2x8x1000000xf32, #tpu.memory_space<hbm>> -> memref<1x1x1000000xf32, #tpu.memory_space<hbm>>
      %dma_wait3A_600 = tpu.memref_squeeze %dma_wait3A_599 : memref<1x1x1000000xf32, #tpu.memory_space<hbm>> -> memref<1000000xf32, #tpu.memory_space<hbm>>
      %dma_wait3A_601 = arith.constant 675840 : i32
      %dma_wait3A_602 = tpu.memref_slice %dma_wait3A_600[%dma_wait3A_601] : memref<1000000xf32, #tpu.memory_space<hbm>> -> memref<61440xf32, #tpu.memory_space<hbm>>
      %dma_wait3A_603 = arith.constant 61440 : i32
      %dma_wait3A_604 = tpu.memref_slice %arg5[%dma_wait3A_603] : memref<122880xf32, #tpu.memory_space<vmem>> -> memref<61440xf32, #tpu.memory_space<vmem>>
      %dma_wait3A_605 = tpu.memref_reshape %arg2 : memref<16x1000000xf32, #tpu.memory_space<hbm>> -> memref<2x8x1000000xf32, #tpu.memory_space<hbm>>
      %dma_wait3A_606 = arith.constant 0 : i32
      %dma_wait3A_607 = tpu.memref_slice %dma_wait3A_605[%select_n3A_54, %select_n3A_70, %dma_wait3A_606] : memref<2x8x1000000xf32, #tpu.memory_space<hbm>> -> memref<1x1x1000000xf32, #tpu.memory_space<hbm>>
      %dma_wait3A_608 = tpu.memref_squeeze %dma_wait3A_607 : memref<1x1x1000000xf32, #tpu.memory_space<hbm>> -> memref<1000000xf32, #tpu.memory_space<hbm>>
      %dma_wait3A_609 = arith.constant 675840 : i32
      %dma_wait3A_610 = tpu.memref_slice %dma_wait3A_608[%dma_wait3A_609] : memref<1000000xf32, #tpu.memory_space<hbm>> -> memref<61440xf32, #tpu.memory_space<hbm>>
      tpu.wait_dma2 semaphore(%arg6 : memref<!tpu.dma_semaphore, #tpu.memory_space<semaphore_mem>>) src(%dma_wait3A_610 : memref<61440xf32, #tpu.memory_space<hbm>>) dst(%dma_wait3A_604 : memref<61440xf32, #tpu.memory_space<vmem>>)
      %dma_wait3A_611 = arith.constant 0 : i32
      %dma_wait3A_612 = tpu.memref_slice %arg5[%dma_wait3A_611] : memref<122880xf32, #tpu.memory_space<vmem>> -> memref<61440xf32, #tpu.memory_space<vmem>>
      %dma_wait3A_613 = tpu.memref_slice %arg4[%add3A_588] : memref<32002048xf32, #tpu.memory_space<hbm>> -> memref<61440xf32, #tpu.memory_space<hbm>>
      %dma_wait3A_614 = tpu.memref_slice %arg4[%add3A_588] : memref<32002048xf32, #tpu.memory_space<hbm>> -> memref<61440xf32, #tpu.memory_space<hbm>>
      %dma_wait3A_615 = arith.constant 0 : i32
      %dma_wait3A_616 = tpu.memref_slice %arg5[%dma_wait3A_615] : memref<122880xf32, #tpu.memory_space<vmem>> -> memref<61440xf32, #tpu.memory_space<vmem>>
      tpu.wait_dma2 semaphore(%arg7 : memref<!tpu.dma_semaphore, #tpu.memory_space<semaphore_mem>>) src(%dma_wait3A_616 : memref<61440xf32, #tpu.memory_space<vmem>>) dst(%dma_wait3A_614 : memref<61440xf32, #tpu.memory_space<hbm>>)
      %dma_start3A_617 = arith.constant 0 : i32
      %dma_start3A_618 = tpu.memref_slice %arg5[%dma_start3A_617] : memref<122880xf32, #tpu.memory_space<vmem>> -> memref<61440xf32, #tpu.memory_space<vmem>>
      %dma_start3A_619 = tpu.memref_reshape %arg2 : memref<16x1000000xf32, #tpu.memory_space<hbm>> -> memref<2x8x1000000xf32, #tpu.memory_space<hbm>>
      %dma_start3A_620 = arith.constant 0 : i32
      %dma_start3A_621 = tpu.memref_slice %dma_start3A_619[%select_n3A_54, %select_n3A_70, %dma_start3A_620] : memref<2x8x1000000xf32, #tpu.memory_space<hbm>> -> memref<1x1x1000000xf32, #tpu.memory_space<hbm>>
      %dma_start3A_622 = tpu.memref_squeeze %dma_start3A_621 : memref<1x1x1000000xf32, #tpu.memory_space<hbm>> -> memref<1000000xf32, #tpu.memory_space<hbm>>
      %dma_start3A_623 = arith.constant 737280 : i32
      %dma_start3A_624 = tpu.memref_slice %dma_start3A_622[%dma_start3A_623] : memref<1000000xf32, #tpu.memory_space<hbm>> -> memref<61440xf32, #tpu.memory_space<hbm>>
      %dma_start3A_625 = arith.constant 0 : i32
      %dma_start3A_626 = tpu.memref_slice %arg5[%dma_start3A_625] : memref<122880xf32, #tpu.memory_space<vmem>> -> memref<61440xf32, #tpu.memory_space<vmem>>
      %dma_start3A_627 = tpu.memref_reshape %arg2 : memref<16x1000000xf32, #tpu.memory_space<hbm>> -> memref<2x8x1000000xf32, #tpu.memory_space<hbm>>
      %dma_start3A_628 = arith.constant 0 : i32
      %dma_start3A_629 = tpu.memref_slice %dma_start3A_627[%select_n3A_54, %select_n3A_70, %dma_start3A_628] : memref<2x8x1000000xf32, #tpu.memory_space<hbm>> -> memref<1x1x1000000xf32, #tpu.memory_space<hbm>>
      %dma_start3A_630 = tpu.memref_squeeze %dma_start3A_629 : memref<1x1x1000000xf32, #tpu.memory_space<hbm>> -> memref<1000000xf32, #tpu.memory_space<hbm>>
      %dma_start3A_631 = arith.constant 737280 : i32
      %dma_start3A_632 = tpu.memref_slice %dma_start3A_630[%dma_start3A_631] : memref<1000000xf32, #tpu.memory_space<hbm>> -> memref<61440xf32, #tpu.memory_space<hbm>>
      tpu.enqueue_dma source(%dma_start3A_632 : memref<61440xf32, #tpu.memory_space<hbm>>) target(%dma_start3A_626 : memref<61440xf32, #tpu.memory_space<vmem>>) target_semaphore(%arg6 : memref<!tpu.dma_semaphore, #tpu.memory_space<semaphore_mem>>)
      %add3A_633 = arith.constant 675840 : i32
      %add3A_634 = arith.addi %mul3A_72, %add3A_633 : i32
      %dma_start3A_635 = arith.constant 61440 : i32
      %dma_start3A_636 = tpu.memref_slice %arg5[%dma_start3A_635] : memref<122880xf32, #tpu.memory_space<vmem>> -> memref<61440xf32, #tpu.memory_space<vmem>>
      %dma_start3A_637 = tpu.memref_slice %arg4[%add3A_634] : memref<32002048xf32, #tpu.memory_space<hbm>> -> memref<61440xf32, #tpu.memory_space<hbm>>
      %dma_start3A_638 = tpu.memref_slice %arg4[%add3A_634] : memref<32002048xf32, #tpu.memory_space<hbm>> -> memref<61440xf32, #tpu.memory_space<hbm>>
      %dma_start3A_639 = arith.constant 61440 : i32
      %dma_start3A_640 = tpu.memref_slice %arg5[%dma_start3A_639] : memref<122880xf32, #tpu.memory_space<vmem>> -> memref<61440xf32, #tpu.memory_space<vmem>>
      tpu.enqueue_dma source(%dma_start3A_640 : memref<61440xf32, #tpu.memory_space<vmem>>) target(%dma_start3A_638 : memref<61440xf32, #tpu.memory_space<hbm>>) target_semaphore(%arg7 : memref<!tpu.dma_semaphore, #tpu.memory_space<semaphore_mem>>)
      %dma_wait3A_641 = arith.constant 0 : i32
      %dma_wait3A_642 = tpu.memref_slice %arg5[%dma_wait3A_641] : memref<122880xf32, #tpu.memory_space<vmem>> -> memref<61440xf32, #tpu.memory_space<vmem>>
      %dma_wait3A_643 = tpu.memref_reshape %arg2 : memref<16x1000000xf32, #tpu.memory_space<hbm>> -> memref<2x8x1000000xf32, #tpu.memory_space<hbm>>
      %dma_wait3A_644 = arith.constant 0 : i32
      %dma_wait3A_645 = tpu.memref_slice %dma_wait3A_643[%select_n3A_54, %select_n3A_70, %dma_wait3A_644] : memref<2x8x1000000xf32, #tpu.memory_space<hbm>> -> memref<1x1x1000000xf32, #tpu.memory_space<hbm>>
      %dma_wait3A_646 = tpu.memref_squeeze %dma_wait3A_645 : memref<1x1x1000000xf32, #tpu.memory_space<hbm>> -> memref<1000000xf32, #tpu.memory_space<hbm>>
      %dma_wait3A_647 = arith.constant 737280 : i32
      %dma_wait3A_648 = tpu.memref_slice %dma_wait3A_646[%dma_wait3A_647] : memref<1000000xf32, #tpu.memory_space<hbm>> -> memref<61440xf32, #tpu.memory_space<hbm>>
      %dma_wait3A_649 = arith.constant 0 : i32
      %dma_wait3A_650 = tpu.memref_slice %arg5[%dma_wait3A_649] : memref<122880xf32, #tpu.memory_space<vmem>> -> memref<61440xf32, #tpu.memory_space<vmem>>
      %dma_wait3A_651 = tpu.memref_reshape %arg2 : memref<16x1000000xf32, #tpu.memory_space<hbm>> -> memref<2x8x1000000xf32, #tpu.memory_space<hbm>>
      %dma_wait3A_652 = arith.constant 0 : i32
      %dma_wait3A_653 = tpu.memref_slice %dma_wait3A_651[%select_n3A_54, %select_n3A_70, %dma_wait3A_652] : memref<2x8x1000000xf32, #tpu.memory_space<hbm>> -> memref<1x1x1000000xf32, #tpu.memory_space<hbm>>
      %dma_wait3A_654 = tpu.memref_squeeze %dma_wait3A_653 : memref<1x1x1000000xf32, #tpu.memory_space<hbm>> -> memref<1000000xf32, #tpu.memory_space<hbm>>
      %dma_wait3A_655 = arith.constant 737280 : i32
      %dma_wait3A_656 = tpu.memref_slice %dma_wait3A_654[%dma_wait3A_655] : memref<1000000xf32, #tpu.memory_space<hbm>> -> memref<61440xf32, #tpu.memory_space<hbm>>
      tpu.wait_dma2 semaphore(%arg6 : memref<!tpu.dma_semaphore, #tpu.memory_space<semaphore_mem>>) src(%dma_wait3A_656 : memref<61440xf32, #tpu.memory_space<hbm>>) dst(%dma_wait3A_650 : memref<61440xf32, #tpu.memory_space<vmem>>)
      %dma_wait3A_657 = arith.constant 61440 : i32
      %dma_wait3A_658 = tpu.memref_slice %arg5[%dma_wait3A_657] : memref<122880xf32, #tpu.memory_space<vmem>> -> memref<61440xf32, #tpu.memory_space<vmem>>
      %dma_wait3A_659 = tpu.memref_slice %arg4[%add3A_634] : memref<32002048xf32, #tpu.memory_space<hbm>> -> memref<61440xf32, #tpu.memory_space<hbm>>
      %dma_wait3A_660 = tpu.memref_slice %arg4[%add3A_634] : memref<32002048xf32, #tpu.memory_space<hbm>> -> memref<61440xf32, #tpu.memory_space<hbm>>
      %dma_wait3A_661 = arith.constant 61440 : i32
      %dma_wait3A_662 = tpu.memref_slice %arg5[%dma_wait3A_661] : memref<122880xf32, #tpu.memory_space<vmem>> -> memref<61440xf32, #tpu.memory_space<vmem>>
      tpu.wait_dma2 semaphore(%arg7 : memref<!tpu.dma_semaphore, #tpu.memory_space<semaphore_mem>>) src(%dma_wait3A_662 : memref<61440xf32, #tpu.memory_space<vmem>>) dst(%dma_wait3A_660 : memref<61440xf32, #tpu.memory_space<hbm>>)
      %dma_start3A_663 = arith.constant 61440 : i32
      %dma_start3A_664 = tpu.memref_slice %arg5[%dma_start3A_663] : memref<122880xf32, #tpu.memory_space<vmem>> -> memref<61440xf32, #tpu.memory_space<vmem>>
      %dma_start3A_665 = tpu.memref_reshape %arg2 : memref<16x1000000xf32, #tpu.memory_space<hbm>> -> memref<2x8x1000000xf32, #tpu.memory_space<hbm>>
      %dma_start3A_666 = arith.constant 0 : i32
      %dma_start3A_667 = tpu.memref_slice %dma_start3A_665[%select_n3A_54, %select_n3A_70, %dma_start3A_666] : memref<2x8x1000000xf32, #tpu.memory_space<hbm>> -> memref<1x1x1000000xf32, #tpu.memory_space<hbm>>
      %dma_start3A_668 = tpu.memref_squeeze %dma_start3A_667 : memref<1x1x1000000xf32, #tpu.memory_space<hbm>> -> memref<1000000xf32, #tpu.memory_space<hbm>>
      %dma_start3A_669 = arith.constant 798720 : i32
      %dma_start3A_670 = tpu.memref_slice %dma_start3A_668[%dma_start3A_669] : memref<1000000xf32, #tpu.memory_space<hbm>> -> memref<61440xf32, #tpu.memory_space<hbm>>
      %dma_start3A_671 = arith.constant 61440 : i32
      %dma_start3A_672 = tpu.memref_slice %arg5[%dma_start3A_671] : memref<122880xf32, #tpu.memory_space<vmem>> -> memref<61440xf32, #tpu.memory_space<vmem>>
      %dma_start3A_673 = tpu.memref_reshape %arg2 : memref<16x1000000xf32, #tpu.memory_space<hbm>> -> memref<2x8x1000000xf32, #tpu.memory_space<hbm>>
      %dma_start3A_674 = arith.constant 0 : i32
      %dma_start3A_675 = tpu.memref_slice %dma_start3A_673[%select_n3A_54, %select_n3A_70, %dma_start3A_674] : memref<2x8x1000000xf32, #tpu.memory_space<hbm>> -> memref<1x1x1000000xf32, #tpu.memory_space<hbm>>
      %dma_start3A_676 = tpu.memref_squeeze %dma_start3A_675 : memref<1x1x1000000xf32, #tpu.memory_space<hbm>> -> memref<1000000xf32, #tpu.memory_space<hbm>>
      %dma_start3A_677 = arith.constant 798720 : i32
      %dma_start3A_678 = tpu.memref_slice %dma_start3A_676[%dma_start3A_677] : memref<1000000xf32, #tpu.memory_space<hbm>> -> memref<61440xf32, #tpu.memory_space<hbm>>
      tpu.enqueue_dma source(%dma_start3A_678 : memref<61440xf32, #tpu.memory_space<hbm>>) target(%dma_start3A_672 : memref<61440xf32, #tpu.memory_space<vmem>>) target_semaphore(%arg6 : memref<!tpu.dma_semaphore, #tpu.memory_space<semaphore_mem>>)
      %add3A_679 = arith.constant 737280 : i32
      %add3A_680 = arith.addi %mul3A_72, %add3A_679 : i32
      %dma_start3A_681 = arith.constant 0 : i32
      %dma_start3A_682 = tpu.memref_slice %arg5[%dma_start3A_681] : memref<122880xf32, #tpu.memory_space<vmem>> -> memref<61440xf32, #tpu.memory_space<vmem>>
      %dma_start3A_683 = tpu.memref_slice %arg4[%add3A_680] : memref<32002048xf32, #tpu.memory_space<hbm>> -> memref<61440xf32, #tpu.memory_space<hbm>>
      %dma_start3A_684 = tpu.memref_slice %arg4[%add3A_680] : memref<32002048xf32, #tpu.memory_space<hbm>> -> memref<61440xf32, #tpu.memory_space<hbm>>
      %dma_start3A_685 = arith.constant 0 : i32
      %dma_start3A_686 = tpu.memref_slice %arg5[%dma_start3A_685] : memref<122880xf32, #tpu.memory_space<vmem>> -> memref<61440xf32, #tpu.memory_space<vmem>>
      tpu.enqueue_dma source(%dma_start3A_686 : memref<61440xf32, #tpu.memory_space<vmem>>) target(%dma_start3A_684 : memref<61440xf32, #tpu.memory_space<hbm>>) target_semaphore(%arg7 : memref<!tpu.dma_semaphore, #tpu.memory_space<semaphore_mem>>)
      %dma_wait3A_687 = arith.constant 61440 : i32
      %dma_wait3A_688 = tpu.memref_slice %arg5[%dma_wait3A_687] : memref<122880xf32, #tpu.memory_space<vmem>> -> memref<61440xf32, #tpu.memory_space<vmem>>
      %dma_wait3A_689 = tpu.memref_reshape %arg2 : memref<16x1000000xf32, #tpu.memory_space<hbm>> -> memref<2x8x1000000xf32, #tpu.memory_space<hbm>>
      %dma_wait3A_690 = arith.constant 0 : i32
      %dma_wait3A_691 = tpu.memref_slice %dma_wait3A_689[%select_n3A_54, %select_n3A_70, %dma_wait3A_690] : memref<2x8x1000000xf32, #tpu.memory_space<hbm>> -> memref<1x1x1000000xf32, #tpu.memory_space<hbm>>
      %dma_wait3A_692 = tpu.memref_squeeze %dma_wait3A_691 : memref<1x1x1000000xf32, #tpu.memory_space<hbm>> -> memref<1000000xf32, #tpu.memory_space<hbm>>
      %dma_wait3A_693 = arith.constant 798720 : i32
      %dma_wait3A_694 = tpu.memref_slice %dma_wait3A_692[%dma_wait3A_693] : memref<1000000xf32, #tpu.memory_space<hbm>> -> memref<61440xf32, #tpu.memory_space<hbm>>
      %dma_wait3A_695 = arith.constant 61440 : i32
      %dma_wait3A_696 = tpu.memref_slice %arg5[%dma_wait3A_695] : memref<122880xf32, #tpu.memory_space<vmem>> -> memref<61440xf32, #tpu.memory_space<vmem>>
      %dma_wait3A_697 = tpu.memref_reshape %arg2 : memref<16x1000000xf32, #tpu.memory_space<hbm>> -> memref<2x8x1000000xf32, #tpu.memory_space<hbm>>
      %dma_wait3A_698 = arith.constant 0 : i32
      %dma_wait3A_699 = tpu.memref_slice %dma_wait3A_697[%select_n3A_54, %select_n3A_70, %dma_wait3A_698] : memref<2x8x1000000xf32, #tpu.memory_space<hbm>> -> memref<1x1x1000000xf32, #tpu.memory_space<hbm>>
      %dma_wait3A_700 = tpu.memref_squeeze %dma_wait3A_699 : memref<1x1x1000000xf32, #tpu.memory_space<hbm>> -> memref<1000000xf32, #tpu.memory_space<hbm>>
      %dma_wait3A_701 = arith.constant 798720 : i32
      %dma_wait3A_702 = tpu.memref_slice %dma_wait3A_700[%dma_wait3A_701] : memref<1000000xf32, #tpu.memory_space<hbm>> -> memref<61440xf32, #tpu.memory_space<hbm>>
      tpu.wait_dma2 semaphore(%arg6 : memref<!tpu.dma_semaphore, #tpu.memory_space<semaphore_mem>>) src(%dma_wait3A_702 : memref<61440xf32, #tpu.memory_space<hbm>>) dst(%dma_wait3A_696 : memref<61440xf32, #tpu.memory_space<vmem>>)
      %dma_wait3A_703 = arith.constant 0 : i32
      %dma_wait3A_704 = tpu.memref_slice %arg5[%dma_wait3A_703] : memref<122880xf32, #tpu.memory_space<vmem>> -> memref<61440xf32, #tpu.memory_space<vmem>>
      %dma_wait3A_705 = tpu.memref_slice %arg4[%add3A_680] : memref<32002048xf32, #tpu.memory_space<hbm>> -> memref<61440xf32, #tpu.memory_space<hbm>>
      %dma_wait3A_706 = tpu.memref_slice %arg4[%add3A_680] : memref<32002048xf32, #tpu.memory_space<hbm>> -> memref<61440xf32, #tpu.memory_space<hbm>>
      %dma_wait3A_707 = arith.constant 0 : i32
      %dma_wait3A_708 = tpu.memref_slice %arg5[%dma_wait3A_707] : memref<122880xf32, #tpu.memory_space<vmem>> -> memref<61440xf32, #tpu.memory_space<vmem>>
      tpu.wait_dma2 semaphore(%arg7 : memref<!tpu.dma_semaphore, #tpu.memory_space<semaphore_mem>>) src(%dma_wait3A_708 : memref<61440xf32, #tpu.memory_space<vmem>>) dst(%dma_wait3A_706 : memref<61440xf32, #tpu.memory_space<hbm>>)
      %dma_start3A_709 = arith.constant 0 : i32
      %dma_start3A_710 = tpu.memref_slice %arg5[%dma_start3A_709] : memref<122880xf32, #tpu.memory_space<vmem>> -> memref<61440xf32, #tpu.memory_space<vmem>>
      %dma_start3A_711 = tpu.memref_reshape %arg2 : memref<16x1000000xf32, #tpu.memory_space<hbm>> -> memref<2x8x1000000xf32, #tpu.memory_space<hbm>>
      %dma_start3A_712 = arith.constant 0 : i32
      %dma_start3A_713 = tpu.memref_slice %dma_start3A_711[%select_n3A_54, %select_n3A_70, %dma_start3A_712] : memref<2x8x1000000xf32, #tpu.memory_space<hbm>> -> memref<1x1x1000000xf32, #tpu.memory_space<hbm>>
      %dma_start3A_714 = tpu.memref_squeeze %dma_start3A_713 : memref<1x1x1000000xf32, #tpu.memory_space<hbm>> -> memref<1000000xf32, #tpu.memory_space<hbm>>
      %dma_start3A_715 = arith.constant 860160 : i32
      %dma_start3A_716 = tpu.memref_slice %dma_start3A_714[%dma_start3A_715] : memref<1000000xf32, #tpu.memory_space<hbm>> -> memref<61440xf32, #tpu.memory_space<hbm>>
      %dma_start3A_717 = arith.constant 0 : i32
      %dma_start3A_718 = tpu.memref_slice %arg5[%dma_start3A_717] : memref<122880xf32, #tpu.memory_space<vmem>> -> memref<61440xf32, #tpu.memory_space<vmem>>
      %dma_start3A_719 = tpu.memref_reshape %arg2 : memref<16x1000000xf32, #tpu.memory_space<hbm>> -> memref<2x8x1000000xf32, #tpu.memory_space<hbm>>
      %dma_start3A_720 = arith.constant 0 : i32
      %dma_start3A_721 = tpu.memref_slice %dma_start3A_719[%select_n3A_54, %select_n3A_70, %dma_start3A_720] : memref<2x8x1000000xf32, #tpu.memory_space<hbm>> -> memref<1x1x1000000xf32, #tpu.memory_space<hbm>>
      %dma_start3A_722 = tpu.memref_squeeze %dma_start3A_721 : memref<1x1x1000000xf32, #tpu.memory_space<hbm>> -> memref<1000000xf32, #tpu.memory_space<hbm>>
      %dma_start3A_723 = arith.constant 860160 : i32
      %dma_start3A_724 = tpu.memref_slice %dma_start3A_722[%dma_start3A_723] : memref<1000000xf32, #tpu.memory_space<hbm>> -> memref<61440xf32, #tpu.memory_space<hbm>>
      tpu.enqueue_dma source(%dma_start3A_724 : memref<61440xf32, #tpu.memory_space<hbm>>) target(%dma_start3A_718 : memref<61440xf32, #tpu.memory_space<vmem>>) target_semaphore(%arg6 : memref<!tpu.dma_semaphore, #tpu.memory_space<semaphore_mem>>)
      %add3A_725 = arith.constant 798720 : i32
      %add3A_726 = arith.addi %mul3A_72, %add3A_725 : i32
      %dma_start3A_727 = arith.constant 61440 : i32
      %dma_start3A_728 = tpu.memref_slice %arg5[%dma_start3A_727] : memref<122880xf32, #tpu.memory_space<vmem>> -> memref<61440xf32, #tpu.memory_space<vmem>>
      %dma_start3A_729 = tpu.memref_slice %arg4[%add3A_726] : memref<32002048xf32, #tpu.memory_space<hbm>> -> memref<61440xf32, #tpu.memory_space<hbm>>
      %dma_start3A_730 = tpu.memref_slice %arg4[%add3A_726] : memref<32002048xf32, #tpu.memory_space<hbm>> -> memref<61440xf32, #tpu.memory_space<hbm>>
      %dma_start3A_731 = arith.constant 61440 : i32
      %dma_start3A_732 = tpu.memref_slice %arg5[%dma_start3A_731] : memref<122880xf32, #tpu.memory_space<vmem>> -> memref<61440xf32, #tpu.memory_space<vmem>>
      tpu.enqueue_dma source(%dma_start3A_732 : memref<61440xf32, #tpu.memory_space<vmem>>) target(%dma_start3A_730 : memref<61440xf32, #tpu.memory_space<hbm>>) target_semaphore(%arg7 : memref<!tpu.dma_semaphore, #tpu.memory_space<semaphore_mem>>)
      %dma_wait3A_733 = arith.constant 0 : i32
      %dma_wait3A_734 = tpu.memref_slice %arg5[%dma_wait3A_733] : memref<122880xf32, #tpu.memory_space<vmem>> -> memref<61440xf32, #tpu.memory_space<vmem>>
      %dma_wait3A_735 = tpu.memref_reshape %arg2 : memref<16x1000000xf32, #tpu.memory_space<hbm>> -> memref<2x8x1000000xf32, #tpu.memory_space<hbm>>
      %dma_wait3A_736 = arith.constant 0 : i32
      %dma_wait3A_737 = tpu.memref_slice %dma_wait3A_735[%select_n3A_54, %select_n3A_70, %dma_wait3A_736] : memref<2x8x1000000xf32, #tpu.memory_space<hbm>> -> memref<1x1x1000000xf32, #tpu.memory_space<hbm>>
      %dma_wait3A_738 = tpu.memref_squeeze %dma_wait3A_737 : memref<1x1x1000000xf32, #tpu.memory_space<hbm>> -> memref<1000000xf32, #tpu.memory_space<hbm>>
      %dma_wait3A_739 = arith.constant 860160 : i32
      %dma_wait3A_740 = tpu.memref_slice %dma_wait3A_738[%dma_wait3A_739] : memref<1000000xf32, #tpu.memory_space<hbm>> -> memref<61440xf32, #tpu.memory_space<hbm>>
      %dma_wait3A_741 = arith.constant 0 : i32
      %dma_wait3A_742 = tpu.memref_slice %arg5[%dma_wait3A_741] : memref<122880xf32, #tpu.memory_space<vmem>> -> memref<61440xf32, #tpu.memory_space<vmem>>
      %dma_wait3A_743 = tpu.memref_reshape %arg2 : memref<16x1000000xf32, #tpu.memory_space<hbm>> -> memref<2x8x1000000xf32, #tpu.memory_space<hbm>>
      %dma_wait3A_744 = arith.constant 0 : i32
      %dma_wait3A_745 = tpu.memref_slice %dma_wait3A_743[%select_n3A_54, %select_n3A_70, %dma_wait3A_744] : memref<2x8x1000000xf32, #tpu.memory_space<hbm>> -> memref<1x1x1000000xf32, #tpu.memory_space<hbm>>
      %dma_wait3A_746 = tpu.memref_squeeze %dma_wait3A_745 : memref<1x1x1000000xf32, #tpu.memory_space<hbm>> -> memref<1000000xf32, #tpu.memory_space<hbm>>
      %dma_wait3A_747 = arith.constant 860160 : i32
      %dma_wait3A_748 = tpu.memref_slice %dma_wait3A_746[%dma_wait3A_747] : memref<1000000xf32, #tpu.memory_space<hbm>> -> memref<61440xf32, #tpu.memory_space<hbm>>
      tpu.wait_dma2 semaphore(%arg6 : memref<!tpu.dma_semaphore, #tpu.memory_space<semaphore_mem>>) src(%dma_wait3A_748 : memref<61440xf32, #tpu.memory_space<hbm>>) dst(%dma_wait3A_742 : memref<61440xf32, #tpu.memory_space<vmem>>)
      %dma_wait3A_749 = arith.constant 61440 : i32
      %dma_wait3A_750 = tpu.memref_slice %arg5[%dma_wait3A_749] : memref<122880xf32, #tpu.memory_space<vmem>> -> memref<61440xf32, #tpu.memory_space<vmem>>
      %dma_wait3A_751 = tpu.memref_slice %arg4[%add3A_726] : memref<32002048xf32, #tpu.memory_space<hbm>> -> memref<61440xf32, #tpu.memory_space<hbm>>
      %dma_wait3A_752 = tpu.memref_slice %arg4[%add3A_726] : memref<32002048xf32, #tpu.memory_space<hbm>> -> memref<61440xf32, #tpu.memory_space<hbm>>
      %dma_wait3A_753 = arith.constant 61440 : i32
      %dma_wait3A_754 = tpu.memref_slice %arg5[%dma_wait3A_753] : memref<122880xf32, #tpu.memory_space<vmem>> -> memref<61440xf32, #tpu.memory_space<vmem>>
      tpu.wait_dma2 semaphore(%arg7 : memref<!tpu.dma_semaphore, #tpu.memory_space<semaphore_mem>>) src(%dma_wait3A_754 : memref<61440xf32, #tpu.memory_space<vmem>>) dst(%dma_wait3A_752 : memref<61440xf32, #tpu.memory_space<hbm>>)
      %dma_start3A_755 = arith.constant 61440 : i32
      %dma_start3A_756 = tpu.memref_slice %arg5[%dma_start3A_755] : memref<122880xf32, #tpu.memory_space<vmem>> -> memref<61440xf32, #tpu.memory_space<vmem>>
      %dma_start3A_757 = tpu.memref_reshape %arg2 : memref<16x1000000xf32, #tpu.memory_space<hbm>> -> memref<2x8x1000000xf32, #tpu.memory_space<hbm>>
      %dma_start3A_758 = arith.constant 0 : i32
      %dma_start3A_759 = tpu.memref_slice %dma_start3A_757[%select_n3A_54, %select_n3A_70, %dma_start3A_758] : memref<2x8x1000000xf32, #tpu.memory_space<hbm>> -> memref<1x1x1000000xf32, #tpu.memory_space<hbm>>
      %dma_start3A_760 = tpu.memref_squeeze %dma_start3A_759 : memref<1x1x1000000xf32, #tpu.memory_space<hbm>> -> memref<1000000xf32, #tpu.memory_space<hbm>>
      %dma_start3A_761 = arith.constant 921600 : i32
      %dma_start3A_762 = tpu.memref_slice %dma_start3A_760[%dma_start3A_761] : memref<1000000xf32, #tpu.memory_space<hbm>> -> memref<61440xf32, #tpu.memory_space<hbm>>
      %dma_start3A_763 = arith.constant 61440 : i32
      %dma_start3A_764 = tpu.memref_slice %arg5[%dma_start3A_763] : memref<122880xf32, #tpu.memory_space<vmem>> -> memref<61440xf32, #tpu.memory_space<vmem>>
      %dma_start3A_765 = tpu.memref_reshape %arg2 : memref<16x1000000xf32, #tpu.memory_space<hbm>> -> memref<2x8x1000000xf32, #tpu.memory_space<hbm>>
      %dma_start3A_766 = arith.constant 0 : i32
      %dma_start3A_767 = tpu.memref_slice %dma_start3A_765[%select_n3A_54, %select_n3A_70, %dma_start3A_766] : memref<2x8x1000000xf32, #tpu.memory_space<hbm>> -> memref<1x1x1000000xf32, #tpu.memory_space<hbm>>
      %dma_start3A_768 = tpu.memref_squeeze %dma_start3A_767 : memref<1x1x1000000xf32, #tpu.memory_space<hbm>> -> memref<1000000xf32, #tpu.memory_space<hbm>>
      %dma_start3A_769 = arith.constant 921600 : i32
      %dma_start3A_770 = tpu.memref_slice %dma_start3A_768[%dma_start3A_769] : memref<1000000xf32, #tpu.memory_space<hbm>> -> memref<61440xf32, #tpu.memory_space<hbm>>
      tpu.enqueue_dma source(%dma_start3A_770 : memref<61440xf32, #tpu.memory_space<hbm>>) target(%dma_start3A_764 : memref<61440xf32, #tpu.memory_space<vmem>>) target_semaphore(%arg6 : memref<!tpu.dma_semaphore, #tpu.memory_space<semaphore_mem>>)
      %add3A_771 = arith.constant 860160 : i32
      %add3A_772 = arith.addi %mul3A_72, %add3A_771 : i32
      %dma_start3A_773 = arith.constant 0 : i32
      %dma_start3A_774 = tpu.memref_slice %arg5[%dma_start3A_773] : memref<122880xf32, #tpu.memory_space<vmem>> -> memref<61440xf32, #tpu.memory_space<vmem>>
      %dma_start3A_775 = tpu.memref_slice %arg4[%add3A_772] : memref<32002048xf32, #tpu.memory_space<hbm>> -> memref<61440xf32, #tpu.memory_space<hbm>>
      %dma_start3A_776 = tpu.memref_slice %arg4[%add3A_772] : memref<32002048xf32, #tpu.memory_space<hbm>> -> memref<61440xf32, #tpu.memory_space<hbm>>
      %dma_start3A_777 = arith.constant 0 : i32
      %dma_start3A_778 = tpu.memref_slice %arg5[%dma_start3A_777] : memref<122880xf32, #tpu.memory_space<vmem>> -> memref<61440xf32, #tpu.memory_space<vmem>>
      tpu.enqueue_dma source(%dma_start3A_778 : memref<61440xf32, #tpu.memory_space<vmem>>) target(%dma_start3A_776 : memref<61440xf32, #tpu.memory_space<hbm>>) target_semaphore(%arg7 : memref<!tpu.dma_semaphore, #tpu.memory_space<semaphore_mem>>)
      %dma_wait3A_779 = arith.constant 61440 : i32
      %dma_wait3A_780 = tpu.memref_slice %arg5[%dma_wait3A_779] : memref<122880xf32, #tpu.memory_space<vmem>> -> memref<61440xf32, #tpu.memory_space<vmem>>
      %dma_wait3A_781 = tpu.memref_reshape %arg2 : memref<16x1000000xf32, #tpu.memory_space<hbm>> -> memref<2x8x1000000xf32, #tpu.memory_space<hbm>>
      %dma_wait3A_782 = arith.constant 0 : i32
      %dma_wait3A_783 = tpu.memref_slice %dma_wait3A_781[%select_n3A_54, %select_n3A_70, %dma_wait3A_782] : memref<2x8x1000000xf32, #tpu.memory_space<hbm>> -> memref<1x1x1000000xf32, #tpu.memory_space<hbm>>
      %dma_wait3A_784 = tpu.memref_squeeze %dma_wait3A_783 : memref<1x1x1000000xf32, #tpu.memory_space<hbm>> -> memref<1000000xf32, #tpu.memory_space<hbm>>
      %dma_wait3A_785 = arith.constant 921600 : i32
      %dma_wait3A_786 = tpu.memref_slice %dma_wait3A_784[%dma_wait3A_785] : memref<1000000xf32, #tpu.memory_space<hbm>> -> memref<61440xf32, #tpu.memory_space<hbm>>
      %dma_wait3A_787 = arith.constant 61440 : i32
      %dma_wait3A_788 = tpu.memref_slice %arg5[%dma_wait3A_787] : memref<122880xf32, #tpu.memory_space<vmem>> -> memref<61440xf32, #tpu.memory_space<vmem>>
      %dma_wait3A_789 = tpu.memref_reshape %arg2 : memref<16x1000000xf32, #tpu.memory_space<hbm>> -> memref<2x8x1000000xf32, #tpu.memory_space<hbm>>
      %dma_wait3A_790 = arith.constant 0 : i32
      %dma_wait3A_791 = tpu.memref_slice %dma_wait3A_789[%select_n3A_54, %select_n3A_70, %dma_wait3A_790] : memref<2x8x1000000xf32, #tpu.memory_space<hbm>> -> memref<1x1x1000000xf32, #tpu.memory_space<hbm>>
      %dma_wait3A_792 = tpu.memref_squeeze %dma_wait3A_791 : memref<1x1x1000000xf32, #tpu.memory_space<hbm>> -> memref<1000000xf32, #tpu.memory_space<hbm>>
      %dma_wait3A_793 = arith.constant 921600 : i32
      %dma_wait3A_794 = tpu.memref_slice %dma_wait3A_792[%dma_wait3A_793] : memref<1000000xf32, #tpu.memory_space<hbm>> -> memref<61440xf32, #tpu.memory_space<hbm>>
      tpu.wait_dma2 semaphore(%arg6 : memref<!tpu.dma_semaphore, #tpu.memory_space<semaphore_mem>>) src(%dma_wait3A_794 : memref<61440xf32, #tpu.memory_space<hbm>>) dst(%dma_wait3A_788 : memref<61440xf32, #tpu.memory_space<vmem>>)
      %dma_wait3A_795 = arith.constant 0 : i32
      %dma_wait3A_796 = tpu.memref_slice %arg5[%dma_wait3A_795] : memref<122880xf32, #tpu.memory_space<vmem>> -> memref<61440xf32, #tpu.memory_space<vmem>>
      %dma_wait3A_797 = tpu.memref_slice %arg4[%add3A_772] : memref<32002048xf32, #tpu.memory_space<hbm>> -> memref<61440xf32, #tpu.memory_space<hbm>>
      %dma_wait3A_798 = tpu.memref_slice %arg4[%add3A_772] : memref<32002048xf32, #tpu.memory_space<hbm>> -> memref<61440xf32, #tpu.memory_space<hbm>>
      %dma_wait3A_799 = arith.constant 0 : i32
      %dma_wait3A_800 = tpu.memref_slice %arg5[%dma_wait3A_799] : memref<122880xf32, #tpu.memory_space<vmem>> -> memref<61440xf32, #tpu.memory_space<vmem>>
      tpu.wait_dma2 semaphore(%arg7 : memref<!tpu.dma_semaphore, #tpu.memory_space<semaphore_mem>>) src(%dma_wait3A_800 : memref<61440xf32, #tpu.memory_space<vmem>>) dst(%dma_wait3A_798 : memref<61440xf32, #tpu.memory_space<hbm>>)
      %mul3A_801 = arith.constant 0 : i32
      %mul3A_802 = arith.muli %add3A, %mul3A_801 : i32
      %add3A_803 = arith.constant 983040 : i32
      %add3A_804 = arith.addi %add3A_803, %mul3A_802 : i32
      %dma_start3A_805 = arith.constant 0 : i32
      %dma_start3A_806 = tpu.memref_slice %arg5[%dma_start3A_805] : memref<122880xf32, #tpu.memory_space<vmem>> -> memref<16896xf32, #tpu.memory_space<vmem>>
      %dma_start3A_807 = tpu.memref_reshape %arg2 : memref<16x1000000xf32, #tpu.memory_space<hbm>> -> memref<2x8x1000000xf32, #tpu.memory_space<hbm>>
      %dma_start3A_808 = arith.constant 0 : i32
      %dma_start3A_809 = tpu.memref_slice %dma_start3A_807[%select_n3A_54, %select_n3A_70, %dma_start3A_808] : memref<2x8x1000000xf32, #tpu.memory_space<hbm>> -> memref<1x1x1000000xf32, #tpu.memory_space<hbm>>
      %dma_start3A_810 = tpu.memref_squeeze %dma_start3A_809 : memref<1x1x1000000xf32, #tpu.memory_space<hbm>> -> memref<1000000xf32, #tpu.memory_space<hbm>>
      %dma_start3A_811 = tpu.memref_slice %dma_start3A_810[%add3A_804] : memref<1000000xf32, #tpu.memory_space<hbm>> -> memref<16896xf32, #tpu.memory_space<hbm>>
      %dma_start3A_812 = arith.constant 0 : i32
      %dma_start3A_813 = tpu.memref_slice %arg5[%dma_start3A_812] : memref<122880xf32, #tpu.memory_space<vmem>> -> memref<16896xf32, #tpu.memory_space<vmem>>
      %dma_start3A_814 = tpu.memref_reshape %arg2 : memref<16x1000000xf32, #tpu.memory_space<hbm>> -> memref<2x8x1000000xf32, #tpu.memory_space<hbm>>
      %dma_start3A_815 = arith.constant 0 : i32
      %dma_start3A_816 = tpu.memref_slice %dma_start3A_814[%select_n3A_54, %select_n3A_70, %dma_start3A_815] : memref<2x8x1000000xf32, #tpu.memory_space<hbm>> -> memref<1x1x1000000xf32, #tpu.memory_space<hbm>>
      %dma_start3A_817 = tpu.memref_squeeze %dma_start3A_816 : memref<1x1x1000000xf32, #tpu.memory_space<hbm>> -> memref<1000000xf32, #tpu.memory_space<hbm>>
      %dma_start3A_818 = tpu.memref_slice %dma_start3A_817[%add3A_804] : memref<1000000xf32, #tpu.memory_space<hbm>> -> memref<16896xf32, #tpu.memory_space<hbm>>
      tpu.enqueue_dma source(%dma_start3A_818 : memref<16896xf32, #tpu.memory_space<hbm>>) target(%dma_start3A_813 : memref<16896xf32, #tpu.memory_space<vmem>>) target_semaphore(%arg6 : memref<!tpu.dma_semaphore, #tpu.memory_space<semaphore_mem>>)
      %mul3A_819 = arith.constant 0 : i32
      %mul3A_820 = arith.muli %add3A, %mul3A_819 : i32
      %add3A_821 = arith.constant 999936 : i32
      %add3A_822 = arith.addi %add3A_821, %mul3A_820 : i32
      %dma_start3A_823 = arith.constant 16896 : i32
      %dma_start3A_824 = tpu.memref_slice %arg5[%dma_start3A_823] : memref<122880xf32, #tpu.memory_space<vmem>> -> memref<128xf32, #tpu.memory_space<vmem>>
      %dma_start3A_825 = tpu.memref_reshape %arg2 : memref<16x1000000xf32, #tpu.memory_space<hbm>> -> memref<2x8x1000000xf32, #tpu.memory_space<hbm>>
      %dma_start3A_826 = arith.constant 0 : i32
      %dma_start3A_827 = tpu.memref_slice %dma_start3A_825[%select_n3A_54, %select_n3A_70, %dma_start3A_826] : memref<2x8x1000000xf32, #tpu.memory_space<hbm>> -> memref<1x1x1000000xf32, #tpu.memory_space<hbm>>
      %dma_start3A_828 = tpu.memref_squeeze %dma_start3A_827 : memref<1x1x1000000xf32, #tpu.memory_space<hbm>> -> memref<1000000xf32, #tpu.memory_space<hbm>>
      %dma_start3A_829 = tpu.memref_slice %dma_start3A_828[%add3A_822] : memref<1000000xf32, #tpu.memory_space<hbm>> -> memref<128xf32, #tpu.memory_space<hbm>>
      %dma_start3A_830 = arith.constant 16896 : i32
      %dma_start3A_831 = tpu.memref_slice %arg5[%dma_start3A_830] : memref<122880xf32, #tpu.memory_space<vmem>> -> memref<128xf32, #tpu.memory_space<vmem>>
      %dma_start3A_832 = tpu.memref_reshape %arg2 : memref<16x1000000xf32, #tpu.memory_space<hbm>> -> memref<2x8x1000000xf32, #tpu.memory_space<hbm>>
      %dma_start3A_833 = arith.constant 0 : i32
      %dma_start3A_834 = tpu.memref_slice %dma_start3A_832[%select_n3A_54, %select_n3A_70, %dma_start3A_833] : memref<2x8x1000000xf32, #tpu.memory_space<hbm>> -> memref<1x1x1000000xf32, #tpu.memory_space<hbm>>
      %dma_start3A_835 = tpu.memref_squeeze %dma_start3A_834 : memref<1x1x1000000xf32, #tpu.memory_space<hbm>> -> memref<1000000xf32, #tpu.memory_space<hbm>>
      %dma_start3A_836 = tpu.memref_slice %dma_start3A_835[%add3A_822] : memref<1000000xf32, #tpu.memory_space<hbm>> -> memref<128xf32, #tpu.memory_space<hbm>>
      tpu.enqueue_dma source(%dma_start3A_836 : memref<128xf32, #tpu.memory_space<hbm>>) target(%dma_start3A_831 : memref<128xf32, #tpu.memory_space<vmem>>) target_semaphore(%arg6 : memref<!tpu.dma_semaphore, #tpu.memory_space<semaphore_mem>>)
      %add3A_837 = arith.constant 921600 : i32
      %add3A_838 = arith.addi %mul3A_72, %add3A_837 : i32
      %dma_start3A_839 = arith.constant 61440 : i32
      %dma_start3A_840 = tpu.memref_slice %arg5[%dma_start3A_839] : memref<122880xf32, #tpu.memory_space<vmem>> -> memref<61440xf32, #tpu.memory_space<vmem>>
      %dma_start3A_841 = tpu.memref_slice %arg4[%add3A_838] : memref<32002048xf32, #tpu.memory_space<hbm>> -> memref<61440xf32, #tpu.memory_space<hbm>>
      %dma_start3A_842 = tpu.memref_slice %arg4[%add3A_838] : memref<32002048xf32, #tpu.memory_space<hbm>> -> memref<61440xf32, #tpu.memory_space<hbm>>
      %dma_start3A_843 = arith.constant 61440 : i32
      %dma_start3A_844 = tpu.memref_slice %arg5[%dma_start3A_843] : memref<122880xf32, #tpu.memory_space<vmem>> -> memref<61440xf32, #tpu.memory_space<vmem>>
      tpu.enqueue_dma source(%dma_start3A_844 : memref<61440xf32, #tpu.memory_space<vmem>>) target(%dma_start3A_842 : memref<61440xf32, #tpu.memory_space<hbm>>) target_semaphore(%arg7 : memref<!tpu.dma_semaphore, #tpu.memory_space<semaphore_mem>>)
      %dma_wait3A_845 = arith.constant 0 : i32
      %dma_wait3A_846 = tpu.memref_slice %arg5[%dma_wait3A_845] : memref<122880xf32, #tpu.memory_space<vmem>> -> memref<16896xf32, #tpu.memory_space<vmem>>
      %dma_wait3A_847 = tpu.memref_reshape %arg2 : memref<16x1000000xf32, #tpu.memory_space<hbm>> -> memref<2x8x1000000xf32, #tpu.memory_space<hbm>>
      %dma_wait3A_848 = arith.constant 0 : i32
      %dma_wait3A_849 = tpu.memref_slice %dma_wait3A_847[%select_n3A_54, %select_n3A_70, %dma_wait3A_848] : memref<2x8x1000000xf32, #tpu.memory_space<hbm>> -> memref<1x1x1000000xf32, #tpu.memory_space<hbm>>
      %dma_wait3A_850 = tpu.memref_squeeze %dma_wait3A_849 : memref<1x1x1000000xf32, #tpu.memory_space<hbm>> -> memref<1000000xf32, #tpu.memory_space<hbm>>
      %dma_wait3A_851 = tpu.memref_slice %dma_wait3A_850[%add3A_804] : memref<1000000xf32, #tpu.memory_space<hbm>> -> memref<16896xf32, #tpu.memory_space<hbm>>
      %dma_wait3A_852 = arith.constant 0 : i32
      %dma_wait3A_853 = tpu.memref_slice %arg5[%dma_wait3A_852] : memref<122880xf32, #tpu.memory_space<vmem>> -> memref<16896xf32, #tpu.memory_space<vmem>>
      %dma_wait3A_854 = tpu.memref_reshape %arg2 : memref<16x1000000xf32, #tpu.memory_space<hbm>> -> memref<2x8x1000000xf32, #tpu.memory_space<hbm>>
      %dma_wait3A_855 = arith.constant 0 : i32
      %dma_wait3A_856 = tpu.memref_slice %dma_wait3A_854[%select_n3A_54, %select_n3A_70, %dma_wait3A_855] : memref<2x8x1000000xf32, #tpu.memory_space<hbm>> -> memref<1x1x1000000xf32, #tpu.memory_space<hbm>>
      %dma_wait3A_857 = tpu.memref_squeeze %dma_wait3A_856 : memref<1x1x1000000xf32, #tpu.memory_space<hbm>> -> memref<1000000xf32, #tpu.memory_space<hbm>>
      %dma_wait3A_858 = tpu.memref_slice %dma_wait3A_857[%add3A_804] : memref<1000000xf32, #tpu.memory_space<hbm>> -> memref<16896xf32, #tpu.memory_space<hbm>>
      tpu.wait_dma2 semaphore(%arg6 : memref<!tpu.dma_semaphore, #tpu.memory_space<semaphore_mem>>) src(%dma_wait3A_858 : memref<16896xf32, #tpu.memory_space<hbm>>) dst(%dma_wait3A_853 : memref<16896xf32, #tpu.memory_space<vmem>>)
      %dma_wait3A_859 = arith.constant 16896 : i32
      %dma_wait3A_860 = tpu.memref_slice %arg5[%dma_wait3A_859] : memref<122880xf32, #tpu.memory_space<vmem>> -> memref<128xf32, #tpu.memory_space<vmem>>
      %dma_wait3A_861 = tpu.memref_reshape %arg2 : memref<16x1000000xf32, #tpu.memory_space<hbm>> -> memref<2x8x1000000xf32, #tpu.memory_space<hbm>>
      %dma_wait3A_862 = arith.constant 0 : i32
      %dma_wait3A_863 = tpu.memref_slice %dma_wait3A_861[%select_n3A_54, %select_n3A_70, %dma_wait3A_862] : memref<2x8x1000000xf32, #tpu.memory_space<hbm>> -> memref<1x1x1000000xf32, #tpu.memory_space<hbm>>
      %dma_wait3A_864 = tpu.memref_squeeze %dma_wait3A_863 : memref<1x1x1000000xf32, #tpu.memory_space<hbm>> -> memref<1000000xf32, #tpu.memory_space<hbm>>
      %dma_wait3A_865 = tpu.memref_slice %dma_wait3A_864[%add3A_822] : memref<1000000xf32, #tpu.memory_space<hbm>> -> memref<128xf32, #tpu.memory_space<hbm>>
      %dma_wait3A_866 = arith.constant 16896 : i32
      %dma_wait3A_867 = tpu.memref_slice %arg5[%dma_wait3A_866] : memref<122880xf32, #tpu.memory_space<vmem>> -> memref<128xf32, #tpu.memory_space<vmem>>
      %dma_wait3A_868 = tpu.memref_reshape %arg2 : memref<16x1000000xf32, #tpu.memory_space<hbm>> -> memref<2x8x1000000xf32, #tpu.memory_space<hbm>>
      %dma_wait3A_869 = arith.constant 0 : i32
      %dma_wait3A_870 = tpu.memref_slice %dma_wait3A_868[%select_n3A_54, %select_n3A_70, %dma_wait3A_869] : memref<2x8x1000000xf32, #tpu.memory_space<hbm>> -> memref<1x1x1000000xf32, #tpu.memory_space<hbm>>
      %dma_wait3A_871 = tpu.memref_squeeze %dma_wait3A_870 : memref<1x1x1000000xf32, #tpu.memory_space<hbm>> -> memref<1000000xf32, #tpu.memory_space<hbm>>
      %dma_wait3A_872 = tpu.memref_slice %dma_wait3A_871[%add3A_822] : memref<1000000xf32, #tpu.memory_space<hbm>> -> memref<128xf32, #tpu.memory_space<hbm>>
      tpu.wait_dma2 semaphore(%arg6 : memref<!tpu.dma_semaphore, #tpu.memory_space<semaphore_mem>>) src(%dma_wait3A_872 : memref<128xf32, #tpu.memory_space<hbm>>) dst(%dma_wait3A_867 : memref<128xf32, #tpu.memory_space<vmem>>)
      %dma_wait3A_873 = arith.constant 61440 : i32
      %dma_wait3A_874 = tpu.memref_slice %arg5[%dma_wait3A_873] : memref<122880xf32, #tpu.memory_space<vmem>> -> memref<61440xf32, #tpu.memory_space<vmem>>
      %dma_wait3A_875 = tpu.memref_slice %arg4[%add3A_838] : memref<32002048xf32, #tpu.memory_space<hbm>> -> memref<61440xf32, #tpu.memory_space<hbm>>
      %dma_wait3A_876 = tpu.memref_slice %arg4[%add3A_838] : memref<32002048xf32, #tpu.memory_space<hbm>> -> memref<61440xf32, #tpu.memory_space<hbm>>
      %dma_wait3A_877 = arith.constant 61440 : i32
      %dma_wait3A_878 = tpu.memref_slice %arg5[%dma_wait3A_877] : memref<122880xf32, #tpu.memory_space<vmem>> -> memref<61440xf32, #tpu.memory_space<vmem>>
      tpu.wait_dma2 semaphore(%arg7 : memref<!tpu.dma_semaphore, #tpu.memory_space<semaphore_mem>>) src(%dma_wait3A_878 : memref<61440xf32, #tpu.memory_space<vmem>>) dst(%dma_wait3A_876 : memref<61440xf32, #tpu.memory_space<hbm>>)
      %add3A_879 = arith.constant 983040 : i32
      %add3A_880 = arith.addi %mul3A_72, %add3A_879 : i32
      %dma_start3A_881 = arith.constant 0 : i32
      %dma_start3A_882 = tpu.memref_slice %arg5[%dma_start3A_881] : memref<122880xf32, #tpu.memory_space<vmem>> -> memref<17024xf32, #tpu.memory_space<vmem>>
      %dma_start3A_883 = tpu.memref_slice %arg4[%add3A_880] : memref<32002048xf32, #tpu.memory_space<hbm>> -> memref<17024xf32, #tpu.memory_space<hbm>>
      %dma_start3A_884 = tpu.memref_slice %arg4[%add3A_880] : memref<32002048xf32, #tpu.memory_space<hbm>> -> memref<17024xf32, #tpu.memory_space<hbm>>
      %dma_start3A_885 = arith.constant 0 : i32
      %dma_start3A_886 = tpu.memref_slice %arg5[%dma_start3A_885] : memref<122880xf32, #tpu.memory_space<vmem>> -> memref<17024xf32, #tpu.memory_space<vmem>>
      tpu.enqueue_dma source(%dma_start3A_886 : memref<17024xf32, #tpu.memory_space<vmem>>) target(%dma_start3A_884 : memref<17024xf32, #tpu.memory_space<hbm>>) target_semaphore(%arg7 : memref<!tpu.dma_semaphore, #tpu.memory_space<semaphore_mem>>)
      %dma_wait3A_887 = arith.constant 0 : i32
      %dma_wait3A_888 = tpu.memref_slice %arg5[%dma_wait3A_887] : memref<122880xf32, #tpu.memory_space<vmem>> -> memref<17024xf32, #tpu.memory_space<vmem>>
      %dma_wait3A_889 = tpu.memref_slice %arg4[%add3A_880] : memref<32002048xf32, #tpu.memory_space<hbm>> -> memref<17024xf32, #tpu.memory_space<hbm>>
      %dma_wait3A_890 = tpu.memref_slice %arg4[%add3A_880] : memref<32002048xf32, #tpu.memory_space<hbm>> -> memref<17024xf32, #tpu.memory_space<hbm>>
      %dma_wait3A_891 = arith.constant 0 : i32
      %dma_wait3A_892 = tpu.memref_slice %arg5[%dma_wait3A_891] : memref<122880xf32, #tpu.memory_space<vmem>> -> memref<17024xf32, #tpu.memory_space<vmem>>
      tpu.wait_dma2 semaphore(%arg7 : memref<!tpu.dma_semaphore, #tpu.memory_space<semaphore_mem>>) src(%dma_wait3A_892 : memref<17024xf32, #tpu.memory_space<vmem>>) dst(%dma_wait3A_890 : memref<17024xf32, #tpu.memory_space<hbm>>)
    } else {
    }
    %eq3A_76 = arith.constant 1 : i32
    %eq3A_77 = arith.cmpi eq, %select_n3A, %eq3A_76 : i32
    %convert_element_type3A_78 = arith.extui %eq3A_77 : i1 to i32
    %cond3A_79 = arith.constant 0 : i32
    %cond3A_80 = arith.cmpi ne, %convert_element_type3A_78, %cond3A_79 : i32
    scf.if %cond3A_80 {
      %dma_start3A = arith.constant 0 : i32
      %dma_start3A_81 = tpu.memref_slice %arg5[%dma_start3A] : memref<122880xf32, #tpu.memory_space<vmem>> -> memref<61440xf32, #tpu.memory_space<vmem>>
      %dma_start3A_82 = tpu.memref_reshape %arg3 : memref<16x1000000xf32, #tpu.memory_space<hbm>> -> memref<2x8x1000000xf32, #tpu.memory_space<hbm>>
      %dma_start3A_83 = arith.constant 0 : i32
      %dma_start3A_84 = tpu.memref_slice %dma_start3A_82[%select_n3A_54, %select_n3A_70, %dma_start3A_83] : memref<2x8x1000000xf32, #tpu.memory_space<hbm>> -> memref<1x1x1000000xf32, #tpu.memory_space<hbm>>
      %dma_start3A_85 = tpu.memref_squeeze %dma_start3A_84 : memref<1x1x1000000xf32, #tpu.memory_space<hbm>> -> memref<1000000xf32, #tpu.memory_space<hbm>>
      %dma_start3A_86 = arith.constant 0 : i32
      %dma_start3A_87 = tpu.memref_slice %dma_start3A_85[%dma_start3A_86] : memref<1000000xf32, #tpu.memory_space<hbm>> -> memref<61440xf32, #tpu.memory_space<hbm>>
      %dma_start3A_88 = arith.constant 0 : i32
      %dma_start3A_89 = tpu.memref_slice %arg5[%dma_start3A_88] : memref<122880xf32, #tpu.memory_space<vmem>> -> memref<61440xf32, #tpu.memory_space<vmem>>
      %dma_start3A_90 = tpu.memref_reshape %arg3 : memref<16x1000000xf32, #tpu.memory_space<hbm>> -> memref<2x8x1000000xf32, #tpu.memory_space<hbm>>
      %dma_start3A_91 = arith.constant 0 : i32
      %dma_start3A_92 = tpu.memref_slice %dma_start3A_90[%select_n3A_54, %select_n3A_70, %dma_start3A_91] : memref<2x8x1000000xf32, #tpu.memory_space<hbm>> -> memref<1x1x1000000xf32, #tpu.memory_space<hbm>>
      %dma_start3A_93 = tpu.memref_squeeze %dma_start3A_92 : memref<1x1x1000000xf32, #tpu.memory_space<hbm>> -> memref<1000000xf32, #tpu.memory_space<hbm>>
      %dma_start3A_94 = arith.constant 0 : i32
      %dma_start3A_95 = tpu.memref_slice %dma_start3A_93[%dma_start3A_94] : memref<1000000xf32, #tpu.memory_space<hbm>> -> memref<61440xf32, #tpu.memory_space<hbm>>
      tpu.enqueue_dma source(%dma_start3A_95 : memref<61440xf32, #tpu.memory_space<hbm>>) target(%dma_start3A_89 : memref<61440xf32, #tpu.memory_space<vmem>>) target_semaphore(%arg6 : memref<!tpu.dma_semaphore, #tpu.memory_space<semaphore_mem>>)
      %dma_wait3A = arith.constant 0 : i32
      %dma_wait3A_96 = tpu.memref_slice %arg5[%dma_wait3A] : memref<122880xf32, #tpu.memory_space<vmem>> -> memref<61440xf32, #tpu.memory_space<vmem>>
      %dma_wait3A_97 = tpu.memref_reshape %arg3 : memref<16x1000000xf32, #tpu.memory_space<hbm>> -> memref<2x8x1000000xf32, #tpu.memory_space<hbm>>
      %dma_wait3A_98 = arith.constant 0 : i32
      %dma_wait3A_99 = tpu.memref_slice %dma_wait3A_97[%select_n3A_54, %select_n3A_70, %dma_wait3A_98] : memref<2x8x1000000xf32, #tpu.memory_space<hbm>> -> memref<1x1x1000000xf32, #tpu.memory_space<hbm>>
      %dma_wait3A_100 = tpu.memref_squeeze %dma_wait3A_99 : memref<1x1x1000000xf32, #tpu.memory_space<hbm>> -> memref<1000000xf32, #tpu.memory_space<hbm>>
      %dma_wait3A_101 = arith.constant 0 : i32
      %dma_wait3A_102 = tpu.memref_slice %dma_wait3A_100[%dma_wait3A_101] : memref<1000000xf32, #tpu.memory_space<hbm>> -> memref<61440xf32, #tpu.memory_space<hbm>>
      %dma_wait3A_103 = arith.constant 0 : i32
      %dma_wait3A_104 = tpu.memref_slice %arg5[%dma_wait3A_103] : memref<122880xf32, #tpu.memory_space<vmem>> -> memref<61440xf32, #tpu.memory_space<vmem>>
      %dma_wait3A_105 = tpu.memref_reshape %arg3 : memref<16x1000000xf32, #tpu.memory_space<hbm>> -> memref<2x8x1000000xf32, #tpu.memory_space<hbm>>
      %dma_wait3A_106 = arith.constant 0 : i32
      %dma_wait3A_107 = tpu.memref_slice %dma_wait3A_105[%select_n3A_54, %select_n3A_70, %dma_wait3A_106] : memref<2x8x1000000xf32, #tpu.memory_space<hbm>> -> memref<1x1x1000000xf32, #tpu.memory_space<hbm>>
      %dma_wait3A_108 = tpu.memref_squeeze %dma_wait3A_107 : memref<1x1x1000000xf32, #tpu.memory_space<hbm>> -> memref<1000000xf32, #tpu.memory_space<hbm>>
      %dma_wait3A_109 = arith.constant 0 : i32
      %dma_wait3A_110 = tpu.memref_slice %dma_wait3A_108[%dma_wait3A_109] : memref<1000000xf32, #tpu.memory_space<hbm>> -> memref<61440xf32, #tpu.memory_space<hbm>>
      tpu.wait_dma2 semaphore(%arg6 : memref<!tpu.dma_semaphore, #tpu.memory_space<semaphore_mem>>) src(%dma_wait3A_110 : memref<61440xf32, #tpu.memory_space<hbm>>) dst(%dma_wait3A_104 : memref<61440xf32, #tpu.memory_space<vmem>>)
      %dma_start3A_111 = arith.constant 61440 : i32
      %dma_start3A_112 = tpu.memref_slice %arg5[%dma_start3A_111] : memref<122880xf32, #tpu.memory_space<vmem>> -> memref<61440xf32, #tpu.memory_space<vmem>>
      %dma_start3A_113 = tpu.memref_reshape %arg3 : memref<16x1000000xf32, #tpu.memory_space<hbm>> -> memref<2x8x1000000xf32, #tpu.memory_space<hbm>>
      %dma_start3A_114 = arith.constant 0 : i32
      %dma_start3A_115 = tpu.memref_slice %dma_start3A_113[%select_n3A_54, %select_n3A_70, %dma_start3A_114] : memref<2x8x1000000xf32, #tpu.memory_space<hbm>> -> memref<1x1x1000000xf32, #tpu.memory_space<hbm>>
      %dma_start3A_116 = tpu.memref_squeeze %dma_start3A_115 : memref<1x1x1000000xf32, #tpu.memory_space<hbm>> -> memref<1000000xf32, #tpu.memory_space<hbm>>
      %dma_start3A_117 = arith.constant 61440 : i32
      %dma_start3A_118 = tpu.memref_slice %dma_start3A_116[%dma_start3A_117] : memref<1000000xf32, #tpu.memory_space<hbm>> -> memref<61440xf32, #tpu.memory_space<hbm>>
      %dma_start3A_119 = arith.constant 61440 : i32
      %dma_start3A_120 = tpu.memref_slice %arg5[%dma_start3A_119] : memref<122880xf32, #tpu.memory_space<vmem>> -> memref<61440xf32, #tpu.memory_space<vmem>>
      %dma_start3A_121 = tpu.memref_reshape %arg3 : memref<16x1000000xf32, #tpu.memory_space<hbm>> -> memref<2x8x1000000xf32, #tpu.memory_space<hbm>>
      %dma_start3A_122 = arith.constant 0 : i32
      %dma_start3A_123 = tpu.memref_slice %dma_start3A_121[%select_n3A_54, %select_n3A_70, %dma_start3A_122] : memref<2x8x1000000xf32, #tpu.memory_space<hbm>> -> memref<1x1x1000000xf32, #tpu.memory_space<hbm>>
      %dma_start3A_124 = tpu.memref_squeeze %dma_start3A_123 : memref<1x1x1000000xf32, #tpu.memory_space<hbm>> -> memref<1000000xf32, #tpu.memory_space<hbm>>
      %dma_start3A_125 = arith.constant 61440 : i32
      %dma_start3A_126 = tpu.memref_slice %dma_start3A_124[%dma_start3A_125] : memref<1000000xf32, #tpu.memory_space<hbm>> -> memref<61440xf32, #tpu.memory_space<hbm>>
      tpu.enqueue_dma source(%dma_start3A_126 : memref<61440xf32, #tpu.memory_space<hbm>>) target(%dma_start3A_120 : memref<61440xf32, #tpu.memory_space<vmem>>) target_semaphore(%arg6 : memref<!tpu.dma_semaphore, #tpu.memory_space<semaphore_mem>>)
      %add3A_127 = arith.constant 0 : i32
      %add3A_128 = arith.addi %mul3A_72, %add3A_127 : i32
      %dma_start3A_129 = arith.constant 0 : i32
      %dma_start3A_130 = tpu.memref_slice %arg5[%dma_start3A_129] : memref<122880xf32, #tpu.memory_space<vmem>> -> memref<61440xf32, #tpu.memory_space<vmem>>
      %dma_start3A_131 = tpu.memref_slice %arg4[%add3A_128] : memref<32002048xf32, #tpu.memory_space<hbm>> -> memref<61440xf32, #tpu.memory_space<hbm>>
      %dma_start3A_132 = tpu.memref_slice %arg4[%add3A_128] : memref<32002048xf32, #tpu.memory_space<hbm>> -> memref<61440xf32, #tpu.memory_space<hbm>>
      %dma_start3A_133 = arith.constant 0 : i32
      %dma_start3A_134 = tpu.memref_slice %arg5[%dma_start3A_133] : memref<122880xf32, #tpu.memory_space<vmem>> -> memref<61440xf32, #tpu.memory_space<vmem>>
      tpu.enqueue_dma source(%dma_start3A_134 : memref<61440xf32, #tpu.memory_space<vmem>>) target(%dma_start3A_132 : memref<61440xf32, #tpu.memory_space<hbm>>) target_semaphore(%arg7 : memref<!tpu.dma_semaphore, #tpu.memory_space<semaphore_mem>>)
      %dma_wait3A_135 = arith.constant 61440 : i32
      %dma_wait3A_136 = tpu.memref_slice %arg5[%dma_wait3A_135] : memref<122880xf32, #tpu.memory_space<vmem>> -> memref<61440xf32, #tpu.memory_space<vmem>>
      %dma_wait3A_137 = tpu.memref_reshape %arg3 : memref<16x1000000xf32, #tpu.memory_space<hbm>> -> memref<2x8x1000000xf32, #tpu.memory_space<hbm>>
      %dma_wait3A_138 = arith.constant 0 : i32
      %dma_wait3A_139 = tpu.memref_slice %dma_wait3A_137[%select_n3A_54, %select_n3A_70, %dma_wait3A_138] : memref<2x8x1000000xf32, #tpu.memory_space<hbm>> -> memref<1x1x1000000xf32, #tpu.memory_space<hbm>>
      %dma_wait3A_140 = tpu.memref_squeeze %dma_wait3A_139 : memref<1x1x1000000xf32, #tpu.memory_space<hbm>> -> memref<1000000xf32, #tpu.memory_space<hbm>>
      %dma_wait3A_141 = arith.constant 61440 : i32
      %dma_wait3A_142 = tpu.memref_slice %dma_wait3A_140[%dma_wait3A_141] : memref<1000000xf32, #tpu.memory_space<hbm>> -> memref<61440xf32, #tpu.memory_space<hbm>>
      %dma_wait3A_143 = arith.constant 61440 : i32
      %dma_wait3A_144 = tpu.memref_slice %arg5[%dma_wait3A_143] : memref<122880xf32, #tpu.memory_space<vmem>> -> memref<61440xf32, #tpu.memory_space<vmem>>
      %dma_wait3A_145 = tpu.memref_reshape %arg3 : memref<16x1000000xf32, #tpu.memory_space<hbm>> -> memref<2x8x1000000xf32, #tpu.memory_space<hbm>>
      %dma_wait3A_146 = arith.constant 0 : i32
      %dma_wait3A_147 = tpu.memref_slice %dma_wait3A_145[%select_n3A_54, %select_n3A_70, %dma_wait3A_146] : memref<2x8x1000000xf32, #tpu.memory_space<hbm>> -> memref<1x1x1000000xf32, #tpu.memory_space<hbm>>
      %dma_wait3A_148 = tpu.memref_squeeze %dma_wait3A_147 : memref<1x1x1000000xf32, #tpu.memory_space<hbm>> -> memref<1000000xf32, #tpu.memory_space<hbm>>
      %dma_wait3A_149 = arith.constant 61440 : i32
      %dma_wait3A_150 = tpu.memref_slice %dma_wait3A_148[%dma_wait3A_149] : memref<1000000xf32, #tpu.memory_space<hbm>> -> memref<61440xf32, #tpu.memory_space<hbm>>
      tpu.wait_dma2 semaphore(%arg6 : memref<!tpu.dma_semaphore, #tpu.memory_space<semaphore_mem>>) src(%dma_wait3A_150 : memref<61440xf32, #tpu.memory_space<hbm>>) dst(%dma_wait3A_144 : memref<61440xf32, #tpu.memory_space<vmem>>)
      %dma_wait3A_151 = arith.constant 0 : i32
      %dma_wait3A_152 = tpu.memref_slice %arg5[%dma_wait3A_151] : memref<122880xf32, #tpu.memory_space<vmem>> -> memref<61440xf32, #tpu.memory_space<vmem>>
      %dma_wait3A_153 = tpu.memref_slice %arg4[%add3A_128] : memref<32002048xf32, #tpu.memory_space<hbm>> -> memref<61440xf32, #tpu.memory_space<hbm>>
      %dma_wait3A_154 = tpu.memref_slice %arg4[%add3A_128] : memref<32002048xf32, #tpu.memory_space<hbm>> -> memref<61440xf32, #tpu.memory_space<hbm>>
      %dma_wait3A_155 = arith.constant 0 : i32
      %dma_wait3A_156 = tpu.memref_slice %arg5[%dma_wait3A_155] : memref<122880xf32, #tpu.memory_space<vmem>> -> memref<61440xf32, #tpu.memory_space<vmem>>
      tpu.wait_dma2 semaphore(%arg7 : memref<!tpu.dma_semaphore, #tpu.memory_space<semaphore_mem>>) src(%dma_wait3A_156 : memref<61440xf32, #tpu.memory_space<vmem>>) dst(%dma_wait3A_154 : memref<61440xf32, #tpu.memory_space<hbm>>)
      %dma_start3A_157 = arith.constant 0 : i32
      %dma_start3A_158 = tpu.memref_slice %arg5[%dma_start3A_157] : memref<122880xf32, #tpu.memory_space<vmem>> -> memref<61440xf32, #tpu.memory_space<vmem>>
      %dma_start3A_159 = tpu.memref_reshape %arg3 : memref<16x1000000xf32, #tpu.memory_space<hbm>> -> memref<2x8x1000000xf32, #tpu.memory_space<hbm>>
      %dma_start3A_160 = arith.constant 0 : i32
      %dma_start3A_161 = tpu.memref_slice %dma_start3A_159[%select_n3A_54, %select_n3A_70, %dma_start3A_160] : memref<2x8x1000000xf32, #tpu.memory_space<hbm>> -> memref<1x1x1000000xf32, #tpu.memory_space<hbm>>
      %dma_start3A_162 = tpu.memref_squeeze %dma_start3A_161 : memref<1x1x1000000xf32, #tpu.memory_space<hbm>> -> memref<1000000xf32, #tpu.memory_space<hbm>>
      %dma_start3A_163 = arith.constant 122880 : i32
      %dma_start3A_164 = tpu.memref_slice %dma_start3A_162[%dma_start3A_163] : memref<1000000xf32, #tpu.memory_space<hbm>> -> memref<61440xf32, #tpu.memory_space<hbm>>
      %dma_start3A_165 = arith.constant 0 : i32
      %dma_start3A_166 = tpu.memref_slice %arg5[%dma_start3A_165] : memref<122880xf32, #tpu.memory_space<vmem>> -> memref<61440xf32, #tpu.memory_space<vmem>>
      %dma_start3A_167 = tpu.memref_reshape %arg3 : memref<16x1000000xf32, #tpu.memory_space<hbm>> -> memref<2x8x1000000xf32, #tpu.memory_space<hbm>>
      %dma_start3A_168 = arith.constant 0 : i32
      %dma_start3A_169 = tpu.memref_slice %dma_start3A_167[%select_n3A_54, %select_n3A_70, %dma_start3A_168] : memref<2x8x1000000xf32, #tpu.memory_space<hbm>> -> memref<1x1x1000000xf32, #tpu.memory_space<hbm>>
      %dma_start3A_170 = tpu.memref_squeeze %dma_start3A_169 : memref<1x1x1000000xf32, #tpu.memory_space<hbm>> -> memref<1000000xf32, #tpu.memory_space<hbm>>
      %dma_start3A_171 = arith.constant 122880 : i32
      %dma_start3A_172 = tpu.memref_slice %dma_start3A_170[%dma_start3A_171] : memref<1000000xf32, #tpu.memory_space<hbm>> -> memref<61440xf32, #tpu.memory_space<hbm>>
      tpu.enqueue_dma source(%dma_start3A_172 : memref<61440xf32, #tpu.memory_space<hbm>>) target(%dma_start3A_166 : memref<61440xf32, #tpu.memory_space<vmem>>) target_semaphore(%arg6 : memref<!tpu.dma_semaphore, #tpu.memory_space<semaphore_mem>>)
      %add3A_173 = arith.constant 61440 : i32
      %add3A_174 = arith.addi %mul3A_72, %add3A_173 : i32
      %dma_start3A_175 = arith.constant 61440 : i32
      %dma_start3A_176 = tpu.memref_slice %arg5[%dma_start3A_175] : memref<122880xf32, #tpu.memory_space<vmem>> -> memref<61440xf32, #tpu.memory_space<vmem>>
      %dma_start3A_177 = tpu.memref_slice %arg4[%add3A_174] : memref<32002048xf32, #tpu.memory_space<hbm>> -> memref<61440xf32, #tpu.memory_space<hbm>>
      %dma_start3A_178 = tpu.memref_slice %arg4[%add3A_174] : memref<32002048xf32, #tpu.memory_space<hbm>> -> memref<61440xf32, #tpu.memory_space<hbm>>
      %dma_start3A_179 = arith.constant 61440 : i32
      %dma_start3A_180 = tpu.memref_slice %arg5[%dma_start3A_179] : memref<122880xf32, #tpu.memory_space<vmem>> -> memref<61440xf32, #tpu.memory_space<vmem>>
      tpu.enqueue_dma source(%dma_start3A_180 : memref<61440xf32, #tpu.memory_space<vmem>>) target(%dma_start3A_178 : memref<61440xf32, #tpu.memory_space<hbm>>) target_semaphore(%arg7 : memref<!tpu.dma_semaphore, #tpu.memory_space<semaphore_mem>>)
      %dma_wait3A_181 = arith.constant 0 : i32
      %dma_wait3A_182 = tpu.memref_slice %arg5[%dma_wait3A_181] : memref<122880xf32, #tpu.memory_space<vmem>> -> memref<61440xf32, #tpu.memory_space<vmem>>
      %dma_wait3A_183 = tpu.memref_reshape %arg3 : memref<16x1000000xf32, #tpu.memory_space<hbm>> -> memref<2x8x1000000xf32, #tpu.memory_space<hbm>>
      %dma_wait3A_184 = arith.constant 0 : i32
      %dma_wait3A_185 = tpu.memref_slice %dma_wait3A_183[%select_n3A_54, %select_n3A_70, %dma_wait3A_184] : memref<2x8x1000000xf32, #tpu.memory_space<hbm>> -> memref<1x1x1000000xf32, #tpu.memory_space<hbm>>
      %dma_wait3A_186 = tpu.memref_squeeze %dma_wait3A_185 : memref<1x1x1000000xf32, #tpu.memory_space<hbm>> -> memref<1000000xf32, #tpu.memory_space<hbm>>
      %dma_wait3A_187 = arith.constant 122880 : i32
      %dma_wait3A_188 = tpu.memref_slice %dma_wait3A_186[%dma_wait3A_187] : memref<1000000xf32, #tpu.memory_space<hbm>> -> memref<61440xf32, #tpu.memory_space<hbm>>
      %dma_wait3A_189 = arith.constant 0 : i32
      %dma_wait3A_190 = tpu.memref_slice %arg5[%dma_wait3A_189] : memref<122880xf32, #tpu.memory_space<vmem>> -> memref<61440xf32, #tpu.memory_space<vmem>>
      %dma_wait3A_191 = tpu.memref_reshape %arg3 : memref<16x1000000xf32, #tpu.memory_space<hbm>> -> memref<2x8x1000000xf32, #tpu.memory_space<hbm>>
      %dma_wait3A_192 = arith.constant 0 : i32
      %dma_wait3A_193 = tpu.memref_slice %dma_wait3A_191[%select_n3A_54, %select_n3A_70, %dma_wait3A_192] : memref<2x8x1000000xf32, #tpu.memory_space<hbm>> -> memref<1x1x1000000xf32, #tpu.memory_space<hbm>>
      %dma_wait3A_194 = tpu.memref_squeeze %dma_wait3A_193 : memref<1x1x1000000xf32, #tpu.memory_space<hbm>> -> memref<1000000xf32, #tpu.memory_space<hbm>>
      %dma_wait3A_195 = arith.constant 122880 : i32
      %dma_wait3A_196 = tpu.memref_slice %dma_wait3A_194[%dma_wait3A_195] : memref<1000000xf32, #tpu.memory_space<hbm>> -> memref<61440xf32, #tpu.memory_space<hbm>>
      tpu.wait_dma2 semaphore(%arg6 : memref<!tpu.dma_semaphore, #tpu.memory_space<semaphore_mem>>) src(%dma_wait3A_196 : memref<61440xf32, #tpu.memory_space<hbm>>) dst(%dma_wait3A_190 : memref<61440xf32, #tpu.memory_space<vmem>>)
      %dma_wait3A_197 = arith.constant 61440 : i32
      %dma_wait3A_198 = tpu.memref_slice %arg5[%dma_wait3A_197] : memref<122880xf32, #tpu.memory_space<vmem>> -> memref<61440xf32, #tpu.memory_space<vmem>>
      %dma_wait3A_199 = tpu.memref_slice %arg4[%add3A_174] : memref<32002048xf32, #tpu.memory_space<hbm>> -> memref<61440xf32, #tpu.memory_space<hbm>>
      %dma_wait3A_200 = tpu.memref_slice %arg4[%add3A_174] : memref<32002048xf32, #tpu.memory_space<hbm>> -> memref<61440xf32, #tpu.memory_space<hbm>>
      %dma_wait3A_201 = arith.constant 61440 : i32
      %dma_wait3A_202 = tpu.memref_slice %arg5[%dma_wait3A_201] : memref<122880xf32, #tpu.memory_space<vmem>> -> memref<61440xf32, #tpu.memory_space<vmem>>
      tpu.wait_dma2 semaphore(%arg7 : memref<!tpu.dma_semaphore, #tpu.memory_space<semaphore_mem>>) src(%dma_wait3A_202 : memref<61440xf32, #tpu.memory_space<vmem>>) dst(%dma_wait3A_200 : memref<61440xf32, #tpu.memory_space<hbm>>)
      %dma_start3A_203 = arith.constant 61440 : i32
      %dma_start3A_204 = tpu.memref_slice %arg5[%dma_start3A_203] : memref<122880xf32, #tpu.memory_space<vmem>> -> memref<61440xf32, #tpu.memory_space<vmem>>
      %dma_start3A_205 = tpu.memref_reshape %arg3 : memref<16x1000000xf32, #tpu.memory_space<hbm>> -> memref<2x8x1000000xf32, #tpu.memory_space<hbm>>
      %dma_start3A_206 = arith.constant 0 : i32
      %dma_start3A_207 = tpu.memref_slice %dma_start3A_205[%select_n3A_54, %select_n3A_70, %dma_start3A_206] : memref<2x8x1000000xf32, #tpu.memory_space<hbm>> -> memref<1x1x1000000xf32, #tpu.memory_space<hbm>>
      %dma_start3A_208 = tpu.memref_squeeze %dma_start3A_207 : memref<1x1x1000000xf32, #tpu.memory_space<hbm>> -> memref<1000000xf32, #tpu.memory_space<hbm>>
      %dma_start3A_209 = arith.constant 184320 : i32
      %dma_start3A_210 = tpu.memref_slice %dma_start3A_208[%dma_start3A_209] : memref<1000000xf32, #tpu.memory_space<hbm>> -> memref<61440xf32, #tpu.memory_space<hbm>>
      %dma_start3A_211 = arith.constant 61440 : i32
      %dma_start3A_212 = tpu.memref_slice %arg5[%dma_start3A_211] : memref<122880xf32, #tpu.memory_space<vmem>> -> memref<61440xf32, #tpu.memory_space<vmem>>
      %dma_start3A_213 = tpu.memref_reshape %arg3 : memref<16x1000000xf32, #tpu.memory_space<hbm>> -> memref<2x8x1000000xf32, #tpu.memory_space<hbm>>
      %dma_start3A_214 = arith.constant 0 : i32
      %dma_start3A_215 = tpu.memref_slice %dma_start3A_213[%select_n3A_54, %select_n3A_70, %dma_start3A_214] : memref<2x8x1000000xf32, #tpu.memory_space<hbm>> -> memref<1x1x1000000xf32, #tpu.memory_space<hbm>>
      %dma_start3A_216 = tpu.memref_squeeze %dma_start3A_215 : memref<1x1x1000000xf32, #tpu.memory_space<hbm>> -> memref<1000000xf32, #tpu.memory_space<hbm>>
      %dma_start3A_217 = arith.constant 184320 : i32
      %dma_start3A_218 = tpu.memref_slice %dma_start3A_216[%dma_start3A_217] : memref<1000000xf32, #tpu.memory_space<hbm>> -> memref<61440xf32, #tpu.memory_space<hbm>>
      tpu.enqueue_dma source(%dma_start3A_218 : memref<61440xf32, #tpu.memory_space<hbm>>) target(%dma_start3A_212 : memref<61440xf32, #tpu.memory_space<vmem>>) target_semaphore(%arg6 : memref<!tpu.dma_semaphore, #tpu.memory_space<semaphore_mem>>)
      %add3A_219 = arith.constant 122880 : i32
      %add3A_220 = arith.addi %mul3A_72, %add3A_219 : i32
      %dma_start3A_221 = arith.constant 0 : i32
      %dma_start3A_222 = tpu.memref_slice %arg5[%dma_start3A_221] : memref<122880xf32, #tpu.memory_space<vmem>> -> memref<61440xf32, #tpu.memory_space<vmem>>
      %dma_start3A_223 = tpu.memref_slice %arg4[%add3A_220] : memref<32002048xf32, #tpu.memory_space<hbm>> -> memref<61440xf32, #tpu.memory_space<hbm>>
      %dma_start3A_224 = tpu.memref_slice %arg4[%add3A_220] : memref<32002048xf32, #tpu.memory_space<hbm>> -> memref<61440xf32, #tpu.memory_space<hbm>>
      %dma_start3A_225 = arith.constant 0 : i32
      %dma_start3A_226 = tpu.memref_slice %arg5[%dma_start3A_225] : memref<122880xf32, #tpu.memory_space<vmem>> -> memref<61440xf32, #tpu.memory_space<vmem>>
      tpu.enqueue_dma source(%dma_start3A_226 : memref<61440xf32, #tpu.memory_space<vmem>>) target(%dma_start3A_224 : memref<61440xf32, #tpu.memory_space<hbm>>) target_semaphore(%arg7 : memref<!tpu.dma_semaphore, #tpu.memory_space<semaphore_mem>>)
      %dma_wait3A_227 = arith.constant 61440 : i32
      %dma_wait3A_228 = tpu.memref_slice %arg5[%dma_wait3A_227] : memref<122880xf32, #tpu.memory_space<vmem>> -> memref<61440xf32, #tpu.memory_space<vmem>>
      %dma_wait3A_229 = tpu.memref_reshape %arg3 : memref<16x1000000xf32, #tpu.memory_space<hbm>> -> memref<2x8x1000000xf32, #tpu.memory_space<hbm>>
      %dma_wait3A_230 = arith.constant 0 : i32
      %dma_wait3A_231 = tpu.memref_slice %dma_wait3A_229[%select_n3A_54, %select_n3A_70, %dma_wait3A_230] : memref<2x8x1000000xf32, #tpu.memory_space<hbm>> -> memref<1x1x1000000xf32, #tpu.memory_space<hbm>>
      %dma_wait3A_232 = tpu.memref_squeeze %dma_wait3A_231 : memref<1x1x1000000xf32, #tpu.memory_space<hbm>> -> memref<1000000xf32, #tpu.memory_space<hbm>>
      %dma_wait3A_233 = arith.constant 184320 : i32
      %dma_wait3A_234 = tpu.memref_slice %dma_wait3A_232[%dma_wait3A_233] : memref<1000000xf32, #tpu.memory_space<hbm>> -> memref<61440xf32, #tpu.memory_space<hbm>>
      %dma_wait3A_235 = arith.constant 61440 : i32
      %dma_wait3A_236 = tpu.memref_slice %arg5[%dma_wait3A_235] : memref<122880xf32, #tpu.memory_space<vmem>> -> memref<61440xf32, #tpu.memory_space<vmem>>
      %dma_wait3A_237 = tpu.memref_reshape %arg3 : memref<16x1000000xf32, #tpu.memory_space<hbm>> -> memref<2x8x1000000xf32, #tpu.memory_space<hbm>>
      %dma_wait3A_238 = arith.constant 0 : i32
      %dma_wait3A_239 = tpu.memref_slice %dma_wait3A_237[%select_n3A_54, %select_n3A_70, %dma_wait3A_238] : memref<2x8x1000000xf32, #tpu.memory_space<hbm>> -> memref<1x1x1000000xf32, #tpu.memory_space<hbm>>
      %dma_wait3A_240 = tpu.memref_squeeze %dma_wait3A_239 : memref<1x1x1000000xf32, #tpu.memory_space<hbm>> -> memref<1000000xf32, #tpu.memory_space<hbm>>
      %dma_wait3A_241 = arith.constant 184320 : i32
      %dma_wait3A_242 = tpu.memref_slice %dma_wait3A_240[%dma_wait3A_241] : memref<1000000xf32, #tpu.memory_space<hbm>> -> memref<61440xf32, #tpu.memory_space<hbm>>
      tpu.wait_dma2 semaphore(%arg6 : memref<!tpu.dma_semaphore, #tpu.memory_space<semaphore_mem>>) src(%dma_wait3A_242 : memref<61440xf32, #tpu.memory_space<hbm>>) dst(%dma_wait3A_236 : memref<61440xf32, #tpu.memory_space<vmem>>)
      %dma_wait3A_243 = arith.constant 0 : i32
      %dma_wait3A_244 = tpu.memref_slice %arg5[%dma_wait3A_243] : memref<122880xf32, #tpu.memory_space<vmem>> -> memref<61440xf32, #tpu.memory_space<vmem>>
      %dma_wait3A_245 = tpu.memref_slice %arg4[%add3A_220] : memref<32002048xf32, #tpu.memory_space<hbm>> -> memref<61440xf32, #tpu.memory_space<hbm>>
      %dma_wait3A_246 = tpu.memref_slice %arg4[%add3A_220] : memref<32002048xf32, #tpu.memory_space<hbm>> -> memref<61440xf32, #tpu.memory_space<hbm>>
      %dma_wait3A_247 = arith.constant 0 : i32
      %dma_wait3A_248 = tpu.memref_slice %arg5[%dma_wait3A_247] : memref<122880xf32, #tpu.memory_space<vmem>> -> memref<61440xf32, #tpu.memory_space<vmem>>
      tpu.wait_dma2 semaphore(%arg7 : memref<!tpu.dma_semaphore, #tpu.memory_space<semaphore_mem>>) src(%dma_wait3A_248 : memref<61440xf32, #tpu.memory_space<vmem>>) dst(%dma_wait3A_246 : memref<61440xf32, #tpu.memory_space<hbm>>)
      %dma_start3A_249 = arith.constant 0 : i32
      %dma_start3A_250 = tpu.memref_slice %arg5[%dma_start3A_249] : memref<122880xf32, #tpu.memory_space<vmem>> -> memref<61440xf32, #tpu.memory_space<vmem>>
      %dma_start3A_251 = tpu.memref_reshape %arg3 : memref<16x1000000xf32, #tpu.memory_space<hbm>> -> memref<2x8x1000000xf32, #tpu.memory_space<hbm>>
      %dma_start3A_252 = arith.constant 0 : i32
      %dma_start3A_253 = tpu.memref_slice %dma_start3A_251[%select_n3A_54, %select_n3A_70, %dma_start3A_252] : memref<2x8x1000000xf32, #tpu.memory_space<hbm>> -> memref<1x1x1000000xf32, #tpu.memory_space<hbm>>
      %dma_start3A_254 = tpu.memref_squeeze %dma_start3A_253 : memref<1x1x1000000xf32, #tpu.memory_space<hbm>> -> memref<1000000xf32, #tpu.memory_space<hbm>>
      %dma_start3A_255 = arith.constant 245760 : i32
      %dma_start3A_256 = tpu.memref_slice %dma_start3A_254[%dma_start3A_255] : memref<1000000xf32, #tpu.memory_space<hbm>> -> memref<61440xf32, #tpu.memory_space<hbm>>
      %dma_start3A_257 = arith.constant 0 : i32
      %dma_start3A_258 = tpu.memref_slice %arg5[%dma_start3A_257] : memref<122880xf32, #tpu.memory_space<vmem>> -> memref<61440xf32, #tpu.memory_space<vmem>>
      %dma_start3A_259 = tpu.memref_reshape %arg3 : memref<16x1000000xf32, #tpu.memory_space<hbm>> -> memref<2x8x1000000xf32, #tpu.memory_space<hbm>>
      %dma_start3A_260 = arith.constant 0 : i32
      %dma_start3A_261 = tpu.memref_slice %dma_start3A_259[%select_n3A_54, %select_n3A_70, %dma_start3A_260] : memref<2x8x1000000xf32, #tpu.memory_space<hbm>> -> memref<1x1x1000000xf32, #tpu.memory_space<hbm>>
      %dma_start3A_262 = tpu.memref_squeeze %dma_start3A_261 : memref<1x1x1000000xf32, #tpu.memory_space<hbm>> -> memref<1000000xf32, #tpu.memory_space<hbm>>
      %dma_start3A_263 = arith.constant 245760 : i32
      %dma_start3A_264 = tpu.memref_slice %dma_start3A_262[%dma_start3A_263] : memref<1000000xf32, #tpu.memory_space<hbm>> -> memref<61440xf32, #tpu.memory_space<hbm>>
      tpu.enqueue_dma source(%dma_start3A_264 : memref<61440xf32, #tpu.memory_space<hbm>>) target(%dma_start3A_258 : memref<61440xf32, #tpu.memory_space<vmem>>) target_semaphore(%arg6 : memref<!tpu.dma_semaphore, #tpu.memory_space<semaphore_mem>>)
      %add3A_265 = arith.constant 184320 : i32
      %add3A_266 = arith.addi %mul3A_72, %add3A_265 : i32
      %dma_start3A_267 = arith.constant 61440 : i32
      %dma_start3A_268 = tpu.memref_slice %arg5[%dma_start3A_267] : memref<122880xf32, #tpu.memory_space<vmem>> -> memref<61440xf32, #tpu.memory_space<vmem>>
      %dma_start3A_269 = tpu.memref_slice %arg4[%add3A_266] : memref<32002048xf32, #tpu.memory_space<hbm>> -> memref<61440xf32, #tpu.memory_space<hbm>>
      %dma_start3A_270 = tpu.memref_slice %arg4[%add3A_266] : memref<32002048xf32, #tpu.memory_space<hbm>> -> memref<61440xf32, #tpu.memory_space<hbm>>
      %dma_start3A_271 = arith.constant 61440 : i32
      %dma_start3A_272 = tpu.memref_slice %arg5[%dma_start3A_271] : memref<122880xf32, #tpu.memory_space<vmem>> -> memref<61440xf32, #tpu.memory_space<vmem>>
      tpu.enqueue_dma source(%dma_start3A_272 : memref<61440xf32, #tpu.memory_space<vmem>>) target(%dma_start3A_270 : memref<61440xf32, #tpu.memory_space<hbm>>) target_semaphore(%arg7 : memref<!tpu.dma_semaphore, #tpu.memory_space<semaphore_mem>>)
      %dma_wait3A_273 = arith.constant 0 : i32
      %dma_wait3A_274 = tpu.memref_slice %arg5[%dma_wait3A_273] : memref<122880xf32, #tpu.memory_space<vmem>> -> memref<61440xf32, #tpu.memory_space<vmem>>
      %dma_wait3A_275 = tpu.memref_reshape %arg3 : memref<16x1000000xf32, #tpu.memory_space<hbm>> -> memref<2x8x1000000xf32, #tpu.memory_space<hbm>>
      %dma_wait3A_276 = arith.constant 0 : i32
      %dma_wait3A_277 = tpu.memref_slice %dma_wait3A_275[%select_n3A_54, %select_n3A_70, %dma_wait3A_276] : memref<2x8x1000000xf32, #tpu.memory_space<hbm>> -> memref<1x1x1000000xf32, #tpu.memory_space<hbm>>
      %dma_wait3A_278 = tpu.memref_squeeze %dma_wait3A_277 : memref<1x1x1000000xf32, #tpu.memory_space<hbm>> -> memref<1000000xf32, #tpu.memory_space<hbm>>
      %dma_wait3A_279 = arith.constant 245760 : i32
      %dma_wait3A_280 = tpu.memref_slice %dma_wait3A_278[%dma_wait3A_279] : memref<1000000xf32, #tpu.memory_space<hbm>> -> memref<61440xf32, #tpu.memory_space<hbm>>
      %dma_wait3A_281 = arith.constant 0 : i32
      %dma_wait3A_282 = tpu.memref_slice %arg5[%dma_wait3A_281] : memref<122880xf32, #tpu.memory_space<vmem>> -> memref<61440xf32, #tpu.memory_space<vmem>>
      %dma_wait3A_283 = tpu.memref_reshape %arg3 : memref<16x1000000xf32, #tpu.memory_space<hbm>> -> memref<2x8x1000000xf32, #tpu.memory_space<hbm>>
      %dma_wait3A_284 = arith.constant 0 : i32
      %dma_wait3A_285 = tpu.memref_slice %dma_wait3A_283[%select_n3A_54, %select_n3A_70, %dma_wait3A_284] : memref<2x8x1000000xf32, #tpu.memory_space<hbm>> -> memref<1x1x1000000xf32, #tpu.memory_space<hbm>>
      %dma_wait3A_286 = tpu.memref_squeeze %dma_wait3A_285 : memref<1x1x1000000xf32, #tpu.memory_space<hbm>> -> memref<1000000xf32, #tpu.memory_space<hbm>>
      %dma_wait3A_287 = arith.constant 245760 : i32
      %dma_wait3A_288 = tpu.memref_slice %dma_wait3A_286[%dma_wait3A_287] : memref<1000000xf32, #tpu.memory_space<hbm>> -> memref<61440xf32, #tpu.memory_space<hbm>>
      tpu.wait_dma2 semaphore(%arg6 : memref<!tpu.dma_semaphore, #tpu.memory_space<semaphore_mem>>) src(%dma_wait3A_288 : memref<61440xf32, #tpu.memory_space<hbm>>) dst(%dma_wait3A_282 : memref<61440xf32, #tpu.memory_space<vmem>>)
      %dma_wait3A_289 = arith.constant 61440 : i32
      %dma_wait3A_290 = tpu.memref_slice %arg5[%dma_wait3A_289] : memref<122880xf32, #tpu.memory_space<vmem>> -> memref<61440xf32, #tpu.memory_space<vmem>>
      %dma_wait3A_291 = tpu.memref_slice %arg4[%add3A_266] : memref<32002048xf32, #tpu.memory_space<hbm>> -> memref<61440xf32, #tpu.memory_space<hbm>>
      %dma_wait3A_292 = tpu.memref_slice %arg4[%add3A_266] : memref<32002048xf32, #tpu.memory_space<hbm>> -> memref<61440xf32, #tpu.memory_space<hbm>>
      %dma_wait3A_293 = arith.constant 61440 : i32
      %dma_wait3A_294 = tpu.memref_slice %arg5[%dma_wait3A_293] : memref<122880xf32, #tpu.memory_space<vmem>> -> memref<61440xf32, #tpu.memory_space<vmem>>
      tpu.wait_dma2 semaphore(%arg7 : memref<!tpu.dma_semaphore, #tpu.memory_space<semaphore_mem>>) src(%dma_wait3A_294 : memref<61440xf32, #tpu.memory_space<vmem>>) dst(%dma_wait3A_292 : memref<61440xf32, #tpu.memory_space<hbm>>)
      %dma_start3A_295 = arith.constant 61440 : i32
      %dma_start3A_296 = tpu.memref_slice %arg5[%dma_start3A_295] : memref<122880xf32, #tpu.memory_space<vmem>> -> memref<61440xf32, #tpu.memory_space<vmem>>
      %dma_start3A_297 = tpu.memref_reshape %arg3 : memref<16x1000000xf32, #tpu.memory_space<hbm>> -> memref<2x8x1000000xf32, #tpu.memory_space<hbm>>
      %dma_start3A_298 = arith.constant 0 : i32
      %dma_start3A_299 = tpu.memref_slice %dma_start3A_297[%select_n3A_54, %select_n3A_70, %dma_start3A_298] : memref<2x8x1000000xf32, #tpu.memory_space<hbm>> -> memref<1x1x1000000xf32, #tpu.memory_space<hbm>>
      %dma_start3A_300 = tpu.memref_squeeze %dma_start3A_299 : memref<1x1x1000000xf32, #tpu.memory_space<hbm>> -> memref<1000000xf32, #tpu.memory_space<hbm>>
      %dma_start3A_301 = arith.constant 307200 : i32
      %dma_start3A_302 = tpu.memref_slice %dma_start3A_300[%dma_start3A_301] : memref<1000000xf32, #tpu.memory_space<hbm>> -> memref<61440xf32, #tpu.memory_space<hbm>>
      %dma_start3A_303 = arith.constant 61440 : i32
      %dma_start3A_304 = tpu.memref_slice %arg5[%dma_start3A_303] : memref<122880xf32, #tpu.memory_space<vmem>> -> memref<61440xf32, #tpu.memory_space<vmem>>
      %dma_start3A_305 = tpu.memref_reshape %arg3 : memref<16x1000000xf32, #tpu.memory_space<hbm>> -> memref<2x8x1000000xf32, #tpu.memory_space<hbm>>
      %dma_start3A_306 = arith.constant 0 : i32
      %dma_start3A_307 = tpu.memref_slice %dma_start3A_305[%select_n3A_54, %select_n3A_70, %dma_start3A_306] : memref<2x8x1000000xf32, #tpu.memory_space<hbm>> -> memref<1x1x1000000xf32, #tpu.memory_space<hbm>>
      %dma_start3A_308 = tpu.memref_squeeze %dma_start3A_307 : memref<1x1x1000000xf32, #tpu.memory_space<hbm>> -> memref<1000000xf32, #tpu.memory_space<hbm>>
      %dma_start3A_309 = arith.constant 307200 : i32
      %dma_start3A_310 = tpu.memref_slice %dma_start3A_308[%dma_start3A_309] : memref<1000000xf32, #tpu.memory_space<hbm>> -> memref<61440xf32, #tpu.memory_space<hbm>>
      tpu.enqueue_dma source(%dma_start3A_310 : memref<61440xf32, #tpu.memory_space<hbm>>) target(%dma_start3A_304 : memref<61440xf32, #tpu.memory_space<vmem>>) target_semaphore(%arg6 : memref<!tpu.dma_semaphore, #tpu.memory_space<semaphore_mem>>)
      %add3A_311 = arith.constant 245760 : i32
      %add3A_312 = arith.addi %mul3A_72, %add3A_311 : i32
      %dma_start3A_313 = arith.constant 0 : i32
      %dma_start3A_314 = tpu.memref_slice %arg5[%dma_start3A_313] : memref<122880xf32, #tpu.memory_space<vmem>> -> memref<61440xf32, #tpu.memory_space<vmem>>
      %dma_start3A_315 = tpu.memref_slice %arg4[%add3A_312] : memref<32002048xf32, #tpu.memory_space<hbm>> -> memref<61440xf32, #tpu.memory_space<hbm>>
      %dma_start3A_316 = tpu.memref_slice %arg4[%add3A_312] : memref<32002048xf32, #tpu.memory_space<hbm>> -> memref<61440xf32, #tpu.memory_space<hbm>>
      %dma_start3A_317 = arith.constant 0 : i32
      %dma_start3A_318 = tpu.memref_slice %arg5[%dma_start3A_317] : memref<122880xf32, #tpu.memory_space<vmem>> -> memref<61440xf32, #tpu.memory_space<vmem>>
      tpu.enqueue_dma source(%dma_start3A_318 : memref<61440xf32, #tpu.memory_space<vmem>>) target(%dma_start3A_316 : memref<61440xf32, #tpu.memory_space<hbm>>) target_semaphore(%arg7 : memref<!tpu.dma_semaphore, #tpu.memory_space<semaphore_mem>>)
      %dma_wait3A_319 = arith.constant 61440 : i32
      %dma_wait3A_320 = tpu.memref_slice %arg5[%dma_wait3A_319] : memref<122880xf32, #tpu.memory_space<vmem>> -> memref<61440xf32, #tpu.memory_space<vmem>>
      %dma_wait3A_321 = tpu.memref_reshape %arg3 : memref<16x1000000xf32, #tpu.memory_space<hbm>> -> memref<2x8x1000000xf32, #tpu.memory_space<hbm>>
      %dma_wait3A_322 = arith.constant 0 : i32
      %dma_wait3A_323 = tpu.memref_slice %dma_wait3A_321[%select_n3A_54, %select_n3A_70, %dma_wait3A_322] : memref<2x8x1000000xf32, #tpu.memory_space<hbm>> -> memref<1x1x1000000xf32, #tpu.memory_space<hbm>>
      %dma_wait3A_324 = tpu.memref_squeeze %dma_wait3A_323 : memref<1x1x1000000xf32, #tpu.memory_space<hbm>> -> memref<1000000xf32, #tpu.memory_space<hbm>>
      %dma_wait3A_325 = arith.constant 307200 : i32
      %dma_wait3A_326 = tpu.memref_slice %dma_wait3A_324[%dma_wait3A_325] : memref<1000000xf32, #tpu.memory_space<hbm>> -> memref<61440xf32, #tpu.memory_space<hbm>>
      %dma_wait3A_327 = arith.constant 61440 : i32
      %dma_wait3A_328 = tpu.memref_slice %arg5[%dma_wait3A_327] : memref<122880xf32, #tpu.memory_space<vmem>> -> memref<61440xf32, #tpu.memory_space<vmem>>
      %dma_wait3A_329 = tpu.memref_reshape %arg3 : memref<16x1000000xf32, #tpu.memory_space<hbm>> -> memref<2x8x1000000xf32, #tpu.memory_space<hbm>>
      %dma_wait3A_330 = arith.constant 0 : i32
      %dma_wait3A_331 = tpu.memref_slice %dma_wait3A_329[%select_n3A_54, %select_n3A_70, %dma_wait3A_330] : memref<2x8x1000000xf32, #tpu.memory_space<hbm>> -> memref<1x1x1000000xf32, #tpu.memory_space<hbm>>
      %dma_wait3A_332 = tpu.memref_squeeze %dma_wait3A_331 : memref<1x1x1000000xf32, #tpu.memory_space<hbm>> -> memref<1000000xf32, #tpu.memory_space<hbm>>
      %dma_wait3A_333 = arith.constant 307200 : i32
      %dma_wait3A_334 = tpu.memref_slice %dma_wait3A_332[%dma_wait3A_333] : memref<1000000xf32, #tpu.memory_space<hbm>> -> memref<61440xf32, #tpu.memory_space<hbm>>
      tpu.wait_dma2 semaphore(%arg6 : memref<!tpu.dma_semaphore, #tpu.memory_space<semaphore_mem>>) src(%dma_wait3A_334 : memref<61440xf32, #tpu.memory_space<hbm>>) dst(%dma_wait3A_328 : memref<61440xf32, #tpu.memory_space<vmem>>)
      %dma_wait3A_335 = arith.constant 0 : i32
      %dma_wait3A_336 = tpu.memref_slice %arg5[%dma_wait3A_335] : memref<122880xf32, #tpu.memory_space<vmem>> -> memref<61440xf32, #tpu.memory_space<vmem>>
      %dma_wait3A_337 = tpu.memref_slice %arg4[%add3A_312] : memref<32002048xf32, #tpu.memory_space<hbm>> -> memref<61440xf32, #tpu.memory_space<hbm>>
      %dma_wait3A_338 = tpu.memref_slice %arg4[%add3A_312] : memref<32002048xf32, #tpu.memory_space<hbm>> -> memref<61440xf32, #tpu.memory_space<hbm>>
      %dma_wait3A_339 = arith.constant 0 : i32
      %dma_wait3A_340 = tpu.memref_slice %arg5[%dma_wait3A_339] : memref<122880xf32, #tpu.memory_space<vmem>> -> memref<61440xf32, #tpu.memory_space<vmem>>
      tpu.wait_dma2 semaphore(%arg7 : memref<!tpu.dma_semaphore, #tpu.memory_space<semaphore_mem>>) src(%dma_wait3A_340 : memref<61440xf32, #tpu.memory_space<vmem>>) dst(%dma_wait3A_338 : memref<61440xf32, #tpu.memory_space<hbm>>)
      %dma_start3A_341 = arith.constant 0 : i32
      %dma_start3A_342 = tpu.memref_slice %arg5[%dma_start3A_341] : memref<122880xf32, #tpu.memory_space<vmem>> -> memref<61440xf32, #tpu.memory_space<vmem>>
      %dma_start3A_343 = tpu.memref_reshape %arg3 : memref<16x1000000xf32, #tpu.memory_space<hbm>> -> memref<2x8x1000000xf32, #tpu.memory_space<hbm>>
      %dma_start3A_344 = arith.constant 0 : i32
      %dma_start3A_345 = tpu.memref_slice %dma_start3A_343[%select_n3A_54, %select_n3A_70, %dma_start3A_344] : memref<2x8x1000000xf32, #tpu.memory_space<hbm>> -> memref<1x1x1000000xf32, #tpu.memory_space<hbm>>
      %dma_start3A_346 = tpu.memref_squeeze %dma_start3A_345 : memref<1x1x1000000xf32, #tpu.memory_space<hbm>> -> memref<1000000xf32, #tpu.memory_space<hbm>>
      %dma_start3A_347 = arith.constant 368640 : i32
      %dma_start3A_348 = tpu.memref_slice %dma_start3A_346[%dma_start3A_347] : memref<1000000xf32, #tpu.memory_space<hbm>> -> memref<61440xf32, #tpu.memory_space<hbm>>
      %dma_start3A_349 = arith.constant 0 : i32
      %dma_start3A_350 = tpu.memref_slice %arg5[%dma_start3A_349] : memref<122880xf32, #tpu.memory_space<vmem>> -> memref<61440xf32, #tpu.memory_space<vmem>>
      %dma_start3A_351 = tpu.memref_reshape %arg3 : memref<16x1000000xf32, #tpu.memory_space<hbm>> -> memref<2x8x1000000xf32, #tpu.memory_space<hbm>>
      %dma_start3A_352 = arith.constant 0 : i32
      %dma_start3A_353 = tpu.memref_slice %dma_start3A_351[%select_n3A_54, %select_n3A_70, %dma_start3A_352] : memref<2x8x1000000xf32, #tpu.memory_space<hbm>> -> memref<1x1x1000000xf32, #tpu.memory_space<hbm>>
      %dma_start3A_354 = tpu.memref_squeeze %dma_start3A_353 : memref<1x1x1000000xf32, #tpu.memory_space<hbm>> -> memref<1000000xf32, #tpu.memory_space<hbm>>
      %dma_start3A_355 = arith.constant 368640 : i32
      %dma_start3A_356 = tpu.memref_slice %dma_start3A_354[%dma_start3A_355] : memref<1000000xf32, #tpu.memory_space<hbm>> -> memref<61440xf32, #tpu.memory_space<hbm>>
      tpu.enqueue_dma source(%dma_start3A_356 : memref<61440xf32, #tpu.memory_space<hbm>>) target(%dma_start3A_350 : memref<61440xf32, #tpu.memory_space<vmem>>) target_semaphore(%arg6 : memref<!tpu.dma_semaphore, #tpu.memory_space<semaphore_mem>>)
      %add3A_357 = arith.constant 307200 : i32
      %add3A_358 = arith.addi %mul3A_72, %add3A_357 : i32
      %dma_start3A_359 = arith.constant 61440 : i32
      %dma_start3A_360 = tpu.memref_slice %arg5[%dma_start3A_359] : memref<122880xf32, #tpu.memory_space<vmem>> -> memref<61440xf32, #tpu.memory_space<vmem>>
      %dma_start3A_361 = tpu.memref_slice %arg4[%add3A_358] : memref<32002048xf32, #tpu.memory_space<hbm>> -> memref<61440xf32, #tpu.memory_space<hbm>>
      %dma_start3A_362 = tpu.memref_slice %arg4[%add3A_358] : memref<32002048xf32, #tpu.memory_space<hbm>> -> memref<61440xf32, #tpu.memory_space<hbm>>
      %dma_start3A_363 = arith.constant 61440 : i32
      %dma_start3A_364 = tpu.memref_slice %arg5[%dma_start3A_363] : memref<122880xf32, #tpu.memory_space<vmem>> -> memref<61440xf32, #tpu.memory_space<vmem>>
      tpu.enqueue_dma source(%dma_start3A_364 : memref<61440xf32, #tpu.memory_space<vmem>>) target(%dma_start3A_362 : memref<61440xf32, #tpu.memory_space<hbm>>) target_semaphore(%arg7 : memref<!tpu.dma_semaphore, #tpu.memory_space<semaphore_mem>>)
      %dma_wait3A_365 = arith.constant 0 : i32
      %dma_wait3A_366 = tpu.memref_slice %arg5[%dma_wait3A_365] : memref<122880xf32, #tpu.memory_space<vmem>> -> memref<61440xf32, #tpu.memory_space<vmem>>
      %dma_wait3A_367 = tpu.memref_reshape %arg3 : memref<16x1000000xf32, #tpu.memory_space<hbm>> -> memref<2x8x1000000xf32, #tpu.memory_space<hbm>>
      %dma_wait3A_368 = arith.constant 0 : i32
      %dma_wait3A_369 = tpu.memref_slice %dma_wait3A_367[%select_n3A_54, %select_n3A_70, %dma_wait3A_368] : memref<2x8x1000000xf32, #tpu.memory_space<hbm>> -> memref<1x1x1000000xf32, #tpu.memory_space<hbm>>
      %dma_wait3A_370 = tpu.memref_squeeze %dma_wait3A_369 : memref<1x1x1000000xf32, #tpu.memory_space<hbm>> -> memref<1000000xf32, #tpu.memory_space<hbm>>
      %dma_wait3A_371 = arith.constant 368640 : i32
      %dma_wait3A_372 = tpu.memref_slice %dma_wait3A_370[%dma_wait3A_371] : memref<1000000xf32, #tpu.memory_space<hbm>> -> memref<61440xf32, #tpu.memory_space<hbm>>
      %dma_wait3A_373 = arith.constant 0 : i32
      %dma_wait3A_374 = tpu.memref_slice %arg5[%dma_wait3A_373] : memref<122880xf32, #tpu.memory_space<vmem>> -> memref<61440xf32, #tpu.memory_space<vmem>>
      %dma_wait3A_375 = tpu.memref_reshape %arg3 : memref<16x1000000xf32, #tpu.memory_space<hbm>> -> memref<2x8x1000000xf32, #tpu.memory_space<hbm>>
      %dma_wait3A_376 = arith.constant 0 : i32
      %dma_wait3A_377 = tpu.memref_slice %dma_wait3A_375[%select_n3A_54, %select_n3A_70, %dma_wait3A_376] : memref<2x8x1000000xf32, #tpu.memory_space<hbm>> -> memref<1x1x1000000xf32, #tpu.memory_space<hbm>>
      %dma_wait3A_378 = tpu.memref_squeeze %dma_wait3A_377 : memref<1x1x1000000xf32, #tpu.memory_space<hbm>> -> memref<1000000xf32, #tpu.memory_space<hbm>>
      %dma_wait3A_379 = arith.constant 368640 : i32
      %dma_wait3A_380 = tpu.memref_slice %dma_wait3A_378[%dma_wait3A_379] : memref<1000000xf32, #tpu.memory_space<hbm>> -> memref<61440xf32, #tpu.memory_space<hbm>>
      tpu.wait_dma2 semaphore(%arg6 : memref<!tpu.dma_semaphore, #tpu.memory_space<semaphore_mem>>) src(%dma_wait3A_380 : memref<61440xf32, #tpu.memory_space<hbm>>) dst(%dma_wait3A_374 : memref<61440xf32, #tpu.memory_space<vmem>>)
      %dma_wait3A_381 = arith.constant 61440 : i32
      %dma_wait3A_382 = tpu.memref_slice %arg5[%dma_wait3A_381] : memref<122880xf32, #tpu.memory_space<vmem>> -> memref<61440xf32, #tpu.memory_space<vmem>>
      %dma_wait3A_383 = tpu.memref_slice %arg4[%add3A_358] : memref<32002048xf32, #tpu.memory_space<hbm>> -> memref<61440xf32, #tpu.memory_space<hbm>>
      %dma_wait3A_384 = tpu.memref_slice %arg4[%add3A_358] : memref<32002048xf32, #tpu.memory_space<hbm>> -> memref<61440xf32, #tpu.memory_space<hbm>>
      %dma_wait3A_385 = arith.constant 61440 : i32
      %dma_wait3A_386 = tpu.memref_slice %arg5[%dma_wait3A_385] : memref<122880xf32, #tpu.memory_space<vmem>> -> memref<61440xf32, #tpu.memory_space<vmem>>
      tpu.wait_dma2 semaphore(%arg7 : memref<!tpu.dma_semaphore, #tpu.memory_space<semaphore_mem>>) src(%dma_wait3A_386 : memref<61440xf32, #tpu.memory_space<vmem>>) dst(%dma_wait3A_384 : memref<61440xf32, #tpu.memory_space<hbm>>)
      %dma_start3A_387 = arith.constant 61440 : i32
      %dma_start3A_388 = tpu.memref_slice %arg5[%dma_start3A_387] : memref<122880xf32, #tpu.memory_space<vmem>> -> memref<61440xf32, #tpu.memory_space<vmem>>
      %dma_start3A_389 = tpu.memref_reshape %arg3 : memref<16x1000000xf32, #tpu.memory_space<hbm>> -> memref<2x8x1000000xf32, #tpu.memory_space<hbm>>
      %dma_start3A_390 = arith.constant 0 : i32
      %dma_start3A_391 = tpu.memref_slice %dma_start3A_389[%select_n3A_54, %select_n3A_70, %dma_start3A_390] : memref<2x8x1000000xf32, #tpu.memory_space<hbm>> -> memref<1x1x1000000xf32, #tpu.memory_space<hbm>>
      %dma_start3A_392 = tpu.memref_squeeze %dma_start3A_391 : memref<1x1x1000000xf32, #tpu.memory_space<hbm>> -> memref<1000000xf32, #tpu.memory_space<hbm>>
      %dma_start3A_393 = arith.constant 430080 : i32
      %dma_start3A_394 = tpu.memref_slice %dma_start3A_392[%dma_start3A_393] : memref<1000000xf32, #tpu.memory_space<hbm>> -> memref<61440xf32, #tpu.memory_space<hbm>>
      %dma_start3A_395 = arith.constant 61440 : i32
      %dma_start3A_396 = tpu.memref_slice %arg5[%dma_start3A_395] : memref<122880xf32, #tpu.memory_space<vmem>> -> memref<61440xf32, #tpu.memory_space<vmem>>
      %dma_start3A_397 = tpu.memref_reshape %arg3 : memref<16x1000000xf32, #tpu.memory_space<hbm>> -> memref<2x8x1000000xf32, #tpu.memory_space<hbm>>
      %dma_start3A_398 = arith.constant 0 : i32
      %dma_start3A_399 = tpu.memref_slice %dma_start3A_397[%select_n3A_54, %select_n3A_70, %dma_start3A_398] : memref<2x8x1000000xf32, #tpu.memory_space<hbm>> -> memref<1x1x1000000xf32, #tpu.memory_space<hbm>>
      %dma_start3A_400 = tpu.memref_squeeze %dma_start3A_399 : memref<1x1x1000000xf32, #tpu.memory_space<hbm>> -> memref<1000000xf32, #tpu.memory_space<hbm>>
      %dma_start3A_401 = arith.constant 430080 : i32
      %dma_start3A_402 = tpu.memref_slice %dma_start3A_400[%dma_start3A_401] : memref<1000000xf32, #tpu.memory_space<hbm>> -> memref<61440xf32, #tpu.memory_space<hbm>>
      tpu.enqueue_dma source(%dma_start3A_402 : memref<61440xf32, #tpu.memory_space<hbm>>) target(%dma_start3A_396 : memref<61440xf32, #tpu.memory_space<vmem>>) target_semaphore(%arg6 : memref<!tpu.dma_semaphore, #tpu.memory_space<semaphore_mem>>)
      %add3A_403 = arith.constant 368640 : i32
      %add3A_404 = arith.addi %mul3A_72, %add3A_403 : i32
      %dma_start3A_405 = arith.constant 0 : i32
      %dma_start3A_406 = tpu.memref_slice %arg5[%dma_start3A_405] : memref<122880xf32, #tpu.memory_space<vmem>> -> memref<61440xf32, #tpu.memory_space<vmem>>
      %dma_start3A_407 = tpu.memref_slice %arg4[%add3A_404] : memref<32002048xf32, #tpu.memory_space<hbm>> -> memref<61440xf32, #tpu.memory_space<hbm>>
      %dma_start3A_408 = tpu.memref_slice %arg4[%add3A_404] : memref<32002048xf32, #tpu.memory_space<hbm>> -> memref<61440xf32, #tpu.memory_space<hbm>>
      %dma_start3A_409 = arith.constant 0 : i32
      %dma_start3A_410 = tpu.memref_slice %arg5[%dma_start3A_409] : memref<122880xf32, #tpu.memory_space<vmem>> -> memref<61440xf32, #tpu.memory_space<vmem>>
      tpu.enqueue_dma source(%dma_start3A_410 : memref<61440xf32, #tpu.memory_space<vmem>>) target(%dma_start3A_408 : memref<61440xf32, #tpu.memory_space<hbm>>) target_semaphore(%arg7 : memref<!tpu.dma_semaphore, #tpu.memory_space<semaphore_mem>>)
      %dma_wait3A_411 = arith.constant 61440 : i32
      %dma_wait3A_412 = tpu.memref_slice %arg5[%dma_wait3A_411] : memref<122880xf32, #tpu.memory_space<vmem>> -> memref<61440xf32, #tpu.memory_space<vmem>>
      %dma_wait3A_413 = tpu.memref_reshape %arg3 : memref<16x1000000xf32, #tpu.memory_space<hbm>> -> memref<2x8x1000000xf32, #tpu.memory_space<hbm>>
      %dma_wait3A_414 = arith.constant 0 : i32
      %dma_wait3A_415 = tpu.memref_slice %dma_wait3A_413[%select_n3A_54, %select_n3A_70, %dma_wait3A_414] : memref<2x8x1000000xf32, #tpu.memory_space<hbm>> -> memref<1x1x1000000xf32, #tpu.memory_space<hbm>>
      %dma_wait3A_416 = tpu.memref_squeeze %dma_wait3A_415 : memref<1x1x1000000xf32, #tpu.memory_space<hbm>> -> memref<1000000xf32, #tpu.memory_space<hbm>>
      %dma_wait3A_417 = arith.constant 430080 : i32
      %dma_wait3A_418 = tpu.memref_slice %dma_wait3A_416[%dma_wait3A_417] : memref<1000000xf32, #tpu.memory_space<hbm>> -> memref<61440xf32, #tpu.memory_space<hbm>>
      %dma_wait3A_419 = arith.constant 61440 : i32
      %dma_wait3A_420 = tpu.memref_slice %arg5[%dma_wait3A_419] : memref<122880xf32, #tpu.memory_space<vmem>> -> memref<61440xf32, #tpu.memory_space<vmem>>
      %dma_wait3A_421 = tpu.memref_reshape %arg3 : memref<16x1000000xf32, #tpu.memory_space<hbm>> -> memref<2x8x1000000xf32, #tpu.memory_space<hbm>>
      %dma_wait3A_422 = arith.constant 0 : i32
      %dma_wait3A_423 = tpu.memref_slice %dma_wait3A_421[%select_n3A_54, %select_n3A_70, %dma_wait3A_422] : memref<2x8x1000000xf32, #tpu.memory_space<hbm>> -> memref<1x1x1000000xf32, #tpu.memory_space<hbm>>
      %dma_wait3A_424 = tpu.memref_squeeze %dma_wait3A_423 : memref<1x1x1000000xf32, #tpu.memory_space<hbm>> -> memref<1000000xf32, #tpu.memory_space<hbm>>
      %dma_wait3A_425 = arith.constant 430080 : i32
      %dma_wait3A_426 = tpu.memref_slice %dma_wait3A_424[%dma_wait3A_425] : memref<1000000xf32, #tpu.memory_space<hbm>> -> memref<61440xf32, #tpu.memory_space<hbm>>
      tpu.wait_dma2 semaphore(%arg6 : memref<!tpu.dma_semaphore, #tpu.memory_space<semaphore_mem>>) src(%dma_wait3A_426 : memref<61440xf32, #tpu.memory_space<hbm>>) dst(%dma_wait3A_420 : memref<61440xf32, #tpu.memory_space<vmem>>)
      %dma_wait3A_427 = arith.constant 0 : i32
      %dma_wait3A_428 = tpu.memref_slice %arg5[%dma_wait3A_427] : memref<122880xf32, #tpu.memory_space<vmem>> -> memref<61440xf32, #tpu.memory_space<vmem>>
      %dma_wait3A_429 = tpu.memref_slice %arg4[%add3A_404] : memref<32002048xf32, #tpu.memory_space<hbm>> -> memref<61440xf32, #tpu.memory_space<hbm>>
      %dma_wait3A_430 = tpu.memref_slice %arg4[%add3A_404] : memref<32002048xf32, #tpu.memory_space<hbm>> -> memref<61440xf32, #tpu.memory_space<hbm>>
      %dma_wait3A_431 = arith.constant 0 : i32
      %dma_wait3A_432 = tpu.memref_slice %arg5[%dma_wait3A_431] : memref<122880xf32, #tpu.memory_space<vmem>> -> memref<61440xf32, #tpu.memory_space<vmem>>
      tpu.wait_dma2 semaphore(%arg7 : memref<!tpu.dma_semaphore, #tpu.memory_space<semaphore_mem>>) src(%dma_wait3A_432 : memref<61440xf32, #tpu.memory_space<vmem>>) dst(%dma_wait3A_430 : memref<61440xf32, #tpu.memory_space<hbm>>)
      %dma_start3A_433 = arith.constant 0 : i32
      %dma_start3A_434 = tpu.memref_slice %arg5[%dma_start3A_433] : memref<122880xf32, #tpu.memory_space<vmem>> -> memref<61440xf32, #tpu.memory_space<vmem>>
      %dma_start3A_435 = tpu.memref_reshape %arg3 : memref<16x1000000xf32, #tpu.memory_space<hbm>> -> memref<2x8x1000000xf32, #tpu.memory_space<hbm>>
      %dma_start3A_436 = arith.constant 0 : i32
      %dma_start3A_437 = tpu.memref_slice %dma_start3A_435[%select_n3A_54, %select_n3A_70, %dma_start3A_436] : memref<2x8x1000000xf32, #tpu.memory_space<hbm>> -> memref<1x1x1000000xf32, #tpu.memory_space<hbm>>
      %dma_start3A_438 = tpu.memref_squeeze %dma_start3A_437 : memref<1x1x1000000xf32, #tpu.memory_space<hbm>> -> memref<1000000xf32, #tpu.memory_space<hbm>>
      %dma_start3A_439 = arith.constant 491520 : i32
      %dma_start3A_440 = tpu.memref_slice %dma_start3A_438[%dma_start3A_439] : memref<1000000xf32, #tpu.memory_space<hbm>> -> memref<61440xf32, #tpu.memory_space<hbm>>
      %dma_start3A_441 = arith.constant 0 : i32
      %dma_start3A_442 = tpu.memref_slice %arg5[%dma_start3A_441] : memref<122880xf32, #tpu.memory_space<vmem>> -> memref<61440xf32, #tpu.memory_space<vmem>>
      %dma_start3A_443 = tpu.memref_reshape %arg3 : memref<16x1000000xf32, #tpu.memory_space<hbm>> -> memref<2x8x1000000xf32, #tpu.memory_space<hbm>>
      %dma_start3A_444 = arith.constant 0 : i32
      %dma_start3A_445 = tpu.memref_slice %dma_start3A_443[%select_n3A_54, %select_n3A_70, %dma_start3A_444] : memref<2x8x1000000xf32, #tpu.memory_space<hbm>> -> memref<1x1x1000000xf32, #tpu.memory_space<hbm>>
      %dma_start3A_446 = tpu.memref_squeeze %dma_start3A_445 : memref<1x1x1000000xf32, #tpu.memory_space<hbm>> -> memref<1000000xf32, #tpu.memory_space<hbm>>
      %dma_start3A_447 = arith.constant 491520 : i32
      %dma_start3A_448 = tpu.memref_slice %dma_start3A_446[%dma_start3A_447] : memref<1000000xf32, #tpu.memory_space<hbm>> -> memref<61440xf32, #tpu.memory_space<hbm>>
      tpu.enqueue_dma source(%dma_start3A_448 : memref<61440xf32, #tpu.memory_space<hbm>>) target(%dma_start3A_442 : memref<61440xf32, #tpu.memory_space<vmem>>) target_semaphore(%arg6 : memref<!tpu.dma_semaphore, #tpu.memory_space<semaphore_mem>>)
      %add3A_449 = arith.constant 430080 : i32
      %add3A_450 = arith.addi %mul3A_72, %add3A_449 : i32
      %dma_start3A_451 = arith.constant 61440 : i32
      %dma_start3A_452 = tpu.memref_slice %arg5[%dma_start3A_451] : memref<122880xf32, #tpu.memory_space<vmem>> -> memref<61440xf32, #tpu.memory_space<vmem>>
      %dma_start3A_453 = tpu.memref_slice %arg4[%add3A_450] : memref<32002048xf32, #tpu.memory_space<hbm>> -> memref<61440xf32, #tpu.memory_space<hbm>>
      %dma_start3A_454 = tpu.memref_slice %arg4[%add3A_450] : memref<32002048xf32, #tpu.memory_space<hbm>> -> memref<61440xf32, #tpu.memory_space<hbm>>
      %dma_start3A_455 = arith.constant 61440 : i32
      %dma_start3A_456 = tpu.memref_slice %arg5[%dma_start3A_455] : memref<122880xf32, #tpu.memory_space<vmem>> -> memref<61440xf32, #tpu.memory_space<vmem>>
      tpu.enqueue_dma source(%dma_start3A_456 : memref<61440xf32, #tpu.memory_space<vmem>>) target(%dma_start3A_454 : memref<61440xf32, #tpu.memory_space<hbm>>) target_semaphore(%arg7 : memref<!tpu.dma_semaphore, #tpu.memory_space<semaphore_mem>>)
      %dma_wait3A_457 = arith.constant 0 : i32
      %dma_wait3A_458 = tpu.memref_slice %arg5[%dma_wait3A_457] : memref<122880xf32, #tpu.memory_space<vmem>> -> memref<61440xf32, #tpu.memory_space<vmem>>
      %dma_wait3A_459 = tpu.memref_reshape %arg3 : memref<16x1000000xf32, #tpu.memory_space<hbm>> -> memref<2x8x1000000xf32, #tpu.memory_space<hbm>>
      %dma_wait3A_460 = arith.constant 0 : i32
      %dma_wait3A_461 = tpu.memref_slice %dma_wait3A_459[%select_n3A_54, %select_n3A_70, %dma_wait3A_460] : memref<2x8x1000000xf32, #tpu.memory_space<hbm>> -> memref<1x1x1000000xf32, #tpu.memory_space<hbm>>
      %dma_wait3A_462 = tpu.memref_squeeze %dma_wait3A_461 : memref<1x1x1000000xf32, #tpu.memory_space<hbm>> -> memref<1000000xf32, #tpu.memory_space<hbm>>
      %dma_wait3A_463 = arith.constant 491520 : i32
      %dma_wait3A_464 = tpu.memref_slice %dma_wait3A_462[%dma_wait3A_463] : memref<1000000xf32, #tpu.memory_space<hbm>> -> memref<61440xf32, #tpu.memory_space<hbm>>
      %dma_wait3A_465 = arith.constant 0 : i32
      %dma_wait3A_466 = tpu.memref_slice %arg5[%dma_wait3A_465] : memref<122880xf32, #tpu.memory_space<vmem>> -> memref<61440xf32, #tpu.memory_space<vmem>>
      %dma_wait3A_467 = tpu.memref_reshape %arg3 : memref<16x1000000xf32, #tpu.memory_space<hbm>> -> memref<2x8x1000000xf32, #tpu.memory_space<hbm>>
      %dma_wait3A_468 = arith.constant 0 : i32
      %dma_wait3A_469 = tpu.memref_slice %dma_wait3A_467[%select_n3A_54, %select_n3A_70, %dma_wait3A_468] : memref<2x8x1000000xf32, #tpu.memory_space<hbm>> -> memref<1x1x1000000xf32, #tpu.memory_space<hbm>>
      %dma_wait3A_470 = tpu.memref_squeeze %dma_wait3A_469 : memref<1x1x1000000xf32, #tpu.memory_space<hbm>> -> memref<1000000xf32, #tpu.memory_space<hbm>>
      %dma_wait3A_471 = arith.constant 491520 : i32
      %dma_wait3A_472 = tpu.memref_slice %dma_wait3A_470[%dma_wait3A_471] : memref<1000000xf32, #tpu.memory_space<hbm>> -> memref<61440xf32, #tpu.memory_space<hbm>>
      tpu.wait_dma2 semaphore(%arg6 : memref<!tpu.dma_semaphore, #tpu.memory_space<semaphore_mem>>) src(%dma_wait3A_472 : memref<61440xf32, #tpu.memory_space<hbm>>) dst(%dma_wait3A_466 : memref<61440xf32, #tpu.memory_space<vmem>>)
      %dma_wait3A_473 = arith.constant 61440 : i32
      %dma_wait3A_474 = tpu.memref_slice %arg5[%dma_wait3A_473] : memref<122880xf32, #tpu.memory_space<vmem>> -> memref<61440xf32, #tpu.memory_space<vmem>>
      %dma_wait3A_475 = tpu.memref_slice %arg4[%add3A_450] : memref<32002048xf32, #tpu.memory_space<hbm>> -> memref<61440xf32, #tpu.memory_space<hbm>>
      %dma_wait3A_476 = tpu.memref_slice %arg4[%add3A_450] : memref<32002048xf32, #tpu.memory_space<hbm>> -> memref<61440xf32, #tpu.memory_space<hbm>>
      %dma_wait3A_477 = arith.constant 61440 : i32
      %dma_wait3A_478 = tpu.memref_slice %arg5[%dma_wait3A_477] : memref<122880xf32, #tpu.memory_space<vmem>> -> memref<61440xf32, #tpu.memory_space<vmem>>
      tpu.wait_dma2 semaphore(%arg7 : memref<!tpu.dma_semaphore, #tpu.memory_space<semaphore_mem>>) src(%dma_wait3A_478 : memref<61440xf32, #tpu.memory_space<vmem>>) dst(%dma_wait3A_476 : memref<61440xf32, #tpu.memory_space<hbm>>)
      %dma_start3A_479 = arith.constant 61440 : i32
      %dma_start3A_480 = tpu.memref_slice %arg5[%dma_start3A_479] : memref<122880xf32, #tpu.memory_space<vmem>> -> memref<61440xf32, #tpu.memory_space<vmem>>
      %dma_start3A_481 = tpu.memref_reshape %arg3 : memref<16x1000000xf32, #tpu.memory_space<hbm>> -> memref<2x8x1000000xf32, #tpu.memory_space<hbm>>
      %dma_start3A_482 = arith.constant 0 : i32
      %dma_start3A_483 = tpu.memref_slice %dma_start3A_481[%select_n3A_54, %select_n3A_70, %dma_start3A_482] : memref<2x8x1000000xf32, #tpu.memory_space<hbm>> -> memref<1x1x1000000xf32, #tpu.memory_space<hbm>>
      %dma_start3A_484 = tpu.memref_squeeze %dma_start3A_483 : memref<1x1x1000000xf32, #tpu.memory_space<hbm>> -> memref<1000000xf32, #tpu.memory_space<hbm>>
      %dma_start3A_485 = arith.constant 552960 : i32
      %dma_start3A_486 = tpu.memref_slice %dma_start3A_484[%dma_start3A_485] : memref<1000000xf32, #tpu.memory_space<hbm>> -> memref<61440xf32, #tpu.memory_space<hbm>>
      %dma_start3A_487 = arith.constant 61440 : i32
      %dma_start3A_488 = tpu.memref_slice %arg5[%dma_start3A_487] : memref<122880xf32, #tpu.memory_space<vmem>> -> memref<61440xf32, #tpu.memory_space<vmem>>
      %dma_start3A_489 = tpu.memref_reshape %arg3 : memref<16x1000000xf32, #tpu.memory_space<hbm>> -> memref<2x8x1000000xf32, #tpu.memory_space<hbm>>
      %dma_start3A_490 = arith.constant 0 : i32
      %dma_start3A_491 = tpu.memref_slice %dma_start3A_489[%select_n3A_54, %select_n3A_70, %dma_start3A_490] : memref<2x8x1000000xf32, #tpu.memory_space<hbm>> -> memref<1x1x1000000xf32, #tpu.memory_space<hbm>>
      %dma_start3A_492 = tpu.memref_squeeze %dma_start3A_491 : memref<1x1x1000000xf32, #tpu.memory_space<hbm>> -> memref<1000000xf32, #tpu.memory_space<hbm>>
      %dma_start3A_493 = arith.constant 552960 : i32
      %dma_start3A_494 = tpu.memref_slice %dma_start3A_492[%dma_start3A_493] : memref<1000000xf32, #tpu.memory_space<hbm>> -> memref<61440xf32, #tpu.memory_space<hbm>>
      tpu.enqueue_dma source(%dma_start3A_494 : memref<61440xf32, #tpu.memory_space<hbm>>) target(%dma_start3A_488 : memref<61440xf32, #tpu.memory_space<vmem>>) target_semaphore(%arg6 : memref<!tpu.dma_semaphore, #tpu.memory_space<semaphore_mem>>)
      %add3A_495 = arith.constant 491520 : i32
      %add3A_496 = arith.addi %mul3A_72, %add3A_495 : i32
      %dma_start3A_497 = arith.constant 0 : i32
      %dma_start3A_498 = tpu.memref_slice %arg5[%dma_start3A_497] : memref<122880xf32, #tpu.memory_space<vmem>> -> memref<61440xf32, #tpu.memory_space<vmem>>
      %dma_start3A_499 = tpu.memref_slice %arg4[%add3A_496] : memref<32002048xf32, #tpu.memory_space<hbm>> -> memref<61440xf32, #tpu.memory_space<hbm>>
      %dma_start3A_500 = tpu.memref_slice %arg4[%add3A_496] : memref<32002048xf32, #tpu.memory_space<hbm>> -> memref<61440xf32, #tpu.memory_space<hbm>>
      %dma_start3A_501 = arith.constant 0 : i32
      %dma_start3A_502 = tpu.memref_slice %arg5[%dma_start3A_501] : memref<122880xf32, #tpu.memory_space<vmem>> -> memref<61440xf32, #tpu.memory_space<vmem>>
      tpu.enqueue_dma source(%dma_start3A_502 : memref<61440xf32, #tpu.memory_space<vmem>>) target(%dma_start3A_500 : memref<61440xf32, #tpu.memory_space<hbm>>) target_semaphore(%arg7 : memref<!tpu.dma_semaphore, #tpu.memory_space<semaphore_mem>>)
      %dma_wait3A_503 = arith.constant 61440 : i32
      %dma_wait3A_504 = tpu.memref_slice %arg5[%dma_wait3A_503] : memref<122880xf32, #tpu.memory_space<vmem>> -> memref<61440xf32, #tpu.memory_space<vmem>>
      %dma_wait3A_505 = tpu.memref_reshape %arg3 : memref<16x1000000xf32, #tpu.memory_space<hbm>> -> memref<2x8x1000000xf32, #tpu.memory_space<hbm>>
      %dma_wait3A_506 = arith.constant 0 : i32
      %dma_wait3A_507 = tpu.memref_slice %dma_wait3A_505[%select_n3A_54, %select_n3A_70, %dma_wait3A_506] : memref<2x8x1000000xf32, #tpu.memory_space<hbm>> -> memref<1x1x1000000xf32, #tpu.memory_space<hbm>>
      %dma_wait3A_508 = tpu.memref_squeeze %dma_wait3A_507 : memref<1x1x1000000xf32, #tpu.memory_space<hbm>> -> memref<1000000xf32, #tpu.memory_space<hbm>>
      %dma_wait3A_509 = arith.constant 552960 : i32
      %dma_wait3A_510 = tpu.memref_slice %dma_wait3A_508[%dma_wait3A_509] : memref<1000000xf32, #tpu.memory_space<hbm>> -> memref<61440xf32, #tpu.memory_space<hbm>>
      %dma_wait3A_511 = arith.constant 61440 : i32
      %dma_wait3A_512 = tpu.memref_slice %arg5[%dma_wait3A_511] : memref<122880xf32, #tpu.memory_space<vmem>> -> memref<61440xf32, #tpu.memory_space<vmem>>
      %dma_wait3A_513 = tpu.memref_reshape %arg3 : memref<16x1000000xf32, #tpu.memory_space<hbm>> -> memref<2x8x1000000xf32, #tpu.memory_space<hbm>>
      %dma_wait3A_514 = arith.constant 0 : i32
      %dma_wait3A_515 = tpu.memref_slice %dma_wait3A_513[%select_n3A_54, %select_n3A_70, %dma_wait3A_514] : memref<2x8x1000000xf32, #tpu.memory_space<hbm>> -> memref<1x1x1000000xf32, #tpu.memory_space<hbm>>
      %dma_wait3A_516 = tpu.memref_squeeze %dma_wait3A_515 : memref<1x1x1000000xf32, #tpu.memory_space<hbm>> -> memref<1000000xf32, #tpu.memory_space<hbm>>
      %dma_wait3A_517 = arith.constant 552960 : i32
      %dma_wait3A_518 = tpu.memref_slice %dma_wait3A_516[%dma_wait3A_517] : memref<1000000xf32, #tpu.memory_space<hbm>> -> memref<61440xf32, #tpu.memory_space<hbm>>
      tpu.wait_dma2 semaphore(%arg6 : memref<!tpu.dma_semaphore, #tpu.memory_space<semaphore_mem>>) src(%dma_wait3A_518 : memref<61440xf32, #tpu.memory_space<hbm>>) dst(%dma_wait3A_512 : memref<61440xf32, #tpu.memory_space<vmem>>)
      %dma_wait3A_519 = arith.constant 0 : i32
      %dma_wait3A_520 = tpu.memref_slice %arg5[%dma_wait3A_519] : memref<122880xf32, #tpu.memory_space<vmem>> -> memref<61440xf32, #tpu.memory_space<vmem>>
      %dma_wait3A_521 = tpu.memref_slice %arg4[%add3A_496] : memref<32002048xf32, #tpu.memory_space<hbm>> -> memref<61440xf32, #tpu.memory_space<hbm>>
      %dma_wait3A_522 = tpu.memref_slice %arg4[%add3A_496] : memref<32002048xf32, #tpu.memory_space<hbm>> -> memref<61440xf32, #tpu.memory_space<hbm>>
      %dma_wait3A_523 = arith.constant 0 : i32
      %dma_wait3A_524 = tpu.memref_slice %arg5[%dma_wait3A_523] : memref<122880xf32, #tpu.memory_space<vmem>> -> memref<61440xf32, #tpu.memory_space<vmem>>
      tpu.wait_dma2 semaphore(%arg7 : memref<!tpu.dma_semaphore, #tpu.memory_space<semaphore_mem>>) src(%dma_wait3A_524 : memref<61440xf32, #tpu.memory_space<vmem>>) dst(%dma_wait3A_522 : memref<61440xf32, #tpu.memory_space<hbm>>)
      %dma_start3A_525 = arith.constant 0 : i32
      %dma_start3A_526 = tpu.memref_slice %arg5[%dma_start3A_525] : memref<122880xf32, #tpu.memory_space<vmem>> -> memref<61440xf32, #tpu.memory_space<vmem>>
      %dma_start3A_527 = tpu.memref_reshape %arg3 : memref<16x1000000xf32, #tpu.memory_space<hbm>> -> memref<2x8x1000000xf32, #tpu.memory_space<hbm>>
      %dma_start3A_528 = arith.constant 0 : i32
      %dma_start3A_529 = tpu.memref_slice %dma_start3A_527[%select_n3A_54, %select_n3A_70, %dma_start3A_528] : memref<2x8x1000000xf32, #tpu.memory_space<hbm>> -> memref<1x1x1000000xf32, #tpu.memory_space<hbm>>
      %dma_start3A_530 = tpu.memref_squeeze %dma_start3A_529 : memref<1x1x1000000xf32, #tpu.memory_space<hbm>> -> memref<1000000xf32, #tpu.memory_space<hbm>>
      %dma_start3A_531 = arith.constant 614400 : i32
      %dma_start3A_532 = tpu.memref_slice %dma_start3A_530[%dma_start3A_531] : memref<1000000xf32, #tpu.memory_space<hbm>> -> memref<61440xf32, #tpu.memory_space<hbm>>
      %dma_start3A_533 = arith.constant 0 : i32
      %dma_start3A_534 = tpu.memref_slice %arg5[%dma_start3A_533] : memref<122880xf32, #tpu.memory_space<vmem>> -> memref<61440xf32, #tpu.memory_space<vmem>>
      %dma_start3A_535 = tpu.memref_reshape %arg3 : memref<16x1000000xf32, #tpu.memory_space<hbm>> -> memref<2x8x1000000xf32, #tpu.memory_space<hbm>>
      %dma_start3A_536 = arith.constant 0 : i32
      %dma_start3A_537 = tpu.memref_slice %dma_start3A_535[%select_n3A_54, %select_n3A_70, %dma_start3A_536] : memref<2x8x1000000xf32, #tpu.memory_space<hbm>> -> memref<1x1x1000000xf32, #tpu.memory_space<hbm>>
      %dma_start3A_538 = tpu.memref_squeeze %dma_start3A_537 : memref<1x1x1000000xf32, #tpu.memory_space<hbm>> -> memref<1000000xf32, #tpu.memory_space<hbm>>
      %dma_start3A_539 = arith.constant 614400 : i32
      %dma_start3A_540 = tpu.memref_slice %dma_start3A_538[%dma_start3A_539] : memref<1000000xf32, #tpu.memory_space<hbm>> -> memref<61440xf32, #tpu.memory_space<hbm>>
      tpu.enqueue_dma source(%dma_start3A_540 : memref<61440xf32, #tpu.memory_space<hbm>>) target(%dma_start3A_534 : memref<61440xf32, #tpu.memory_space<vmem>>) target_semaphore(%arg6 : memref<!tpu.dma_semaphore, #tpu.memory_space<semaphore_mem>>)
      %add3A_541 = arith.constant 552960 : i32
      %add3A_542 = arith.addi %mul3A_72, %add3A_541 : i32
      %dma_start3A_543 = arith.constant 61440 : i32
      %dma_start3A_544 = tpu.memref_slice %arg5[%dma_start3A_543] : memref<122880xf32, #tpu.memory_space<vmem>> -> memref<61440xf32, #tpu.memory_space<vmem>>
      %dma_start3A_545 = tpu.memref_slice %arg4[%add3A_542] : memref<32002048xf32, #tpu.memory_space<hbm>> -> memref<61440xf32, #tpu.memory_space<hbm>>
      %dma_start3A_546 = tpu.memref_slice %arg4[%add3A_542] : memref<32002048xf32, #tpu.memory_space<hbm>> -> memref<61440xf32, #tpu.memory_space<hbm>>
      %dma_start3A_547 = arith.constant 61440 : i32
      %dma_start3A_548 = tpu.memref_slice %arg5[%dma_start3A_547] : memref<122880xf32, #tpu.memory_space<vmem>> -> memref<61440xf32, #tpu.memory_space<vmem>>
      tpu.enqueue_dma source(%dma_start3A_548 : memref<61440xf32, #tpu.memory_space<vmem>>) target(%dma_start3A_546 : memref<61440xf32, #tpu.memory_space<hbm>>) target_semaphore(%arg7 : memref<!tpu.dma_semaphore, #tpu.memory_space<semaphore_mem>>)
      %dma_wait3A_549 = arith.constant 0 : i32
      %dma_wait3A_550 = tpu.memref_slice %arg5[%dma_wait3A_549] : memref<122880xf32, #tpu.memory_space<vmem>> -> memref<61440xf32, #tpu.memory_space<vmem>>
      %dma_wait3A_551 = tpu.memref_reshape %arg3 : memref<16x1000000xf32, #tpu.memory_space<hbm>> -> memref<2x8x1000000xf32, #tpu.memory_space<hbm>>
      %dma_wait3A_552 = arith.constant 0 : i32
      %dma_wait3A_553 = tpu.memref_slice %dma_wait3A_551[%select_n3A_54, %select_n3A_70, %dma_wait3A_552] : memref<2x8x1000000xf32, #tpu.memory_space<hbm>> -> memref<1x1x1000000xf32, #tpu.memory_space<hbm>>
      %dma_wait3A_554 = tpu.memref_squeeze %dma_wait3A_553 : memref<1x1x1000000xf32, #tpu.memory_space<hbm>> -> memref<1000000xf32, #tpu.memory_space<hbm>>
      %dma_wait3A_555 = arith.constant 614400 : i32
      %dma_wait3A_556 = tpu.memref_slice %dma_wait3A_554[%dma_wait3A_555] : memref<1000000xf32, #tpu.memory_space<hbm>> -> memref<61440xf32, #tpu.memory_space<hbm>>
      %dma_wait3A_557 = arith.constant 0 : i32
      %dma_wait3A_558 = tpu.memref_slice %arg5[%dma_wait3A_557] : memref<122880xf32, #tpu.memory_space<vmem>> -> memref<61440xf32, #tpu.memory_space<vmem>>
      %dma_wait3A_559 = tpu.memref_reshape %arg3 : memref<16x1000000xf32, #tpu.memory_space<hbm>> -> memref<2x8x1000000xf32, #tpu.memory_space<hbm>>
      %dma_wait3A_560 = arith.constant 0 : i32
      %dma_wait3A_561 = tpu.memref_slice %dma_wait3A_559[%select_n3A_54, %select_n3A_70, %dma_wait3A_560] : memref<2x8x1000000xf32, #tpu.memory_space<hbm>> -> memref<1x1x1000000xf32, #tpu.memory_space<hbm>>
      %dma_wait3A_562 = tpu.memref_squeeze %dma_wait3A_561 : memref<1x1x1000000xf32, #tpu.memory_space<hbm>> -> memref<1000000xf32, #tpu.memory_space<hbm>>
      %dma_wait3A_563 = arith.constant 614400 : i32
      %dma_wait3A_564 = tpu.memref_slice %dma_wait3A_562[%dma_wait3A_563] : memref<1000000xf32, #tpu.memory_space<hbm>> -> memref<61440xf32, #tpu.memory_space<hbm>>
      tpu.wait_dma2 semaphore(%arg6 : memref<!tpu.dma_semaphore, #tpu.memory_space<semaphore_mem>>) src(%dma_wait3A_564 : memref<61440xf32, #tpu.memory_space<hbm>>) dst(%dma_wait3A_558 : memref<61440xf32, #tpu.memory_space<vmem>>)
      %dma_wait3A_565 = arith.constant 61440 : i32
      %dma_wait3A_566 = tpu.memref_slice %arg5[%dma_wait3A_565] : memref<122880xf32, #tpu.memory_space<vmem>> -> memref<61440xf32, #tpu.memory_space<vmem>>
      %dma_wait3A_567 = tpu.memref_slice %arg4[%add3A_542] : memref<32002048xf32, #tpu.memory_space<hbm>> -> memref<61440xf32, #tpu.memory_space<hbm>>
      %dma_wait3A_568 = tpu.memref_slice %arg4[%add3A_542] : memref<32002048xf32, #tpu.memory_space<hbm>> -> memref<61440xf32, #tpu.memory_space<hbm>>
      %dma_wait3A_569 = arith.constant 61440 : i32
      %dma_wait3A_570 = tpu.memref_slice %arg5[%dma_wait3A_569] : memref<122880xf32, #tpu.memory_space<vmem>> -> memref<61440xf32, #tpu.memory_space<vmem>>
      tpu.wait_dma2 semaphore(%arg7 : memref<!tpu.dma_semaphore, #tpu.memory_space<semaphore_mem>>) src(%dma_wait3A_570 : memref<61440xf32, #tpu.memory_space<vmem>>) dst(%dma_wait3A_568 : memref<61440xf32, #tpu.memory_space<hbm>>)
      %dma_start3A_571 = arith.constant 61440 : i32
      %dma_start3A_572 = tpu.memref_slice %arg5[%dma_start3A_571] : memref<122880xf32, #tpu.memory_space<vmem>> -> memref<61440xf32, #tpu.memory_space<vmem>>
      %dma_start3A_573 = tpu.memref_reshape %arg3 : memref<16x1000000xf32, #tpu.memory_space<hbm>> -> memref<2x8x1000000xf32, #tpu.memory_space<hbm>>
      %dma_start3A_574 = arith.constant 0 : i32
      %dma_start3A_575 = tpu.memref_slice %dma_start3A_573[%select_n3A_54, %select_n3A_70, %dma_start3A_574] : memref<2x8x1000000xf32, #tpu.memory_space<hbm>> -> memref<1x1x1000000xf32, #tpu.memory_space<hbm>>
      %dma_start3A_576 = tpu.memref_squeeze %dma_start3A_575 : memref<1x1x1000000xf32, #tpu.memory_space<hbm>> -> memref<1000000xf32, #tpu.memory_space<hbm>>
      %dma_start3A_577 = arith.constant 675840 : i32
      %dma_start3A_578 = tpu.memref_slice %dma_start3A_576[%dma_start3A_577] : memref<1000000xf32, #tpu.memory_space<hbm>> -> memref<61440xf32, #tpu.memory_space<hbm>>
      %dma_start3A_579 = arith.constant 61440 : i32
      %dma_start3A_580 = tpu.memref_slice %arg5[%dma_start3A_579] : memref<122880xf32, #tpu.memory_space<vmem>> -> memref<61440xf32, #tpu.memory_space<vmem>>
      %dma_start3A_581 = tpu.memref_reshape %arg3 : memref<16x1000000xf32, #tpu.memory_space<hbm>> -> memref<2x8x1000000xf32, #tpu.memory_space<hbm>>
      %dma_start3A_582 = arith.constant 0 : i32
      %dma_start3A_583 = tpu.memref_slice %dma_start3A_581[%select_n3A_54, %select_n3A_70, %dma_start3A_582] : memref<2x8x1000000xf32, #tpu.memory_space<hbm>> -> memref<1x1x1000000xf32, #tpu.memory_space<hbm>>
      %dma_start3A_584 = tpu.memref_squeeze %dma_start3A_583 : memref<1x1x1000000xf32, #tpu.memory_space<hbm>> -> memref<1000000xf32, #tpu.memory_space<hbm>>
      %dma_start3A_585 = arith.constant 675840 : i32
      %dma_start3A_586 = tpu.memref_slice %dma_start3A_584[%dma_start3A_585] : memref<1000000xf32, #tpu.memory_space<hbm>> -> memref<61440xf32, #tpu.memory_space<hbm>>
      tpu.enqueue_dma source(%dma_start3A_586 : memref<61440xf32, #tpu.memory_space<hbm>>) target(%dma_start3A_580 : memref<61440xf32, #tpu.memory_space<vmem>>) target_semaphore(%arg6 : memref<!tpu.dma_semaphore, #tpu.memory_space<semaphore_mem>>)
      %add3A_587 = arith.constant 614400 : i32
      %add3A_588 = arith.addi %mul3A_72, %add3A_587 : i32
      %dma_start3A_589 = arith.constant 0 : i32
      %dma_start3A_590 = tpu.memref_slice %arg5[%dma_start3A_589] : memref<122880xf32, #tpu.memory_space<vmem>> -> memref<61440xf32, #tpu.memory_space<vmem>>
      %dma_start3A_591 = tpu.memref_slice %arg4[%add3A_588] : memref<32002048xf32, #tpu.memory_space<hbm>> -> memref<61440xf32, #tpu.memory_space<hbm>>
      %dma_start3A_592 = tpu.memref_slice %arg4[%add3A_588] : memref<32002048xf32, #tpu.memory_space<hbm>> -> memref<61440xf32, #tpu.memory_space<hbm>>
      %dma_start3A_593 = arith.constant 0 : i32
      %dma_start3A_594 = tpu.memref_slice %arg5[%dma_start3A_593] : memref<122880xf32, #tpu.memory_space<vmem>> -> memref<61440xf32, #tpu.memory_space<vmem>>
      tpu.enqueue_dma source(%dma_start3A_594 : memref<61440xf32, #tpu.memory_space<vmem>>) target(%dma_start3A_592 : memref<61440xf32, #tpu.memory_space<hbm>>) target_semaphore(%arg7 : memref<!tpu.dma_semaphore, #tpu.memory_space<semaphore_mem>>)
      %dma_wait3A_595 = arith.constant 61440 : i32
      %dma_wait3A_596 = tpu.memref_slice %arg5[%dma_wait3A_595] : memref<122880xf32, #tpu.memory_space<vmem>> -> memref<61440xf32, #tpu.memory_space<vmem>>
      %dma_wait3A_597 = tpu.memref_reshape %arg3 : memref<16x1000000xf32, #tpu.memory_space<hbm>> -> memref<2x8x1000000xf32, #tpu.memory_space<hbm>>
      %dma_wait3A_598 = arith.constant 0 : i32
      %dma_wait3A_599 = tpu.memref_slice %dma_wait3A_597[%select_n3A_54, %select_n3A_70, %dma_wait3A_598] : memref<2x8x1000000xf32, #tpu.memory_space<hbm>> -> memref<1x1x1000000xf32, #tpu.memory_space<hbm>>
      %dma_wait3A_600 = tpu.memref_squeeze %dma_wait3A_599 : memref<1x1x1000000xf32, #tpu.memory_space<hbm>> -> memref<1000000xf32, #tpu.memory_space<hbm>>
      %dma_wait3A_601 = arith.constant 675840 : i32
      %dma_wait3A_602 = tpu.memref_slice %dma_wait3A_600[%dma_wait3A_601] : memref<1000000xf32, #tpu.memory_space<hbm>> -> memref<61440xf32, #tpu.memory_space<hbm>>
      %dma_wait3A_603 = arith.constant 61440 : i32
      %dma_wait3A_604 = tpu.memref_slice %arg5[%dma_wait3A_603] : memref<122880xf32, #tpu.memory_space<vmem>> -> memref<61440xf32, #tpu.memory_space<vmem>>
      %dma_wait3A_605 = tpu.memref_reshape %arg3 : memref<16x1000000xf32, #tpu.memory_space<hbm>> -> memref<2x8x1000000xf32, #tpu.memory_space<hbm>>
      %dma_wait3A_606 = arith.constant 0 : i32
      %dma_wait3A_607 = tpu.memref_slice %dma_wait3A_605[%select_n3A_54, %select_n3A_70, %dma_wait3A_606] : memref<2x8x1000000xf32, #tpu.memory_space<hbm>> -> memref<1x1x1000000xf32, #tpu.memory_space<hbm>>
      %dma_wait3A_608 = tpu.memref_squeeze %dma_wait3A_607 : memref<1x1x1000000xf32, #tpu.memory_space<hbm>> -> memref<1000000xf32, #tpu.memory_space<hbm>>
      %dma_wait3A_609 = arith.constant 675840 : i32
      %dma_wait3A_610 = tpu.memref_slice %dma_wait3A_608[%dma_wait3A_609] : memref<1000000xf32, #tpu.memory_space<hbm>> -> memref<61440xf32, #tpu.memory_space<hbm>>
      tpu.wait_dma2 semaphore(%arg6 : memref<!tpu.dma_semaphore, #tpu.memory_space<semaphore_mem>>) src(%dma_wait3A_610 : memref<61440xf32, #tpu.memory_space<hbm>>) dst(%dma_wait3A_604 : memref<61440xf32, #tpu.memory_space<vmem>>)
      %dma_wait3A_611 = arith.constant 0 : i32
      %dma_wait3A_612 = tpu.memref_slice %arg5[%dma_wait3A_611] : memref<122880xf32, #tpu.memory_space<vmem>> -> memref<61440xf32, #tpu.memory_space<vmem>>
      %dma_wait3A_613 = tpu.memref_slice %arg4[%add3A_588] : memref<32002048xf32, #tpu.memory_space<hbm>> -> memref<61440xf32, #tpu.memory_space<hbm>>
      %dma_wait3A_614 = tpu.memref_slice %arg4[%add3A_588] : memref<32002048xf32, #tpu.memory_space<hbm>> -> memref<61440xf32, #tpu.memory_space<hbm>>
      %dma_wait3A_615 = arith.constant 0 : i32
      %dma_wait3A_616 = tpu.memref_slice %arg5[%dma_wait3A_615] : memref<122880xf32, #tpu.memory_space<vmem>> -> memref<61440xf32, #tpu.memory_space<vmem>>
      tpu.wait_dma2 semaphore(%arg7 : memref<!tpu.dma_semaphore, #tpu.memory_space<semaphore_mem>>) src(%dma_wait3A_616 : memref<61440xf32, #tpu.memory_space<vmem>>) dst(%dma_wait3A_614 : memref<61440xf32, #tpu.memory_space<hbm>>)
      %dma_start3A_617 = arith.constant 0 : i32
      %dma_start3A_618 = tpu.memref_slice %arg5[%dma_start3A_617] : memref<122880xf32, #tpu.memory_space<vmem>> -> memref<61440xf32, #tpu.memory_space<vmem>>
      %dma_start3A_619 = tpu.memref_reshape %arg3 : memref<16x1000000xf32, #tpu.memory_space<hbm>> -> memref<2x8x1000000xf32, #tpu.memory_space<hbm>>
      %dma_start3A_620 = arith.constant 0 : i32
      %dma_start3A_621 = tpu.memref_slice %dma_start3A_619[%select_n3A_54, %select_n3A_70, %dma_start3A_620] : memref<2x8x1000000xf32, #tpu.memory_space<hbm>> -> memref<1x1x1000000xf32, #tpu.memory_space<hbm>>
      %dma_start3A_622 = tpu.memref_squeeze %dma_start3A_621 : memref<1x1x1000000xf32, #tpu.memory_space<hbm>> -> memref<1000000xf32, #tpu.memory_space<hbm>>
      %dma_start3A_623 = arith.constant 737280 : i32
      %dma_start3A_624 = tpu.memref_slice %dma_start3A_622[%dma_start3A_623] : memref<1000000xf32, #tpu.memory_space<hbm>> -> memref<61440xf32, #tpu.memory_space<hbm>>
      %dma_start3A_625 = arith.constant 0 : i32
      %dma_start3A_626 = tpu.memref_slice %arg5[%dma_start3A_625] : memref<122880xf32, #tpu.memory_space<vmem>> -> memref<61440xf32, #tpu.memory_space<vmem>>
      %dma_start3A_627 = tpu.memref_reshape %arg3 : memref<16x1000000xf32, #tpu.memory_space<hbm>> -> memref<2x8x1000000xf32, #tpu.memory_space<hbm>>
      %dma_start3A_628 = arith.constant 0 : i32
      %dma_start3A_629 = tpu.memref_slice %dma_start3A_627[%select_n3A_54, %select_n3A_70, %dma_start3A_628] : memref<2x8x1000000xf32, #tpu.memory_space<hbm>> -> memref<1x1x1000000xf32, #tpu.memory_space<hbm>>
      %dma_start3A_630 = tpu.memref_squeeze %dma_start3A_629 : memref<1x1x1000000xf32, #tpu.memory_space<hbm>> -> memref<1000000xf32, #tpu.memory_space<hbm>>
      %dma_start3A_631 = arith.constant 737280 : i32
      %dma_start3A_632 = tpu.memref_slice %dma_start3A_630[%dma_start3A_631] : memref<1000000xf32, #tpu.memory_space<hbm>> -> memref<61440xf32, #tpu.memory_space<hbm>>
      tpu.enqueue_dma source(%dma_start3A_632 : memref<61440xf32, #tpu.memory_space<hbm>>) target(%dma_start3A_626 : memref<61440xf32, #tpu.memory_space<vmem>>) target_semaphore(%arg6 : memref<!tpu.dma_semaphore, #tpu.memory_space<semaphore_mem>>)
      %add3A_633 = arith.constant 675840 : i32
      %add3A_634 = arith.addi %mul3A_72, %add3A_633 : i32
      %dma_start3A_635 = arith.constant 61440 : i32
      %dma_start3A_636 = tpu.memref_slice %arg5[%dma_start3A_635] : memref<122880xf32, #tpu.memory_space<vmem>> -> memref<61440xf32, #tpu.memory_space<vmem>>
      %dma_start3A_637 = tpu.memref_slice %arg4[%add3A_634] : memref<32002048xf32, #tpu.memory_space<hbm>> -> memref<61440xf32, #tpu.memory_space<hbm>>
      %dma_start3A_638 = tpu.memref_slice %arg4[%add3A_634] : memref<32002048xf32, #tpu.memory_space<hbm>> -> memref<61440xf32, #tpu.memory_space<hbm>>
      %dma_start3A_639 = arith.constant 61440 : i32
      %dma_start3A_640 = tpu.memref_slice %arg5[%dma_start3A_639] : memref<122880xf32, #tpu.memory_space<vmem>> -> memref<61440xf32, #tpu.memory_space<vmem>>
      tpu.enqueue_dma source(%dma_start3A_640 : memref<61440xf32, #tpu.memory_space<vmem>>) target(%dma_start3A_638 : memref<61440xf32, #tpu.memory_space<hbm>>) target_semaphore(%arg7 : memref<!tpu.dma_semaphore, #tpu.memory_space<semaphore_mem>>)
      %dma_wait3A_641 = arith.constant 0 : i32
      %dma_wait3A_642 = tpu.memref_slice %arg5[%dma_wait3A_641] : memref<122880xf32, #tpu.memory_space<vmem>> -> memref<61440xf32, #tpu.memory_space<vmem>>
      %dma_wait3A_643 = tpu.memref_reshape %arg3 : memref<16x1000000xf32, #tpu.memory_space<hbm>> -> memref<2x8x1000000xf32, #tpu.memory_space<hbm>>
      %dma_wait3A_644 = arith.constant 0 : i32
      %dma_wait3A_645 = tpu.memref_slice %dma_wait3A_643[%select_n3A_54, %select_n3A_70, %dma_wait3A_644] : memref<2x8x1000000xf32, #tpu.memory_space<hbm>> -> memref<1x1x1000000xf32, #tpu.memory_space<hbm>>
      %dma_wait3A_646 = tpu.memref_squeeze %dma_wait3A_645 : memref<1x1x1000000xf32, #tpu.memory_space<hbm>> -> memref<1000000xf32, #tpu.memory_space<hbm>>
      %dma_wait3A_647 = arith.constant 737280 : i32
      %dma_wait3A_648 = tpu.memref_slice %dma_wait3A_646[%dma_wait3A_647] : memref<1000000xf32, #tpu.memory_space<hbm>> -> memref<61440xf32, #tpu.memory_space<hbm>>
      %dma_wait3A_649 = arith.constant 0 : i32
      %dma_wait3A_650 = tpu.memref_slice %arg5[%dma_wait3A_649] : memref<122880xf32, #tpu.memory_space<vmem>> -> memref<61440xf32, #tpu.memory_space<vmem>>
      %dma_wait3A_651 = tpu.memref_reshape %arg3 : memref<16x1000000xf32, #tpu.memory_space<hbm>> -> memref<2x8x1000000xf32, #tpu.memory_space<hbm>>
      %dma_wait3A_652 = arith.constant 0 : i32
      %dma_wait3A_653 = tpu.memref_slice %dma_wait3A_651[%select_n3A_54, %select_n3A_70, %dma_wait3A_652] : memref<2x8x1000000xf32, #tpu.memory_space<hbm>> -> memref<1x1x1000000xf32, #tpu.memory_space<hbm>>
      %dma_wait3A_654 = tpu.memref_squeeze %dma_wait3A_653 : memref<1x1x1000000xf32, #tpu.memory_space<hbm>> -> memref<1000000xf32, #tpu.memory_space<hbm>>
      %dma_wait3A_655 = arith.constant 737280 : i32
      %dma_wait3A_656 = tpu.memref_slice %dma_wait3A_654[%dma_wait3A_655] : memref<1000000xf32, #tpu.memory_space<hbm>> -> memref<61440xf32, #tpu.memory_space<hbm>>
      tpu.wait_dma2 semaphore(%arg6 : memref<!tpu.dma_semaphore, #tpu.memory_space<semaphore_mem>>) src(%dma_wait3A_656 : memref<61440xf32, #tpu.memory_space<hbm>>) dst(%dma_wait3A_650 : memref<61440xf32, #tpu.memory_space<vmem>>)
      %dma_wait3A_657 = arith.constant 61440 : i32
      %dma_wait3A_658 = tpu.memref_slice %arg5[%dma_wait3A_657] : memref<122880xf32, #tpu.memory_space<vmem>> -> memref<61440xf32, #tpu.memory_space<vmem>>
      %dma_wait3A_659 = tpu.memref_slice %arg4[%add3A_634] : memref<32002048xf32, #tpu.memory_space<hbm>> -> memref<61440xf32, #tpu.memory_space<hbm>>
      %dma_wait3A_660 = tpu.memref_slice %arg4[%add3A_634] : memref<32002048xf32, #tpu.memory_space<hbm>> -> memref<61440xf32, #tpu.memory_space<hbm>>
      %dma_wait3A_661 = arith.constant 61440 : i32
      %dma_wait3A_662 = tpu.memref_slice %arg5[%dma_wait3A_661] : memref<122880xf32, #tpu.memory_space<vmem>> -> memref<61440xf32, #tpu.memory_space<vmem>>
      tpu.wait_dma2 semaphore(%arg7 : memref<!tpu.dma_semaphore, #tpu.memory_space<semaphore_mem>>) src(%dma_wait3A_662 : memref<61440xf32, #tpu.memory_space<vmem>>) dst(%dma_wait3A_660 : memref<61440xf32, #tpu.memory_space<hbm>>)
      %dma_start3A_663 = arith.constant 61440 : i32
      %dma_start3A_664 = tpu.memref_slice %arg5[%dma_start3A_663] : memref<122880xf32, #tpu.memory_space<vmem>> -> memref<61440xf32, #tpu.memory_space<vmem>>
      %dma_start3A_665 = tpu.memref_reshape %arg3 : memref<16x1000000xf32, #tpu.memory_space<hbm>> -> memref<2x8x1000000xf32, #tpu.memory_space<hbm>>
      %dma_start3A_666 = arith.constant 0 : i32
      %dma_start3A_667 = tpu.memref_slice %dma_start3A_665[%select_n3A_54, %select_n3A_70, %dma_start3A_666] : memref<2x8x1000000xf32, #tpu.memory_space<hbm>> -> memref<1x1x1000000xf32, #tpu.memory_space<hbm>>
      %dma_start3A_668 = tpu.memref_squeeze %dma_start3A_667 : memref<1x1x1000000xf32, #tpu.memory_space<hbm>> -> memref<1000000xf32, #tpu.memory_space<hbm>>
      %dma_start3A_669 = arith.constant 798720 : i32
      %dma_start3A_670 = tpu.memref_slice %dma_start3A_668[%dma_start3A_669] : memref<1000000xf32, #tpu.memory_space<hbm>> -> memref<61440xf32, #tpu.memory_space<hbm>>
      %dma_start3A_671 = arith.constant 61440 : i32
      %dma_start3A_672 = tpu.memref_slice %arg5[%dma_start3A_671] : memref<122880xf32, #tpu.memory_space<vmem>> -> memref<61440xf32, #tpu.memory_space<vmem>>
      %dma_start3A_673 = tpu.memref_reshape %arg3 : memref<16x1000000xf32, #tpu.memory_space<hbm>> -> memref<2x8x1000000xf32, #tpu.memory_space<hbm>>
      %dma_start3A_674 = arith.constant 0 : i32
      %dma_start3A_675 = tpu.memref_slice %dma_start3A_673[%select_n3A_54, %select_n3A_70, %dma_start3A_674] : memref<2x8x1000000xf32, #tpu.memory_space<hbm>> -> memref<1x1x1000000xf32, #tpu.memory_space<hbm>>
      %dma_start3A_676 = tpu.memref_squeeze %dma_start3A_675 : memref<1x1x1000000xf32, #tpu.memory_space<hbm>> -> memref<1000000xf32, #tpu.memory_space<hbm>>
      %dma_start3A_677 = arith.constant 798720 : i32
      %dma_start3A_678 = tpu.memref_slice %dma_start3A_676[%dma_start3A_677] : memref<1000000xf32, #tpu.memory_space<hbm>> -> memref<61440xf32, #tpu.memory_space<hbm>>
      tpu.enqueue_dma source(%dma_start3A_678 : memref<61440xf32, #tpu.memory_space<hbm>>) target(%dma_start3A_672 : memref<61440xf32, #tpu.memory_space<vmem>>) target_semaphore(%arg6 : memref<!tpu.dma_semaphore, #tpu.memory_space<semaphore_mem>>)
      %add3A_679 = arith.constant 737280 : i32
      %add3A_680 = arith.addi %mul3A_72, %add3A_679 : i32
      %dma_start3A_681 = arith.constant 0 : i32
      %dma_start3A_682 = tpu.memref_slice %arg5[%dma_start3A_681] : memref<122880xf32, #tpu.memory_space<vmem>> -> memref<61440xf32, #tpu.memory_space<vmem>>
      %dma_start3A_683 = tpu.memref_slice %arg4[%add3A_680] : memref<32002048xf32, #tpu.memory_space<hbm>> -> memref<61440xf32, #tpu.memory_space<hbm>>
      %dma_start3A_684 = tpu.memref_slice %arg4[%add3A_680] : memref<32002048xf32, #tpu.memory_space<hbm>> -> memref<61440xf32, #tpu.memory_space<hbm>>
      %dma_start3A_685 = arith.constant 0 : i32
      %dma_start3A_686 = tpu.memref_slice %arg5[%dma_start3A_685] : memref<122880xf32, #tpu.memory_space<vmem>> -> memref<61440xf32, #tpu.memory_space<vmem>>
      tpu.enqueue_dma source(%dma_start3A_686 : memref<61440xf32, #tpu.memory_space<vmem>>) target(%dma_start3A_684 : memref<61440xf32, #tpu.memory_space<hbm>>) target_semaphore(%arg7 : memref<!tpu.dma_semaphore, #tpu.memory_space<semaphore_mem>>)
      %dma_wait3A_687 = arith.constant 61440 : i32
      %dma_wait3A_688 = tpu.memref_slice %arg5[%dma_wait3A_687] : memref<122880xf32, #tpu.memory_space<vmem>> -> memref<61440xf32, #tpu.memory_space<vmem>>
      %dma_wait3A_689 = tpu.memref_reshape %arg3 : memref<16x1000000xf32, #tpu.memory_space<hbm>> -> memref<2x8x1000000xf32, #tpu.memory_space<hbm>>
      %dma_wait3A_690 = arith.constant 0 : i32
      %dma_wait3A_691 = tpu.memref_slice %dma_wait3A_689[%select_n3A_54, %select_n3A_70, %dma_wait3A_690] : memref<2x8x1000000xf32, #tpu.memory_space<hbm>> -> memref<1x1x1000000xf32, #tpu.memory_space<hbm>>
      %dma_wait3A_692 = tpu.memref_squeeze %dma_wait3A_691 : memref<1x1x1000000xf32, #tpu.memory_space<hbm>> -> memref<1000000xf32, #tpu.memory_space<hbm>>
      %dma_wait3A_693 = arith.constant 798720 : i32
      %dma_wait3A_694 = tpu.memref_slice %dma_wait3A_692[%dma_wait3A_693] : memref<1000000xf32, #tpu.memory_space<hbm>> -> memref<61440xf32, #tpu.memory_space<hbm>>
      %dma_wait3A_695 = arith.constant 61440 : i32
      %dma_wait3A_696 = tpu.memref_slice %arg5[%dma_wait3A_695] : memref<122880xf32, #tpu.memory_space<vmem>> -> memref<61440xf32, #tpu.memory_space<vmem>>
      %dma_wait3A_697 = tpu.memref_reshape %arg3 : memref<16x1000000xf32, #tpu.memory_space<hbm>> -> memref<2x8x1000000xf32, #tpu.memory_space<hbm>>
      %dma_wait3A_698 = arith.constant 0 : i32
      %dma_wait3A_699 = tpu.memref_slice %dma_wait3A_697[%select_n3A_54, %select_n3A_70, %dma_wait3A_698] : memref<2x8x1000000xf32, #tpu.memory_space<hbm>> -> memref<1x1x1000000xf32, #tpu.memory_space<hbm>>
      %dma_wait3A_700 = tpu.memref_squeeze %dma_wait3A_699 : memref<1x1x1000000xf32, #tpu.memory_space<hbm>> -> memref<1000000xf32, #tpu.memory_space<hbm>>
      %dma_wait3A_701 = arith.constant 798720 : i32
      %dma_wait3A_702 = tpu.memref_slice %dma_wait3A_700[%dma_wait3A_701] : memref<1000000xf32, #tpu.memory_space<hbm>> -> memref<61440xf32, #tpu.memory_space<hbm>>
      tpu.wait_dma2 semaphore(%arg6 : memref<!tpu.dma_semaphore, #tpu.memory_space<semaphore_mem>>) src(%dma_wait3A_702 : memref<61440xf32, #tpu.memory_space<hbm>>) dst(%dma_wait3A_696 : memref<61440xf32, #tpu.memory_space<vmem>>)
      %dma_wait3A_703 = arith.constant 0 : i32
      %dma_wait3A_704 = tpu.memref_slice %arg5[%dma_wait3A_703] : memref<122880xf32, #tpu.memory_space<vmem>> -> memref<61440xf32, #tpu.memory_space<vmem>>
      %dma_wait3A_705 = tpu.memref_slice %arg4[%add3A_680] : memref<32002048xf32, #tpu.memory_space<hbm>> -> memref<61440xf32, #tpu.memory_space<hbm>>
      %dma_wait3A_706 = tpu.memref_slice %arg4[%add3A_680] : memref<32002048xf32, #tpu.memory_space<hbm>> -> memref<61440xf32, #tpu.memory_space<hbm>>
      %dma_wait3A_707 = arith.constant 0 : i32
      %dma_wait3A_708 = tpu.memref_slice %arg5[%dma_wait3A_707] : memref<122880xf32, #tpu.memory_space<vmem>> -> memref<61440xf32, #tpu.memory_space<vmem>>
      tpu.wait_dma2 semaphore(%arg7 : memref<!tpu.dma_semaphore, #tpu.memory_space<semaphore_mem>>) src(%dma_wait3A_708 : memref<61440xf32, #tpu.memory_space<vmem>>) dst(%dma_wait3A_706 : memref<61440xf32, #tpu.memory_space<hbm>>)
      %dma_start3A_709 = arith.constant 0 : i32
      %dma_start3A_710 = tpu.memref_slice %arg5[%dma_start3A_709] : memref<122880xf32, #tpu.memory_space<vmem>> -> memref<61440xf32, #tpu.memory_space<vmem>>
      %dma_start3A_711 = tpu.memref_reshape %arg3 : memref<16x1000000xf32, #tpu.memory_space<hbm>> -> memref<2x8x1000000xf32, #tpu.memory_space<hbm>>
      %dma_start3A_712 = arith.constant 0 : i32
      %dma_start3A_713 = tpu.memref_slice %dma_start3A_711[%select_n3A_54, %select_n3A_70, %dma_start3A_712] : memref<2x8x1000000xf32, #tpu.memory_space<hbm>> -> memref<1x1x1000000xf32, #tpu.memory_space<hbm>>
      %dma_start3A_714 = tpu.memref_squeeze %dma_start3A_713 : memref<1x1x1000000xf32, #tpu.memory_space<hbm>> -> memref<1000000xf32, #tpu.memory_space<hbm>>
      %dma_start3A_715 = arith.constant 860160 : i32
      %dma_start3A_716 = tpu.memref_slice %dma_start3A_714[%dma_start3A_715] : memref<1000000xf32, #tpu.memory_space<hbm>> -> memref<61440xf32, #tpu.memory_space<hbm>>
      %dma_start3A_717 = arith.constant 0 : i32
      %dma_start3A_718 = tpu.memref_slice %arg5[%dma_start3A_717] : memref<122880xf32, #tpu.memory_space<vmem>> -> memref<61440xf32, #tpu.memory_space<vmem>>
      %dma_start3A_719 = tpu.memref_reshape %arg3 : memref<16x1000000xf32, #tpu.memory_space<hbm>> -> memref<2x8x1000000xf32, #tpu.memory_space<hbm>>
      %dma_start3A_720 = arith.constant 0 : i32
      %dma_start3A_721 = tpu.memref_slice %dma_start3A_719[%select_n3A_54, %select_n3A_70, %dma_start3A_720] : memref<2x8x1000000xf32, #tpu.memory_space<hbm>> -> memref<1x1x1000000xf32, #tpu.memory_space<hbm>>
      %dma_start3A_722 = tpu.memref_squeeze %dma_start3A_721 : memref<1x1x1000000xf32, #tpu.memory_space<hbm>> -> memref<1000000xf32, #tpu.memory_space<hbm>>
      %dma_start3A_723 = arith.constant 860160 : i32
      %dma_start3A_724 = tpu.memref_slice %dma_start3A_722[%dma_start3A_723] : memref<1000000xf32, #tpu.memory_space<hbm>> -> memref<61440xf32, #tpu.memory_space<hbm>>
      tpu.enqueue_dma source(%dma_start3A_724 : memref<61440xf32, #tpu.memory_space<hbm>>) target(%dma_start3A_718 : memref<61440xf32, #tpu.memory_space<vmem>>) target_semaphore(%arg6 : memref<!tpu.dma_semaphore, #tpu.memory_space<semaphore_mem>>)
      %add3A_725 = arith.constant 798720 : i32
      %add3A_726 = arith.addi %mul3A_72, %add3A_725 : i32
      %dma_start3A_727 = arith.constant 61440 : i32
      %dma_start3A_728 = tpu.memref_slice %arg5[%dma_start3A_727] : memref<122880xf32, #tpu.memory_space<vmem>> -> memref<61440xf32, #tpu.memory_space<vmem>>
      %dma_start3A_729 = tpu.memref_slice %arg4[%add3A_726] : memref<32002048xf32, #tpu.memory_space<hbm>> -> memref<61440xf32, #tpu.memory_space<hbm>>
      %dma_start3A_730 = tpu.memref_slice %arg4[%add3A_726] : memref<32002048xf32, #tpu.memory_space<hbm>> -> memref<61440xf32, #tpu.memory_space<hbm>>
      %dma_start3A_731 = arith.constant 61440 : i32
      %dma_start3A_732 = tpu.memref_slice %arg5[%dma_start3A_731] : memref<122880xf32, #tpu.memory_space<vmem>> -> memref<61440xf32, #tpu.memory_space<vmem>>
      tpu.enqueue_dma source(%dma_start3A_732 : memref<61440xf32, #tpu.memory_space<vmem>>) target(%dma_start3A_730 : memref<61440xf32, #tpu.memory_space<hbm>>) target_semaphore(%arg7 : memref<!tpu.dma_semaphore, #tpu.memory_space<semaphore_mem>>)
      %dma_wait3A_733 = arith.constant 0 : i32
      %dma_wait3A_734 = tpu.memref_slice %arg5[%dma_wait3A_733] : memref<122880xf32, #tpu.memory_space<vmem>> -> memref<61440xf32, #tpu.memory_space<vmem>>
      %dma_wait3A_735 = tpu.memref_reshape %arg3 : memref<16x1000000xf32, #tpu.memory_space<hbm>> -> memref<2x8x1000000xf32, #tpu.memory_space<hbm>>
      %dma_wait3A_736 = arith.constant 0 : i32
      %dma_wait3A_737 = tpu.memref_slice %dma_wait3A_735[%select_n3A_54, %select_n3A_70, %dma_wait3A_736] : memref<2x8x1000000xf32, #tpu.memory_space<hbm>> -> memref<1x1x1000000xf32, #tpu.memory_space<hbm>>
      %dma_wait3A_738 = tpu.memref_squeeze %dma_wait3A_737 : memref<1x1x1000000xf32, #tpu.memory_space<hbm>> -> memref<1000000xf32, #tpu.memory_space<hbm>>
      %dma_wait3A_739 = arith.constant 860160 : i32
      %dma_wait3A_740 = tpu.memref_slice %dma_wait3A_738[%dma_wait3A_739] : memref<1000000xf32, #tpu.memory_space<hbm>> -> memref<61440xf32, #tpu.memory_space<hbm>>
      %dma_wait3A_741 = arith.constant 0 : i32
      %dma_wait3A_742 = tpu.memref_slice %arg5[%dma_wait3A_741] : memref<122880xf32, #tpu.memory_space<vmem>> -> memref<61440xf32, #tpu.memory_space<vmem>>
      %dma_wait3A_743 = tpu.memref_reshape %arg3 : memref<16x1000000xf32, #tpu.memory_space<hbm>> -> memref<2x8x1000000xf32, #tpu.memory_space<hbm>>
      %dma_wait3A_744 = arith.constant 0 : i32
      %dma_wait3A_745 = tpu.memref_slice %dma_wait3A_743[%select_n3A_54, %select_n3A_70, %dma_wait3A_744] : memref<2x8x1000000xf32, #tpu.memory_space<hbm>> -> memref<1x1x1000000xf32, #tpu.memory_space<hbm>>
      %dma_wait3A_746 = tpu.memref_squeeze %dma_wait3A_745 : memref<1x1x1000000xf32, #tpu.memory_space<hbm>> -> memref<1000000xf32, #tpu.memory_space<hbm>>
      %dma_wait3A_747 = arith.constant 860160 : i32
      %dma_wait3A_748 = tpu.memref_slice %dma_wait3A_746[%dma_wait3A_747] : memref<1000000xf32, #tpu.memory_space<hbm>> -> memref<61440xf32, #tpu.memory_space<hbm>>
      tpu.wait_dma2 semaphore(%arg6 : memref<!tpu.dma_semaphore, #tpu.memory_space<semaphore_mem>>) src(%dma_wait3A_748 : memref<61440xf32, #tpu.memory_space<hbm>>) dst(%dma_wait3A_742 : memref<61440xf32, #tpu.memory_space<vmem>>)
      %dma_wait3A_749 = arith.constant 61440 : i32
      %dma_wait3A_750 = tpu.memref_slice %arg5[%dma_wait3A_749] : memref<122880xf32, #tpu.memory_space<vmem>> -> memref<61440xf32, #tpu.memory_space<vmem>>
      %dma_wait3A_751 = tpu.memref_slice %arg4[%add3A_726] : memref<32002048xf32, #tpu.memory_space<hbm>> -> memref<61440xf32, #tpu.memory_space<hbm>>
      %dma_wait3A_752 = tpu.memref_slice %arg4[%add3A_726] : memref<32002048xf32, #tpu.memory_space<hbm>> -> memref<61440xf32, #tpu.memory_space<hbm>>
      %dma_wait3A_753 = arith.constant 61440 : i32
      %dma_wait3A_754 = tpu.memref_slice %arg5[%dma_wait3A_753] : memref<122880xf32, #tpu.memory_space<vmem>> -> memref<61440xf32, #tpu.memory_space<vmem>>
      tpu.wait_dma2 semaphore(%arg7 : memref<!tpu.dma_semaphore, #tpu.memory_space<semaphore_mem>>) src(%dma_wait3A_754 : memref<61440xf32, #tpu.memory_space<vmem>>) dst(%dma_wait3A_752 : memref<61440xf32, #tpu.memory_space<hbm>>)
      %dma_start3A_755 = arith.constant 61440 : i32
      %dma_start3A_756 = tpu.memref_slice %arg5[%dma_start3A_755] : memref<122880xf32, #tpu.memory_space<vmem>> -> memref<61440xf32, #tpu.memory_space<vmem>>
      %dma_start3A_757 = tpu.memref_reshape %arg3 : memref<16x1000000xf32, #tpu.memory_space<hbm>> -> memref<2x8x1000000xf32, #tpu.memory_space<hbm>>
      %dma_start3A_758 = arith.constant 0 : i32
      %dma_start3A_759 = tpu.memref_slice %dma_start3A_757[%select_n3A_54, %select_n3A_70, %dma_start3A_758] : memref<2x8x1000000xf32, #tpu.memory_space<hbm>> -> memref<1x1x1000000xf32, #tpu.memory_space<hbm>>
      %dma_start3A_760 = tpu.memref_squeeze %dma_start3A_759 : memref<1x1x1000000xf32, #tpu.memory_space<hbm>> -> memref<1000000xf32, #tpu.memory_space<hbm>>
      %dma_start3A_761 = arith.constant 921600 : i32
      %dma_start3A_762 = tpu.memref_slice %dma_start3A_760[%dma_start3A_761] : memref<1000000xf32, #tpu.memory_space<hbm>> -> memref<61440xf32, #tpu.memory_space<hbm>>
      %dma_start3A_763 = arith.constant 61440 : i32
      %dma_start3A_764 = tpu.memref_slice %arg5[%dma_start3A_763] : memref<122880xf32, #tpu.memory_space<vmem>> -> memref<61440xf32, #tpu.memory_space<vmem>>
      %dma_start3A_765 = tpu.memref_reshape %arg3 : memref<16x1000000xf32, #tpu.memory_space<hbm>> -> memref<2x8x1000000xf32, #tpu.memory_space<hbm>>
      %dma_start3A_766 = arith.constant 0 : i32
      %dma_start3A_767 = tpu.memref_slice %dma_start3A_765[%select_n3A_54, %select_n3A_70, %dma_start3A_766] : memref<2x8x1000000xf32, #tpu.memory_space<hbm>> -> memref<1x1x1000000xf32, #tpu.memory_space<hbm>>
      %dma_start3A_768 = tpu.memref_squeeze %dma_start3A_767 : memref<1x1x1000000xf32, #tpu.memory_space<hbm>> -> memref<1000000xf32, #tpu.memory_space<hbm>>
      %dma_start3A_769 = arith.constant 921600 : i32
      %dma_start3A_770 = tpu.memref_slice %dma_start3A_768[%dma_start3A_769] : memref<1000000xf32, #tpu.memory_space<hbm>> -> memref<61440xf32, #tpu.memory_space<hbm>>
      tpu.enqueue_dma source(%dma_start3A_770 : memref<61440xf32, #tpu.memory_space<hbm>>) target(%dma_start3A_764 : memref<61440xf32, #tpu.memory_space<vmem>>) target_semaphore(%arg6 : memref<!tpu.dma_semaphore, #tpu.memory_space<semaphore_mem>>)
      %add3A_771 = arith.constant 860160 : i32
      %add3A_772 = arith.addi %mul3A_72, %add3A_771 : i32
      %dma_start3A_773 = arith.constant 0 : i32
      %dma_start3A_774 = tpu.memref_slice %arg5[%dma_start3A_773] : memref<122880xf32, #tpu.memory_space<vmem>> -> memref<61440xf32, #tpu.memory_space<vmem>>
      %dma_start3A_775 = tpu.memref_slice %arg4[%add3A_772] : memref<32002048xf32, #tpu.memory_space<hbm>> -> memref<61440xf32, #tpu.memory_space<hbm>>
      %dma_start3A_776 = tpu.memref_slice %arg4[%add3A_772] : memref<32002048xf32, #tpu.memory_space<hbm>> -> memref<61440xf32, #tpu.memory_space<hbm>>
      %dma_start3A_777 = arith.constant 0 : i32
      %dma_start3A_778 = tpu.memref_slice %arg5[%dma_start3A_777] : memref<122880xf32, #tpu.memory_space<vmem>> -> memref<61440xf32, #tpu.memory_space<vmem>>
      tpu.enqueue_dma source(%dma_start3A_778 : memref<61440xf32, #tpu.memory_space<vmem>>) target(%dma_start3A_776 : memref<61440xf32, #tpu.memory_space<hbm>>) target_semaphore(%arg7 : memref<!tpu.dma_semaphore, #tpu.memory_space<semaphore_mem>>)
      %dma_wait3A_779 = arith.constant 61440 : i32
      %dma_wait3A_780 = tpu.memref_slice %arg5[%dma_wait3A_779] : memref<122880xf32, #tpu.memory_space<vmem>> -> memref<61440xf32, #tpu.memory_space<vmem>>
      %dma_wait3A_781 = tpu.memref_reshape %arg3 : memref<16x1000000xf32, #tpu.memory_space<hbm>> -> memref<2x8x1000000xf32, #tpu.memory_space<hbm>>
      %dma_wait3A_782 = arith.constant 0 : i32
      %dma_wait3A_783 = tpu.memref_slice %dma_wait3A_781[%select_n3A_54, %select_n3A_70, %dma_wait3A_782] : memref<2x8x1000000xf32, #tpu.memory_space<hbm>> -> memref<1x1x1000000xf32, #tpu.memory_space<hbm>>
      %dma_wait3A_784 = tpu.memref_squeeze %dma_wait3A_783 : memref<1x1x1000000xf32, #tpu.memory_space<hbm>> -> memref<1000000xf32, #tpu.memory_space<hbm>>
      %dma_wait3A_785 = arith.constant 921600 : i32
      %dma_wait3A_786 = tpu.memref_slice %dma_wait3A_784[%dma_wait3A_785] : memref<1000000xf32, #tpu.memory_space<hbm>> -> memref<61440xf32, #tpu.memory_space<hbm>>
      %dma_wait3A_787 = arith.constant 61440 : i32
      %dma_wait3A_788 = tpu.memref_slice %arg5[%dma_wait3A_787] : memref<122880xf32, #tpu.memory_space<vmem>> -> memref<61440xf32, #tpu.memory_space<vmem>>
      %dma_wait3A_789 = tpu.memref_reshape %arg3 : memref<16x1000000xf32, #tpu.memory_space<hbm>> -> memref<2x8x1000000xf32, #tpu.memory_space<hbm>>
      %dma_wait3A_790 = arith.constant 0 : i32
      %dma_wait3A_791 = tpu.memref_slice %dma_wait3A_789[%select_n3A_54, %select_n3A_70, %dma_wait3A_790] : memref<2x8x1000000xf32, #tpu.memory_space<hbm>> -> memref<1x1x1000000xf32, #tpu.memory_space<hbm>>
      %dma_wait3A_792 = tpu.memref_squeeze %dma_wait3A_791 : memref<1x1x1000000xf32, #tpu.memory_space<hbm>> -> memref<1000000xf32, #tpu.memory_space<hbm>>
      %dma_wait3A_793 = arith.constant 921600 : i32
      %dma_wait3A_794 = tpu.memref_slice %dma_wait3A_792[%dma_wait3A_793] : memref<1000000xf32, #tpu.memory_space<hbm>> -> memref<61440xf32, #tpu.memory_space<hbm>>
      tpu.wait_dma2 semaphore(%arg6 : memref<!tpu.dma_semaphore, #tpu.memory_space<semaphore_mem>>) src(%dma_wait3A_794 : memref<61440xf32, #tpu.memory_space<hbm>>) dst(%dma_wait3A_788 : memref<61440xf32, #tpu.memory_space<vmem>>)
      %dma_wait3A_795 = arith.constant 0 : i32
      %dma_wait3A_796 = tpu.memref_slice %arg5[%dma_wait3A_795] : memref<122880xf32, #tpu.memory_space<vmem>> -> memref<61440xf32, #tpu.memory_space<vmem>>
      %dma_wait3A_797 = tpu.memref_slice %arg4[%add3A_772] : memref<32002048xf32, #tpu.memory_space<hbm>> -> memref<61440xf32, #tpu.memory_space<hbm>>
      %dma_wait3A_798 = tpu.memref_slice %arg4[%add3A_772] : memref<32002048xf32, #tpu.memory_space<hbm>> -> memref<61440xf32, #tpu.memory_space<hbm>>
      %dma_wait3A_799 = arith.constant 0 : i32
      %dma_wait3A_800 = tpu.memref_slice %arg5[%dma_wait3A_799] : memref<122880xf32, #tpu.memory_space<vmem>> -> memref<61440xf32, #tpu.memory_space<vmem>>
      tpu.wait_dma2 semaphore(%arg7 : memref<!tpu.dma_semaphore, #tpu.memory_space<semaphore_mem>>) src(%dma_wait3A_800 : memref<61440xf32, #tpu.memory_space<vmem>>) dst(%dma_wait3A_798 : memref<61440xf32, #tpu.memory_space<hbm>>)
      %mul3A_801 = arith.constant 0 : i32
      %mul3A_802 = arith.muli %add3A, %mul3A_801 : i32
      %add3A_803 = arith.constant 983040 : i32
      %add3A_804 = arith.addi %add3A_803, %mul3A_802 : i32
      %dma_start3A_805 = arith.constant 0 : i32
      %dma_start3A_806 = tpu.memref_slice %arg5[%dma_start3A_805] : memref<122880xf32, #tpu.memory_space<vmem>> -> memref<16896xf32, #tpu.memory_space<vmem>>
      %dma_start3A_807 = tpu.memref_reshape %arg3 : memref<16x1000000xf32, #tpu.memory_space<hbm>> -> memref<2x8x1000000xf32, #tpu.memory_space<hbm>>
      %dma_start3A_808 = arith.constant 0 : i32
      %dma_start3A_809 = tpu.memref_slice %dma_start3A_807[%select_n3A_54, %select_n3A_70, %dma_start3A_808] : memref<2x8x1000000xf32, #tpu.memory_space<hbm>> -> memref<1x1x1000000xf32, #tpu.memory_space<hbm>>
      %dma_start3A_810 = tpu.memref_squeeze %dma_start3A_809 : memref<1x1x1000000xf32, #tpu.memory_space<hbm>> -> memref<1000000xf32, #tpu.memory_space<hbm>>
      %dma_start3A_811 = tpu.memref_slice %dma_start3A_810[%add3A_804] : memref<1000000xf32, #tpu.memory_space<hbm>> -> memref<16896xf32, #tpu.memory_space<hbm>>
      %dma_start3A_812 = arith.constant 0 : i32
      %dma_start3A_813 = tpu.memref_slice %arg5[%dma_start3A_812] : memref<122880xf32, #tpu.memory_space<vmem>> -> memref<16896xf32, #tpu.memory_space<vmem>>
      %dma_start3A_814 = tpu.memref_reshape %arg3 : memref<16x1000000xf32, #tpu.memory_space<hbm>> -> memref<2x8x1000000xf32, #tpu.memory_space<hbm>>
      %dma_start3A_815 = arith.constant 0 : i32
      %dma_start3A_816 = tpu.memref_slice %dma_start3A_814[%select_n3A_54, %select_n3A_70, %dma_start3A_815] : memref<2x8x1000000xf32, #tpu.memory_space<hbm>> -> memref<1x1x1000000xf32, #tpu.memory_space<hbm>>
      %dma_start3A_817 = tpu.memref_squeeze %dma_start3A_816 : memref<1x1x1000000xf32, #tpu.memory_space<hbm>> -> memref<1000000xf32, #tpu.memory_space<hbm>>
      %dma_start3A_818 = tpu.memref_slice %dma_start3A_817[%add3A_804] : memref<1000000xf32, #tpu.memory_space<hbm>> -> memref<16896xf32, #tpu.memory_space<hbm>>
      tpu.enqueue_dma source(%dma_start3A_818 : memref<16896xf32, #tpu.memory_space<hbm>>) target(%dma_start3A_813 : memref<16896xf32, #tpu.memory_space<vmem>>) target_semaphore(%arg6 : memref<!tpu.dma_semaphore, #tpu.memory_space<semaphore_mem>>)
      %mul3A_819 = arith.constant 0 : i32
      %mul3A_820 = arith.muli %add3A, %mul3A_819 : i32
      %add3A_821 = arith.constant 999936 : i32
      %add3A_822 = arith.addi %add3A_821, %mul3A_820 : i32
      %dma_start3A_823 = arith.constant 16896 : i32
      %dma_start3A_824 = tpu.memref_slice %arg5[%dma_start3A_823] : memref<122880xf32, #tpu.memory_space<vmem>> -> memref<128xf32, #tpu.memory_space<vmem>>
      %dma_start3A_825 = tpu.memref_reshape %arg3 : memref<16x1000000xf32, #tpu.memory_space<hbm>> -> memref<2x8x1000000xf32, #tpu.memory_space<hbm>>
      %dma_start3A_826 = arith.constant 0 : i32
      %dma_start3A_827 = tpu.memref_slice %dma_start3A_825[%select_n3A_54, %select_n3A_70, %dma_start3A_826] : memref<2x8x1000000xf32, #tpu.memory_space<hbm>> -> memref<1x1x1000000xf32, #tpu.memory_space<hbm>>
      %dma_start3A_828 = tpu.memref_squeeze %dma_start3A_827 : memref<1x1x1000000xf32, #tpu.memory_space<hbm>> -> memref<1000000xf32, #tpu.memory_space<hbm>>
      %dma_start3A_829 = tpu.memref_slice %dma_start3A_828[%add3A_822] : memref<1000000xf32, #tpu.memory_space<hbm>> -> memref<128xf32, #tpu.memory_space<hbm>>
      %dma_start3A_830 = arith.constant 16896 : i32
      %dma_start3A_831 = tpu.memref_slice %arg5[%dma_start3A_830] : memref<122880xf32, #tpu.memory_space<vmem>> -> memref<128xf32, #tpu.memory_space<vmem>>
      %dma_start3A_832 = tpu.memref_reshape %arg3 : memref<16x1000000xf32, #tpu.memory_space<hbm>> -> memref<2x8x1000000xf32, #tpu.memory_space<hbm>>
      %dma_start3A_833 = arith.constant 0 : i32
      %dma_start3A_834 = tpu.memref_slice %dma_start3A_832[%select_n3A_54, %select_n3A_70, %dma_start3A_833] : memref<2x8x1000000xf32, #tpu.memory_space<hbm>> -> memref<1x1x1000000xf32, #tpu.memory_space<hbm>>
      %dma_start3A_835 = tpu.memref_squeeze %dma_start3A_834 : memref<1x1x1000000xf32, #tpu.memory_space<hbm>> -> memref<1000000xf32, #tpu.memory_space<hbm>>
      %dma_start3A_836 = tpu.memref_slice %dma_start3A_835[%add3A_822] : memref<1000000xf32, #tpu.memory_space<hbm>> -> memref<128xf32, #tpu.memory_space<hbm>>
      tpu.enqueue_dma source(%dma_start3A_836 : memref<128xf32, #tpu.memory_space<hbm>>) target(%dma_start3A_831 : memref<128xf32, #tpu.memory_space<vmem>>) target_semaphore(%arg6 : memref<!tpu.dma_semaphore, #tpu.memory_space<semaphore_mem>>)
      %add3A_837 = arith.constant 921600 : i32
      %add3A_838 = arith.addi %mul3A_72, %add3A_837 : i32
      %dma_start3A_839 = arith.constant 61440 : i32
      %dma_start3A_840 = tpu.memref_slice %arg5[%dma_start3A_839] : memref<122880xf32, #tpu.memory_space<vmem>> -> memref<61440xf32, #tpu.memory_space<vmem>>
      %dma_start3A_841 = tpu.memref_slice %arg4[%add3A_838] : memref<32002048xf32, #tpu.memory_space<hbm>> -> memref<61440xf32, #tpu.memory_space<hbm>>
      %dma_start3A_842 = tpu.memref_slice %arg4[%add3A_838] : memref<32002048xf32, #tpu.memory_space<hbm>> -> memref<61440xf32, #tpu.memory_space<hbm>>
      %dma_start3A_843 = arith.constant 61440 : i32
      %dma_start3A_844 = tpu.memref_slice %arg5[%dma_start3A_843] : memref<122880xf32, #tpu.memory_space<vmem>> -> memref<61440xf32, #tpu.memory_space<vmem>>
      tpu.enqueue_dma source(%dma_start3A_844 : memref<61440xf32, #tpu.memory_space<vmem>>) target(%dma_start3A_842 : memref<61440xf32, #tpu.memory_space<hbm>>) target_semaphore(%arg7 : memref<!tpu.dma_semaphore, #tpu.memory_space<semaphore_mem>>)
      %dma_wait3A_845 = arith.constant 0 : i32
      %dma_wait3A_846 = tpu.memref_slice %arg5[%dma_wait3A_845] : memref<122880xf32, #tpu.memory_space<vmem>> -> memref<16896xf32, #tpu.memory_space<vmem>>
      %dma_wait3A_847 = tpu.memref_reshape %arg3 : memref<16x1000000xf32, #tpu.memory_space<hbm>> -> memref<2x8x1000000xf32, #tpu.memory_space<hbm>>
      %dma_wait3A_848 = arith.constant 0 : i32
      %dma_wait3A_849 = tpu.memref_slice %dma_wait3A_847[%select_n3A_54, %select_n3A_70, %dma_wait3A_848] : memref<2x8x1000000xf32, #tpu.memory_space<hbm>> -> memref<1x1x1000000xf32, #tpu.memory_space<hbm>>
      %dma_wait3A_850 = tpu.memref_squeeze %dma_wait3A_849 : memref<1x1x1000000xf32, #tpu.memory_space<hbm>> -> memref<1000000xf32, #tpu.memory_space<hbm>>
      %dma_wait3A_851 = tpu.memref_slice %dma_wait3A_850[%add3A_804] : memref<1000000xf32, #tpu.memory_space<hbm>> -> memref<16896xf32, #tpu.memory_space<hbm>>
      %dma_wait3A_852 = arith.constant 0 : i32
      %dma_wait3A_853 = tpu.memref_slice %arg5[%dma_wait3A_852] : memref<122880xf32, #tpu.memory_space<vmem>> -> memref<16896xf32, #tpu.memory_space<vmem>>
      %dma_wait3A_854 = tpu.memref_reshape %arg3 : memref<16x1000000xf32, #tpu.memory_space<hbm>> -> memref<2x8x1000000xf32, #tpu.memory_space<hbm>>
      %dma_wait3A_855 = arith.constant 0 : i32
      %dma_wait3A_856 = tpu.memref_slice %dma_wait3A_854[%select_n3A_54, %select_n3A_70, %dma_wait3A_855] : memref<2x8x1000000xf32, #tpu.memory_space<hbm>> -> memref<1x1x1000000xf32, #tpu.memory_space<hbm>>
      %dma_wait3A_857 = tpu.memref_squeeze %dma_wait3A_856 : memref<1x1x1000000xf32, #tpu.memory_space<hbm>> -> memref<1000000xf32, #tpu.memory_space<hbm>>
      %dma_wait3A_858 = tpu.memref_slice %dma_wait3A_857[%add3A_804] : memref<1000000xf32, #tpu.memory_space<hbm>> -> memref<16896xf32, #tpu.memory_space<hbm>>
      tpu.wait_dma2 semaphore(%arg6 : memref<!tpu.dma_semaphore, #tpu.memory_space<semaphore_mem>>) src(%dma_wait3A_858 : memref<16896xf32, #tpu.memory_space<hbm>>) dst(%dma_wait3A_853 : memref<16896xf32, #tpu.memory_space<vmem>>)
      %dma_wait3A_859 = arith.constant 16896 : i32
      %dma_wait3A_860 = tpu.memref_slice %arg5[%dma_wait3A_859] : memref<122880xf32, #tpu.memory_space<vmem>> -> memref<128xf32, #tpu.memory_space<vmem>>
      %dma_wait3A_861 = tpu.memref_reshape %arg3 : memref<16x1000000xf32, #tpu.memory_space<hbm>> -> memref<2x8x1000000xf32, #tpu.memory_space<hbm>>
      %dma_wait3A_862 = arith.constant 0 : i32
      %dma_wait3A_863 = tpu.memref_slice %dma_wait3A_861[%select_n3A_54, %select_n3A_70, %dma_wait3A_862] : memref<2x8x1000000xf32, #tpu.memory_space<hbm>> -> memref<1x1x1000000xf32, #tpu.memory_space<hbm>>
      %dma_wait3A_864 = tpu.memref_squeeze %dma_wait3A_863 : memref<1x1x1000000xf32, #tpu.memory_space<hbm>> -> memref<1000000xf32, #tpu.memory_space<hbm>>
      %dma_wait3A_865 = tpu.memref_slice %dma_wait3A_864[%add3A_822] : memref<1000000xf32, #tpu.memory_space<hbm>> -> memref<128xf32, #tpu.memory_space<hbm>>
      %dma_wait3A_866 = arith.constant 16896 : i32
      %dma_wait3A_867 = tpu.memref_slice %arg5[%dma_wait3A_866] : memref<122880xf32, #tpu.memory_space<vmem>> -> memref<128xf32, #tpu.memory_space<vmem>>
      %dma_wait3A_868 = tpu.memref_reshape %arg3 : memref<16x1000000xf32, #tpu.memory_space<hbm>> -> memref<2x8x1000000xf32, #tpu.memory_space<hbm>>
      %dma_wait3A_869 = arith.constant 0 : i32
      %dma_wait3A_870 = tpu.memref_slice %dma_wait3A_868[%select_n3A_54, %select_n3A_70, %dma_wait3A_869] : memref<2x8x1000000xf32, #tpu.memory_space<hbm>> -> memref<1x1x1000000xf32, #tpu.memory_space<hbm>>
      %dma_wait3A_871 = tpu.memref_squeeze %dma_wait3A_870 : memref<1x1x1000000xf32, #tpu.memory_space<hbm>> -> memref<1000000xf32, #tpu.memory_space<hbm>>
      %dma_wait3A_872 = tpu.memref_slice %dma_wait3A_871[%add3A_822] : memref<1000000xf32, #tpu.memory_space<hbm>> -> memref<128xf32, #tpu.memory_space<hbm>>
      tpu.wait_dma2 semaphore(%arg6 : memref<!tpu.dma_semaphore, #tpu.memory_space<semaphore_mem>>) src(%dma_wait3A_872 : memref<128xf32, #tpu.memory_space<hbm>>) dst(%dma_wait3A_867 : memref<128xf32, #tpu.memory_space<vmem>>)
      %dma_wait3A_873 = arith.constant 61440 : i32
      %dma_wait3A_874 = tpu.memref_slice %arg5[%dma_wait3A_873] : memref<122880xf32, #tpu.memory_space<vmem>> -> memref<61440xf32, #tpu.memory_space<vmem>>
      %dma_wait3A_875 = tpu.memref_slice %arg4[%add3A_838] : memref<32002048xf32, #tpu.memory_space<hbm>> -> memref<61440xf32, #tpu.memory_space<hbm>>
      %dma_wait3A_876 = tpu.memref_slice %arg4[%add3A_838] : memref<32002048xf32, #tpu.memory_space<hbm>> -> memref<61440xf32, #tpu.memory_space<hbm>>
      %dma_wait3A_877 = arith.constant 61440 : i32
      %dma_wait3A_878 = tpu.memref_slice %arg5[%dma_wait3A_877] : memref<122880xf32, #tpu.memory_space<vmem>> -> memref<61440xf32, #tpu.memory_space<vmem>>
      tpu.wait_dma2 semaphore(%arg7 : memref<!tpu.dma_semaphore, #tpu.memory_space<semaphore_mem>>) src(%dma_wait3A_878 : memref<61440xf32, #tpu.memory_space<vmem>>) dst(%dma_wait3A_876 : memref<61440xf32, #tpu.memory_space<hbm>>)
      %add3A_879 = arith.constant 983040 : i32
      %add3A_880 = arith.addi %mul3A_72, %add3A_879 : i32
      %dma_start3A_881 = arith.constant 0 : i32
      %dma_start3A_882 = tpu.memref_slice %arg5[%dma_start3A_881] : memref<122880xf32, #tpu.memory_space<vmem>> -> memref<17024xf32, #tpu.memory_space<vmem>>
      %dma_start3A_883 = tpu.memref_slice %arg4[%add3A_880] : memref<32002048xf32, #tpu.memory_space<hbm>> -> memref<17024xf32, #tpu.memory_space<hbm>>
      %dma_start3A_884 = tpu.memref_slice %arg4[%add3A_880] : memref<32002048xf32, #tpu.memory_space<hbm>> -> memref<17024xf32, #tpu.memory_space<hbm>>
      %dma_start3A_885 = arith.constant 0 : i32
      %dma_start3A_886 = tpu.memref_slice %arg5[%dma_start3A_885] : memref<122880xf32, #tpu.memory_space<vmem>> -> memref<17024xf32, #tpu.memory_space<vmem>>
      tpu.enqueue_dma source(%dma_start3A_886 : memref<17024xf32, #tpu.memory_space<vmem>>) target(%dma_start3A_884 : memref<17024xf32, #tpu.memory_space<hbm>>) target_semaphore(%arg7 : memref<!tpu.dma_semaphore, #tpu.memory_space<semaphore_mem>>)
      %dma_wait3A_887 = arith.constant 0 : i32
      %dma_wait3A_888 = tpu.memref_slice %arg5[%dma_wait3A_887] : memref<122880xf32, #tpu.memory_space<vmem>> -> memref<17024xf32, #tpu.memory_space<vmem>>
      %dma_wait3A_889 = tpu.memref_slice %arg4[%add3A_880] : memref<32002048xf32, #tpu.memory_space<hbm>> -> memref<17024xf32, #tpu.memory_space<hbm>>
      %dma_wait3A_890 = tpu.memref_slice %arg4[%add3A_880] : memref<32002048xf32, #tpu.memory_space<hbm>> -> memref<17024xf32, #tpu.memory_space<hbm>>
      %dma_wait3A_891 = arith.constant 0 : i32
      %dma_wait3A_892 = tpu.memref_slice %arg5[%dma_wait3A_891] : memref<122880xf32, #tpu.memory_space<vmem>> -> memref<17024xf32, #tpu.memory_space<vmem>>
      tpu.wait_dma2 semaphore(%arg7 : memref<!tpu.dma_semaphore, #tpu.memory_space<semaphore_mem>>) src(%dma_wait3A_892 : memref<17024xf32, #tpu.memory_space<vmem>>) dst(%dma_wait3A_890 : memref<17024xf32, #tpu.memory_space<hbm>>)
    } else {
    }
    return
  }
}

</mosaic_0001>

<sc_bundles>
// kernel: _funk_svd_sc.4.cloned.1.call-start
scs
__scs_entry_jumppad:
0x0: {  	(pc) =	sbr.rel $0x88, $3  }
0x1: {  	(tag) =	ssettag $0x0;
	lr =	simm.s32 $0x1  }
0x2: {  	[smem:$0x3F9A] =	sst lr;
	_ =	strace $0xD0000000  }
0x3: {  	_ = 	snop  }
0x4: {  	_ = 	snop  }
0x5: {  	_ = 	snop  }
0x6: {  	_ = 	snop  }
0x7: {  	_ = 	snop  }
__scs_overlays_trampoline_lowered:
0x8: {  	[smem:$0x3FA9] =	sst s0  }
0x9: {  	[smem:$0x3FAA] =	sst s1  }
0xa: {  	[smem:$0x3FAB] =	sst s2  }
0xb: {  	[smem:$0x3FAC] =	sst s3  }
0xc: {  	[smem:$0x3FAD] =	sst s4  }
0xd: {  	[smem:$0x3FAE] =	sst s5  }
0xe: {  	[smem:$0x3FAF] =	sst s6  }
0xf: {  	[smem:$0x3FB0] =	sst s7  }
0x10: {  	[smem:$0x3FB1] =	sst s8  }
0x11: {  	[smem:$0x3FB2] =	sst s9;
	s0 =	simm.s32 @!p0 $0x0  }
0x12: {  	s1 =	sld [smem:$0x3F98];
	s0 =	simm.s32 @p0 $0x1  }
0x13: {  	[smem:$0x3FB3] =	sst s0;
	s0 =	simm.s32 @!p1 $0x0  }
0x14: {  	s2 =	sld [smem:$0x3F97];
	s0 =	simm.s32 @p1 $0x1  }
0x15: {  	[smem:$0x3FB4] =	sst s0;
	s0 =	simm.s32 @!p2 $0x0  }
0x16: {  	s3 =	sld [smem:$0x3FDB];
	s0 =	simm.s32 @p2 $0x1  }
0x17: {  	s4 =	simm.s32 $0x1BF5;
	[smem:$0x3FB6] =	sst s0  }
0x18: {  	s0 =	sld [smem:$0x3F99];
	_ =	swait.ge [sflag:s4], $0x0  }
0x19: {  	s7 =	sld [smem:$0x3F9A]  }
0x1a: {  	s8 =	sadd.s32 $0xFFFFE003, lr  }
0x1b: {  	s9 =	sadd.s32 $0xFFFFFEF7, lr;
	s5 =	simm.s32 $0xFFFFFFFF;
	p2 =	slt.u32 s8, $0xFFFFF086  }
0x1c: {  	p1 =	slt.u32 s9, $0xF7A;
	s5 =	simm.s32 @!p2 $0x0  }
0x1d: {  	s5 =	simm.s32 @p1 $0x1;
	p0 =	seq.s32 s7, s2  }
0x1e: {  	s7 =	smul.u32 @!p0 $0xF7A, s2;
	p2 =	seq.s32 @!p0 s5, $0x0  }
0x1f: {  	s9 =	smul.u32 $0xF7A, s1;
	s8 =	simm.s32 @!p0 $0x1BF5;
	p2 =	por !p2, p0  }
0x20: {  	[sflag:s8] =	ssyncset.s32 @!p0 $0xFFFFF086;
	s6 =	sadd.s32 @!p0 s3, s7;
	s7 =	simm.s32 @!p0 $0x108  }
0x21: {  	s3 =	sadd.s32 s3, s9;
	s6 =	sadd.s32 @!p0 $0x88, s6;
	s7 =	simm.s32 @p2 $0x1082  }
0x22: {  	[simem:s7], [sflag:s8] =	dma.local @!p0 [hbm:s6], $0xF7A  }
0x23: {  	s9 =	sor.u32 $0xD0000000, s2;
	s6 =	simm.s32 $0x108;
	_ =	swait.ge @!p0 [sflag:s8], $0x0  }
0x24: {  	s3 =	sadd.s32 $0x88, s3;
	s6 =	simm.s32 @!p1 $0x1082;
	[sflag:s4] =	ssyncset.s32 $0xFFFFF086  }
0x25: {  	[simem:s6], [sflag:s4] =	dma.local [hbm:s3], $0xF7A  }
0x26: {  	[smem:$0x3F9A] =	sst s1;
	(tag) =	ssettag s2;
	_ =	strace s9  }
0x27: {  	s1 =	sld [smem:$0x3FAA]  }
0x28: {  	s2 =	sld [smem:$0x3FAB]  }
0x29: {  	s4 =	sld [smem:$0x3FAD]  }
0x2a: {  	p0 =	seq.s32 s5, $0x0;
	s5 =	sld [smem:$0x3FAE]  }
0x2b: {  	s6 =	sld [smem:$0x3FAF]  }
0x2c: {  	s7 =	sld [smem:$0x3FB0]  }
0x2d: {  	s3 =	simm.s32 $0x108;
	s8 =	sld [smem:$0x3FB1]  }
0x2e: {  	s3 =	simm.s32 @!p0 $0x1082;
	s9 =	sld [smem:$0x3FB2]  }
0x2f: {  	lr =	sadd.s32 s0, s3;
	s0 =	sld [smem:$0x3FA9]  }
0x30: {  	s3 =	sld [smem:$0x3FAC]  }
0x31: {  	[smem:$0x3FB5] =	sst s10  }
0x32: {  	s10 =	sld [smem:$0x3FB3];
	_ =	sdelay $0x3  }
0x33: {  	p0 =	seq.s32 s10, $0x1;
	s10 =	sld [smem:$0x3FB5];
	_ =	sdelay $0x3  }
0x34: {  	[smem:$0x3FB5] =	sst s10  }
0x35: {  	s10 =	sld [smem:$0x3FB4];
	_ =	sdelay $0x3  }
0x36: {  	p1 =	seq.s32 s10, $0x1;
	s10 =	sld [smem:$0x3FB5];
	_ =	sdelay $0x3  }
0x37: {  	[smem:$0x3FB5] =	sst s10  }
0x38: {  	s10 =	sld [smem:$0x3FB6]  }
0x39: {  	_ = 	snop;
	(pc) =	sbr.ind lr, $3  }
0x3a: {  	_ = 	snop  }
0x3b: {  	_ = 	snop  }
0x3c: {  	p2 =	seq.s32 s10, $0x1;
	s10 =	sld [smem:$0x3FB5]  }
0x3d: {  	_ =	shalt  }
0x3e: {  	_ =	shalt  }
0x3f: {  	_ =	shalt  }
0x40: {  	_ =	shalt  }
0x41: {  	_ =	shalt  }
0x42: {  	_ =	shalt  }
0x43: {  	_ =	shalt  }
0x44: {  	_ =	shalt  }
0x45: {  	_ =	shalt  }
0x46: {  	_ =	shalt  }
0x47: {  	_ =	shalt  }
0x48: {  	_ =	shalt  }
0x49: {  	_ =	shalt  }
0x4a: {  	_ =	shalt  }
0x4b: {  	_ =	shalt  }
0x4c: {  	_ =	shalt  }
0x4d: {  	_ =	shalt  }
0x4e: {  	_ =	shalt  }
0x4f: {  	_ =	shalt  }
0x50: {  	_ =	shalt  }
0x51: {  	_ =	shalt  }
0x52: {  	_ =	shalt  }
0x53: {  	_ =	shalt  }
0x54: {  	_ =	shalt  }
0x55: {  	_ =	shalt  }
0x56: {  	_ =	shalt  }
0x57: {  	_ =	shalt  }
0x58: {  	_ =	shalt  }
0x59: {  	_ =	shalt  }
0x5a: {  	_ =	shalt  }
0x5b: {  	_ =	shalt  }
0x5c: {  	_ =	shalt  }
0x5d: {  	_ =	shalt  }
0x5e: {  	_ =	shalt  }
0x5f: {  	_ =	shalt  }
0x60: {  	_ =	shalt  }
0x61: {  	_ =	shalt  }
0x62: {  	_ =	shalt  }
0x63: {  	_ =	shalt  }
0x64: {  	_ =	shalt  }
0x65: {  	_ =	shalt  }
0x66: {  	_ =	shalt  }
0x67: {  	_ =	shalt  }
0x68: {  	_ =	shalt  }
0x69: {  	_ =	shalt  }
0x6a: {  	_ =	shalt  }
0x6b: {  	_ =	shalt  }
0x6c: {  	_ =	shalt  }
0x6d: {  	_ =	shalt  }
0x6e: {  	_ =	shalt  }
0x6f: {  	_ =	shalt  }
0x70: {  	_ =	shalt  }
0x71: {  	_ =	shalt  }
0x72: {  	_ =	shalt  }
0x73: {  	_ =	shalt  }
0x74: {  	_ =	shalt  }
0x75: {  	_ =	shalt  }
0x76: {  	_ =	shalt  }
0x77: {  	_ =	shalt  }
0x78: {  	_ =	shalt  }
0x79: {  	_ =	shalt  }
0x7a: {  	_ =	shalt  }
0x7b: {  	_ =	shalt  }
0x7c: {  	_ =	shalt  }
0x7d: {  	_ =	shalt  }
0x7e: {  	_ =	shalt  }
0x7f: {  	_ =	shalt  }
0x80: {  	_ =	shalt  }
0x81: {  	_ =	shalt  }
0x82: {  	_ =	shalt  }
0x83: {  	_ =	shalt  }
0x84: {  	_ =	shalt  }
0x85: {  	_ =	shalt  }
0x86: {  	_ =	shalt  }
0x87: {  	_ =	shalt  }
.Lfunc_end0:
.L_simem_size_0:
called_computation_lowered:
.L_overlay_start_0:
0x88: {  	s2 =	sld [smem:$0x3FD9]  }
0x89: {  	s3 =	sld [smem:$0x3FFE];
	_ =	sdelay $0x1  }
0x8a: {  	s1 =	srdreg.scid  }
0x8b: {  	s0 =	sand.u32 $0x1, s1  }
0x8c: {  	s17 =	sshll.u32 s0, $0xA;
	s2 =	sadd.s32 s3, s2  }
0x8d: {  	s2 =	sadd.s32 s2, s17  }
0x8e: {  	[smem:$0x3FC1] =	sst s2  }
0x8f: {  	_ = 	snop  }
0x90: {  	s2 =	sld [smem:$0x3FC7]  }
0x91: {  	s18 =	sld [smem:$0x3FC6];
	(tm) =	ssettm $0x1  }
0x92: {  	s4 =	sld [smem:$0x3FFB];
	_ =	sdelay $0x3  }
0x93: {  	_ =	strace s4  }
0x94: {  	s4 =	sld [smem:$0x3FFC];
	_ =	sdelay $0x3  }
0x95: {  	_ =	strace s4  }
0x96: {  	s4 =	sld [smem:$0x3FFD];
	_ =	sdelay $0x3  }
0x97: {  	_ =	strace s4  }
0x98: {  	_ =	strace $0x8FFFFFFF  }
0x99: {  	s19 =	sld [smem:$0x3FDB];
	_ =	sdelay $0x1  }
0x9a: {  	s5 =	simm.s32 $_scs_section_size  }
0x9b: {  	s6 =	simm.s32 $_size__tile_overlayer_lowered;
	s7 =	simm.s32 $_tile_overlayer_lowered  }
0x9c: {  	s22 =	simm.s32 $0x1BFF;
	s21 =	sshll.u32 s7, $0x1;
	s4 =	sadd.s32 s5, s19  }
0x9d: {  	s8 =	simm.s32 $0x0;
	s20 =	sshll.u32 s6, $0x1;
	s6 =	sadd.s32 s21, s4  }
0x9e: {  	[timem:s8], [sflag:s22] =	dma.local [hbm:s6], s20  }
0x9f: {  	_ =	swait.ge [sflag:s22], s20  }
0xa0: {  	s5 =	ssub.s32 $0x0, s20;
	[sflag:s22] =	ssyncset.done $0x0  }
0xa1: {  	[sflag:s22] =	ssyncadd.s32 s5;
	_ =	sdelay $0x1  }
0xa2: {  	s23 =	simm.s32 $0x1B8B  }
0xa3: {  	_ =	swait.ge [sflag:s23], $0x1  }
0xa4: {  	[sflag:s23] =	ssyncset.done $0x0  }
0xa5: {  	s25 =	simm.s32 $0x1B8E;
	s24 =	sld [smem:$0x3FFE];
	[sflag:s23] =	ssyncadd.s32 $0xFFFFFFFF  }
0xa6: {  	s26 =	simm.s32 $execute0_lowered;
	[smem:$0x3FD2] =	sst s25  }
0xa7: {  	s6 =	sshll.u32 s26, $0x1;
	_ =	strace $0x80000046;
	[dreg:$0x1] =	wrdreg $0xFFFFFFFF  }
0xa8: {  	s28 =	simm.s32 $_size_execute0_lowered;
	s4 =	sadd.s32 s4, s6;
	[dreg:$0x0] =	wrdreg $0x0  }
0xa9: {  	s6 =	sshll.u32 s28, $0x1;
	[dreg:$0x2] =	wrdreg s4  }
0xaa: {  	[dreg:$0x3] =	wrdreg s6  }
0xab: {  	[dreg:$0x4] =	wrdreg $0xC0  }
0xac: {  	_ =	task [dreg:s8], $0x5FFFF  }
0xad: {  	[dreg:$0x1] =	wrdreg $0xFFFFFFFF  }
0xae: {  	[dreg:$0x0] =	wrdreg $0x60  }
0xaf: {  	[dreg:$0x2] =	wrdreg s2  }
0xb0: {  	[dreg:$0x3] =	wrdreg s18  }
0xb1: {  	[dreg:$0x4] =	wrdreg s24  }
0xb2: {  	[dreg:$0x5] =	wrdreg $0x9  }
0xb3: {  	_ =	task.clear_ibuf [dreg:s8], $0x6FFFF;
	_ =	strace $0x90000046  }
0xb4: {  	s29 =	simm.s32 $0x9;
	_ =	strace $0x80000048  }
0xb5: {  	_ =	swait.ge [sflag:s29], $0x1  }
0xb6: {  	[sflag:s29] =	ssyncadd.s32 $0xFFFFFFFF  }
0xb7: {  	_ =	strace $0x90000048  }
0xb8: {  	_ =	sfence  }
0xb9: {  	s30 =	sld [smem:$0x0];
	_ =	sdelay $0x2  }
0xba: {  	s31 =	sshll.u32 s1, $0xD;
	s1 =	sshrl.u32 s1, $0x2  }
0xbb: {  	s3 =	sand.u32 $0x4000, s31;
	s1 =	sadd.s32 s1, s30  }
0xbc: {  	s0 =	sor.u32 s3, s0;
	s1 =	sshll.u32 s1, $0x11  }
0xbd: {  	s0 =	sor.u32 s1, s0  }
0xbe: {  	s0 =	sadd.s32 $0x8F2B, s0  }
0xbf: {  	[sflag:s0] =	ssyncadd.remote.s32 $0x1  }
0xc0: {  	_ =	sfence.sel $0xFFFF  }
0xc1: {  	[dreg:$0x0] =	wrdreg $0xFFFFFFFF;
	(pc) =	sbr.abs _section_cstart, $3  }
0xc2: {  	[dreg:$0x1] =	wrdreg $0xFFFFFFFF  }
0xc3: {  	_ =	task.clear_ibuf [dreg:s8], $0x2FFFF;
	_ =	strace $0x9FFFFFFF  }
0xc4: {  	(tm) =	ssettm $0x7FFFFFFF  }
0xc5: {  	_ =	shalt  }
tec
execute0_lowered:
.L_overlay_start_1:
0x0: {  	(tag) =	ssettag $0x1  }
0x1: {  	s1 =	srdreg.scid;
	s0 =	stileid.u32  }
0x2: {  	s1 =	sand.u32 $0x1, s1;
	s2 =	sshll.u32 s0, $0x1  }
0x3: {  	s5 =	sor.u32 s1, s2  }
0x4: {  	s4 =	rddreg [dreg:$0x0];
	s7 =	smul.u32 $0xF4280, s5  }
0x5: {  	s3 =	rddreg [dreg:$0x1]  }
0x6: {  	s6 =	rddreg [dreg:$0x2];
	s13 =	sshrl.u32 s0, $0x2;
	s7 =	sshrl.u32 s7, $0x3  }
0x7: {  	p0 =	slt.u32 s0, $0x8;
	s2 =	simm.s32 $0x0;
	s31 =	sadd.s32 s7, s6  }
0x8: {  	s8 =	sand.u32 $0x1, s13;
	[smem:$0x7FF] =	sst s2;
	s7 =	sadd.s32 $0x800, s31  }
0x9: {  	_ =	strace $0x80000047;
	s14 =	sadd.s32 $0x2600, s31;
	[dreg:$0x4] =	wrdreg s7  }
0xa: {  	s5 =	sand.u32 $0x7, s5;
	s15 =	sadd.s32 $0x4400, s31;
	[dreg:$0x5] =	wrdreg s14  }
0xb: {  	p1 =	seq.s32 s8, $0x1;
	s16 =	sadd.s32 $0x6200, s31;
	[dreg:$0x6] =	wrdreg s15  }
0xc: {  	s8 =	simm.s32 $0xF4280;
	s17 =	sadd.s32 $0x8000, s31;
	[dreg:$0x7] =	wrdreg s16  }
0xd: {  	s8 =	simm.s32 @!p1 $0x0;
	s18 =	sadd.s32 $0x9E00, s31;
	[dreg:$0x8] =	wrdreg s17  }
0xe: {  	s9 =	sshll.u32 s5, $0x4;
	s19 =	sadd.s32 $0xBC00, s31;
	[dreg:$0x9] =	wrdreg s18  }
0xf: {  	s5 =	sshll.u32 s5, $0x7;
	s20 =	sadd.s32 $0xDA00, s31;
	[dreg:$0xa] =	wrdreg s19  }
0x10: {  	s8 =	sor.u32 s8, s9;
	s21 =	sadd.s32 $0xF800, s31;
	[dreg:$0xb] =	wrdreg s20  }
0x11: {  	s6 =	smul.u32 $0x7A1400, s13;
	s22 =	sadd.s32 $0x11600, s31;
	[dreg:$0xc] =	wrdreg s21  }
0x12: {  	s3 =	sadd.s32 s3, s8;
	s23 =	sadd.s32 $0x13400, s31;
	[dreg:$0xd] =	wrdreg s22  }
0x13: {  	s24 =	sadd.s32 $0x15200, s31;
	s5 =	sor.u32 s6, s5;
	[dreg:$0xe] =	wrdreg s23  }
0x14: {  	s25 =	sadd.s32 $0x17000, s31;
	[dreg:$0xf] =	wrdreg s24;
	s5 =	sshrl.u32 s5, $0x3  }
0x15: {  	[dreg:$0x10] =	wrdreg s25;
	s6 =	simm.s32 $0x1;
	s4 =	sadd.s32 s4, s5  }
0x16: {  	s5 =	simm.s32 $0x400;
	s3 =	smov.u32 @p0 s4;
	s4 =	simm.s32 $0x80  }
0x17: {  	[tilespmem:s2], [sflag:$0x1] =	stream.strided.gather [hbm4b:s3+s4], $0xF000, s5, s4, $0x38;
	[tilespmem:$0x1E000] =	vst v63  }
0x18: {  	_ =	swait.ge [sflag:s6], $0xF000  }
0x19: {  	[sflag:s6] =	ssyncset.done $0x0  }
0x1a: {  	s8 =	simm.s32 $0xF000;
	s7 =	sadd.s32 $0xF000, s3;
	[sflag:s6] =	ssyncadd.s32 $0xFFFF1000  }
0x1b: {  	[tilespmem:s8], [sflag:$0x1] =	stream.strided.gather [hbm4b:s7+s4], $0xF000, s5, s4, $0x38;
	[tilespmem:$0x1E000] =	vst v63  }
0x1c: {  	s26 =	rddreg [dreg:$0x4]  }
0x1d: {  	[hbm4b:s26+s2] =	stream.linear.scatter [tilespmem:s2], [sflag:$0x2], $0xF000, $0x38;
	[tilespmem:$0x1E000] =	vst v63  }
0x1e: {  	_ =	swait.ge [sflag:s6], $0xF000  }
0x1f: {  	[sflag:s6] =	ssyncset.done $0x0  }
0x20: {  	s9 =	simm.s32 $0x2;
	[sflag:s6] =	ssyncadd.s32 $0xFFFF1000  }
0x21: {  	_ =	swait.ge [sflag:s9], $0xF000  }
0x22: {  	[sflag:s9] =	ssyncset.done $0x0  }
0x23: {  	s10 =	sadd.s32 $0x1E000, s3;
	[sflag:s9] =	ssyncadd.s32 $0xFFFF1000  }
0x24: {  	[tilespmem:s2], [sflag:$0x1] =	stream.strided.gather [hbm4b:s10+s4], $0xF000, s5, s4, $0x38;
	[tilespmem:$0x1E000] =	vst v63  }
0x25: {  	s11 =	rddreg [dreg:$0x5]  }
0x26: {  	[hbm4b:s11+s2] =	stream.linear.scatter [tilespmem:s8], [sflag:$0x2], $0xF000, $0x38;
	[tilespmem:$0x1E000] =	vst v63  }
0x27: {  	_ =	swait.ge [sflag:s6], $0xF000  }
0x28: {  	[sflag:s6] =	ssyncset.done $0x0  }
0x29: {  	[sflag:s6] =	ssyncadd.s32 $0xFFFF1000  }
0x2a: {  	_ =	swait.ge [sflag:s9], $0xF000  }
0x2b: {  	[sflag:s9] =	ssyncset.done $0x0  }
0x2c: {  	s11 =	sadd.s32 $0x2D000, s3;
	[sflag:s9] =	ssyncadd.s32 $0xFFFF1000  }
0x2d: {  	[tilespmem:s8], [sflag:$0x1] =	stream.strided.gather [hbm4b:s11+s4], $0xF000, s5, s4, $0x38;
	[tilespmem:$0x1E000] =	vst v63  }
0x2e: {  	s12 =	rddreg [dreg:$0x6]  }
0x2f: {  	[hbm4b:s12+s2] =	stream.linear.scatter [tilespmem:s2], [sflag:$0x2], $0xF000, $0x38;
	[tilespmem:$0x1E000] =	vst v63  }
0x30: {  	_ =	swait.ge [sflag:s6], $0xF000  }
0x31: {  	[sflag:s6] =	ssyncset.done $0x0  }
0x32: {  	[sflag:s6] =	ssyncadd.s32 $0xFFFF1000  }
0x33: {  	_ =	swait.ge [sflag:s9], $0xF000  }
0x34: {  	[sflag:s9] =	ssyncset.done $0x0  }
0x35: {  	s12 =	sadd.s32 $0x3C000, s3;
	[sflag:s9] =	ssyncadd.s32 $0xFFFF1000  }
0x36: {  	[tilespmem:s2], [sflag:$0x1] =	stream.strided.gather [hbm4b:s12+s4], $0xF000, s5, s4, $0x38;
	[tilespmem:$0x1E000] =	vst v63  }
0x37: {  	s13 =	rddreg [dreg:$0x7]  }
0x38: {  	[hbm4b:s13+s2] =	stream.linear.scatter [tilespmem:s8], [sflag:$0x2], $0xF000, $0x38;
	[tilespmem:$0x1E000] =	vst v63  }
0x39: {  	_ =	swait.ge [sflag:s6], $0xF000  }
0x3a: {  	[sflag:s6] =	ssyncset.done $0x0  }
0x3b: {  	[sflag:s6] =	ssyncadd.s32 $0xFFFF1000  }
0x3c: {  	_ =	swait.ge [sflag:s9], $0xF000  }
0x3d: {  	[sflag:s9] =	ssyncset.done $0x0  }
0x3e: {  	s13 =	sadd.s32 $0x4B000, s3;
	[sflag:s9] =	ssyncadd.s32 $0xFFFF1000  }
0x3f: {  	[tilespmem:s8], [sflag:$0x1] =	stream.strided.gather [hbm4b:s13+s4], $0xF000, s5, s4, $0x38;
	[tilespmem:$0x1E000] =	vst v63  }
0x40: {  	s14 =	rddreg [dreg:$0x8]  }
0x41: {  	[hbm4b:s14+s2] =	stream.linear.scatter [tilespmem:s2], [sflag:$0x2], $0xF000, $0x38;
	[tilespmem:$0x1E000] =	vst v63  }
0x42: {  	_ =	swait.ge [sflag:s6], $0xF000  }
0x43: {  	[sflag:s6] =	ssyncset.done $0x0  }
0x44: {  	[sflag:s6] =	ssyncadd.s32 $0xFFFF1000  }
0x45: {  	_ =	swait.ge [sflag:s9], $0xF000  }
0x46: {  	[sflag:s9] =	ssyncset.done $0x0  }
0x47: {  	s14 =	sadd.s32 $0x5A000, s3;
	[sflag:s9] =	ssyncadd.s32 $0xFFFF1000  }
0x48: {  	[tilespmem:s2], [sflag:$0x1] =	stream.strided.gather [hbm4b:s14+s4], $0xF000, s5, s4, $0x38;
	[tilespmem:$0x1E000] =	vst v63  }
0x49: {  	s15 =	rddreg [dreg:$0x9]  }
0x4a: {  	[hbm4b:s15+s2] =	stream.linear.scatter [tilespmem:s8], [sflag:$0x2], $0xF000, $0x38;
	[tilespmem:$0x1E000] =	vst v63  }
0x4b: {  	_ =	swait.ge [sflag:s6], $0xF000  }
0x4c: {  	[sflag:s6] =	ssyncset.done $0x0  }
0x4d: {  	[sflag:s6] =	ssyncadd.s32 $0xFFFF1000  }
0x4e: {  	_ =	swait.ge [sflag:s9], $0xF000  }
0x4f: {  	[sflag:s9] =	ssyncset.done $0x0  }
0x50: {  	s15 =	sadd.s32 $0x69000, s3;
	[sflag:s9] =	ssyncadd.s32 $0xFFFF1000  }
0x51: {  	[tilespmem:s8], [sflag:$0x1] =	stream.strided.gather [hbm4b:s15+s4], $0xF000, s5, s4, $0x38;
	[tilespmem:$0x1E000] =	vst v63  }
0x52: {  	s16 =	rddreg [dreg:$0xa]  }
0x53: {  	[hbm4b:s16+s2] =	stream.linear.scatter [tilespmem:s2], [sflag:$0x2], $0xF000, $0x38;
	[tilespmem:$0x1E000] =	vst v63  }
0x54: {  	_ =	swait.ge [sflag:s6], $0xF000  }
0x55: {  	[sflag:s6] =	ssyncset.done $0x0  }
0x56: {  	[sflag:s6] =	ssyncadd.s32 $0xFFFF1000  }
0x57: {  	_ =	swait.ge [sflag:s9], $0xF000  }
0x58: {  	[sflag:s9] =	ssyncset.done $0x0  }
0x59: {  	s16 =	sadd.s32 $0x78000, s3;
	[sflag:s9] =	ssyncadd.s32 $0xFFFF1000  }
0x5a: {  	[tilespmem:s2], [sflag:$0x1] =	stream.strided.gather [hbm4b:s16+s4], $0xF000, s5, s4, $0x38;
	[tilespmem:$0x1E000] =	vst v63  }
0x5b: {  	s17 =	rddreg [dreg:$0xb]  }
0x5c: {  	[hbm4b:s17+s2] =	stream.linear.scatter [tilespmem:s8], [sflag:$0x2], $0xF000, $0x38;
	[tilespmem:$0x1E000] =	vst v63  }
0x5d: {  	_ =	swait.ge [sflag:s6], $0xF000  }
0x5e: {  	[sflag:s6] =	ssyncset.done $0x0  }
0x5f: {  	[sflag:s6] =	ssyncadd.s32 $0xFFFF1000  }
0x60: {  	_ =	swait.ge [sflag:s9], $0xF000  }
0x61: {  	[sflag:s9] =	ssyncset.done $0x0  }
0x62: {  	s17 =	sadd.s32 $0x87000, s3;
	[sflag:s9] =	ssyncadd.s32 $0xFFFF1000  }
0x63: {  	[tilespmem:s8], [sflag:$0x1] =	stream.strided.gather [hbm4b:s17+s4], $0xF000, s5, s4, $0x38;
	[tilespmem:$0x1E000] =	vst v63  }
0x64: {  	s18 =	rddreg [dreg:$0xc]  }
0x65: {  	[hbm4b:s18+s2] =	stream.linear.scatter [tilespmem:s2], [sflag:$0x2], $0xF000, $0x38;
	[tilespmem:$0x1E000] =	vst v63  }
0x66: {  	_ =	swait.ge [sflag:s6], $0xF000  }
0x67: {  	[sflag:s6] =	ssyncset.done $0x0  }
0x68: {  	[sflag:s6] =	ssyncadd.s32 $0xFFFF1000  }
0x69: {  	_ =	swait.ge [sflag:s9], $0xF000  }
0x6a: {  	[sflag:s9] =	ssyncset.done $0x0  }
0x6b: {  	s18 =	sadd.s32 $0x96000, s3;
	[sflag:s9] =	ssyncadd.s32 $0xFFFF1000  }
0x6c: {  	[tilespmem:s2], [sflag:$0x1] =	stream.strided.gather [hbm4b:s18+s4], $0xF000, s5, s4, $0x38;
	[tilespmem:$0x1E000] =	vst v63  }
0x6d: {  	s19 =	rddreg [dreg:$0xd]  }
0x6e: {  	[hbm4b:s19+s2] =	stream.linear.scatter [tilespmem:s8], [sflag:$0x2], $0xF000, $0x38;
	[tilespmem:$0x1E000] =	vst v63  }
0x6f: {  	_ =	swait.ge [sflag:s6], $0xF000  }
0x70: {  	[sflag:s6] =	ssyncset.done $0x0  }
0x71: {  	[sflag:s6] =	ssyncadd.s32 $0xFFFF1000  }
0x72: {  	_ =	swait.ge [sflag:s9], $0xF000  }
0x73: {  	[sflag:s9] =	ssyncset.done $0x0  }
0x74: {  	s19 =	sadd.s32 $0xA5000, s3;
	[sflag:s9] =	ssyncadd.s32 $0xFFFF1000  }
0x75: {  	[tilespmem:s8], [sflag:$0x1] =	stream.strided.gather [hbm4b:s19+s4], $0xF000, s5, s4, $0x38;
	[tilespmem:$0x1E000] =	vst v63  }
0x76: {  	s20 =	rddreg [dreg:$0xe]  }
0x77: {  	[hbm4b:s20+s2] =	stream.linear.scatter [tilespmem:s2], [sflag:$0x2], $0xF000, $0x38;
	[tilespmem:$0x1E000] =	vst v63  }
0x78: {  	_ =	swait.ge [sflag:s6], $0xF000  }
0x79: {  	[sflag:s6] =	ssyncset.done $0x0  }
0x7a: {  	[sflag:s6] =	ssyncadd.s32 $0xFFFF1000  }
0x7b: {  	_ =	swait.ge [sflag:s9], $0xF000  }
0x7c: {  	[sflag:s9] =	ssyncset.done $0x0  }
0x7d: {  	s20 =	sadd.s32 $0xB4000, s3;
	[sflag:s9] =	ssyncadd.s32 $0xFFFF1000  }
0x7e: {  	[tilespmem:s2], [sflag:$0x1] =	stream.strided.gather [hbm4b:s20+s4], $0xF000, s5, s4, $0x38;
	[tilespmem:$0x1E000] =	vst v63  }
0x7f: {  	s21 =	rddreg [dreg:$0xf]  }
0x80: {  	[hbm4b:s21+s2] =	stream.linear.scatter [tilespmem:s8], [sflag:$0x2], $0xF000, $0x38;
	[tilespmem:$0x1E000] =	vst v63  }
0x81: {  	_ =	swait.ge [sflag:s6], $0xF000  }
0x82: {  	[sflag:s6] =	ssyncset.done $0x0  }
0x83: {  	[sflag:s6] =	ssyncadd.s32 $0xFFFF1000  }
0x84: {  	_ =	swait.ge [sflag:s9], $0xF000  }
0x85: {  	[sflag:s9] =	ssyncset.done $0x0  }
0x86: {  	s21 =	sadd.s32 $0xC3000, s3;
	[sflag:s9] =	ssyncadd.s32 $0xFFFF1000  }
0x87: {  	[tilespmem:s8], [sflag:$0x1] =	stream.strided.gather [hbm4b:s21+s4], $0xF000, s5, s4, $0x38;
	[tilespmem:$0x1E000] =	vst v63  }
0x88: {  	s22 =	rddreg [dreg:$0x10]  }
0x89: {  	[hbm4b:s22+s2] =	stream.linear.scatter [tilespmem:s2], [sflag:$0x2], $0xF000, $0x38;
	[tilespmem:$0x1E000] =	vst v63  }
0x8a: {  	_ =	swait.ge [sflag:s6], $0xF000  }
0x8b: {  	[sflag:s6] =	ssyncset.done $0x0  }
0x8c: {  	[sflag:s6] =	ssyncadd.s32 $0xFFFF1000  }
0x8d: {  	_ =	swait.ge [sflag:s9], $0xF000  }
0x8e: {  	[sflag:s9] =	ssyncset.done $0x0  }
0x8f: {  	s22 =	sadd.s32 $0xD2000, s3;
	[sflag:s9] =	ssyncadd.s32 $0xFFFF1000  }
0x90: {  	[tilespmem:s2], [sflag:$0x1] =	stream.strided.gather [hbm4b:s22+s4], $0xF000, s5, s4, $0x38;
	[tilespmem:$0x1E000] =	vst v63  }
0x91: {  	s23 =	sadd.s32 $0x18E00, s31  }
0x92: {  	[hbm4b:s23+s2] =	stream.linear.scatter [tilespmem:s8], [sflag:$0x2], $0xF000, $0x38;
	[tilespmem:$0x1E000] =	vst v63  }
0x93: {  	_ =	swait.ge [sflag:s6], $0xF000  }
0x94: {  	[sflag:s6] =	ssyncset.done $0x0  }
0x95: {  	[sflag:s6] =	ssyncadd.s32 $0xFFFF1000  }
0x96: {  	_ =	swait.ge [sflag:s9], $0xF000  }
0x97: {  	[sflag:s9] =	ssyncset.done $0x0  }
0x98: {  	s24 =	sadd.s32 $0xE1000, s3;
	[sflag:s9] =	ssyncadd.s32 $0xFFFF1000  }
0x99: {  	[tilespmem:s8], [sflag:$0x1] =	stream.strided.gather [hbm4b:s24+s4], $0xF000, s5, s4, $0x38;
	[tilespmem:$0x1E000] =	vst v63  }
0x9a: {  	s25 =	sadd.s32 $0x1AC00, s31  }
0x9b: {  	[hbm4b:s25+s2] =	stream.linear.scatter [tilespmem:s2], [sflag:$0x2], $0xF000, $0x38;
	[tilespmem:$0x1E000] =	vst v63  }
0x9c: {  	_ =	swait.ge [sflag:s6], $0xF000  }
0x9d: {  	[sflag:s6] =	ssyncset.done $0x0  }
0x9e: {  	[sflag:s6] =	ssyncadd.s32 $0xFFFF1000  }
0x9f: {  	_ =	swait.ge [sflag:s9], $0xF000  }
0xa0: {  	[sflag:s9] =	ssyncset.done $0x0  }
0xa1: {  	s26 =	sadd.s32 $0xF0000, s3;
	[sflag:s9] =	ssyncadd.s32 $0xFFFF1000  }
0xa2: {  	[tilespmem:s2], [sflag:$0x1] =	stream.strided.gather [hbm4b:s26+s4], $0x4200, s5, s4, $0x38;
	[tilespmem:$0x1E000] =	vst v63  }
0xa3: {  	s29 =	simm.s32 $0x4200;
	s28 =	sadd.s32 $0xF4200, s3  }
0xa4: {  	[tilespmem:s29], [sflag:$0x1] =	stream.linear.gather [hbm4b:s28+s2], $0x80, $0x38;
	[tilespmem:$0x1E000] =	vst v63  }
0xa5: {  	s30 =	sadd.s32 $0x1CA00, s31  }
0xa6: {  	[hbm4b:s30+s2] =	stream.linear.scatter [tilespmem:s8], [sflag:$0x2], $0xF000, $0x38;
	[tilespmem:$0x1E000] =	vst v63  }
0xa7: {  	_ =	swait.ge [sflag:s6], $0x4200  }
0xa8: {  	[sflag:s6] =	ssyncset.done $0x0  }
0xa9: {  	s1 =	ssub.s32 $0x2, s1;
	[sflag:s6] =	ssyncadd.s32 $0xFFFFBE00  }
0xaa: {  	s0 =	sshrl.u32 s1, $0x1;
	_ =	swait.ge [sflag:s6], $0x80  }
0xab: {  	s0 =	ssub.s32 s1, s0;
	[sflag:s6] =	ssyncset.done $0x0  }
0xac: {  	s0 =	smax.u32 s0, $0x1;
	[sflag:s6] =	ssyncadd.s32 $0xFFFFFF80  }
0xad: {  	p0 =	sne.s32 s0, $0x1;
	_ =	swait.ge [sflag:s9], $0xF000  }
.Ltmp0:
0xae: {  	[sflag:s9] =	ssyncset.done $0x0;
	(pc) =	sbr.rel @!p0 .LBB2_2-.Ltmp0, $4  }
0xaf: {  	s31 =	sadd.s32 $0x1E800, s31;
	[sflag:s9] =	ssyncadd.s32 $0xFFFF1000  }
0xb0: {  	[hbm4b:s31+s2] =	stream.linear.scatter [tilespmem:s2], [sflag:$0x2], $0x4280, $0x38;
	[tilespmem:$0x1E000] =	vst v63  }
0xb1: {  	_ =	swait.ge [sflag:s9], $0x4280  }
0xb2: {  	s1 =	sadd.s32 $0xFFFFFFFF, s0;
	[sflag:s9] =	ssyncset.done $0x0  }
.LBB2_1:
0xb3: {  	[sflag:s9] =	ssyncadd.s32 $0xFFFFBD80  }
0xb4: {  	[tilespmem:s2], [sflag:$0x1] =	stream.strided.gather [hbm4b:s3+s4], $0xF000, s5, s4, $0x38;
	[tilespmem:$0x1E000] =	vst v63  }
0xb5: {  	_ =	swait.ge [sflag:s6], $0xF000  }
0xb6: {  	[sflag:s6] =	ssyncset.done $0x0  }
0xb7: {  	[sflag:s6] =	ssyncadd.s32 $0xFFFF1000  }
0xb8: {  	[tilespmem:s8], [sflag:$0x1] =	stream.strided.gather [hbm4b:s7+s4], $0xF000, s5, s4, $0x38;
	[tilespmem:$0x1E000] =	vst v63  }
0xb9: {  	s0 =	rddreg [dreg:$0x4]  }
0xba: {  	[hbm4b:s0+s2] =	stream.linear.scatter [tilespmem:s2], [sflag:$0x2], $0xF000, $0x38;
	[tilespmem:$0x1E000] =	vst v63  }
0xbb: {  	_ =	swait.ge [sflag:s6], $0xF000  }
0xbc: {  	[sflag:s6] =	ssyncset.done $0x0  }
0xbd: {  	[sflag:s6] =	ssyncadd.s32 $0xFFFF1000  }
0xbe: {  	_ =	swait.ge [sflag:s9], $0xF000  }
0xbf: {  	[sflag:s9] =	ssyncset.done $0x0  }
0xc0: {  	[sflag:s9] =	ssyncadd.s32 $0xFFFF1000  }
0xc1: {  	[tilespmem:s2], [sflag:$0x1] =	stream.strided.gather [hbm4b:s10+s4], $0xF000, s5, s4, $0x38;
	[tilespmem:$0x1E000] =	vst v63  }
0xc2: {  	s0 =	rddreg [dreg:$0x5]  }
0xc3: {  	[hbm4b:s0+s2] =	stream.linear.scatter [tilespmem:s8], [sflag:$0x2], $0xF000, $0x38;
	[tilespmem:$0x1E000] =	vst v63  }
0xc4: {  	_ =	swait.ge [sflag:s6], $0xF000  }
0xc5: {  	[sflag:s6] =	ssyncset.done $0x0  }
0xc6: {  	[sflag:s6] =	ssyncadd.s32 $0xFFFF1000  }
0xc7: {  	_ =	swait.ge [sflag:s9], $0xF000  }
0xc8: {  	[sflag:s9] =	ssyncset.done $0x0  }
0xc9: {  	[sflag:s9] =	ssyncadd.s32 $0xFFFF1000  }
0xca: {  	[tilespmem:s8], [sflag:$0x1] =	stream.strided.gather [hbm4b:s11+s4], $0xF000, s5, s4, $0x38;
	[tilespmem:$0x1E000] =	vst v63  }
0xcb: {  	s0 =	rddreg [dreg:$0x6]  }
0xcc: {  	[hbm4b:s0+s2] =	stream.linear.scatter [tilespmem:s2], [sflag:$0x2], $0xF000, $0x38;
	[tilespmem:$0x1E000] =	vst v63  }
0xcd: {  	_ =	swait.ge [sflag:s6], $0xF000  }
0xce: {  	[sflag:s6] =	ssyncset.done $0x0  }
0xcf: {  	[sflag:s6] =	ssyncadd.s32 $0xFFFF1000  }
0xd0: {  	_ =	swait.ge [sflag:s9], $0xF000  }
0xd1: {  	[sflag:s9] =	ssyncset.done $0x0  }
0xd2: {  	[sflag:s9] =	ssyncadd.s32 $0xFFFF1000  }
0xd3: {  	[tilespmem:s2], [sflag:$0x1] =	stream.strided.gather [hbm4b:s12+s4], $0xF000, s5, s4, $0x38;
	[tilespmem:$0x1E000] =	vst v63  }
0xd4: {  	s0 =	rddreg [dreg:$0x7]  }
0xd5: {  	[hbm4b:s0+s2] =	stream.linear.scatter [tilespmem:s8], [sflag:$0x2], $0xF000, $0x38;
	[tilespmem:$0x1E000] =	vst v63  }
0xd6: {  	_ =	swait.ge [sflag:s6], $0xF000  }
0xd7: {  	[sflag:s6] =	ssyncset.done $0x0  }
0xd8: {  	[sflag:s6] =	ssyncadd.s32 $0xFFFF1000  }
0xd9: {  	_ =	swait.ge [sflag:s9], $0xF000  }
0xda: {  	[sflag:s9] =	ssyncset.done $0x0  }
0xdb: {  	[sflag:s9] =	ssyncadd.s32 $0xFFFF1000  }
0xdc: {  	[tilespmem:s8], [sflag:$0x1] =	stream.strided.gather [hbm4b:s13+s4], $0xF000, s5, s4, $0x38;
	[tilespmem:$0x1E000] =	vst v63  }
0xdd: {  	s0 =	rddreg [dreg:$0x8]  }
0xde: {  	[hbm4b:s0+s2] =	stream.linear.scatter [tilespmem:s2], [sflag:$0x2], $0xF000, $0x38;
	[tilespmem:$0x1E000] =	vst v63  }
0xdf: {  	_ =	swait.ge [sflag:s6], $0xF000  }
0xe0: {  	[sflag:s6] =	ssyncset.done $0x0  }
0xe1: {  	[sflag:s6] =	ssyncadd.s32 $0xFFFF1000  }
0xe2: {  	_ =	swait.ge [sflag:s9], $0xF000  }
0xe3: {  	[sflag:s9] =	ssyncset.done $0x0  }
0xe4: {  	[sflag:s9] =	ssyncadd.s32 $0xFFFF1000  }
0xe5: {  	[tilespmem:s2], [sflag:$0x1] =	stream.strided.gather [hbm4b:s14+s4], $0xF000, s5, s4, $0x38;
	[tilespmem:$0x1E000] =	vst v63  }
0xe6: {  	s0 =	rddreg [dreg:$0x9]  }
0xe7: {  	[hbm4b:s0+s2] =	stream.linear.scatter [tilespmem:s8], [sflag:$0x2], $0xF000, $0x38;
	[tilespmem:$0x1E000] =	vst v63  }
0xe8: {  	_ =	swait.ge [sflag:s6], $0xF000  }
0xe9: {  	[sflag:s6] =	ssyncset.done $0x0  }
0xea: {  	[sflag:s6] =	ssyncadd.s32 $0xFFFF1000  }
0xeb: {  	_ =	swait.ge [sflag:s9], $0xF000  }
0xec: {  	[sflag:s9] =	ssyncset.done $0x0  }
0xed: {  	[sflag:s9] =	ssyncadd.s32 $0xFFFF1000  }
0xee: {  	[tilespmem:s8], [sflag:$0x1] =	stream.strided.gather [hbm4b:s15+s4], $0xF000, s5, s4, $0x38;
	[tilespmem:$0x1E000] =	vst v63  }
0xef: {  	s0 =	rddreg [dreg:$0xa]  }
0xf0: {  	[hbm4b:s0+s2] =	stream.linear.scatter [tilespmem:s2], [sflag:$0x2], $0xF000, $0x38;
	[tilespmem:$0x1E000] =	vst v63  }
0xf1: {  	_ =	swait.ge [sflag:s6], $0xF000  }
0xf2: {  	[sflag:s6] =	ssyncset.done $0x0  }
0xf3: {  	[sflag:s6] =	ssyncadd.s32 $0xFFFF1000  }
0xf4: {  	_ =	swait.ge [sflag:s9], $0xF000  }
0xf5: {  	[sflag:s9] =	ssyncset.done $0x0  }
0xf6: {  	[sflag:s9] =	ssyncadd.s32 $0xFFFF1000  }
0xf7: {  	[tilespmem:s2], [sflag:$0x1] =	stream.strided.gather [hbm4b:s16+s4], $0xF000, s5, s4, $0x38;
	[tilespmem:$0x1E000] =	vst v63  }
0xf8: {  	s0 =	rddreg [dreg:$0xb]  }
0xf9: {  	[hbm4b:s0+s2] =	stream.linear.scatter [tilespmem:s8], [sflag:$0x2], $0xF000, $0x38;
	[tilespmem:$0x1E000] =	vst v63  }
0xfa: {  	_ =	swait.ge [sflag:s6], $0xF000  }
0xfb: {  	[sflag:s6] =	ssyncset.done $0x0  }
0xfc: {  	[sflag:s6] =	ssyncadd.s32 $0xFFFF1000  }
0xfd: {  	_ =	swait.ge [sflag:s9], $0xF000  }
0xfe: {  	[sflag:s9] =	ssyncset.done $0x0  }
0xff: {  	[sflag:s9] =	ssyncadd.s32 $0xFFFF1000  }
0x100: {  	[tilespmem:s8], [sflag:$0x1] =	stream.strided.gather [hbm4b:s17+s4], $0xF000, s5, s4, $0x38;
	[tilespmem:$0x1E000] =	vst v63  }
0x101: {  	s0 =	rddreg [dreg:$0xc]  }
0x102: {  	[hbm4b:s0+s2] =	stream.linear.scatter [tilespmem:s2], [sflag:$0x2], $0xF000, $0x38;
	[tilespmem:$0x1E000] =	vst v63  }
0x103: {  	_ =	swait.ge [sflag:s6], $0xF000  }
0x104: {  	[sflag:s6] =	ssyncset.done $0x0  }
0x105: {  	[sflag:s6] =	ssyncadd.s32 $0xFFFF1000  }
0x106: {  	_ =	swait.ge [sflag:s9], $0xF000  }
0x107: {  	[sflag:s9] =	ssyncset.done $0x0  }
0x108: {  	[sflag:s9] =	ssyncadd.s32 $0xFFFF1000  }
0x109: {  	[tilespmem:s2], [sflag:$0x1] =	stream.strided.gather [hbm4b:s18+s4], $0xF000, s5, s4, $0x38;
	[tilespmem:$0x1E000] =	vst v63  }
0x10a: {  	s0 =	rddreg [dreg:$0xd]  }
0x10b: {  	[hbm4b:s0+s2] =	stream.linear.scatter [tilespmem:s8], [sflag:$0x2], $0xF000, $0x38;
	[tilespmem:$0x1E000] =	vst v63  }
0x10c: {  	_ =	swait.ge [sflag:s6], $0xF000  }
0x10d: {  	[sflag:s6] =	ssyncset.done $0x0  }
0x10e: {  	[sflag:s6] =	ssyncadd.s32 $0xFFFF1000  }
0x10f: {  	_ =	swait.ge [sflag:s9], $0xF000  }
0x110: {  	[sflag:s9] =	ssyncset.done $0x0  }
0x111: {  	[sflag:s9] =	ssyncadd.s32 $0xFFFF1000  }
0x112: {  	[tilespmem:s8], [sflag:$0x1] =	stream.strided.gather [hbm4b:s19+s4], $0xF000, s5, s4, $0x38;
	[tilespmem:$0x1E000] =	vst v63  }
0x113: {  	s0 =	rddreg [dreg:$0xe]  }
0x114: {  	[hbm4b:s0+s2] =	stream.linear.scatter [tilespmem:s2], [sflag:$0x2], $0xF000, $0x38;
	[tilespmem:$0x1E000] =	vst v63  }
0x115: {  	_ =	swait.ge [sflag:s6], $0xF000  }
0x116: {  	[sflag:s6] =	ssyncset.done $0x0  }
0x117: {  	[sflag:s6] =	ssyncadd.s32 $0xFFFF1000  }
0x118: {  	_ =	swait.ge [sflag:s9], $0xF000  }
0x119: {  	[sflag:s9] =	ssyncset.done $0x0  }
0x11a: {  	[sflag:s9] =	ssyncadd.s32 $0xFFFF1000  }
0x11b: {  	[tilespmem:s2], [sflag:$0x1] =	stream.strided.gather [hbm4b:s20+s4], $0xF000, s5, s4, $0x38;
	[tilespmem:$0x1E000] =	vst v63  }
0x11c: {  	s0 =	rddreg [dreg:$0xf]  }
0x11d: {  	[hbm4b:s0+s2] =	stream.linear.scatter [tilespmem:s8], [sflag:$0x2], $0xF000, $0x38;
	[tilespmem:$0x1E000] =	vst v63  }
0x11e: {  	_ =	swait.ge [sflag:s6], $0xF000  }
0x11f: {  	[sflag:s6] =	ssyncset.done $0x0  }
0x120: {  	[sflag:s6] =	ssyncadd.s32 $0xFFFF1000  }
0x121: {  	_ =	swait.ge [sflag:s9], $0xF000  }
0x122: {  	[sflag:s9] =	ssyncset.done $0x0  }
0x123: {  	[sflag:s9] =	ssyncadd.s32 $0xFFFF1000  }
0x124: {  	[tilespmem:s8], [sflag:$0x1] =	stream.strided.gather [hbm4b:s21+s4], $0xF000, s5, s4, $0x38;
	[tilespmem:$0x1E000] =	vst v63  }
0x125: {  	s0 =	rddreg [dreg:$0x10]  }
0x126: {  	[hbm4b:s0+s2] =	stream.linear.scatter [tilespmem:s2], [sflag:$0x2], $0xF000, $0x38;
	[tilespmem:$0x1E000] =	vst v63  }
0x127: {  	_ =	swait.ge [sflag:s6], $0xF000  }
0x128: {  	[sflag:s6] =	ssyncset.done $0x0  }
0x129: {  	[sflag:s6] =	ssyncadd.s32 $0xFFFF1000  }
0x12a: {  	_ =	swait.ge [sflag:s9], $0xF000  }
0x12b: {  	[sflag:s9] =	ssyncset.done $0x0  }
0x12c: {  	[sflag:s9] =	ssyncadd.s32 $0xFFFF1000  }
0x12d: {  	[tilespmem:s2], [sflag:$0x1] =	stream.strided.gather [hbm4b:s22+s4], $0xF000, s5, s4, $0x38;
	[tilespmem:$0x1E000] =	vst v63  }
0x12e: {  	_ = 	snop  }
0x12f: {  	[hbm4b:s23+s2] =	stream.linear.scatter [tilespmem:s8], [sflag:$0x2], $0xF000, $0x38;
	[tilespmem:$0x1E000] =	vst v63  }
0x130: {  	_ =	swait.ge [sflag:s6], $0xF000  }
0x131: {  	[sflag:s6] =	ssyncset.done $0x0  }
0x132: {  	[sflag:s6] =	ssyncadd.s32 $0xFFFF1000  }
0x133: {  	_ =	swait.ge [sflag:s9], $0xF000  }
0x134: {  	[sflag:s9] =	ssyncset.done $0x0  }
0x135: {  	[sflag:s9] =	ssyncadd.s32 $0xFFFF1000  }
0x136: {  	[tilespmem:s8], [sflag:$0x1] =	stream.strided.gather [hbm4b:s24+s4], $0xF000, s5, s4, $0x38;
	[tilespmem:$0x1E000] =	vst v63  }
0x137: {  	_ = 	snop  }
0x138: {  	[hbm4b:s25+s2] =	stream.linear.scatter [tilespmem:s2], [sflag:$0x2], $0xF000, $0x38;
	[tilespmem:$0x1E000] =	vst v63  }
0x139: {  	_ =	swait.ge [sflag:s6], $0xF000  }
0x13a: {  	[sflag:s6] =	ssyncset.done $0x0  }
0x13b: {  	[sflag:s6] =	ssyncadd.s32 $0xFFFF1000  }
0x13c: {  	_ =	swait.ge [sflag:s9], $0xF000  }
0x13d: {  	[sflag:s9] =	ssyncset.done $0x0  }
0x13e: {  	[sflag:s9] =	ssyncadd.s32 $0xFFFF1000  }
0x13f: {  	[tilespmem:s2], [sflag:$0x1] =	stream.strided.gather [hbm4b:s26+s4], $0x4200, s5, s4, $0x38;
	[tilespmem:$0x1E000] =	vst v63  }
0x140: {  	_ = 	snop  }
0x141: {  	[tilespmem:s29], [sflag:$0x1] =	stream.linear.gather [hbm4b:s28+s2], $0x80, $0x38;
	[tilespmem:$0x1E000] =	vst v63  }
0x142: {  	_ = 	snop  }
0x143: {  	[hbm4b:s30+s2] =	stream.linear.scatter [tilespmem:s8], [sflag:$0x2], $0xF000, $0x38;
	[tilespmem:$0x1E000] =	vst v63  }
0x144: {  	_ =	swait.ge [sflag:s6], $0x4200  }
0x145: {  	[sflag:s6] =	ssyncset.done $0x0  }
0x146: {  	[sflag:s6] =	ssyncadd.s32 $0xFFFFBE00  }
0x147: {  	_ =	swait.ge [sflag:s6], $0x80  }
0x148: {  	[sflag:s6] =	ssyncset.done $0x0  }
0x149: {  	[sflag:s6] =	ssyncadd.s32 $0xFFFFFF80  }
0x14a: {  	p0 =	sne.s32 s1, $0x1;
	_ =	swait.ge [sflag:s9], $0xF000  }
.Ltmp1:
0x14b: {  	[sflag:s9] =	ssyncset.done $0x0;
	(pc) =	sbr.rel @p0 .LBB2_1-.Ltmp1, $4  }
0x14c: {  	[sflag:s9] =	ssyncadd.s32 $0xFFFF1000  }
0x14d: {  	[hbm4b:s31+s2] =	stream.linear.scatter [tilespmem:s2], [sflag:$0x2], $0x4280, $0x38;
	[tilespmem:$0x1E000] =	vst v63  }
0x14e: {  	_ =	swait.ge [sflag:s9], $0x4280  }
0x14f: {  	s1 =	sadd.s32 $0xFFFFFFFF, s1;
	[sflag:s9] =	ssyncset.done $0x0  }
.LBB2_2:
0x150: {  	[sflag:s9] =	ssyncadd.s32 $0xFFFFBD80  }
0x151: {  	_ =	sfence.sel $0x180000  }
0x152: {  	[bflag:$0x0] =	sbarrier.arrive $0xFFFF  }
0x153: {  	_ =	strace $0x90000047  }
0x154: {  	s0 =	stileid.u32;
	[bflag:$0x2] =	sbarrier.arrive $0xFFFF  }
0x155: {  	p0 =	sne.s32 s0, $0x0;
	s0 =	rddreg [dreg:$0x3]  }
0x156: {  	s0 =	sadd.s32 @!p0 $0x100000, s0  }
0x157: {  	[sflag:s0] =	ssyncadd.tile.s32 @!p0 $0x1;
	_ =	shalt  }
.Lfunc_end2:
_tile_overlayer_lowered:
.L_overlay_start_2:
0x158: {  	(tag) =	ssettag $0x2  }
0x159: {  	s0 =	rddreg [dreg:$0x0];
	s2 =	stileid.u32  }
0x15a: {  	s1 =	rddreg [dreg:$0x1];
	p0 =	sne.s32 s2, $0x0  }
0x15b: {  	s3 =	rddreg [dreg:$0x2];
	[bflag:$0x3] =	sbarrier.arrive $0xFFFF;
	s2 =	simm.s32 @!p0 $0x1C03  }
0x15c: {  	[timem:s3], [sflag:s2] =	dma.local @!p0 [hbm:s0], s1  }
0x15d: {  	s0 =	simm.s32 @!p0 $0x3  }
0x15e: {  	_ =	swait.ge @!p0 [sflag:s0], s1  }
0x15f: {  	s1 =	ssub.s32 @!p0 $0x0, s1;
	[sflag:s0] =	ssyncset.done @!p0 $0x0  }
0x160: {  	[sflag:s0] =	ssyncadd.s32 @!p0 s1  }
0x161: {  	[bflag:$0x3] =	sbarrier.arrive $0xFFFF  }
0x162: {  	_ =	shalt  }

// kernel: _funk_svd_sc.7.cloned.1.call-start
scs
__scs_entry_jumppad:
0x0: {  	(pc) =	sbr.rel $0x88, $3  }
0x1: {  	(tag) =	ssettag $0x0;
	lr =	simm.s32 $0x1  }
0x2: {  	[smem:$0x3F9A] =	sst lr;
	_ =	strace $0xD0000000  }
0x3: {  	_ = 	snop  }
0x4: {  	_ = 	snop  }
0x5: {  	_ = 	snop  }
0x6: {  	_ = 	snop  }
0x7: {  	_ = 	snop  }
__scs_overlays_trampoline_lowered:
0x8: {  	[smem:$0x3FA9] =	sst s0  }
0x9: {  	[smem:$0x3FAA] =	sst s1  }
0xa: {  	[smem:$0x3FAB] =	sst s2  }
0xb: {  	[smem:$0x3FAC] =	sst s3  }
0xc: {  	[smem:$0x3FAD] =	sst s4  }
0xd: {  	[smem:$0x3FAE] =	sst s5  }
0xe: {  	[smem:$0x3FAF] =	sst s6  }
0xf: {  	[smem:$0x3FB0] =	sst s7  }
0x10: {  	[smem:$0x3FB1] =	sst s8  }
0x11: {  	[smem:$0x3FB2] =	sst s9;
	s0 =	simm.s32 @!p0 $0x0  }
0x12: {  	s1 =	sld [smem:$0x3F98];
	s0 =	simm.s32 @p0 $0x1  }
0x13: {  	[smem:$0x3FB3] =	sst s0;
	s0 =	simm.s32 @!p1 $0x0  }
0x14: {  	s2 =	sld [smem:$0x3F97];
	s0 =	simm.s32 @p1 $0x1  }
0x15: {  	[smem:$0x3FB4] =	sst s0;
	s0 =	simm.s32 @!p2 $0x0  }
0x16: {  	s3 =	sld [smem:$0x3FDB];
	s0 =	simm.s32 @p2 $0x1  }
0x17: {  	s4 =	simm.s32 $0x1BF5;
	[smem:$0x3FB6] =	sst s0  }
0x18: {  	s0 =	sld [smem:$0x3F99];
	_ =	swait.ge [sflag:s4], $0x0  }
0x19: {  	s7 =	sld [smem:$0x3F9A]  }
0x1a: {  	s8 =	sadd.s32 $0xFFFFE003, lr  }
0x1b: {  	s9 =	sadd.s32 $0xFFFFFEF7, lr;
	s5 =	simm.s32 $0xFFFFFFFF;
	p2 =	slt.u32 s8, $0xFFFFF086  }
0x1c: {  	p1 =	slt.u32 s9, $0xF7A;
	s5 =	simm.s32 @!p2 $0x0  }
0x1d: {  	s5 =	simm.s32 @p1 $0x1;
	p0 =	seq.s32 s7, s2  }
0x1e: {  	s7 =	smul.u32 @!p0 $0xF7A, s2;
	p2 =	seq.s32 @!p0 s5, $0x0  }
0x1f: {  	s9 =	smul.u32 $0xF7A, s1;
	s8 =	simm.s32 @!p0 $0x1BF5;
	p2 =	por !p2, p0  }
0x20: {  	[sflag:s8] =	ssyncset.s32 @!p0 $0xFFFFF086;
	s6 =	sadd.s32 @!p0 s3, s7;
	s7 =	simm.s32 @!p0 $0x108  }
0x21: {  	s3 =	sadd.s32 s3, s9;
	s6 =	sadd.s32 @!p0 $0x88, s6;
	s7 =	simm.s32 @p2 $0x1082  }
0x22: {  	[simem:s7], [sflag:s8] =	dma.local @!p0 [hbm:s6], $0xF7A  }
0x23: {  	s9 =	sor.u32 $0xD0000000, s2;
	s6 =	simm.s32 $0x108;
	_ =	swait.ge @!p0 [sflag:s8], $0x0  }
0x24: {  	s3 =	sadd.s32 $0x88, s3;
	s6 =	simm.s32 @!p1 $0x1082;
	[sflag:s4] =	ssyncset.s32 $0xFFFFF086  }
0x25: {  	[simem:s6], [sflag:s4] =	dma.local [hbm:s3], $0xF7A  }
0x26: {  	[smem:$0x3F9A] =	sst s1;
	(tag) =	ssettag s2;
	_ =	strace s9  }
0x27: {  	s1 =	sld [smem:$0x3FAA]  }
0x28: {  	s2 =	sld [smem:$0x3FAB]  }
0x29: {  	s4 =	sld [smem:$0x3FAD]  }
0x2a: {  	p0 =	seq.s32 s5, $0x0;
	s5 =	sld [smem:$0x3FAE]  }
0x2b: {  	s6 =	sld [smem:$0x3FAF]  }
0x2c: {  	s7 =	sld [smem:$0x3FB0]  }
0x2d: {  	s3 =	simm.s32 $0x108;
	s8 =	sld [smem:$0x3FB1]  }
0x2e: {  	s3 =	simm.s32 @!p0 $0x1082;
	s9 =	sld [smem:$0x3FB2]  }
0x2f: {  	lr =	sadd.s32 s0, s3;
	s0 =	sld [smem:$0x3FA9]  }
0x30: {  	s3 =	sld [smem:$0x3FAC]  }
0x31: {  	[smem:$0x3FB5] =	sst s10  }
0x32: {  	s10 =	sld [smem:$0x3FB3];
	_ =	sdelay $0x3  }
0x33: {  	p0 =	seq.s32 s10, $0x1;
	s10 =	sld [smem:$0x3FB5];
	_ =	sdelay $0x3  }
0x34: {  	[smem:$0x3FB5] =	sst s10  }
0x35: {  	s10 =	sld [smem:$0x3FB4];
	_ =	sdelay $0x3  }
0x36: {  	p1 =	seq.s32 s10, $0x1;
	s10 =	sld [smem:$0x3FB5];
	_ =	sdelay $0x3  }
0x37: {  	[smem:$0x3FB5] =	sst s10  }
0x38: {  	s10 =	sld [smem:$0x3FB6]  }
0x39: {  	_ = 	snop;
	(pc) =	sbr.ind lr, $3  }
0x3a: {  	_ = 	snop  }
0x3b: {  	_ = 	snop  }
0x3c: {  	p2 =	seq.s32 s10, $0x1;
	s10 =	sld [smem:$0x3FB5]  }
0x3d: {  	_ =	shalt  }
0x3e: {  	_ =	shalt  }
0x3f: {  	_ =	shalt  }
0x40: {  	_ =	shalt  }
0x41: {  	_ =	shalt  }
0x42: {  	_ =	shalt  }
0x43: {  	_ =	shalt  }
0x44: {  	_ =	shalt  }
0x45: {  	_ =	shalt  }
0x46: {  	_ =	shalt  }
0x47: {  	_ =	shalt  }
0x48: {  	_ =	shalt  }
0x49: {  	_ =	shalt  }
0x4a: {  	_ =	shalt  }
0x4b: {  	_ =	shalt  }
0x4c: {  	_ =	shalt  }
0x4d: {  	_ =	shalt  }
0x4e: {  	_ =	shalt  }
0x4f: {  	_ =	shalt  }
0x50: {  	_ =	shalt  }
0x51: {  	_ =	shalt  }
0x52: {  	_ =	shalt  }
0x53: {  	_ =	shalt  }
0x54: {  	_ =	shalt  }
0x55: {  	_ =	shalt  }
0x56: {  	_ =	shalt  }
0x57: {  	_ =	shalt  }
0x58: {  	_ =	shalt  }
0x59: {  	_ =	shalt  }
0x5a: {  	_ =	shalt  }
0x5b: {  	_ =	shalt  }
0x5c: {  	_ =	shalt  }
0x5d: {  	_ =	shalt  }
0x5e: {  	_ =	shalt  }
0x5f: {  	_ =	shalt  }
0x60: {  	_ =	shalt  }
0x61: {  	_ =	shalt  }
0x62: {  	_ =	shalt  }
0x63: {  	_ =	shalt  }
0x64: {  	_ =	shalt  }
0x65: {  	_ =	shalt  }
0x66: {  	_ =	shalt  }
0x67: {  	_ =	shalt  }
0x68: {  	_ =	shalt  }
0x69: {  	_ =	shalt  }
0x6a: {  	_ =	shalt  }
0x6b: {  	_ =	shalt  }
0x6c: {  	_ =	shalt  }
0x6d: {  	_ =	shalt  }
0x6e: {  	_ =	shalt  }
0x6f: {  	_ =	shalt  }
0x70: {  	_ =	shalt  }
0x71: {  	_ =	shalt  }
0x72: {  	_ =	shalt  }
0x73: {  	_ =	shalt  }
0x74: {  	_ =	shalt  }
0x75: {  	_ =	shalt  }
0x76: {  	_ =	shalt  }
0x77: {  	_ =	shalt  }
0x78: {  	_ =	shalt  }
0x79: {  	_ =	shalt  }
0x7a: {  	_ =	shalt  }
0x7b: {  	_ =	shalt  }
0x7c: {  	_ =	shalt  }
0x7d: {  	_ =	shalt  }
0x7e: {  	_ =	shalt  }
0x7f: {  	_ =	shalt  }
0x80: {  	_ =	shalt  }
0x81: {  	_ =	shalt  }
0x82: {  	_ =	shalt  }
0x83: {  	_ =	shalt  }
0x84: {  	_ =	shalt  }
0x85: {  	_ =	shalt  }
0x86: {  	_ =	shalt  }
0x87: {  	_ =	shalt  }
.Lfunc_end0:
.L_simem_size_0:
called_computation.1_lowered:
.L_overlay_start_0:
0x88: {  	s2 =	sld [smem:$0x3FD9]  }
0x89: {  	s3 =	sld [smem:$0x3FFE];
	_ =	sdelay $0x1  }
0x8a: {  	s1 =	srdreg.scid  }
0x8b: {  	s0 =	sand.u32 $0x1, s1  }
0x8c: {  	s17 =	sshll.u32 s0, $0xA;
	s2 =	sadd.s32 s3, s2  }
0x8d: {  	s2 =	sadd.s32 s2, s17  }
0x8e: {  	[smem:$0x3FC1] =	sst s2  }
0x8f: {  	_ = 	snop  }
0x90: {  	s2 =	sld [smem:$0x3FC9]  }
0x91: {  	s18 =	sld [smem:$0x3FC8]  }
0x92: {  	s4 =	sld [smem:$0x3FC5]  }
0x93: {  	s5 =	sld [smem:$0x3FC4]  }
0x94: {  	s6 =	sld [smem:$0x3FC3]  }
0x95: {  	s7 =	sld [smem:$0x3FD0];
	(tm) =	ssettm $0x1  }
0x96: {  	s8 =	sld [smem:$0x3FFB];
	_ =	sdelay $0x3  }
0x97: {  	_ =	strace s8  }
0x98: {  	s8 =	sld [smem:$0x3FFC];
	_ =	sdelay $0x3  }
0x99: {  	_ =	strace s8  }
0x9a: {  	s8 =	sld [smem:$0x3FFD];
	_ =	sdelay $0x3  }
0x9b: {  	_ =	strace s8  }
0x9c: {  	_ =	strace $0x8FFFFFFF  }
0x9d: {  	s19 =	sld [smem:$0x3FDB];
	_ =	sdelay $0x1  }
0x9e: {  	s9 =	simm.s32 $_scs_section_size  }
0x9f: {  	s10 =	simm.s32 $_size__tile_overlayer_lowered;
	s11 =	simm.s32 $_tile_overlayer_lowered  }
0xa0: {  	s22 =	simm.s32 $0x1BFF;
	s21 =	sshll.u32 s11, $0x1;
	s8 =	sadd.s32 s9, s19  }
0xa1: {  	s12 =	simm.s32 $0x0;
	s20 =	sshll.u32 s10, $0x1;
	s10 =	sadd.s32 s21, s8  }
0xa2: {  	[timem:s12], [sflag:s22] =	dma.local [hbm:s10], s20  }
0xa3: {  	_ =	swait.ge [sflag:s22], s20  }
0xa4: {  	s9 =	ssub.s32 $0x0, s20;
	[sflag:s22] =	ssyncset.done $0x0  }
0xa5: {  	[sflag:s22] =	ssyncadd.s32 s9;
	_ =	sdelay $0x1  }
0xa6: {  	s23 =	simm.s32 $0x1B8B  }
0xa7: {  	_ =	swait.ge [sflag:s23], $0x1  }
0xa8: {  	[sflag:s23] =	ssyncset.done $0x0  }
0xa9: {  	s25 =	simm.s32 $0x1B8E;
	s24 =	sld [smem:$0x3FFE];
	[sflag:s23] =	ssyncadd.s32 $0xFFFFFFFF  }
0xaa: {  	s26 =	simm.s32 $execute0_lowered;
	[smem:$0x3FD2] =	sst s25  }
0xab: {  	s10 =	sshll.u32 s26, $0x1;
	_ =	strace $0x80000049;
	[dreg:$0x1] =	wrdreg $0xFFFFFFFF  }
0xac: {  	s28 =	simm.s32 $_size_execute0_lowered;
	s8 =	sadd.s32 s8, s10;
	[dreg:$0x0] =	wrdreg $0x0  }
0xad: {  	s10 =	sshll.u32 s28, $0x1;
	[dreg:$0x2] =	wrdreg s8  }
0xae: {  	[dreg:$0x3] =	wrdreg s10  }
0xaf: {  	[dreg:$0x4] =	wrdreg $0xC0  }
0xb0: {  	_ =	task [dreg:s12], $0x5FFFF  }
0xb1: {  	[dreg:$0x1] =	wrdreg $0xFFFFFFFF  }
0xb2: {  	[dreg:$0x0] =	wrdreg $0x60  }
0xb3: {  	[dreg:$0x2] =	wrdreg s2  }
0xb4: {  	[dreg:$0x3] =	wrdreg s18  }
0xb5: {  	[dreg:$0x4] =	wrdreg s24  }
0xb6: {  	[dreg:$0x5] =	wrdreg s4  }
0xb7: {  	[dreg:$0x6] =	wrdreg s5  }
0xb8: {  	[dreg:$0x7] =	wrdreg s6  }
0xb9: {  	[dreg:$0x8] =	wrdreg s7  }
0xba: {  	[dreg:$0x9] =	wrdreg $0x9  }
0xbb: {  	_ =	task.clear_ibuf [dreg:s12], $0xAFFFF;
	_ =	strace $0x90000049  }
0xbc: {  	s29 =	simm.s32 $0x9;
	_ =	strace $0x8000004B  }
0xbd: {  	_ =	swait.ge [sflag:s29], $0x1  }
0xbe: {  	[sflag:s29] =	ssyncadd.s32 $0xFFFFFFFF  }
0xbf: {  	_ =	strace $0x9000004B  }
0xc0: {  	_ =	sfence  }
0xc1: {  	s30 =	sld [smem:$0x0];
	_ =	sdelay $0x2  }
0xc2: {  	s31 =	sshll.u32 s1, $0xD;
	s1 =	sshrl.u32 s1, $0x2  }
0xc3: {  	s3 =	sand.u32 $0x4000, s31;
	s1 =	sadd.s32 s1, s30  }
0xc4: {  	s0 =	sor.u32 s3, s0;
	s1 =	sshll.u32 s1, $0x11  }
0xc5: {  	s0 =	sor.u32 s1, s0  }
0xc6: {  	s0 =	sadd.s32 $0x8F2B, s0  }
0xc7: {  	[sflag:s0] =	ssyncadd.remote.s32 $0x1  }
0xc8: {  	_ =	sfence.sel $0xFFFF  }
0xc9: {  	[dreg:$0x0] =	wrdreg $0xFFFFFFFF;
	(pc) =	sbr.abs _section_cstart, $3  }
0xca: {  	[dreg:$0x1] =	wrdreg $0xFFFFFFFF  }
0xcb: {  	_ =	task.clear_ibuf [dreg:s12], $0x2FFFF;
	_ =	strace $0x9FFFFFFF  }
0xcc: {  	(tm) =	ssettm $0x7FFFFFFF  }
0xcd: {  	_ =	shalt  }
tec
execute0_lowered:
.L_overlay_start_1:
0x0: {  	(tag) =	ssettag $0x1  }
0x1: {  	s0 =	rddreg [dreg:$0x0]  }
0x2: {  	s3 =	rddreg [dreg:$0x1]  }
0x3: {  	s4 =	rddreg [dreg:$0x2]  }
0x4: {  	s1 =	rddreg [dreg:$0x3]  }
0x5: {  	s2 =	rddreg [dreg:$0x4]  }
0x6: {  	s9 =	rddreg [dreg:$0x6];
	s5 =	simm.s32 $0x0  }
0x7: {  	s6 =	srdreg.scid;
	s8 =	stileid.u32;
	s12 =	simm.s32 $0x200  }
0x8: {  	s14 =	simm.s32 $0x80;
	s31 =	simm.s32 $0x8380;
	s13 =	simm.s32 $0x280  }
0x9: {  	s15 =	simm.s32 $0x8680;
	s16 =	simm.s32 $0x100;
	s17 =	simm.s32 $0x8500  }
0xa: {  	s18 =	simm.s32 $0x300;
	s19 =	simm.s32 $0x8700;
	s20 =	simm.s32 $0x180  }
0xb: {  	s21 =	simm.s32 $0x8580;
	s22 =	simm.s32 $0x380;
	s23 =	simm.s32 $0x8780  }
0xc: {  	s24 =	simm.s32 $0x1;
	s25 =	simm.s32 $0x8810;
	s26 =	simm.s32 $0x0  }
0xd: {  	[smem:$0x7FF] =	sst s5;
	s6 =	sand.u32 $0x1, s6;
	s8 =	sshll.u32 s8, $0x7  }
0xe: {  	s7 =	ssub.s32 $0x2, s6;
	s6 =	sshll.u32 s6, $0x6;
	_ =	strace $0x8000004A  }
0xf: {  	s10 =	sshrl.u32 s7, $0x1;
	s11 =	sor.u32 s6, s8;
	s6 =	sadd.s32 $0x800, s4  }
0x10: {  	s4 =	simm.s32 $0x8600;
	s30 =	ssub.s32 s7, s10;
	s7 =	sadd.s32 s0, s11  }
0x11: {  	s8 =	sadd.s32 s3, s11;
	s9 =	sadd.s32 s9, s11;
	s11 =	simm.s32 $0x2  }
0x12: {  	s0 =	simm.s32 $0x8400;
	s3 =	simm.s32 $0x8480;
	s10 =	smax.u32 s30, $0x1  }
.LBB2_1:
0x13: {  	[tilespmem:s5], [sflag:$0x2] =	stream.linear.gather [hbm4b:s7+s5], $0x200, $0x38;
	[tilespmem:$0x8A10] =	vst v63  }
0x14: {  	_ =	swait.ge [sflag:s11], $0x200  }
0x15: {  	[sflag:s11] =	ssyncset.done $0x0  }
0x16: {  	[sflag:s11] =	ssyncadd.s32 $0xFFFFFE00  }
0x17: {  	[tilespmem:s12], [sflag:$0x2] =	stream.linear.gather [hbm4b:s8+s5], $0x200, $0x38;
	[tilespmem:$0x8A10] =	vst v63  }
0x18: {  	_ =	swait.ge [sflag:s11], $0x200  }
0x19: {  	[sflag:s11] =	ssyncset.done $0x0  }
0x1a: {  	[sflag:s11] =	ssyncadd.s32 $0xFFFFFE00  }
0x1b: {  	s29 =	simm.s32 $0x8800;
	s28 =	rddreg [dreg:$0x5]  }
0x1c: {  	[tilespmem:s29], [sflag:$0x2] =	stream.linear.gather [hbm4b:s28+s5], $0x10, $0x38;
	[tilespmem:$0x8A10] =	vst v63  }
0x1d: {  	_ =	swait.ge [sflag:s11], $0x10  }
0x1e: {  	[sflag:s11] =	ssyncset.done $0x0  }
0x1f: {  	s28 =	simm.s32 $0x0;
	[sflag:s11] =	ssyncadd.s32 $0xFFFFFFF0  }
0x20: {  	v13 =	vld [tilespmem:s28+$0x200]  }
0x21: {  	v14 =	vld [tilespmem:s28+$0x0];
	_ =	sdelay $0x4  }
0x22: {  	v10 =	vadd.s32 $0xF42800, v13;
	v8 =	vadd.s32 $0x15EF980, v13;
	v4 =	vadd.s32 $0xC66080, v14  }
0x23: {  	v1 =	vadd.s32 $0x1D90D80, v13;
	v0 =	vadd.s32 $0x1036A80, v13;
	[tilespmem:s28+$0x400] =	vst v14  }
0x24: {  	v6 =	vadd.s32 $0x7A1400, v14;
	v2 =	vadd.s32 $0x1C9CB00, v13;
	[tilespmem:s28+$0x4200] =	vst v1  }
0x25: {  	v3 =	vadd.s32 $0x895680, v14;
	v5 =	vadd.s32 $0xD5A300, v14;
	[tilespmem:s28+$0x4000] =	vst v2  }
0x26: {  	v15 =	vadd.s32 $0x2DC780, v14;
	v7 =	vadd.s32 $0xE4E580, v14;
	[tilespmem:s28+$0x2000] =	vst v5  }
0x27: {  	v17 =	vadd.s32 $0x17D7E80, v13;
	v9 =	vadd.s32 $0x1BA8880, v13;
	[tilespmem:s28+$0x2200] =	vst v7  }
0x28: {  	v19 =	vadd.s32 $0x989900, v14;
	v18 =	vadd.s32 $0x16E3C00, v13;
	[tilespmem:s28+$0x3E00] =	vst v9  }
0x29: {  	v20 =	vadd.s32 $0xA7DB80, v14;
	v11 =	vadd.s32 $0xB71E00, v14;
	[tilespmem:s28+$0x2400] =	vst v10  }
0x2a: {  	v16 =	vadd.s32 $0x18CC100, v13;
	v12 =	vadd.s32 $0x5B8F00, v14;
	[tilespmem:s28+$0x1C00] =	vst v11  }
0x2b: {  	v1 =	vadd.s32 $0x1E8500, v14;
	v2 =	vadd.s32 $0x112AD00, v13;
	[tilespmem:s28+$0x3800] =	vst v16  }
0x2c: {  	v5 =	vadd.s32 $0x121EF80, v13;
	v7 =	vadd.s32 $0x19C0380, v13;
	[tilespmem:s28+$0x1A00] =	vst v20  }
0x2d: {  	v9 =	vadd.s32 $0x1AB4600, v13;
	v10 =	vadd.s32 $0x4C4C80, v14;
	[tilespmem:s28+$0x3A00] =	vst v7  }
0x2e: {  	v11 =	vadd.s32 $0x1407480, v13;
	v16 =	vadd.s32 $0xF4280, v14;
	v7 =	vadd.s32 $0x3D0A00, v14;
	[tilespmem:s28+$0x3C00] =	vst v9  }
0x2f: {  	s29 =	simm.s32 $0x40;
	v9 =	vadd.s32 $0x1313200, v13;
	v13 =	vadd.s32 $0x14FB700, v13;
	v14 =	vadd.s32 $0x6AD180, v14  }
.LBB2_2:
0x30: {  	s30 =	sshra.s32 s29, $0x2;
	p0 =	sne.s32 s29, $0x7C0;
	s29 =	sadd.s32 $0x40, s29;
	[tilespmem:s28+$0x3200] =	vst v8  }
0x31: {  	v20 =	vld [tilespmem:s30+$0x200];
	[tilespmem:s28+$0x1800] =	vst v19  }
0x32: {  	v21 =	vld [tilespmem:s30+$0x0];
	[tilespmem:s28+$0x3600] =	vst v17  }
0x33: {  	[tilespmem:s28+$0x3400] =	vst v18  }
0x34: {  	[tilespmem:s28+$0x1E00] =	vst v4  }
0x35: {  	[tilespmem:s28+$0x1400] =	vst v6  }
0x36: {  	v22 =	vadd.s32 $0xF42800, v20;
	v8 =	vadd.s32 $0x15EF980, v20;
	[tilespmem:s28+$0xA00] =	vst v15  }
0x37: {  	v23 =	vadd.s32 $0x1D90D80, v20;
	v4 =	vadd.s32 $0xC66080, v21;
	[tilespmem:s28+$0x600] =	vst v16;
	v16 =	vadd.s32 $0xF4280, v21  }
0x38: {  	v15 =	vadd.s32 $0x1036A80, v20;
	v6 =	vadd.s32 $0x7A1400, v21;
	[tilespmem:s28+$0x1600] =	vst v3  }
0x39: {  	v17 =	vadd.s32 $0x1E8500, v21;
	v3 =	vadd.s32 $0x895680, v21;
	[tilespmem:s28+$0x2600] =	vst v0;
	v0 =	vmov v15  }
0x3a: {  	v19 =	vadd.s32 $0x112AD00, v20;
	v18 =	vadd.s32 $0x16E3C00, v20;
	[tilespmem:s28+$0x800] =	vst v1;
	v1 =	vmov v17  }
0x3b: {  	v15 =	vadd.s32 $0x2DC780, v21;
	v17 =	vadd.s32 $0x17D7E80, v20;
	[tilespmem:s28+$0x2800] =	vst v2;
	v2 =	vmov v19  }
0x3c: {  	v19 =	vadd.s32 $0x989900, v21;
	[tilespmem:s28+$0x2A00] =	vst v5;
	v5 =	vadd.s32 $0x121EF80, v20  }
0x3d: {  	v24 =	vadd.s32 $0xA7DB80, v21;
	[tilespmem:s28+$0xC00] =	vst v7;
	v7 =	vadd.s32 $0x3D0A00, v21  }
0x3e: {  	v25 =	vadd.s32 $0xB71E00, v21;
	[tilespmem:s28+$0x2C00] =	vst v9;
	v9 =	vadd.s32 $0x1313200, v20  }
0x3f: {  	v27 =	vadd.s32 $0x18CC100, v20;
	v26 =	vadd.s32 $0x4C4C80, v21;
	[tilespmem:s30+$0x4200] =	vst v23  }
0x40: {  	v28 =	vadd.s32 $0x1AB4600, v20;
	v23 =	vadd.s32 $0x1407480, v20;
	[tilespmem:s28+$0xE00] =	vst v10;
	v10 =	vmov v26  }
0x41: {  	v29 =	vadd.s32 $0x19C0380, v20;
	v26 =	vadd.s32 $0x5B8F00, v21;
	[tilespmem:s28+$0x2E00] =	vst v11;
	v11 =	vmov v23  }
0x42: {  	v30 =	vadd.s32 $0x1BA8880, v20;
	v23 =	vadd.s32 $0x14FB700, v20;
	[tilespmem:s28+$0x1000] =	vst v12;
	v12 =	vmov v26  }
0x43: {  	v31 =	vadd.s32 $0xE4E580, v21;
	v26 =	vadd.s32 $0x6AD180, v21;
	[tilespmem:s28+$0x3000] =	vst v13;
	v13 =	vmov v23  }
0x44: {  	v20 =	vadd.s32 $0x1C9CB00, v20;
	v23 =	vadd.s32 $0xD5A300, v21;
	[tilespmem:s28+$0x1200] =	vst v14;
	v14 =	vmov v26;
	s28 =	smov.u32 s30  }
0x45: {  	[tilespmem:s28+$0x4000] =	vst v20  }
0x46: {  	[tilespmem:s28+$0x400] =	vst v21  }
0x47: {  	[tilespmem:s28+$0x2000] =	vst v23  }
0x48: {  	[tilespmem:s28+$0x2200] =	vst v31  }
0x49: {  	[tilespmem:s28+$0x3E00] =	vst v30  }
0x4a: {  	[tilespmem:s28+$0x3A00] =	vst v29  }
.Ltmp0:
0x4b: {  	[tilespmem:s28+$0x3C00] =	vst v28;
	(pc) =	sbr.rel @p0 .LBB2_2-.Ltmp0, $4  }
0x4c: {  	[tilespmem:s28+$0x2400] =	vst v22  }
0x4d: {  	[tilespmem:s28+$0x1C00] =	vst v25  }
0x4e: {  	[tilespmem:s28+$0x3800] =	vst v27  }
0x4f: {  	[tilespmem:s28+$0x1A00] =	vst v24  }
0x50: {  	[tilespmem:s28+$0x3200] =	vst v8  }
0x51: {  	[tilespmem:s28+$0x1800] =	vst v19  }
0x52: {  	[tilespmem:s28+$0x3600] =	vst v17  }
0x53: {  	[tilespmem:s28+$0x3400] =	vst v18  }
0x54: {  	[tilespmem:s28+$0x1E00] =	vst v4  }
0x55: {  	[tilespmem:s28+$0x1400] =	vst v6  }
0x56: {  	[tilespmem:s28+$0xA00] =	vst v15  }
0x57: {  	[tilespmem:s28+$0x600] =	vst v16  }
0x58: {  	[tilespmem:s28+$0x1600] =	vst v3  }
0x59: {  	[tilespmem:s28+$0x2600] =	vst v0  }
0x5a: {  	[tilespmem:s28+$0x800] =	vst v1  }
0x5b: {  	[tilespmem:s28+$0x2800] =	vst v2  }
0x5c: {  	[tilespmem:s28+$0x2A00] =	vst v5  }
0x5d: {  	[tilespmem:s28+$0xC00] =	vst v7  }
0x5e: {  	[tilespmem:s28+$0x2C00] =	vst v9  }
0x5f: {  	[tilespmem:s28+$0xE00] =	vst v10  }
0x60: {  	[tilespmem:s28+$0x2E00] =	vst v11  }
0x61: {  	[tilespmem:s28+$0x1000] =	vst v12  }
0x62: {  	[tilespmem:s28+$0x3000] =	vst v13  }
0x63: {  	[tilespmem:s28+$0x1200] =	vst v14;
	s28 =	simm.s32 $0x400;
	s29 =	simm.s32 $0x4400  }
0x64: {  	[tilespmem:s29], [sflag:$0x1] =	stream.indirect.gather [hbm4b:s6+s14], $0x1, s28, s14, $0xb8;
	[tilespmem:$0x8A10] =	vst v63  }
0x65: {  	s28 =	simm.s32 $0x2400;
	s29 =	simm.s32 $0x6400  }
0x66: {  	[tilespmem:s29], [sflag:$0x1] =	stream.indirect.gather [hbm4b:s6+s14], $0x1, s28, s14, $0xb8;
	[tilespmem:$0x8A10] =	vst v63  }
0x67: {  	s28 =	simm.s32 $0x480;
	s29 =	simm.s32 $0x4480  }
0x68: {  	[tilespmem:s29], [sflag:$0x1] =	stream.indirect.gather [hbm4b:s6+s14], $0x1, s28, s14, $0xb8;
	[tilespmem:$0x8A10] =	vst v63  }
0x69: {  	s28 =	simm.s32 $0x2480;
	s29 =	simm.s32 $0x6480  }
0x6a: {  	[tilespmem:s29], [sflag:$0x1] =	stream.indirect.gather [hbm4b:s6+s14], $0x1, s28, s14, $0xb8;
	[tilespmem:$0x8A10] =	vst v63  }
0x6b: {  	s28 =	simm.s32 $0x500;
	s29 =	simm.s32 $0x4500  }
0x6c: {  	[tilespmem:s29], [sflag:$0x1] =	stream.indirect.gather [hbm4b:s6+s14], $0x1, s28, s14, $0xb8;
	[tilespmem:$0x8A10] =	vst v63  }
0x6d: {  	s28 =	simm.s32 $0x2500;
	s29 =	simm.s32 $0x6500  }
0x6e: {  	[tilespmem:s29], [sflag:$0x1] =	stream.indirect.gather [hbm4b:s6+s14], $0x1, s28, s14, $0xb8;
	[tilespmem:$0x8A10] =	vst v63  }
0x6f: {  	s28 =	simm.s32 $0x580;
	s29 =	simm.s32 $0x4580  }
0x70: {  	[tilespmem:s29], [sflag:$0x1] =	stream.indirect.gather [hbm4b:s6+s14], $0x1, s28, s14, $0xb8;
	[tilespmem:$0x8A10] =	vst v63  }
0x71: {  	s28 =	simm.s32 $0x2580;
	s29 =	simm.s32 $0x6580  }
0x72: {  	[tilespmem:s29], [sflag:$0x1] =	stream.indirect.gather [hbm4b:s6+s14], $0x1, s28, s14, $0xb8;
	[tilespmem:$0x8A10] =	vst v63  }
0x73: {  	s28 =	simm.s32 $0x600;
	s29 =	simm.s32 $0x4600  }
0x74: {  	[tilespmem:s29], [sflag:$0x1] =	stream.indirect.gather [hbm4b:s6+s14], $0x1, s28, s14, $0xb8;
	[tilespmem:$0x8A10] =	vst v63  }
0x75: {  	s28 =	simm.s32 $0x2600;
	s29 =	simm.s32 $0x6600  }
0x76: {  	[tilespmem:s29], [sflag:$0x1] =	stream.indirect.gather [hbm4b:s6+s14], $0x1, s28, s14, $0xb8;
	[tilespmem:$0x8A10] =	vst v63  }
0x77: {  	s28 =	simm.s32 $0x680;
	s29 =	simm.s32 $0x4680  }
0x78: {  	[tilespmem:s29], [sflag:$0x1] =	stream.indirect.gather [hbm4b:s6+s14], $0x1, s28, s14, $0xb8;
	[tilespmem:$0x8A10] =	vst v63  }
0x79: {  	s28 =	simm.s32 $0x2680;
	s29 =	simm.s32 $0x6680  }
0x7a: {  	[tilespmem:s29], [sflag:$0x1] =	stream.indirect.gather [hbm4b:s6+s14], $0x1, s28, s14, $0xb8;
	[tilespmem:$0x8A10] =	vst v63  }
0x7b: {  	s28 =	simm.s32 $0x700;
	s29 =	simm.s32 $0x4700  }
0x7c: {  	[tilespmem:s29], [sflag:$0x1] =	stream.indirect.gather [hbm4b:s6+s14], $0x1, s28, s14, $0xb8;
	[tilespmem:$0x8A10] =	vst v63  }
0x7d: {  	s28 =	simm.s32 $0x2700;
	s29 =	simm.s32 $0x6700  }
0x7e: {  	[tilespmem:s29], [sflag:$0x1] =	stream.indirect.gather [hbm4b:s6+s14], $0x1, s28, s14, $0xb8;
	[tilespmem:$0x8A10] =	vst v63  }
0x7f: {  	s28 =	simm.s32 $0x780;
	s29 =	simm.s32 $0x4780  }
0x80: {  	[tilespmem:s29], [sflag:$0x1] =	stream.indirect.gather [hbm4b:s6+s14], $0x1, s28, s14, $0xb8;
	[tilespmem:$0x8A10] =	vst v63  }
0x81: {  	s28 =	simm.s32 $0x2780;
	s29 =	simm.s32 $0x6780  }
0x82: {  	[tilespmem:s29], [sflag:$0x1] =	stream.indirect.gather [hbm4b:s6+s14], $0x1, s28, s14, $0xb8;
	[tilespmem:$0x8A10] =	vst v63  }
0x83: {  	s28 =	simm.s32 $0x800;
	s29 =	simm.s32 $0x4800  }
0x84: {  	[tilespmem:s29], [sflag:$0x1] =	stream.indirect.gather [hbm4b:s6+s14], $0x1, s28, s14, $0xb8;
	[tilespmem:$0x8A10] =	vst v63  }
0x85: {  	s28 =	simm.s32 $0x2800;
	s29 =	simm.s32 $0x6800  }
0x86: {  	[tilespmem:s29], [sflag:$0x1] =	stream.indirect.gather [hbm4b:s6+s14], $0x1, s28, s14, $0xb8;
	[tilespmem:$0x8A10] =	vst v63  }
0x87: {  	s28 =	simm.s32 $0x880;
	s29 =	simm.s32 $0x4880  }
0x88: {  	[tilespmem:s29], [sflag:$0x1] =	stream.indirect.gather [hbm4b:s6+s14], $0x1, s28, s14, $0xb8;
	[tilespmem:$0x8A10] =	vst v63  }
0x89: {  	s28 =	simm.s32 $0x2880;
	s29 =	simm.s32 $0x6880  }
0x8a: {  	[tilespmem:s29], [sflag:$0x1] =	stream.indirect.gather [hbm4b:s6+s14], $0x1, s28, s14, $0xb8;
	[tilespmem:$0x8A10] =	vst v63  }
0x8b: {  	s28 =	simm.s32 $0x900;
	s29 =	simm.s32 $0x4900  }
0x8c: {  	[tilespmem:s29], [sflag:$0x1] =	stream.indirect.gather [hbm4b:s6+s14], $0x1, s28, s14, $0xb8;
	[tilespmem:$0x8A10] =	vst v63  }
0x8d: {  	s28 =	simm.s32 $0x2900;
	s29 =	simm.s32 $0x6900  }
0x8e: {  	[tilespmem:s29], [sflag:$0x1] =	stream.indirect.gather [hbm4b:s6+s14], $0x1, s28, s14, $0xb8;
	[tilespmem:$0x8A10] =	vst v63  }
0x8f: {  	s28 =	simm.s32 $0x980;
	s29 =	simm.s32 $0x4980  }
0x90: {  	[tilespmem:s29], [sflag:$0x1] =	stream.indirect.gather [hbm4b:s6+s14], $0x1, s28, s14, $0xb8;
	[tilespmem:$0x8A10] =	vst v63  }
0x91: {  	s28 =	simm.s32 $0x2980;
	s29 =	simm.s32 $0x6980  }
0x92: {  	[tilespmem:s29], [sflag:$0x1] =	stream.indirect.gather [hbm4b:s6+s14], $0x1, s28, s14, $0xb8;
	[tilespmem:$0x8A10] =	vst v63  }
0x93: {  	s28 =	simm.s32 $0xA00;
	s29 =	simm.s32 $0x4A00  }
0x94: {  	[tilespmem:s29], [sflag:$0x1] =	stream.indirect.gather [hbm4b:s6+s14], $0x1, s28, s14, $0xb8;
	[tilespmem:$0x8A10] =	vst v63  }
0x95: {  	s28 =	simm.s32 $0x2A00;
	s29 =	simm.s32 $0x6A00  }
0x96: {  	[tilespmem:s29], [sflag:$0x1] =	stream.indirect.gather [hbm4b:s6+s14], $0x1, s28, s14, $0xb8;
	[tilespmem:$0x8A10] =	vst v63  }
0x97: {  	s28 =	simm.s32 $0xA80;
	s29 =	simm.s32 $0x4A80  }
0x98: {  	[tilespmem:s29], [sflag:$0x1] =	stream.indirect.gather [hbm4b:s6+s14], $0x1, s28, s14, $0xb8;
	[tilespmem:$0x8A10] =	vst v63  }
0x99: {  	s28 =	simm.s32 $0x2A80;
	s29 =	simm.s32 $0x6A80  }
0x9a: {  	[tilespmem:s29], [sflag:$0x1] =	stream.indirect.gather [hbm4b:s6+s14], $0x1, s28, s14, $0xb8;
	[tilespmem:$0x8A10] =	vst v63  }
0x9b: {  	s28 =	simm.s32 $0xB00;
	s29 =	simm.s32 $0x4B00  }
0x9c: {  	[tilespmem:s29], [sflag:$0x1] =	stream.indirect.gather [hbm4b:s6+s14], $0x1, s28, s14, $0xb8;
	[tilespmem:$0x8A10] =	vst v63  }
0x9d: {  	s28 =	simm.s32 $0x2B00;
	s29 =	simm.s32 $0x6B00  }
0x9e: {  	[tilespmem:s29], [sflag:$0x1] =	stream.indirect.gather [hbm4b:s6+s14], $0x1, s28, s14, $0xb8;
	[tilespmem:$0x8A10] =	vst v63  }
0x9f: {  	s28 =	simm.s32 $0xB80;
	s29 =	simm.s32 $0x4B80  }
0xa0: {  	[tilespmem:s29], [sflag:$0x1] =	stream.indirect.gather [hbm4b:s6+s14], $0x1, s28, s14, $0xb8;
	[tilespmem:$0x8A10] =	vst v63  }
0xa1: {  	s28 =	simm.s32 $0x2B80;
	s29 =	simm.s32 $0x6B80  }
0xa2: {  	[tilespmem:s29], [sflag:$0x1] =	stream.indirect.gather [hbm4b:s6+s14], $0x1, s28, s14, $0xb8;
	[tilespmem:$0x8A10] =	vst v63  }
0xa3: {  	s28 =	simm.s32 $0xC00;
	s29 =	simm.s32 $0x4C00  }
0xa4: {  	[tilespmem:s29], [sflag:$0x1] =	stream.indirect.gather [hbm4b:s6+s14], $0x1, s28, s14, $0xb8;
	[tilespmem:$0x8A10] =	vst v63  }
0xa5: {  	s28 =	simm.s32 $0x2C00;
	s29 =	simm.s32 $0x6C00  }
0xa6: {  	[tilespmem:s29], [sflag:$0x1] =	stream.indirect.gather [hbm4b:s6+s14], $0x1, s28, s14, $0xb8;
	[tilespmem:$0x8A10] =	vst v63  }
0xa7: {  	s28 =	simm.s32 $0xC80;
	s29 =	simm.s32 $0x4C80  }
0xa8: {  	[tilespmem:s29], [sflag:$0x1] =	stream.indirect.gather [hbm4b:s6+s14], $0x1, s28, s14, $0xb8;
	[tilespmem:$0x8A10] =	vst v63  }
0xa9: {  	s28 =	simm.s32 $0x2C80;
	s29 =	simm.s32 $0x6C80  }
0xaa: {  	[tilespmem:s29], [sflag:$0x1] =	stream.indirect.gather [hbm4b:s6+s14], $0x1, s28, s14, $0xb8;
	[tilespmem:$0x8A10] =	vst v63  }
0xab: {  	s28 =	simm.s32 $0xD00;
	s29 =	simm.s32 $0x4D00  }
0xac: {  	[tilespmem:s29], [sflag:$0x1] =	stream.indirect.gather [hbm4b:s6+s14], $0x1, s28, s14, $0xb8;
	[tilespmem:$0x8A10] =	vst v63  }
0xad: {  	s28 =	simm.s32 $0x2D00;
	s29 =	simm.s32 $0x6D00  }
0xae: {  	[tilespmem:s29], [sflag:$0x1] =	stream.indirect.gather [hbm4b:s6+s14], $0x1, s28, s14, $0xb8;
	[tilespmem:$0x8A10] =	vst v63  }
0xaf: {  	s28 =	simm.s32 $0xD80;
	s29 =	simm.s32 $0x4D80  }
0xb0: {  	[tilespmem:s29], [sflag:$0x1] =	stream.indirect.gather [hbm4b:s6+s14], $0x1, s28, s14, $0xb8;
	[tilespmem:$0x8A10] =	vst v63  }
0xb1: {  	s28 =	simm.s32 $0x2D80;
	s29 =	simm.s32 $0x6D80  }
0xb2: {  	[tilespmem:s29], [sflag:$0x1] =	stream.indirect.gather [hbm4b:s6+s14], $0x1, s28, s14, $0xb8;
	[tilespmem:$0x8A10] =	vst v63  }
0xb3: {  	s28 =	simm.s32 $0xE00;
	s29 =	simm.s32 $0x4E00  }
0xb4: {  	[tilespmem:s29], [sflag:$0x1] =	stream.indirect.gather [hbm4b:s6+s14], $0x1, s28, s14, $0xb8;
	[tilespmem:$0x8A10] =	vst v63  }
0xb5: {  	s28 =	simm.s32 $0x2E00;
	s29 =	simm.s32 $0x6E00  }
0xb6: {  	[tilespmem:s29], [sflag:$0x1] =	stream.indirect.gather [hbm4b:s6+s14], $0x1, s28, s14, $0xb8;
	[tilespmem:$0x8A10] =	vst v63  }
0xb7: {  	s28 =	simm.s32 $0xE80;
	s29 =	simm.s32 $0x4E80  }
0xb8: {  	[tilespmem:s29], [sflag:$0x1] =	stream.indirect.gather [hbm4b:s6+s14], $0x1, s28, s14, $0xb8;
	[tilespmem:$0x8A10] =	vst v63  }
0xb9: {  	s28 =	simm.s32 $0x2E80;
	s29 =	simm.s32 $0x6E80  }
0xba: {  	[tilespmem:s29], [sflag:$0x1] =	stream.indirect.gather [hbm4b:s6+s14], $0x1, s28, s14, $0xb8;
	[tilespmem:$0x8A10] =	vst v63  }
0xbb: {  	s28 =	simm.s32 $0xF00;
	s29 =	simm.s32 $0x4F00  }
0xbc: {  	[tilespmem:s29], [sflag:$0x1] =	stream.indirect.gather [hbm4b:s6+s14], $0x1, s28, s14, $0xb8;
	[tilespmem:$0x8A10] =	vst v63  }
0xbd: {  	s28 =	simm.s32 $0x2F00;
	s29 =	simm.s32 $0x6F00  }
0xbe: {  	[tilespmem:s29], [sflag:$0x1] =	stream.indirect.gather [hbm4b:s6+s14], $0x1, s28, s14, $0xb8;
	[tilespmem:$0x8A10] =	vst v63  }
0xbf: {  	s28 =	simm.s32 $0xF80;
	s29 =	simm.s32 $0x4F80  }
0xc0: {  	[tilespmem:s29], [sflag:$0x1] =	stream.indirect.gather [hbm4b:s6+s14], $0x1, s28, s14, $0xb8;
	[tilespmem:$0x8A10] =	vst v63  }
0xc1: {  	s28 =	simm.s32 $0x2F80;
	s29 =	simm.s32 $0x6F80  }
0xc2: {  	[tilespmem:s29], [sflag:$0x1] =	stream.indirect.gather [hbm4b:s6+s14], $0x1, s28, s14, $0xb8;
	[tilespmem:$0x8A10] =	vst v63  }
0xc3: {  	s28 =	simm.s32 $0x1000;
	s29 =	simm.s32 $0x5000  }
0xc4: {  	[tilespmem:s29], [sflag:$0x1] =	stream.indirect.gather [hbm4b:s6+s14], $0x1, s28, s14, $0xb8;
	[tilespmem:$0x8A10] =	vst v63  }
0xc5: {  	s28 =	simm.s32 $0x3000;
	s29 =	simm.s32 $0x7000  }
0xc6: {  	[tilespmem:s29], [sflag:$0x1] =	stream.indirect.gather [hbm4b:s6+s14], $0x1, s28, s14, $0xb8;
	[tilespmem:$0x8A10] =	vst v63  }
0xc7: {  	s28 =	simm.s32 $0x1080;
	s29 =	simm.s32 $0x5080  }
0xc8: {  	[tilespmem:s29], [sflag:$0x1] =	stream.indirect.gather [hbm4b:s6+s14], $0x1, s28, s14, $0xb8;
	[tilespmem:$0x8A10] =	vst v63  }
0xc9: {  	s28 =	simm.s32 $0x3080;
	s29 =	simm.s32 $0x7080  }
0xca: {  	[tilespmem:s29], [sflag:$0x1] =	stream.indirect.gather [hbm4b:s6+s14], $0x1, s28, s14, $0xb8;
	[tilespmem:$0x8A10] =	vst v63  }
0xcb: {  	s28 =	simm.s32 $0x1100;
	s29 =	simm.s32 $0x5100  }
0xcc: {  	[tilespmem:s29], [sflag:$0x1] =	stream.indirect.gather [hbm4b:s6+s14], $0x1, s28, s14, $0xb8;
	[tilespmem:$0x8A10] =	vst v63  }
0xcd: {  	s28 =	simm.s32 $0x3100;
	s29 =	simm.s32 $0x7100  }
0xce: {  	[tilespmem:s29], [sflag:$0x1] =	stream.indirect.gather [hbm4b:s6+s14], $0x1, s28, s14, $0xb8;
	[tilespmem:$0x8A10] =	vst v63  }
0xcf: {  	s28 =	simm.s32 $0x1180;
	s29 =	simm.s32 $0x5180  }
0xd0: {  	[tilespmem:s29], [sflag:$0x1] =	stream.indirect.gather [hbm4b:s6+s14], $0x1, s28, s14, $0xb8;
	[tilespmem:$0x8A10] =	vst v63  }
0xd1: {  	s28 =	simm.s32 $0x3180;
	s29 =	simm.s32 $0x7180  }
0xd2: {  	[tilespmem:s29], [sflag:$0x1] =	stream.indirect.gather [hbm4b:s6+s14], $0x1, s28, s14, $0xb8;
	[tilespmem:$0x8A10] =	vst v63  }
0xd3: {  	s28 =	simm.s32 $0x1200;
	s29 =	simm.s32 $0x5200  }
0xd4: {  	[tilespmem:s29], [sflag:$0x1] =	stream.indirect.gather [hbm4b:s6+s14], $0x1, s28, s14, $0xb8;
	[tilespmem:$0x8A10] =	vst v63  }
0xd5: {  	s28 =	simm.s32 $0x3200;
	s29 =	simm.s32 $0x7200  }
0xd6: {  	[tilespmem:s29], [sflag:$0x1] =	stream.indirect.gather [hbm4b:s6+s14], $0x1, s28, s14, $0xb8;
	[tilespmem:$0x8A10] =	vst v63  }
0xd7: {  	s28 =	simm.s32 $0x1280;
	s29 =	simm.s32 $0x5280  }
0xd8: {  	[tilespmem:s29], [sflag:$0x1] =	stream.indirect.gather [hbm4b:s6+s14], $0x1, s28, s14, $0xb8;
	[tilespmem:$0x8A10] =	vst v63  }
0xd9: {  	s28 =	simm.s32 $0x3280;
	s29 =	simm.s32 $0x7280  }
0xda: {  	[tilespmem:s29], [sflag:$0x1] =	stream.indirect.gather [hbm4b:s6+s14], $0x1, s28, s14, $0xb8;
	[tilespmem:$0x8A10] =	vst v63  }
0xdb: {  	s28 =	simm.s32 $0x1300;
	s29 =	simm.s32 $0x5300  }
0xdc: {  	[tilespmem:s29], [sflag:$0x1] =	stream.indirect.gather [hbm4b:s6+s14], $0x1, s28, s14, $0xb8;
	[tilespmem:$0x8A10] =	vst v63  }
0xdd: {  	s28 =	simm.s32 $0x3300;
	s29 =	simm.s32 $0x7300  }
0xde: {  	[tilespmem:s29], [sflag:$0x1] =	stream.indirect.gather [hbm4b:s6+s14], $0x1, s28, s14, $0xb8;
	[tilespmem:$0x8A10] =	vst v63  }
0xdf: {  	s28 =	simm.s32 $0x1380;
	s29 =	simm.s32 $0x5380  }
0xe0: {  	[tilespmem:s29], [sflag:$0x1] =	stream.indirect.gather [hbm4b:s6+s14], $0x1, s28, s14, $0xb8;
	[tilespmem:$0x8A10] =	vst v63  }
0xe1: {  	s28 =	simm.s32 $0x3380;
	s29 =	simm.s32 $0x7380  }
0xe2: {  	[tilespmem:s29], [sflag:$0x1] =	stream.indirect.gather [hbm4b:s6+s14], $0x1, s28, s14, $0xb8;
	[tilespmem:$0x8A10] =	vst v63  }
0xe3: {  	s28 =	simm.s32 $0x1400;
	s29 =	simm.s32 $0x5400  }
0xe4: {  	[tilespmem:s29], [sflag:$0x1] =	stream.indirect.gather [hbm4b:s6+s14], $0x1, s28, s14, $0xb8;
	[tilespmem:$0x8A10] =	vst v63  }
0xe5: {  	s28 =	simm.s32 $0x3400;
	s29 =	simm.s32 $0x7400  }
0xe6: {  	[tilespmem:s29], [sflag:$0x1] =	stream.indirect.gather [hbm4b:s6+s14], $0x1, s28, s14, $0xb8;
	[tilespmem:$0x8A10] =	vst v63  }
0xe7: {  	s28 =	simm.s32 $0x1480;
	s29 =	simm.s32 $0x5480  }
0xe8: {  	[tilespmem:s29], [sflag:$0x1] =	stream.indirect.gather [hbm4b:s6+s14], $0x1, s28, s14, $0xb8;
	[tilespmem:$0x8A10] =	vst v63  }
0xe9: {  	s28 =	simm.s32 $0x3480;
	s29 =	simm.s32 $0x7480  }
0xea: {  	[tilespmem:s29], [sflag:$0x1] =	stream.indirect.gather [hbm4b:s6+s14], $0x1, s28, s14, $0xb8;
	[tilespmem:$0x8A10] =	vst v63  }
0xeb: {  	s28 =	simm.s32 $0x1500;
	s29 =	simm.s32 $0x5500  }
0xec: {  	[tilespmem:s29], [sflag:$0x1] =	stream.indirect.gather [hbm4b:s6+s14], $0x1, s28, s14, $0xb8;
	[tilespmem:$0x8A10] =	vst v63  }
0xed: {  	s28 =	simm.s32 $0x3500;
	s29 =	simm.s32 $0x7500  }
0xee: {  	[tilespmem:s29], [sflag:$0x1] =	stream.indirect.gather [hbm4b:s6+s14], $0x1, s28, s14, $0xb8;
	[tilespmem:$0x8A10] =	vst v63  }
0xef: {  	s28 =	simm.s32 $0x1580;
	s29 =	simm.s32 $0x5580  }
0xf0: {  	[tilespmem:s29], [sflag:$0x1] =	stream.indirect.gather [hbm4b:s6+s14], $0x1, s28, s14, $0xb8;
	[tilespmem:$0x8A10] =	vst v63  }
0xf1: {  	s28 =	simm.s32 $0x3580;
	s29 =	simm.s32 $0x7580  }
0xf2: {  	[tilespmem:s29], [sflag:$0x1] =	stream.indirect.gather [hbm4b:s6+s14], $0x1, s28, s14, $0xb8;
	[tilespmem:$0x8A10] =	vst v63  }
0xf3: {  	s28 =	simm.s32 $0x1600;
	s29 =	simm.s32 $0x5600  }
0xf4: {  	[tilespmem:s29], [sflag:$0x1] =	stream.indirect.gather [hbm4b:s6+s14], $0x1, s28, s14, $0xb8;
	[tilespmem:$0x8A10] =	vst v63  }
0xf5: {  	s28 =	simm.s32 $0x3600;
	s29 =	simm.s32 $0x7600  }
0xf6: {  	[tilespmem:s29], [sflag:$0x1] =	stream.indirect.gather [hbm4b:s6+s14], $0x1, s28, s14, $0xb8;
	[tilespmem:$0x8A10] =	vst v63  }
0xf7: {  	s28 =	simm.s32 $0x1680;
	s29 =	simm.s32 $0x5680  }
0xf8: {  	[tilespmem:s29], [sflag:$0x1] =	stream.indirect.gather [hbm4b:s6+s14], $0x1, s28, s14, $0xb8;
	[tilespmem:$0x8A10] =	vst v63  }
0xf9: {  	s28 =	simm.s32 $0x3680;
	s29 =	simm.s32 $0x7680  }
0xfa: {  	[tilespmem:s29], [sflag:$0x1] =	stream.indirect.gather [hbm4b:s6+s14], $0x1, s28, s14, $0xb8;
	[tilespmem:$0x8A10] =	vst v63  }
0xfb: {  	s28 =	simm.s32 $0x1700;
	s29 =	simm.s32 $0x5700  }
0xfc: {  	[tilespmem:s29], [sflag:$0x1] =	stream.indirect.gather [hbm4b:s6+s14], $0x1, s28, s14, $0xb8;
	[tilespmem:$0x8A10] =	vst v63  }
0xfd: {  	s28 =	simm.s32 $0x3700;
	s29 =	simm.s32 $0x7700  }
0xfe: {  	[tilespmem:s29], [sflag:$0x1] =	stream.indirect.gather [hbm4b:s6+s14], $0x1, s28, s14, $0xb8;
	[tilespmem:$0x8A10] =	vst v63  }
0xff: {  	s28 =	simm.s32 $0x1780;
	s29 =	simm.s32 $0x5780  }
0x100: {  	[tilespmem:s29], [sflag:$0x1] =	stream.indirect.gather [hbm4b:s6+s14], $0x1, s28, s14, $0xb8;
	[tilespmem:$0x8A10] =	vst v63  }
0x101: {  	s28 =	simm.s32 $0x3780;
	s29 =	simm.s32 $0x7780  }
0x102: {  	[tilespmem:s29], [sflag:$0x1] =	stream.indirect.gather [hbm4b:s6+s14], $0x1, s28, s14, $0xb8;
	[tilespmem:$0x8A10] =	vst v63  }
0x103: {  	s28 =	simm.s32 $0x1800;
	s29 =	simm.s32 $0x5800  }
0x104: {  	[tilespmem:s29], [sflag:$0x1] =	stream.indirect.gather [hbm4b:s6+s14], $0x1, s28, s14, $0xb8;
	[tilespmem:$0x8A10] =	vst v63  }
0x105: {  	s28 =	simm.s32 $0x3800;
	s29 =	simm.s32 $0x7800  }
0x106: {  	[tilespmem:s29], [sflag:$0x1] =	stream.indirect.gather [hbm4b:s6+s14], $0x1, s28, s14, $0xb8;
	[tilespmem:$0x8A10] =	vst v63  }
0x107: {  	s28 =	simm.s32 $0x1880;
	s29 =	simm.s32 $0x5880  }
0x108: {  	[tilespmem:s29], [sflag:$0x1] =	stream.indirect.gather [hbm4b:s6+s14], $0x1, s28, s14, $0xb8;
	[tilespmem:$0x8A10] =	vst v63  }
0x109: {  	s28 =	simm.s32 $0x3880;
	s29 =	simm.s32 $0x7880  }
0x10a: {  	[tilespmem:s29], [sflag:$0x1] =	stream.indirect.gather [hbm4b:s6+s14], $0x1, s28, s14, $0xb8;
	[tilespmem:$0x8A10] =	vst v63  }
0x10b: {  	s28 =	simm.s32 $0x1900;
	s29 =	simm.s32 $0x5900  }
0x10c: {  	[tilespmem:s29], [sflag:$0x1] =	stream.indirect.gather [hbm4b:s6+s14], $0x1, s28, s14, $0xb8;
	[tilespmem:$0x8A10] =	vst v63  }
0x10d: {  	s28 =	simm.s32 $0x3900;
	s29 =	simm.s32 $0x7900  }
0x10e: {  	[tilespmem:s29], [sflag:$0x1] =	stream.indirect.gather [hbm4b:s6+s14], $0x1, s28, s14, $0xb8;
	[tilespmem:$0x8A10] =	vst v63  }
0x10f: {  	s28 =	simm.s32 $0x1980;
	s29 =	simm.s32 $0x5980  }
0x110: {  	[tilespmem:s29], [sflag:$0x1] =	stream.indirect.gather [hbm4b:s6+s14], $0x1, s28, s14, $0xb8;
	[tilespmem:$0x8A10] =	vst v63  }
0x111: {  	s28 =	simm.s32 $0x3980;
	s29 =	simm.s32 $0x7980  }
0x112: {  	[tilespmem:s29], [sflag:$0x1] =	stream.indirect.gather [hbm4b:s6+s14], $0x1, s28, s14, $0xb8;
	[tilespmem:$0x8A10] =	vst v63  }
0x113: {  	s28 =	simm.s32 $0x1A00;
	s29 =	simm.s32 $0x5A00  }
0x114: {  	[tilespmem:s29], [sflag:$0x1] =	stream.indirect.gather [hbm4b:s6+s14], $0x1, s28, s14, $0xb8;
	[tilespmem:$0x8A10] =	vst v63  }
0x115: {  	s28 =	simm.s32 $0x3A00;
	s29 =	simm.s32 $0x7A00  }
0x116: {  	[tilespmem:s29], [sflag:$0x1] =	stream.indirect.gather [hbm4b:s6+s14], $0x1, s28, s14, $0xb8;
	[tilespmem:$0x8A10] =	vst v63  }
0x117: {  	s28 =	simm.s32 $0x1A80;
	s29 =	simm.s32 $0x5A80  }
0x118: {  	[tilespmem:s29], [sflag:$0x1] =	stream.indirect.gather [hbm4b:s6+s14], $0x1, s28, s14, $0xb8;
	[tilespmem:$0x8A10] =	vst v63  }
0x119: {  	s28 =	simm.s32 $0x3A80;
	s29 =	simm.s32 $0x7A80  }
0x11a: {  	[tilespmem:s29], [sflag:$0x1] =	stream.indirect.gather [hbm4b:s6+s14], $0x1, s28, s14, $0xb8;
	[tilespmem:$0x8A10] =	vst v63  }
0x11b: {  	s28 =	simm.s32 $0x1B00;
	s29 =	simm.s32 $0x5B00  }
0x11c: {  	[tilespmem:s29], [sflag:$0x1] =	stream.indirect.gather [hbm4b:s6+s14], $0x1, s28, s14, $0xb8;
	[tilespmem:$0x8A10] =	vst v63  }
0x11d: {  	s28 =	simm.s32 $0x3B00;
	s29 =	simm.s32 $0x7B00  }
0x11e: {  	[tilespmem:s29], [sflag:$0x1] =	stream.indirect.gather [hbm4b:s6+s14], $0x1, s28, s14, $0xb8;
	[tilespmem:$0x8A10] =	vst v63  }
0x11f: {  	s28 =	simm.s32 $0x1B80;
	s29 =	simm.s32 $0x5B80  }
0x120: {  	[tilespmem:s29], [sflag:$0x1] =	stream.indirect.gather [hbm4b:s6+s14], $0x1, s28, s14, $0xb8;
	[tilespmem:$0x8A10] =	vst v63  }
0x121: {  	s28 =	simm.s32 $0x3B80;
	s29 =	simm.s32 $0x7B80  }
0x122: {  	[tilespmem:s29], [sflag:$0x1] =	stream.indirect.gather [hbm4b:s6+s14], $0x1, s28, s14, $0xb8;
	[tilespmem:$0x8A10] =	vst v63  }
0x123: {  	s28 =	simm.s32 $0x1C00;
	s29 =	simm.s32 $0x5C00  }
0x124: {  	[tilespmem:s29], [sflag:$0x1] =	stream.indirect.gather [hbm4b:s6+s14], $0x1, s28, s14, $0xb8;
	[tilespmem:$0x8A10] =	vst v63  }
0x125: {  	s28 =	simm.s32 $0x3C00;
	s29 =	simm.s32 $0x7C00  }
0x126: {  	[tilespmem:s29], [sflag:$0x1] =	stream.indirect.gather [hbm4b:s6+s14], $0x1, s28, s14, $0xb8;
	[tilespmem:$0x8A10] =	vst v63  }
0x127: {  	s28 =	simm.s32 $0x1C80;
	s29 =	simm.s32 $0x5C80  }
0x128: {  	[tilespmem:s29], [sflag:$0x1] =	stream.indirect.gather [hbm4b:s6+s14], $0x1, s28, s14, $0xb8;
	[tilespmem:$0x8A10] =	vst v63  }
0x129: {  	s28 =	simm.s32 $0x3C80;
	s29 =	simm.s32 $0x7C80  }
0x12a: {  	[tilespmem:s29], [sflag:$0x1] =	stream.indirect.gather [hbm4b:s6+s14], $0x1, s28, s14, $0xb8;
	[tilespmem:$0x8A10] =	vst v63  }
0x12b: {  	s28 =	simm.s32 $0x1D00;
	s29 =	simm.s32 $0x5D00  }
0x12c: {  	[tilespmem:s29], [sflag:$0x1] =	stream.indirect.gather [hbm4b:s6+s14], $0x1, s28, s14, $0xb8;
	[tilespmem:$0x8A10] =	vst v63  }
0x12d: {  	s28 =	simm.s32 $0x3D00;
	s29 =	simm.s32 $0x7D00  }
0x12e: {  	[tilespmem:s29], [sflag:$0x1] =	stream.indirect.gather [hbm4b:s6+s14], $0x1, s28, s14, $0xb8;
	[tilespmem:$0x8A10] =	vst v63  }
0x12f: {  	s28 =	simm.s32 $0x1D80;
	s29 =	simm.s32 $0x5D80  }
0x130: {  	[tilespmem:s29], [sflag:$0x1] =	stream.indirect.gather [hbm4b:s6+s14], $0x1, s28, s14, $0xb8;
	[tilespmem:$0x8A10] =	vst v63  }
0x131: {  	s28 =	simm.s32 $0x3D80;
	s29 =	simm.s32 $0x7D80  }
0x132: {  	[tilespmem:s29], [sflag:$0x1] =	stream.indirect.gather [hbm4b:s6+s14], $0x1, s28, s14, $0xb8;
	[tilespmem:$0x8A10] =	vst v63  }
0x133: {  	s28 =	simm.s32 $0x1E00;
	s29 =	simm.s32 $0x5E00  }
0x134: {  	[tilespmem:s29], [sflag:$0x1] =	stream.indirect.gather [hbm4b:s6+s14], $0x1, s28, s14, $0xb8;
	[tilespmem:$0x8A10] =	vst v63  }
0x135: {  	s28 =	simm.s32 $0x3E00;
	s29 =	simm.s32 $0x7E00  }
0x136: {  	[tilespmem:s29], [sflag:$0x1] =	stream.indirect.gather [hbm4b:s6+s14], $0x1, s28, s14, $0xb8;
	[tilespmem:$0x8A10] =	vst v63  }
0x137: {  	s28 =	simm.s32 $0x1E80;
	s29 =	simm.s32 $0x5E80  }
0x138: {  	[tilespmem:s29], [sflag:$0x1] =	stream.indirect.gather [hbm4b:s6+s14], $0x1, s28, s14, $0xb8;
	[tilespmem:$0x8A10] =	vst v63  }
0x139: {  	s28 =	simm.s32 $0x3E80;
	s29 =	simm.s32 $0x7E80  }
0x13a: {  	[tilespmem:s29], [sflag:$0x1] =	stream.indirect.gather [hbm4b:s6+s14], $0x1, s28, s14, $0xb8;
	[tilespmem:$0x8A10] =	vst v63  }
0x13b: {  	s28 =	simm.s32 $0x1F00;
	s29 =	simm.s32 $0x5F00  }
0x13c: {  	[tilespmem:s29], [sflag:$0x1] =	stream.indirect.gather [hbm4b:s6+s14], $0x1, s28, s14, $0xb8;
	[tilespmem:$0x8A10] =	vst v63  }
0x13d: {  	s28 =	simm.s32 $0x3F00;
	s29 =	simm.s32 $0x7F00  }
0x13e: {  	[tilespmem:s29], [sflag:$0x1] =	stream.indirect.gather [hbm4b:s6+s14], $0x1, s28, s14, $0xb8;
	[tilespmem:$0x8A10] =	vst v63  }
0x13f: {  	s28 =	simm.s32 $0x1F80;
	s29 =	simm.s32 $0x5F80  }
0x140: {  	[tilespmem:s29], [sflag:$0x1] =	stream.indirect.gather [hbm4b:s6+s14], $0x1, s28, s14, $0xb8;
	[tilespmem:$0x8A10] =	vst v63  }
0x141: {  	s28 =	simm.s32 $0x3F80;
	s29 =	simm.s32 $0x7F80  }
0x142: {  	[tilespmem:s29], [sflag:$0x1] =	stream.indirect.gather [hbm4b:s6+s14], $0x1, s28, s14, $0xb8;
	[tilespmem:$0x8A10] =	vst v63  }
0x143: {  	s28 =	simm.s32 $0x2000;
	s29 =	simm.s32 $0x6000  }
0x144: {  	[tilespmem:s29], [sflag:$0x1] =	stream.indirect.gather [hbm4b:s6+s14], $0x1, s28, s14, $0xb8;
	[tilespmem:$0x8A10] =	vst v63  }
0x145: {  	s28 =	simm.s32 $0x4000;
	s29 =	simm.s32 $0x8000  }
0x146: {  	[tilespmem:s29], [sflag:$0x1] =	stream.indirect.gather [hbm4b:s6+s14], $0x1, s28, s14, $0xb8;
	[tilespmem:$0x8A10] =	vst v63  }
0x147: {  	s28 =	simm.s32 $0x2080;
	s29 =	simm.s32 $0x6080  }
0x148: {  	[tilespmem:s29], [sflag:$0x1] =	stream.indirect.gather [hbm4b:s6+s14], $0x1, s28, s14, $0xb8;
	[tilespmem:$0x8A10] =	vst v63  }
0x149: {  	s28 =	simm.s32 $0x4080;
	s29 =	simm.s32 $0x8080  }
0x14a: {  	[tilespmem:s29], [sflag:$0x1] =	stream.indirect.gather [hbm4b:s6+s14], $0x1, s28, s14, $0xb8;
	[tilespmem:$0x8A10] =	vst v63  }
0x14b: {  	s28 =	simm.s32 $0x2100;
	s29 =	simm.s32 $0x6100  }
0x14c: {  	[tilespmem:s29], [sflag:$0x1] =	stream.indirect.gather [hbm4b:s6+s14], $0x1, s28, s14, $0xb8;
	[tilespmem:$0x8A10] =	vst v63  }
0x14d: {  	s28 =	simm.s32 $0x4100;
	s29 =	simm.s32 $0x8100  }
0x14e: {  	[tilespmem:s29], [sflag:$0x1] =	stream.indirect.gather [hbm4b:s6+s14], $0x1, s28, s14, $0xb8;
	[tilespmem:$0x8A10] =	vst v63  }
0x14f: {  	s28 =	simm.s32 $0x2180;
	s29 =	simm.s32 $0x6180  }
0x150: {  	[tilespmem:s29], [sflag:$0x1] =	stream.indirect.gather [hbm4b:s6+s14], $0x1, s28, s14, $0xb8;
	[tilespmem:$0x8A10] =	vst v63  }
0x151: {  	s28 =	simm.s32 $0x4180;
	s29 =	simm.s32 $0x8180  }
0x152: {  	[tilespmem:s29], [sflag:$0x1] =	stream.indirect.gather [hbm4b:s6+s14], $0x1, s28, s14, $0xb8;
	[tilespmem:$0x8A10] =	vst v63  }
0x153: {  	s28 =	simm.s32 $0x2200;
	s29 =	simm.s32 $0x6200  }
0x154: {  	[tilespmem:s29], [sflag:$0x1] =	stream.indirect.gather [hbm4b:s6+s14], $0x1, s28, s14, $0xb8;
	[tilespmem:$0x8A10] =	vst v63  }
0x155: {  	s28 =	simm.s32 $0x4200;
	s29 =	simm.s32 $0x8200  }
0x156: {  	[tilespmem:s29], [sflag:$0x1] =	stream.indirect.gather [hbm4b:s6+s14], $0x1, s28, s14, $0xb8;
	[tilespmem:$0x8A10] =	vst v63  }
0x157: {  	s28 =	simm.s32 $0x2280;
	s29 =	simm.s32 $0x6280  }
0x158: {  	[tilespmem:s29], [sflag:$0x1] =	stream.indirect.gather [hbm4b:s6+s14], $0x1, s28, s14, $0xb8;
	[tilespmem:$0x8A10] =	vst v63  }
0x159: {  	s28 =	simm.s32 $0x4280;
	s29 =	simm.s32 $0x8280  }
0x15a: {  	[tilespmem:s29], [sflag:$0x1] =	stream.indirect.gather [hbm4b:s6+s14], $0x1, s28, s14, $0xb8;
	[tilespmem:$0x8A10] =	vst v63  }
0x15b: {  	s28 =	simm.s32 $0x2300;
	s29 =	simm.s32 $0x6300  }
0x15c: {  	[tilespmem:s29], [sflag:$0x1] =	stream.indirect.gather [hbm4b:s6+s14], $0x1, s28, s14, $0xb8;
	[tilespmem:$0x8A10] =	vst v63  }
0x15d: {  	s28 =	simm.s32 $0x4300;
	s29 =	simm.s32 $0x8300  }
0x15e: {  	[tilespmem:s29], [sflag:$0x1] =	stream.indirect.gather [hbm4b:s6+s14], $0x1, s28, s14, $0xb8;
	[tilespmem:$0x8A10] =	vst v63  }
0x15f: {  	s28 =	simm.s32 $0x2380;
	s29 =	simm.s32 $0x6380  }
0x160: {  	[tilespmem:s29], [sflag:$0x1] =	stream.indirect.gather [hbm4b:s6+s14], $0x1, s28, s14, $0xb8;
	[tilespmem:$0x8A10] =	vst v63  }
0x161: {  	s28 =	simm.s32 $0x4380  }
0x162: {  	[tilespmem:s31], [sflag:$0x1] =	stream.indirect.gather [hbm4b:s6+s14], $0x1, s28, s14, $0xb8;
	[tilespmem:$0x8A10] =	vst v63  }
0x163: {  	s28 =	simm.s32 $0x0  }
0x164: {  	[tilespmem:s0], [sflag:$0x1] =	stream.indirect.gather [hbm4b:s1+s14], $0x1, s28, s14, $0xb8;
	[tilespmem:$0x8A10] =	vst v63  }
0x165: {  	_ = 	snop  }
0x166: {  	[tilespmem:s4], [sflag:$0x1] =	stream.indirect.gather [hbm4b:s2+s14], $0x1, s12, s14, $0xb8;
	[tilespmem:$0x8A10] =	vst v63  }
0x167: {  	_ = 	snop  }
0x168: {  	[tilespmem:s3], [sflag:$0x1] =	stream.indirect.gather [hbm4b:s1+s14], $0x1, s14, s14, $0xb8;
	[tilespmem:$0x8A10] =	vst v63  }
0x169: {  	_ = 	snop  }
0x16a: {  	[tilespmem:s15], [sflag:$0x1] =	stream.indirect.gather [hbm4b:s2+s14], $0x1, s13, s14, $0xb8;
	[tilespmem:$0x8A10] =	vst v63  }
0x16b: {  	_ = 	snop  }
0x16c: {  	[tilespmem:s17], [sflag:$0x1] =	stream.indirect.gather [hbm4b:s1+s14], $0x1, s16, s14, $0xb8;
	[tilespmem:$0x8A10] =	vst v63  }
0x16d: {  	_ = 	snop  }
0x16e: {  	[tilespmem:s19], [sflag:$0x1] =	stream.indirect.gather [hbm4b:s2+s14], $0x1, s18, s14, $0xb8;
	[tilespmem:$0x8A10] =	vst v63  }
0x16f: {  	_ = 	snop  }
0x170: {  	[tilespmem:s21], [sflag:$0x1] =	stream.indirect.gather [hbm4b:s1+s14], $0x1, s20, s14, $0xb8;
	[tilespmem:$0x8A10] =	vst v63  }
0x171: {  	_ = 	snop  }
0x172: {  	[tilespmem:s23], [sflag:$0x1] =	stream.indirect.gather [hbm4b:s2+s14], $0x1, s22, s14, $0xb8;
	[tilespmem:$0x8A10] =	vst v63  }
0x173: {  	_ =	swait.ge [sflag:s24], $0x2000  }
0x174: {  	[sflag:s24] =	ssyncset.done $0x0  }
0x175: {  	[sflag:s24] =	ssyncadd.s32 $0xFFFFE000  }
0x176: {  	_ =	swait.ge [sflag:s24], $0x2000  }
0x177: {  	[sflag:s24] =	ssyncset.done $0x0  }
0x178: {  	[sflag:s24] =	ssyncadd.s32 $0xFFFFE000  }
0x179: {  	_ =	swait.ge [sflag:s24], $0x200  }
0x17a: {  	[sflag:s24] =	ssyncset.done $0x0  }
0x17b: {  	[sflag:s24] =	ssyncadd.s32 $0xFFFFFE00  }
0x17c: {  	_ =	swait.ge [sflag:s24], $0x200  }
0x17d: {  	[sflag:s24] =	ssyncset.done $0x0  }
0x17e: {  	[sflag:s24] =	ssyncadd.s32 $0xFFFFFE00  }
0x17f: {  	s28 =	simm.s32 $0x0;
	v0 =	vld [tilespmem:$0x8800]  }
0x180: {  	v1 =	vld [tilespmem:s28+$0x8400]  }
0x181: {  	v2 =	vld [tilespmem:s28+$0x8600]  }
0x182: {  	v3 =	vld [tilespmem:s28+$0x4400]  }
0x183: {  	v4 =	vld [tilespmem:s28+$0x6400]  }
0x184: {  	v5 =	vld [tilespmem:s28+$0x4600]  }
0x185: {  	v6 =	vld [tilespmem:s28+$0x6600]  }
0x186: {  	v7 =	vld [tilespmem:s28+$0x6800];
	v1 =	vadd.f32 v2, v1  }
0x187: {  	v2 =	vld [tilespmem:s28+$0x4800]  }
0x188: {  	v8 =	vld [tilespmem:s28+$0x6A00];
	v3 =	vmul.f32 v4, v3;
	v1 =	vadd.f32 v1, v0  }
0x189: {  	v4 =	vld [tilespmem:s28+$0x4A00]  }
0x18a: {  	v1 =	vadd.f32 v3, v1;
	v3 =	vmul.f32 v6, v5;
	v5 =	vld [tilespmem:s28+$0x4C00]  }
0x18b: {  	v6 =	vld [tilespmem:s28+$0x6C00]  }
0x18c: {  	v2 =	vmul.f32 v7, v2;
	v7 =	vld [tilespmem:s28+$0x6E00];
	v1 =	vadd.f32 v3, v1  }
0x18d: {  	v3 =	vld [tilespmem:s28+$0x4E00]  }
0x18e: {  	v1 =	vadd.f32 v2, v1;
	v2 =	vmul.f32 v8, v4;
	v4 =	vld [tilespmem:s28+$0x5000]  }
0x18f: {  	v8 =	vld [tilespmem:s28+$0x7000]  }
0x190: {  	v1 =	vadd.f32 v2, v1;
	v2 =	vmul.f32 v6, v5;
	v5 =	vld [tilespmem:s28+$0x5200]  }
0x191: {  	v6 =	vld [tilespmem:s28+$0x7200]  }
0x192: {  	v1 =	vadd.f32 v2, v1;
	v2 =	vmul.f32 v7, v3;
	v3 =	vld [tilespmem:s28+$0x5400]  }
0x193: {  	v7 =	vld [tilespmem:s28+$0x7400]  }
0x194: {  	v1 =	vadd.f32 v2, v1;
	v2 =	vmul.f32 v8, v4;
	v4 =	vld [tilespmem:s28+$0x5600]  }
0x195: {  	v8 =	vld [tilespmem:s28+$0x7600]  }
0x196: {  	v1 =	vadd.f32 v2, v1;
	v2 =	vmul.f32 v6, v5;
	v5 =	vld [tilespmem:s28+$0x5800]  }
0x197: {  	v6 =	vld [tilespmem:s28+$0x7800]  }
0x198: {  	v1 =	vadd.f32 v2, v1;
	v2 =	vmul.f32 v7, v3;
	v3 =	vld [tilespmem:s28+$0x5A00]  }
0x199: {  	v7 =	vld [tilespmem:s28+$0x7A00]  }
0x19a: {  	v61 =	vld [tilespmem:s28+$0x7C00];
	v1 =	vadd.f32 v2, v1;
	v2 =	vmul.f32 v8, v4  }
0x19b: {  	v8 =	vld [tilespmem:s28+$0x5C00]  }
0x19c: {  	v62 =	vld [tilespmem:s28+$0x5E00];
	v1 =	vadd.f32 v2, v1;
	v2 =	vmul.f32 v6, v5  }
0x19d: {  	v63 =	vld [tilespmem:s28+$0x7E00]  }
0x19e: {  	v4 =	vld [tilespmem:s28+$0x8000];
	v3 =	vmul.f32 v7, v3;
	v2 =	vadd.f32 v2, v1  }
0x19f: {  	v1 =	vld [tilespmem:s28+$0x6000]  }
0x1a0: {  	v5 =	vld [tilespmem:s28+$0x8200];
	v7 =	vmul.f32 v61, v8;
	v6 =	vadd.f32 v3, v2  }
0x1a1: {  	s29 =	simm.s32 $0x10;
	v2 =	vld [tilespmem:s28+$0x6200]  }
0x1a2: {  	s30 =	simm.s32 $0x80;
	v3 =	vld [tilespmem:s29+$0x8400];
	v6 =	vadd.f32 v7, v6;
	v7 =	vmul.f32 v63, v62  }
.LBB2_4:
0x1a3: {  	p0 =	sne.s32 s30, $0x7C0;
	v8 =	vld [tilespmem:s29+$0x8600]  }
0x1a4: {  	v9 =	vld [tilespmem:s29+$0x4400];
	v6 =	vadd.f32 v7, v6;
	v1 =	vmul.f32 v4, v1  }
0x1a5: {  	v4 =	vld [tilespmem:s29+$0x6400]  }
0x1a6: {  	v7 =	vld [tilespmem:s29+$0x4600];
	v1 =	vadd.f32 v1, v6;
	v2 =	vmul.f32 v5, v2  }
0x1a7: {  	v5 =	vld [tilespmem:s29+$0x6600]  }
0x1a8: {  	v3 =	vadd.f32 v8, v3;
	v6 =	vld [tilespmem:s29+$0x4800];
	v1 =	vadd.f32 v2, v1  }
0x1a9: {  	v2 =	vld [tilespmem:s29+$0x6800]  }
0x1aa: {  	v3 =	vadd.f32 v3, v0;
	v4 =	vmul.f32 v4, v9;
	v8 =	vld [tilespmem:s29+$0x4A00];
	v1 =	vmax.f32 v1, $1.000000000e+00  }
0x1ab: {  	v9 =	vld [tilespmem:s29+$0x6A00];
	v1 =	vmin.f32 v1, $5.000000000e+00  }
0x1ac: {  	v3 =	vadd.f32 v4, v3;
	v4 =	vmul.f32 v5, v7;
	v5 =	vld [tilespmem:s29+$0x4C00];
	[tilespmem:s28+$0x8810] =	vst v1;
	s28 =	smov.u32 s29  }
0x1ad: {  	v1 =	vld [tilespmem:s28+$0x6C00]  }
0x1ae: {  	v3 =	vadd.f32 v4, v3;
	v2 =	vmul.f32 v2, v6;
	v4 =	vld [tilespmem:s28+$0x4E00]  }
0x1af: {  	v6 =	vld [tilespmem:s28+$0x6E00]  }
0x1b0: {  	v2 =	vadd.f32 v2, v3;
	v3 =	vmul.f32 v9, v8;
	v7 =	vld [tilespmem:s28+$0x5000]  }
0x1b1: {  	v8 =	vld [tilespmem:s28+$0x7000]  }
0x1b2: {  	v2 =	vadd.f32 v3, v2;
	v1 =	vmul.f32 v1, v5;
	v3 =	vld [tilespmem:s28+$0x5200]  }
0x1b3: {  	v5 =	vld [tilespmem:s28+$0x7200]  }
0x1b4: {  	v1 =	vadd.f32 v1, v2;
	v2 =	vmul.f32 v6, v4;
	v4 =	vld [tilespmem:s28+$0x5400]  }
0x1b5: {  	v6 =	vld [tilespmem:s28+$0x7400]  }
0x1b6: {  	v1 =	vadd.f32 v2, v1;
	v2 =	vmul.f32 v8, v7;
	v7 =	vld [tilespmem:s28+$0x5600]  }
0x1b7: {  	v8 =	vld [tilespmem:s28+$0x7600]  }
0x1b8: {  	v1 =	vadd.f32 v2, v1;
	v2 =	vmul.f32 v5, v3;
	v3 =	vld [tilespmem:s28+$0x5800]  }
0x1b9: {  	v5 =	vld [tilespmem:s28+$0x7800]  }
0x1ba: {  	v1 =	vadd.f32 v2, v1;
	v2 =	vmul.f32 v6, v4;
	v4 =	vld [tilespmem:s28+$0x5A00]  }
0x1bb: {  	v6 =	vld [tilespmem:s28+$0x7A00]  }
0x1bc: {  	v1 =	vadd.f32 v2, v1;
	v2 =	vmul.f32 v8, v7;
	v7 =	vld [tilespmem:s28+$0x5C00]  }
0x1bd: {  	v8 =	vld [tilespmem:s28+$0x7C00]  }
0x1be: {  	v1 =	vadd.f32 v2, v1;
	v2 =	vmul.f32 v5, v3;
	v9 =	vld [tilespmem:s28+$0x5E00]  }
0x1bf: {  	v10 =	vld [tilespmem:s28+$0x7E00]  }
.Ltmp1:
0x1c0: {  	v2 =	vadd.f32 v2, v1;
	v3 =	vmul.f32 v6, v4;
	v1 =	vld [tilespmem:s28+$0x6000];
	(pc) =	sbr.rel @p0 .LBB2_4-.Ltmp1, $4  }
0x1c1: {  	v4 =	vld [tilespmem:s28+$0x8000]  }
0x1c2: {  	v6 =	vadd.f32 v3, v2;
	v7 =	vmul.f32 v8, v7;
	v2 =	vld [tilespmem:s28+$0x6200]  }
0x1c3: {  	s29 =	sshra.s32 s30, $0x2;
	v5 =	vld [tilespmem:s28+$0x8200]  }
0x1c4: {  	s30 =	sadd.s32 $0x40, s30;
	v3 =	vld [tilespmem:s29+$0x8400];
	v6 =	vadd.f32 v7, v6;
	v7 =	vmul.f32 v10, v9  }
0x1c5: {  	v8 =	vld [tilespmem:s29+$0x8600]  }
0x1c6: {  	v9 =	vld [tilespmem:s29+$0x4400];
	v6 =	vadd.f32 v7, v6;
	v1 =	vmul.f32 v4, v1  }
0x1c7: {  	v20 =	vld [tilespmem:s29+$0x6400]  }
0x1c8: {  	v21 =	vld [tilespmem:s29+$0x4600];
	v1 =	vadd.f32 v1, v6;
	v2 =	vmul.f32 v5, v2  }
0x1c9: {  	v22 =	vld [tilespmem:s29+$0x6600]  }
0x1ca: {  	v23 =	vld [tilespmem:s29+$0x4800];
	v3 =	vadd.f32 v8, v3;
	v1 =	vadd.f32 v2, v1  }
0x1cb: {  	v24 =	vld [tilespmem:s29+$0x6800]  }
0x1cc: {  	v25 =	vld [tilespmem:s29+$0x4A00];
	v26 =	vmul.f32 v20, v9;
	v0 =	vadd.f32 v3, v0;
	v1 =	vmax.f32 v1, $1.000000000e+00  }
0x1cd: {  	v27 =	vld [tilespmem:s29+$0x6A00];
	v1 =	vmin.f32 v1, $5.000000000e+00  }
0x1ce: {  	v28 =	vld [tilespmem:s29+$0x4C00];
	v29 =	vmul.f32 v22, v21;
	v0 =	vadd.f32 v26, v0;
	[tilespmem:s28+$0x8810] =	vst v1  }
0x1cf: {  	v1 =	vld [tilespmem:s29+$0x6C00]  }
0x1d0: {  	v2 =	vmul.f32 v24, v23;
	v30 =	vld [tilespmem:s29+$0x4E00];
	v0 =	vadd.f32 v29, v0  }
0x1d1: {  	v31 =	vld [tilespmem:s29+$0x6E00]  }
0x1d2: {  	v32 =	vmul.f32 v27, v25;
	v33 =	vld [tilespmem:s29+$0x5000];
	v0 =	vadd.f32 v2, v0  }
0x1d3: {  	v34 =	vld [tilespmem:s29+$0x7000]  }
0x1d4: {  	v35 =	vld [tilespmem:s29+$0x5200];
	v0 =	vadd.f32 v32, v0;
	v1 =	vmul.f32 v1, v28  }
0x1d5: {  	v36 =	vld [tilespmem:s29+$0x7200]  }
0x1d6: {  	v38 =	vld [tilespmem:s29+$0x5400];
	v37 =	vmul.f32 v31, v30;
	v0 =	vadd.f32 v1, v0  }
0x1d7: {  	v39 =	vld [tilespmem:s29+$0x7400]  }
0x1d8: {  	v41 =	vld [tilespmem:s29+$0x5600];
	v40 =	vmul.f32 v34, v33;
	v0 =	vadd.f32 v37, v0  }
0x1d9: {  	v42 =	vld [tilespmem:s29+$0x7600]  }
0x1da: {  	v44 =	vld [tilespmem:s29+$0x5800];
	v43 =	vmul.f32 v36, v35;
	v0 =	vadd.f32 v40, v0  }
0x1db: {  	v45 =	vld [tilespmem:s29+$0x7800]  }
0x1dc: {  	v47 =	vld [tilespmem:s29+$0x5A00];
	v46 =	vmul.f32 v39, v38;
	v0 =	vadd.f32 v43, v0  }
0x1dd: {  	v48 =	vld [tilespmem:s29+$0x7A00]  }
0x1de: {  	v50 =	vld [tilespmem:s29+$0x5C00];
	v49 =	vmul.f32 v42, v41;
	v0 =	vadd.f32 v46, v0  }
0x1df: {  	v51 =	vld [tilespmem:s29+$0x7C00]  }
0x1e0: {  	v53 =	vld [tilespmem:s29+$0x5E00];
	v52 =	vmul.f32 v45, v44;
	v0 =	vadd.f32 v49, v0  }
0x1e1: {  	v54 =	vld [tilespmem:s29+$0x7E00]  }
0x1e2: {  	v56 =	vld [tilespmem:s29+$0x6000];
	v55 =	vmul.f32 v48, v47;
	v0 =	vadd.f32 v52, v0  }
0x1e3: {  	v57 =	vld [tilespmem:s29+$0x8000]  }
0x1e4: {  	v59 =	vld [tilespmem:s29+$0x6200];
	v58 =	vmul.f32 v51, v50;
	v0 =	vadd.f32 v55, v0  }
0x1e5: {  	v60 =	vld [tilespmem:s29+$0x8200]  }
0x1e6: {  	v61 =	vmul.f32 v54, v53;
	v0 =	vadd.f32 v58, v0;
	_ =	sdelay $0x1  }
0x1e7: {  	v62 =	vmul.f32 v57, v56;
	v0 =	vadd.f32 v61, v0;
	_ =	sdelay $0x1  }
0x1e8: {  	v63 =	vmul.f32 v60, v59;
	v0 =	vadd.f32 v62, v0;
	_ =	sdelay $0x1  }
0x1e9: {  	v0 =	vadd.f32 v63, v0;
	_ =	sdelay $0x1  }
0x1ea: {  	s26 =	sadd.s32 $0x1, s26;
	v0 =	vmax.f32 v0, $1.000000000e+00  }
0x1eb: {  	p0 =	sne.s32 s26, s10;
	v0 =	vmin.f32 v0, $5.000000000e+00  }
.Ltmp2:
0x1ec: {  	[tilespmem:s29+$0x8810] =	vst v0;
	(pc) =	sbr.rel @p0 .LBB2_1-.Ltmp2, $4  }
0x1ed: {  	[hbm4b:s9+s5] =	stream.linear.scatter [tilespmem:s25], [sflag:$0x2], $0x200, $0x38;
	[tilespmem:$0x8A10] =	vst v63  }
0x1ee: {  	_ =	swait.ge [sflag:s11], $0x200  }
0x1ef: {  	[sflag:s11] =	ssyncset.done $0x0  }
0x1f0: {  	[sflag:s11] =	ssyncadd.s32 $0xFFFFFE00  }
0x1f1: {  	_ =	sfence.sel $0x180000  }
0x1f2: {  	[bflag:$0x0] =	sbarrier.arrive $0xFFFF  }
0x1f3: {  	_ =	strace $0x9000004A  }
0x1f4: {  	s0 =	stileid.u32;
	[bflag:$0x2] =	sbarrier.arrive $0xFFFF  }
0x1f5: {  	p0 =	sne.s32 s0, $0x0;
	s0 =	rddreg [dreg:$0x7]  }
0x1f6: {  	s0 =	sadd.s32 @!p0 $0x100000, s0  }
0x1f7: {  	[sflag:s0] =	ssyncadd.tile.s32 @!p0 $0x1;
	_ =	shalt  }
.Lfunc_end2:
_tile_overlayer_lowered:
.L_overlay_start_2:
0x1f8: {  	(tag) =	ssettag $0x2  }
0x1f9: {  	s0 =	rddreg [dreg:$0x0];
	s2 =	stileid.u32  }
0x1fa: {  	s1 =	rddreg [dreg:$0x1];
	p0 =	sne.s32 s2, $0x0  }
0x1fb: {  	s3 =	rddreg [dreg:$0x2];
	[bflag:$0x3] =	sbarrier.arrive $0xFFFF;
	s2 =	simm.s32 @!p0 $0x1C02  }
0x1fc: {  	[timem:s3], [sflag:s2] =	dma.local @!p0 [hbm:s0], s1  }
0x1fd: {  	s0 =	simm.s32 @!p0 $0x2  }
0x1fe: {  	_ =	swait.ge @!p0 [sflag:s0], s1  }
0x1ff: {  	s1 =	ssub.s32 @!p0 $0x0, s1;
	[sflag:s0] =	ssyncset.done @!p0 $0x0  }
0x200: {  	[sflag:s0] =	ssyncadd.s32 @!p0 s1  }
0x201: {  	[bflag:$0x3] =	sbarrier.arrive $0xFFFF  }
0x202: {  	_ =	shalt  }

</sc_bundles>
